<compile_context>
chip_gen: v7x
topology: tpu7x:2x2x1
jax: 0.10.2.dev20260603
libtpu: 0.0.44.dev20260713+nightly
codegen_flags: <defaults>
</compile_context>

<pallas_src>
import functools

import jax
import jax.numpy as jnp
from jax import lax
from jax.experimental import pallas as pl
from jax.experimental.pallas import tpu as pltpu
from jax.experimental.pallas import tpu_sc as plsc

NOBS = 16384
CH = 10
NCOLS = 33
L = 16

_info = plsc.get_sparse_core_info()
NC = _info.num_cores
NS = _info.num_subcores
NW = NC * NS
BPW = NOBS // NW
RCH = 64
NWAVE = BPW // RCH

_mesh = plsc.VectorSubcoreMesh(core_axis_name="c", subcore_axis_name="s")

_f32 = jnp.float32
_i32 = jnp.int32


@functools.partial(
    pl.kernel,
    mesh=_mesh,
    compiler_params=pltpu.CompilerParams(
        needs_layout_passes=False, use_tc_tiling_on_sc=True),
    out_type=jax.ShapeDtypeStruct((NOBS,), _f32),
    scratch_types=[
        pltpu.VMEM((BPW,), _i32),
        pltpu.VMEM((BPW,), _i32),
        pltpu.VMEM((BPW,), _f32),
        [pltpu.VMEM((RCH, NCOLS), _f32) for _ in range(2)],
        [pltpu.SemaphoreType.DMA for _ in range(2)],
        pltpu.SemaphoreType.DMA,
    ],
)
def _seaice_sc(rows_hbm, cols_hbm, tab_hbm, s_hbm,
               row_v, col_v, s_v, rows_b, sem_rows, sem_s):
    wid = lax.axis_index("s") * NC + lax.axis_index("c")
    base = wid * BPW

    pltpu.sync_copy(rows_hbm.at[pl.ds(base, BPW)], row_v)
    pltpu.sync_copy(cols_hbm.at[pl.ds(base, BPW)], col_v)

    def fire_wave(w):
        b = w % 2
        buf = rows_b[b]

        def body(j, carry):
            rv = row_v[pl.ds(w * RCH + j * L, L)]
            for k in range(L):
                pltpu.async_copy(tab_hbm.at[pl.ds(rv[k], 1), :],
                                 buf.at[pl.ds(j * L + k, 1), :],
                                 sem_rows[b])
            return carry

        lax.fori_loop(0, RCH // L, body, 0)

    def drain_wave(w):
        b = w % 2
        pltpu.make_async_copy(
            tab_hbm.at[pl.ds(0, RCH), :], rows_b[b], sem_rows[b]).wait()

    lane = lax.iota(_i32, L)
    a0 = _f32(0.2)
    a1 = _f32(0.3)
    a2 = _f32(0.5)

    fire_wave(0)

    for w in range(NWAVE):
        if w + 1 < NWAVE:
            fire_wave(w + 1)

        drain_wave(w)
        buf = rows_b[w % 2]

        def s_body(j, carry, w=w, buf=buf):
            i16 = j * L + lane
            off = w * RCH + j * L
            c = col_v[pl.ds(off, L)]
            g0 = plsc.load_gather(buf, [i16, c])
            g1 = plsc.load_gather(buf, [i16, c + 1])
            g2 = plsc.load_gather(buf, [i16, c + 2])
            s_v[pl.ds(off, L)] = a0 * g0 + a1 * g1 + a2 * g2
            return carry

        lax.fori_loop(0, RCH // L, s_body, 0)

    pltpu.async_copy(s_v, s_hbm.at[pl.ds(base, BPW)], sem_s).wait()


_BLKC = 2048


def _blend_body(s_ref, eo_ref, es_ref, o_ref):
    sv = s_ref[...][None, :]
    eo = eo_ref[...]
    es = es_ref[...]
    o_ref[...] = eo + sv * (es - eo)


def _blend_tc(s, eo_t, es_t):
    return pl.pallas_call(
        _blend_body,
        grid=(NOBS // _BLKC,),
        in_specs=[
            pl.BlockSpec((_BLKC,), lambda i: (i,)),
            pl.BlockSpec((CH, _BLKC), lambda i: (0, i)),
            pl.BlockSpec((CH, _BLKC), lambda i: (0, i)),
        ],
        out_specs=pl.BlockSpec((CH, _BLKC), lambda i: (0, i)),
        out_shape=jax.ShapeDtypeStruct((CH, NOBS), _f32),
    )(s, eo_t, es_t)


def kernel(geolocation, emis_ocean, emis_seaice, tsfc, seaice, seaice_background):
    del tsfc, seaice_background
    s = _seaice_sc(geolocation[:, 0], geolocation[:, 1], seaice)
    out_t = _blend_tc(s, emis_ocean.T, emis_seaice.T)
    return (out_t.T, s)

# --- scband reference (transcript-rebuilt; emitter-appended) ---
"""Pipeline reference for scband-seaice-fraction-42374147342938 (READ-ONLY COPY).

The authoritative reference and input builder live on the scoring server;
editing this copy changes nothing except your own understanding.
"""

import jax, jax.numpy as jnp
import numpy as np

NGRID = 100000
NSTEP = 31
NLAG = 2
NOBS = 16384
CHANNELS = 10
ALPHA = (0.5, 0.3, 0.2)
BG_ERROR = 0.5


def setup_inputs(seed: int = 0) -> dict:
    key = jax.random.key(seed)
    k1, k2, k3, k4, k5, k6, k7 = jax.random.split(key, 7)
    rows = jax.random.randint(k1, (NOBS,), 0, NGRID, dtype=jnp.int32)
    cols = jax.random.randint(k2, (NOBS,), 0, NSTEP, dtype=jnp.int32)
    geolocation = jnp.stack([rows, cols], axis=1)
    emis_ocean = jax.random.uniform(k3, (NOBS, CHANNELS), dtype=jnp.float32)
    emis_seaice = jax.random.uniform(k4, (NOBS, CHANNELS), dtype=jnp.float32)
    tsfc = jax.random.normal(k5, (NOBS,), dtype=jnp.float32) * 10.0 + 270.0
    # Learned weight: sea-ice fraction map (stands in for seaice_initializer file load)
    seaice = jax.random.uniform(k6, (NGRID, NSTEP + NLAG), dtype=jnp.float32)
    # Non-trainable background map (same initializer in original)
    seaice_background = jax.random.uniform(k7, (NGRID, NSTEP + NLAG), dtype=jnp.float32)
    return {
        "geolocation": geolocation,
        "emis_ocean": emis_ocean,
        "emis_seaice": emis_seaice,
        "tsfc": tsfc,
        "seaice": seaice,
        "seaice_background": seaice_background,
    }


def reference(geolocation, emis_ocean, emis_seaice, tsfc, seaice, seaice_background):
    rows = geolocation[:, 0]
    cols = geolocation[:, 1]
    # tf.gather_nd(self.seaice, geolocation + [[0, nlag]]) -> fancy 2D gather
    seaice_at_obs = ALPHA[0] * seaice[rows, cols + NLAG]
    for i in range(1, NLAG + 1):
        seaice_at_obs = seaice_at_obs + ALPHA[i] * seaice[rows, cols + NLAG - i]
    # Original add_loss side effect (use_loss=True); computed here for fidelity but
    # not part of the returned forward outputs in the original call().
    seaice_loss = jnp.sum(jnp.square(seaice - seaice_background) / (BG_ERROR ** 2)) / NOBS
    del seaice_loss
    ones = jnp.ones((CHANNELS,), dtype=jnp.float32)
    out = jnp.tensordot(seaice_at_obs, ones, axes=0) * emis_seaice \
        + jnp.tensordot(1.0 - seaice_at_obs, ones, axes=0) * emis_ocean
    return (out, seaice_at_obs)

if __name__ == "__main__":
    import jax
    _d = setup_inputs()
    print(jax.jit(kernel)(*tuple(_d.values())))

</pallas_src>

<mosaic_0001>
#map = affine_map<(d0, d1) -> (0)>
#map1 = affine_map<(d0, d1) -> (0, 0)>
module attributes {stable_mosaic.version = 14 : i64} {
  func.func @_seaice_sc(%arg0: i32, %arg1: i32, %arg2: memref<16384xi32, #tpu.memory_space<hbm>>, %arg3: memref<16384xi32, #tpu.memory_space<hbm>>, %arg4: memref<100000x33xf32, #tpu.memory_space<hbm>>, %arg5: memref<16384xf32, #tpu.memory_space<hbm>>, %arg6: memref<512xi32, #tpu.memory_space<vmem>>, %arg7: memref<512xi32, #tpu.memory_space<vmem>>, %arg8: memref<512xf32, #tpu.memory_space<vmem>>, %arg9: memref<64x33xf32, #tpu.memory_space<vmem>>, %arg10: memref<64x33xf32, #tpu.memory_space<vmem>>, %arg11: memref<!tpu.dma_semaphore, #tpu.memory_space<semaphore_mem>>, %arg12: memref<!tpu.dma_semaphore, #tpu.memory_space<semaphore_mem>>, %arg13: memref<!tpu.dma_semaphore, #tpu.memory_space<semaphore_mem>>) attributes {dimension_semantics = [#tpu.dimension_semantics<core_parallel>, #tpu.dimension_semantics<subcore_parallel>], iteration_bounds = array<i64: 2, 16>, scalar_prefetch = 0 : i64, scratch_operands = 8 : i64, tpu.core_type = #tpu.core_type<sc_vector_subcore>, window_params = [{transform_indices = #map}, {transform_indices = #map}, {transform_indices = #map1}, {transform_indices = #map}]} {
    %mul3A = arith.constant 2 : i32
    %mul3A_0 = arith.muli %arg1, %mul3A : i32
    %add3A = arith.addi %mul3A_0, %arg0 : i32
    %mul3A_1 = arith.constant 512 : i32
    %mul3A_2 = arith.muli %add3A, %mul3A_1 : i32
    "tpu.region"() ({
      %run_scoped3A = tpu.sem_alloc : memref<!tpu.dma_semaphore, #tpu.memory_space<semaphore_mem>>
      %dma_start3A_172 = tpu.memref_slice %arg2[%mul3A_2] : memref<16384xi32, #tpu.memory_space<hbm>> -> memref<512xi32, #tpu.memory_space<hbm>>
      %dma_start3A_173 = tpu.memref_slice %arg2[%mul3A_2] : memref<16384xi32, #tpu.memory_space<hbm>> -> memref<512xi32, #tpu.memory_space<hbm>>
      tpu.enqueue_dma source(%dma_start3A_173 : memref<512xi32, #tpu.memory_space<hbm>>) target(%arg6 : memref<512xi32, #tpu.memory_space<vmem>>) target_semaphore(%run_scoped3A : memref<!tpu.dma_semaphore, #tpu.memory_space<semaphore_mem>>)
      %dma_wait3A_174 = tpu.memref_slice %arg2[%mul3A_2] : memref<16384xi32, #tpu.memory_space<hbm>> -> memref<512xi32, #tpu.memory_space<hbm>>
      %dma_wait3A_175 = tpu.memref_slice %arg2[%mul3A_2] : memref<16384xi32, #tpu.memory_space<hbm>> -> memref<512xi32, #tpu.memory_space<hbm>>
      tpu.wait_dma2 semaphore(%run_scoped3A : memref<!tpu.dma_semaphore, #tpu.memory_space<semaphore_mem>>) src(%dma_wait3A_175 : memref<512xi32, #tpu.memory_space<hbm>>) dst(%arg6 : memref<512xi32, #tpu.memory_space<vmem>>)
      tpu.yield
    }) : () -> ()
    "tpu.region"() ({
      %run_scoped3A = tpu.sem_alloc : memref<!tpu.dma_semaphore, #tpu.memory_space<semaphore_mem>>
      %dma_start3A_172 = tpu.memref_slice %arg3[%mul3A_2] : memref<16384xi32, #tpu.memory_space<hbm>> -> memref<512xi32, #tpu.memory_space<hbm>>
      %dma_start3A_173 = tpu.memref_slice %arg3[%mul3A_2] : memref<16384xi32, #tpu.memory_space<hbm>> -> memref<512xi32, #tpu.memory_space<hbm>>
      tpu.enqueue_dma source(%dma_start3A_173 : memref<512xi32, #tpu.memory_space<hbm>>) target(%arg7 : memref<512xi32, #tpu.memory_space<vmem>>) target_semaphore(%run_scoped3A : memref<!tpu.dma_semaphore, #tpu.memory_space<semaphore_mem>>)
      %dma_wait3A_174 = tpu.memref_slice %arg3[%mul3A_2] : memref<16384xi32, #tpu.memory_space<hbm>> -> memref<512xi32, #tpu.memory_space<hbm>>
      %dma_wait3A_175 = tpu.memref_slice %arg3[%mul3A_2] : memref<16384xi32, #tpu.memory_space<hbm>> -> memref<512xi32, #tpu.memory_space<hbm>>
      tpu.wait_dma2 semaphore(%run_scoped3A : memref<!tpu.dma_semaphore, #tpu.memory_space<semaphore_mem>>) src(%dma_wait3A_175 : memref<512xi32, #tpu.memory_space<hbm>>) dst(%arg7 : memref<512xi32, #tpu.memory_space<vmem>>)
      tpu.yield
    }) : () -> ()
    %iota3A = tpu.iota {dimensions = array<i32: 0>} : vector<16xi32>
    %scan3A = arith.constant 0 : i32
    %scan3A_3 = arith.constant 0 : i32
    %scan3A_4 = arith.constant 4 : i32
    %scan3A_5 = arith.addi %scan3A_3, %scan3A_4 : i32
    %scan3A_6 = arith.constant 1 : i32
    scf.for %scan3A_172 = %scan3A_3 to %scan3A_5 step %scan3A_6  : i32 {
      %mul3A_173 = arith.constant 16 : i32
      %mul3A_174 = arith.muli %scan3A_172, %mul3A_173 : i32
      %add3A_175 = arith.constant 0 : i32
      %add3A_176 = arith.addi %add3A_175, %mul3A_174 : i32
      %get3A = arith.index_cast %add3A_176 : i32 to index
      %get3A_177 = tpu.vector_load %arg6[%get3A] {strides = array<i32>} : memref<512xi32, #tpu.memory_space<vmem>>, vector<16xi32>,
      %slice3A = vector.extract_strided_slice %get3A_177 {offsets = [0], sizes = [1], strides = [1]} : vector<16xi32> to vector<1xi32>
      %squeeze3A = vector.extract %slice3A[0] : i32 from vector<1xi32>
      %mul3A_178 = arith.constant 16 : i32
      %mul3A_179 = arith.muli %scan3A_172, %mul3A_178 : i32
      %add3A_180 = arith.constant 0 : i32
      %add3A_181 = arith.addi %mul3A_179, %add3A_180 : i32
      %dma_start3A_182 = arith.constant 0 : i32
      %dma_start3A_183 = tpu.memref_slice %arg9[%add3A_181, %dma_start3A_182] : memref<64x33xf32, #tpu.memory_space<vmem>> -> memref<1x33xf32, #tpu.memory_space<vmem>>
      %dma_start3A_184 = arith.constant 0 : i32
      %dma_start3A_185 = tpu.memref_slice %arg4[%squeeze3A, %dma_start3A_184] : memref<100000x33xf32, #tpu.memory_space<hbm>> -> memref<1x33xf32, #tpu.memory_space<hbm>>
      %dma_start3A_186 = arith.constant 0 : i32
      %dma_start3A_187 = tpu.memref_slice %arg9[%add3A_181, %dma_start3A_186] : memref<64x33xf32, #tpu.memory_space<vmem>> -> memref<1x33xf32, #tpu.memory_space<vmem>>
      %dma_start3A_188 = arith.constant 0 : i32
      %dma_start3A_189 = tpu.memref_slice %arg4[%squeeze3A, %dma_start3A_188] : memref<100000x33xf32, #tpu.memory_space<hbm>> -> memref<1x33xf32, #tpu.memory_space<hbm>>
      tpu.enqueue_dma source(%dma_start3A_189 : memref<1x33xf32, #tpu.memory_space<hbm>>) target(%dma_start3A_187 : memref<1x33xf32, #tpu.memory_space<vmem>>) target_semaphore(%arg11 : memref<!tpu.dma_semaphore, #tpu.memory_space<semaphore_mem>>)
      %slice3A_190 = vector.extract_strided_slice %get3A_177 {offsets = [1], sizes = [1], strides = [1]} : vector<16xi32> to vector<1xi32>
      %squeeze3A_191 = vector.extract %slice3A_190[0] : i32 from vector<1xi32>
      %mul3A_192 = arith.constant 16 : i32
      %mul3A_193 = arith.muli %scan3A_172, %mul3A_192 : i32
      %add3A_194 = arith.constant 1 : i32
      %add3A_195 = arith.addi %mul3A_193, %add3A_194 : i32
      %dma_start3A_196 = arith.constant 0 : i32
      %dma_start3A_197 = tpu.memref_slice %arg9[%add3A_195, %dma_start3A_196] : memref<64x33xf32, #tpu.memory_space<vmem>> -> memref<1x33xf32, #tpu.memory_space<vmem>>
      %dma_start3A_198 = arith.constant 0 : i32
      %dma_start3A_199 = tpu.memref_slice %arg4[%squeeze3A_191, %dma_start3A_198] : memref<100000x33xf32, #tpu.memory_space<hbm>> -> memref<1x33xf32, #tpu.memory_space<hbm>>
      %dma_start3A_200 = arith.constant 0 : i32
      %dma_start3A_201 = tpu.memref_slice %arg9[%add3A_195, %dma_start3A_200] : memref<64x33xf32, #tpu.memory_space<vmem>> -> memref<1x33xf32, #tpu.memory_space<vmem>>
      %dma_start3A_202 = arith.constant 0 : i32
      %dma_start3A_203 = tpu.memref_slice %arg4[%squeeze3A_191, %dma_start3A_202] : memref<100000x33xf32, #tpu.memory_space<hbm>> -> memref<1x33xf32, #tpu.memory_space<hbm>>
      tpu.enqueue_dma source(%dma_start3A_203 : memref<1x33xf32, #tpu.memory_space<hbm>>) target(%dma_start3A_201 : memref<1x33xf32, #tpu.memory_space<vmem>>) target_semaphore(%arg11 : memref<!tpu.dma_semaphore, #tpu.memory_space<semaphore_mem>>)
      %slice3A_204 = vector.extract_strided_slice %get3A_177 {offsets = [2], sizes = [1], strides = [1]} : vector<16xi32> to vector<1xi32>
      %squeeze3A_205 = vector.extract %slice3A_204[0] : i32 from vector<1xi32>
      %mul3A_206 = arith.constant 16 : i32
      %mul3A_207 = arith.muli %scan3A_172, %mul3A_206 : i32
      %add3A_208 = arith.constant 2 : i32
      %add3A_209 = arith.addi %mul3A_207, %add3A_208 : i32
      %dma_start3A_210 = arith.constant 0 : i32
      %dma_start3A_211 = tpu.memref_slice %arg9[%add3A_209, %dma_start3A_210] : memref<64x33xf32, #tpu.memory_space<vmem>> -> memref<1x33xf32, #tpu.memory_space<vmem>>
      %dma_start3A_212 = arith.constant 0 : i32
      %dma_start3A_213 = tpu.memref_slice %arg4[%squeeze3A_205, %dma_start3A_212] : memref<100000x33xf32, #tpu.memory_space<hbm>> -> memref<1x33xf32, #tpu.memory_space<hbm>>
      %dma_start3A_214 = arith.constant 0 : i32
      %dma_start3A_215 = tpu.memref_slice %arg9[%add3A_209, %dma_start3A_214] : memref<64x33xf32, #tpu.memory_space<vmem>> -> memref<1x33xf32, #tpu.memory_space<vmem>>
      %dma_start3A_216 = arith.constant 0 : i32
      %dma_start3A_217 = tpu.memref_slice %arg4[%squeeze3A_205, %dma_start3A_216] : memref<100000x33xf32, #tpu.memory_space<hbm>> -> memref<1x33xf32, #tpu.memory_space<hbm>>
      tpu.enqueue_dma source(%dma_start3A_217 : memref<1x33xf32, #tpu.memory_space<hbm>>) target(%dma_start3A_215 : memref<1x33xf32, #tpu.memory_space<vmem>>) target_semaphore(%arg11 : memref<!tpu.dma_semaphore, #tpu.memory_space<semaphore_mem>>)
      %slice3A_218 = vector.extract_strided_slice %get3A_177 {offsets = [3], sizes = [1], strides = [1]} : vector<16xi32> to vector<1xi32>
      %squeeze3A_219 = vector.extract %slice3A_218[0] : i32 from vector<1xi32>
      %mul3A_220 = arith.constant 16 : i32
      %mul3A_221 = arith.muli %scan3A_172, %mul3A_220 : i32
      %add3A_222 = arith.constant 3 : i32
      %add3A_223 = arith.addi %mul3A_221, %add3A_222 : i32
      %dma_start3A_224 = arith.constant 0 : i32
      %dma_start3A_225 = tpu.memref_slice %arg9[%add3A_223, %dma_start3A_224] : memref<64x33xf32, #tpu.memory_space<vmem>> -> memref<1x33xf32, #tpu.memory_space<vmem>>
      %dma_start3A_226 = arith.constant 0 : i32
      %dma_start3A_227 = tpu.memref_slice %arg4[%squeeze3A_219, %dma_start3A_226] : memref<100000x33xf32, #tpu.memory_space<hbm>> -> memref<1x33xf32, #tpu.memory_space<hbm>>
      %dma_start3A_228 = arith.constant 0 : i32
      %dma_start3A_229 = tpu.memref_slice %arg9[%add3A_223, %dma_start3A_228] : memref<64x33xf32, #tpu.memory_space<vmem>> -> memref<1x33xf32, #tpu.memory_space<vmem>>
      %dma_start3A_230 = arith.constant 0 : i32
      %dma_start3A_231 = tpu.memref_slice %arg4[%squeeze3A_219, %dma_start3A_230] : memref<100000x33xf32, #tpu.memory_space<hbm>> -> memref<1x33xf32, #tpu.memory_space<hbm>>
      tpu.enqueue_dma source(%dma_start3A_231 : memref<1x33xf32, #tpu.memory_space<hbm>>) target(%dma_start3A_229 : memref<1x33xf32, #tpu.memory_space<vmem>>) target_semaphore(%arg11 : memref<!tpu.dma_semaphore, #tpu.memory_space<semaphore_mem>>)
      %slice3A_232 = vector.extract_strided_slice %get3A_177 {offsets = [4], sizes = [1], strides = [1]} : vector<16xi32> to vector<1xi32>
      %squeeze3A_233 = vector.extract %slice3A_232[0] : i32 from vector<1xi32>
      %mul3A_234 = arith.constant 16 : i32
      %mul3A_235 = arith.muli %scan3A_172, %mul3A_234 : i32
      %add3A_236 = arith.constant 4 : i32
      %add3A_237 = arith.addi %mul3A_235, %add3A_236 : i32
      %dma_start3A_238 = arith.constant 0 : i32
      %dma_start3A_239 = tpu.memref_slice %arg9[%add3A_237, %dma_start3A_238] : memref<64x33xf32, #tpu.memory_space<vmem>> -> memref<1x33xf32, #tpu.memory_space<vmem>>
      %dma_start3A_240 = arith.constant 0 : i32
      %dma_start3A_241 = tpu.memref_slice %arg4[%squeeze3A_233, %dma_start3A_240] : memref<100000x33xf32, #tpu.memory_space<hbm>> -> memref<1x33xf32, #tpu.memory_space<hbm>>
      %dma_start3A_242 = arith.constant 0 : i32
      %dma_start3A_243 = tpu.memref_slice %arg9[%add3A_237, %dma_start3A_242] : memref<64x33xf32, #tpu.memory_space<vmem>> -> memref<1x33xf32, #tpu.memory_space<vmem>>
      %dma_start3A_244 = arith.constant 0 : i32
      %dma_start3A_245 = tpu.memref_slice %arg4[%squeeze3A_233, %dma_start3A_244] : memref<100000x33xf32, #tpu.memory_space<hbm>> -> memref<1x33xf32, #tpu.memory_space<hbm>>
      tpu.enqueue_dma source(%dma_start3A_245 : memref<1x33xf32, #tpu.memory_space<hbm>>) target(%dma_start3A_243 : memref<1x33xf32, #tpu.memory_space<vmem>>) target_semaphore(%arg11 : memref<!tpu.dma_semaphore, #tpu.memory_space<semaphore_mem>>)
      %slice3A_246 = vector.extract_strided_slice %get3A_177 {offsets = [5], sizes = [1], strides = [1]} : vector<16xi32> to vector<1xi32>
      %squeeze3A_247 = vector.extract %slice3A_246[0] : i32 from vector<1xi32>
      %mul3A_248 = arith.constant 16 : i32
      %mul3A_249 = arith.muli %scan3A_172, %mul3A_248 : i32
      %add3A_250 = arith.constant 5 : i32
      %add3A_251 = arith.addi %mul3A_249, %add3A_250 : i32
      %dma_start3A_252 = arith.constant 0 : i32
      %dma_start3A_253 = tpu.memref_slice %arg9[%add3A_251, %dma_start3A_252] : memref<64x33xf32, #tpu.memory_space<vmem>> -> memref<1x33xf32, #tpu.memory_space<vmem>>
      %dma_start3A_254 = arith.constant 0 : i32
      %dma_start3A_255 = tpu.memref_slice %arg4[%squeeze3A_247, %dma_start3A_254] : memref<100000x33xf32, #tpu.memory_space<hbm>> -> memref<1x33xf32, #tpu.memory_space<hbm>>
      %dma_start3A_256 = arith.constant 0 : i32
      %dma_start3A_257 = tpu.memref_slice %arg9[%add3A_251, %dma_start3A_256] : memref<64x33xf32, #tpu.memory_space<vmem>> -> memref<1x33xf32, #tpu.memory_space<vmem>>
      %dma_start3A_258 = arith.constant 0 : i32
      %dma_start3A_259 = tpu.memref_slice %arg4[%squeeze3A_247, %dma_start3A_258] : memref<100000x33xf32, #tpu.memory_space<hbm>> -> memref<1x33xf32, #tpu.memory_space<hbm>>
      tpu.enqueue_dma source(%dma_start3A_259 : memref<1x33xf32, #tpu.memory_space<hbm>>) target(%dma_start3A_257 : memref<1x33xf32, #tpu.memory_space<vmem>>) target_semaphore(%arg11 : memref<!tpu.dma_semaphore, #tpu.memory_space<semaphore_mem>>)
      %slice3A_260 = vector.extract_strided_slice %get3A_177 {offsets = [6], sizes = [1], strides = [1]} : vector<16xi32> to vector<1xi32>
      %squeeze3A_261 = vector.extract %slice3A_260[0] : i32 from vector<1xi32>
      %mul3A_262 = arith.constant 16 : i32
      %mul3A_263 = arith.muli %scan3A_172, %mul3A_262 : i32
      %add3A_264 = arith.constant 6 : i32
      %add3A_265 = arith.addi %mul3A_263, %add3A_264 : i32
      %dma_start3A_266 = arith.constant 0 : i32
      %dma_start3A_267 = tpu.memref_slice %arg9[%add3A_265, %dma_start3A_266] : memref<64x33xf32, #tpu.memory_space<vmem>> -> memref<1x33xf32, #tpu.memory_space<vmem>>
      %dma_start3A_268 = arith.constant 0 : i32
      %dma_start3A_269 = tpu.memref_slice %arg4[%squeeze3A_261, %dma_start3A_268] : memref<100000x33xf32, #tpu.memory_space<hbm>> -> memref<1x33xf32, #tpu.memory_space<hbm>>
      %dma_start3A_270 = arith.constant 0 : i32
      %dma_start3A_271 = tpu.memref_slice %arg9[%add3A_265, %dma_start3A_270] : memref<64x33xf32, #tpu.memory_space<vmem>> -> memref<1x33xf32, #tpu.memory_space<vmem>>
      %dma_start3A_272 = arith.constant 0 : i32
      %dma_start3A_273 = tpu.memref_slice %arg4[%squeeze3A_261, %dma_start3A_272] : memref<100000x33xf32, #tpu.memory_space<hbm>> -> memref<1x33xf32, #tpu.memory_space<hbm>>
      tpu.enqueue_dma source(%dma_start3A_273 : memref<1x33xf32, #tpu.memory_space<hbm>>) target(%dma_start3A_271 : memref<1x33xf32, #tpu.memory_space<vmem>>) target_semaphore(%arg11 : memref<!tpu.dma_semaphore, #tpu.memory_space<semaphore_mem>>)
      %slice3A_274 = vector.extract_strided_slice %get3A_177 {offsets = [7], sizes = [1], strides = [1]} : vector<16xi32> to vector<1xi32>
      %squeeze3A_275 = vector.extract %slice3A_274[0] : i32 from vector<1xi32>
      %mul3A_276 = arith.constant 16 : i32
      %mul3A_277 = arith.muli %scan3A_172, %mul3A_276 : i32
      %add3A_278 = arith.constant 7 : i32
      %add3A_279 = arith.addi %mul3A_277, %add3A_278 : i32
      %dma_start3A_280 = arith.constant 0 : i32
      %dma_start3A_281 = tpu.memref_slice %arg9[%add3A_279, %dma_start3A_280] : memref<64x33xf32, #tpu.memory_space<vmem>> -> memref<1x33xf32, #tpu.memory_space<vmem>>
      %dma_start3A_282 = arith.constant 0 : i32
      %dma_start3A_283 = tpu.memref_slice %arg4[%squeeze3A_275, %dma_start3A_282] : memref<100000x33xf32, #tpu.memory_space<hbm>> -> memref<1x33xf32, #tpu.memory_space<hbm>>
      %dma_start3A_284 = arith.constant 0 : i32
      %dma_start3A_285 = tpu.memref_slice %arg9[%add3A_279, %dma_start3A_284] : memref<64x33xf32, #tpu.memory_space<vmem>> -> memref<1x33xf32, #tpu.memory_space<vmem>>
      %dma_start3A_286 = arith.constant 0 : i32
      %dma_start3A_287 = tpu.memref_slice %arg4[%squeeze3A_275, %dma_start3A_286] : memref<100000x33xf32, #tpu.memory_space<hbm>> -> memref<1x33xf32, #tpu.memory_space<hbm>>
      tpu.enqueue_dma source(%dma_start3A_287 : memref<1x33xf32, #tpu.memory_space<hbm>>) target(%dma_start3A_285 : memref<1x33xf32, #tpu.memory_space<vmem>>) target_semaphore(%arg11 : memref<!tpu.dma_semaphore, #tpu.memory_space<semaphore_mem>>)
      %slice3A_288 = vector.extract_strided_slice %get3A_177 {offsets = [8], sizes = [1], strides = [1]} : vector<16xi32> to vector<1xi32>
      %squeeze3A_289 = vector.extract %slice3A_288[0] : i32 from vector<1xi32>
      %mul3A_290 = arith.constant 16 : i32
      %mul3A_291 = arith.muli %scan3A_172, %mul3A_290 : i32
      %add3A_292 = arith.constant 8 : i32
      %add3A_293 = arith.addi %mul3A_291, %add3A_292 : i32
      %dma_start3A_294 = arith.constant 0 : i32
      %dma_start3A_295 = tpu.memref_slice %arg9[%add3A_293, %dma_start3A_294] : memref<64x33xf32, #tpu.memory_space<vmem>> -> memref<1x33xf32, #tpu.memory_space<vmem>>
      %dma_start3A_296 = arith.constant 0 : i32
      %dma_start3A_297 = tpu.memref_slice %arg4[%squeeze3A_289, %dma_start3A_296] : memref<100000x33xf32, #tpu.memory_space<hbm>> -> memref<1x33xf32, #tpu.memory_space<hbm>>
      %dma_start3A_298 = arith.constant 0 : i32
      %dma_start3A_299 = tpu.memref_slice %arg9[%add3A_293, %dma_start3A_298] : memref<64x33xf32, #tpu.memory_space<vmem>> -> memref<1x33xf32, #tpu.memory_space<vmem>>
      %dma_start3A_300 = arith.constant 0 : i32
      %dma_start3A_301 = tpu.memref_slice %arg4[%squeeze3A_289, %dma_start3A_300] : memref<100000x33xf32, #tpu.memory_space<hbm>> -> memref<1x33xf32, #tpu.memory_space<hbm>>
      tpu.enqueue_dma source(%dma_start3A_301 : memref<1x33xf32, #tpu.memory_space<hbm>>) target(%dma_start3A_299 : memref<1x33xf32, #tpu.memory_space<vmem>>) target_semaphore(%arg11 : memref<!tpu.dma_semaphore, #tpu.memory_space<semaphore_mem>>)
      %slice3A_302 = vector.extract_strided_slice %get3A_177 {offsets = [9], sizes = [1], strides = [1]} : vector<16xi32> to vector<1xi32>
      %squeeze3A_303 = vector.extract %slice3A_302[0] : i32 from vector<1xi32>
      %mul3A_304 = arith.constant 16 : i32
      %mul3A_305 = arith.muli %scan3A_172, %mul3A_304 : i32
      %add3A_306 = arith.constant 9 : i32
      %add3A_307 = arith.addi %mul3A_305, %add3A_306 : i32
      %dma_start3A_308 = arith.constant 0 : i32
      %dma_start3A_309 = tpu.memref_slice %arg9[%add3A_307, %dma_start3A_308] : memref<64x33xf32, #tpu.memory_space<vmem>> -> memref<1x33xf32, #tpu.memory_space<vmem>>
      %dma_start3A_310 = arith.constant 0 : i32
      %dma_start3A_311 = tpu.memref_slice %arg4[%squeeze3A_303, %dma_start3A_310] : memref<100000x33xf32, #tpu.memory_space<hbm>> -> memref<1x33xf32, #tpu.memory_space<hbm>>
      %dma_start3A_312 = arith.constant 0 : i32
      %dma_start3A_313 = tpu.memref_slice %arg9[%add3A_307, %dma_start3A_312] : memref<64x33xf32, #tpu.memory_space<vmem>> -> memref<1x33xf32, #tpu.memory_space<vmem>>
      %dma_start3A_314 = arith.constant 0 : i32
      %dma_start3A_315 = tpu.memref_slice %arg4[%squeeze3A_303, %dma_start3A_314] : memref<100000x33xf32, #tpu.memory_space<hbm>> -> memref<1x33xf32, #tpu.memory_space<hbm>>
      tpu.enqueue_dma source(%dma_start3A_315 : memref<1x33xf32, #tpu.memory_space<hbm>>) target(%dma_start3A_313 : memref<1x33xf32, #tpu.memory_space<vmem>>) target_semaphore(%arg11 : memref<!tpu.dma_semaphore, #tpu.memory_space<semaphore_mem>>)
      %slice3A_316 = vector.extract_strided_slice %get3A_177 {offsets = [10], sizes = [1], strides = [1]} : vector<16xi32> to vector<1xi32>
      %squeeze3A_317 = vector.extract %slice3A_316[0] : i32 from vector<1xi32>
      %mul3A_318 = arith.constant 16 : i32
      %mul3A_319 = arith.muli %scan3A_172, %mul3A_318 : i32
      %add3A_320 = arith.constant 10 : i32
      %add3A_321 = arith.addi %mul3A_319, %add3A_320 : i32
      %dma_start3A_322 = arith.constant 0 : i32
      %dma_start3A_323 = tpu.memref_slice %arg9[%add3A_321, %dma_start3A_322] : memref<64x33xf32, #tpu.memory_space<vmem>> -> memref<1x33xf32, #tpu.memory_space<vmem>>
      %dma_start3A_324 = arith.constant 0 : i32
      %dma_start3A_325 = tpu.memref_slice %arg4[%squeeze3A_317, %dma_start3A_324] : memref<100000x33xf32, #tpu.memory_space<hbm>> -> memref<1x33xf32, #tpu.memory_space<hbm>>
      %dma_start3A_326 = arith.constant 0 : i32
      %dma_start3A_327 = tpu.memref_slice %arg9[%add3A_321, %dma_start3A_326] : memref<64x33xf32, #tpu.memory_space<vmem>> -> memref<1x33xf32, #tpu.memory_space<vmem>>
      %dma_start3A_328 = arith.constant 0 : i32
      %dma_start3A_329 = tpu.memref_slice %arg4[%squeeze3A_317, %dma_start3A_328] : memref<100000x33xf32, #tpu.memory_space<hbm>> -> memref<1x33xf32, #tpu.memory_space<hbm>>
      tpu.enqueue_dma source(%dma_start3A_329 : memref<1x33xf32, #tpu.memory_space<hbm>>) target(%dma_start3A_327 : memref<1x33xf32, #tpu.memory_space<vmem>>) target_semaphore(%arg11 : memref<!tpu.dma_semaphore, #tpu.memory_space<semaphore_mem>>)
      %slice3A_330 = vector.extract_strided_slice %get3A_177 {offsets = [11], sizes = [1], strides = [1]} : vector<16xi32> to vector<1xi32>
      %squeeze3A_331 = vector.extract %slice3A_330[0] : i32 from vector<1xi32>
      %mul3A_332 = arith.constant 16 : i32
      %mul3A_333 = arith.muli %scan3A_172, %mul3A_332 : i32
      %add3A_334 = arith.constant 11 : i32
      %add3A_335 = arith.addi %mul3A_333, %add3A_334 : i32
      %dma_start3A_336 = arith.constant 0 : i32
      %dma_start3A_337 = tpu.memref_slice %arg9[%add3A_335, %dma_start3A_336] : memref<64x33xf32, #tpu.memory_space<vmem>> -> memref<1x33xf32, #tpu.memory_space<vmem>>
      %dma_start3A_338 = arith.constant 0 : i32
      %dma_start3A_339 = tpu.memref_slice %arg4[%squeeze3A_331, %dma_start3A_338] : memref<100000x33xf32, #tpu.memory_space<hbm>> -> memref<1x33xf32, #tpu.memory_space<hbm>>
      %dma_start3A_340 = arith.constant 0 : i32
      %dma_start3A_341 = tpu.memref_slice %arg9[%add3A_335, %dma_start3A_340] : memref<64x33xf32, #tpu.memory_space<vmem>> -> memref<1x33xf32, #tpu.memory_space<vmem>>
      %dma_start3A_342 = arith.constant 0 : i32
      %dma_start3A_343 = tpu.memref_slice %arg4[%squeeze3A_331, %dma_start3A_342] : memref<100000x33xf32, #tpu.memory_space<hbm>> -> memref<1x33xf32, #tpu.memory_space<hbm>>
      tpu.enqueue_dma source(%dma_start3A_343 : memref<1x33xf32, #tpu.memory_space<hbm>>) target(%dma_start3A_341 : memref<1x33xf32, #tpu.memory_space<vmem>>) target_semaphore(%arg11 : memref<!tpu.dma_semaphore, #tpu.memory_space<semaphore_mem>>)
      %slice3A_344 = vector.extract_strided_slice %get3A_177 {offsets = [12], sizes = [1], strides = [1]} : vector<16xi32> to vector<1xi32>
      %squeeze3A_345 = vector.extract %slice3A_344[0] : i32 from vector<1xi32>
      %mul3A_346 = arith.constant 16 : i32
      %mul3A_347 = arith.muli %scan3A_172, %mul3A_346 : i32
      %add3A_348 = arith.constant 12 : i32
      %add3A_349 = arith.addi %mul3A_347, %add3A_348 : i32
      %dma_start3A_350 = arith.constant 0 : i32
      %dma_start3A_351 = tpu.memref_slice %arg9[%add3A_349, %dma_start3A_350] : memref<64x33xf32, #tpu.memory_space<vmem>> -> memref<1x33xf32, #tpu.memory_space<vmem>>
      %dma_start3A_352 = arith.constant 0 : i32
      %dma_start3A_353 = tpu.memref_slice %arg4[%squeeze3A_345, %dma_start3A_352] : memref<100000x33xf32, #tpu.memory_space<hbm>> -> memref<1x33xf32, #tpu.memory_space<hbm>>
      %dma_start3A_354 = arith.constant 0 : i32
      %dma_start3A_355 = tpu.memref_slice %arg9[%add3A_349, %dma_start3A_354] : memref<64x33xf32, #tpu.memory_space<vmem>> -> memref<1x33xf32, #tpu.memory_space<vmem>>
      %dma_start3A_356 = arith.constant 0 : i32
      %dma_start3A_357 = tpu.memref_slice %arg4[%squeeze3A_345, %dma_start3A_356] : memref<100000x33xf32, #tpu.memory_space<hbm>> -> memref<1x33xf32, #tpu.memory_space<hbm>>
      tpu.enqueue_dma source(%dma_start3A_357 : memref<1x33xf32, #tpu.memory_space<hbm>>) target(%dma_start3A_355 : memref<1x33xf32, #tpu.memory_space<vmem>>) target_semaphore(%arg11 : memref<!tpu.dma_semaphore, #tpu.memory_space<semaphore_mem>>)
      %slice3A_358 = vector.extract_strided_slice %get3A_177 {offsets = [13], sizes = [1], strides = [1]} : vector<16xi32> to vector<1xi32>
      %squeeze3A_359 = vector.extract %slice3A_358[0] : i32 from vector<1xi32>
      %mul3A_360 = arith.constant 16 : i32
      %mul3A_361 = arith.muli %scan3A_172, %mul3A_360 : i32
      %add3A_362 = arith.constant 13 : i32
      %add3A_363 = arith.addi %mul3A_361, %add3A_362 : i32
      %dma_start3A_364 = arith.constant 0 : i32
      %dma_start3A_365 = tpu.memref_slice %arg9[%add3A_363, %dma_start3A_364] : memref<64x33xf32, #tpu.memory_space<vmem>> -> memref<1x33xf32, #tpu.memory_space<vmem>>
      %dma_start3A_366 = arith.constant 0 : i32
      %dma_start3A_367 = tpu.memref_slice %arg4[%squeeze3A_359, %dma_start3A_366] : memref<100000x33xf32, #tpu.memory_space<hbm>> -> memref<1x33xf32, #tpu.memory_space<hbm>>
      %dma_start3A_368 = arith.constant 0 : i32
      %dma_start3A_369 = tpu.memref_slice %arg9[%add3A_363, %dma_start3A_368] : memref<64x33xf32, #tpu.memory_space<vmem>> -> memref<1x33xf32, #tpu.memory_space<vmem>>
      %dma_start3A_370 = arith.constant 0 : i32
      %dma_start3A_371 = tpu.memref_slice %arg4[%squeeze3A_359, %dma_start3A_370] : memref<100000x33xf32, #tpu.memory_space<hbm>> -> memref<1x33xf32, #tpu.memory_space<hbm>>
      tpu.enqueue_dma source(%dma_start3A_371 : memref<1x33xf32, #tpu.memory_space<hbm>>) target(%dma_start3A_369 : memref<1x33xf32, #tpu.memory_space<vmem>>) target_semaphore(%arg11 : memref<!tpu.dma_semaphore, #tpu.memory_space<semaphore_mem>>)
      %slice3A_372 = vector.extract_strided_slice %get3A_177 {offsets = [14], sizes = [1], strides = [1]} : vector<16xi32> to vector<1xi32>
      %squeeze3A_373 = vector.extract %slice3A_372[0] : i32 from vector<1xi32>
      %mul3A_374 = arith.constant 16 : i32
      %mul3A_375 = arith.muli %scan3A_172, %mul3A_374 : i32
      %add3A_376 = arith.constant 14 : i32
      %add3A_377 = arith.addi %mul3A_375, %add3A_376 : i32
      %dma_start3A_378 = arith.constant 0 : i32
      %dma_start3A_379 = tpu.memref_slice %arg9[%add3A_377, %dma_start3A_378] : memref<64x33xf32, #tpu.memory_space<vmem>> -> memref<1x33xf32, #tpu.memory_space<vmem>>
      %dma_start3A_380 = arith.constant 0 : i32
      %dma_start3A_381 = tpu.memref_slice %arg4[%squeeze3A_373, %dma_start3A_380] : memref<100000x33xf32, #tpu.memory_space<hbm>> -> memref<1x33xf32, #tpu.memory_space<hbm>>
      %dma_start3A_382 = arith.constant 0 : i32
      %dma_start3A_383 = tpu.memref_slice %arg9[%add3A_377, %dma_start3A_382] : memref<64x33xf32, #tpu.memory_space<vmem>> -> memref<1x33xf32, #tpu.memory_space<vmem>>
      %dma_start3A_384 = arith.constant 0 : i32
      %dma_start3A_385 = tpu.memref_slice %arg4[%squeeze3A_373, %dma_start3A_384] : memref<100000x33xf32, #tpu.memory_space<hbm>> -> memref<1x33xf32, #tpu.memory_space<hbm>>
      tpu.enqueue_dma source(%dma_start3A_385 : memref<1x33xf32, #tpu.memory_space<hbm>>) target(%dma_start3A_383 : memref<1x33xf32, #tpu.memory_space<vmem>>) target_semaphore(%arg11 : memref<!tpu.dma_semaphore, #tpu.memory_space<semaphore_mem>>)
      %slice3A_386 = vector.extract_strided_slice %get3A_177 {offsets = [15], sizes = [1], strides = [1]} : vector<16xi32> to vector<1xi32>
      %squeeze3A_387 = vector.extract %slice3A_386[0] : i32 from vector<1xi32>
      %mul3A_388 = arith.constant 16 : i32
      %mul3A_389 = arith.muli %scan3A_172, %mul3A_388 : i32
      %add3A_390 = arith.constant 15 : i32
      %add3A_391 = arith.addi %mul3A_389, %add3A_390 : i32
      %dma_start3A_392 = arith.constant 0 : i32
      %dma_start3A_393 = tpu.memref_slice %arg9[%add3A_391, %dma_start3A_392] : memref<64x33xf32, #tpu.memory_space<vmem>> -> memref<1x33xf32, #tpu.memory_space<vmem>>
      %dma_start3A_394 = arith.constant 0 : i32
      %dma_start3A_395 = tpu.memref_slice %arg4[%squeeze3A_387, %dma_start3A_394] : memref<100000x33xf32, #tpu.memory_space<hbm>> -> memref<1x33xf32, #tpu.memory_space<hbm>>
      %dma_start3A_396 = arith.constant 0 : i32
      %dma_start3A_397 = tpu.memref_slice %arg9[%add3A_391, %dma_start3A_396] : memref<64x33xf32, #tpu.memory_space<vmem>> -> memref<1x33xf32, #tpu.memory_space<vmem>>
      %dma_start3A_398 = arith.constant 0 : i32
      %dma_start3A_399 = tpu.memref_slice %arg4[%squeeze3A_387, %dma_start3A_398] : memref<100000x33xf32, #tpu.memory_space<hbm>> -> memref<1x33xf32, #tpu.memory_space<hbm>>
      tpu.enqueue_dma source(%dma_start3A_399 : memref<1x33xf32, #tpu.memory_space<hbm>>) target(%dma_start3A_397 : memref<1x33xf32, #tpu.memory_space<vmem>>) target_semaphore(%arg11 : memref<!tpu.dma_semaphore, #tpu.memory_space<semaphore_mem>>)
    }
    %scan3A_7 = arith.constant 4 : i32
    %scan3A_8 = arith.constant 0 : i32
    %scan3A_9 = arith.constant 0 : i32
    %scan3A_10 = arith.constant 4 : i32
    %scan3A_11 = arith.addi %scan3A_9, %scan3A_10 : i32
    %scan3A_12 = arith.constant 1 : i32
    scf.for %scan3A_172 = %scan3A_9 to %scan3A_11 step %scan3A_12  : i32 {
      %mul3A_173 = arith.constant 16 : i32
      %mul3A_174 = arith.muli %scan3A_172, %mul3A_173 : i32
      %add3A_175 = arith.constant 64 : i32
      %add3A_176 = arith.addi %add3A_175, %mul3A_174 : i32
      %get3A = arith.index_cast %add3A_176 : i32 to index
      %get3A_177 = tpu.vector_load %arg6[%get3A] {strides = array<i32>} : memref<512xi32, #tpu.memory_space<vmem>>, vector<16xi32>,
      %slice3A = vector.extract_strided_slice %get3A_177 {offsets = [0], sizes = [1], strides = [1]} : vector<16xi32> to vector<1xi32>
      %squeeze3A = vector.extract %slice3A[0] : i32 from vector<1xi32>
      %mul3A_178 = arith.constant 16 : i32
      %mul3A_179 = arith.muli %scan3A_172, %mul3A_178 : i32
      %add3A_180 = arith.constant 0 : i32
      %add3A_181 = arith.addi %mul3A_179, %add3A_180 : i32
      %dma_start3A_182 = arith.constant 0 : i32
      %dma_start3A_183 = tpu.memref_slice %arg10[%add3A_181, %dma_start3A_182] : memref<64x33xf32, #tpu.memory_space<vmem>> -> memref<1x33xf32, #tpu.memory_space<vmem>>
      %dma_start3A_184 = arith.constant 0 : i32
      %dma_start3A_185 = tpu.memref_slice %arg4[%squeeze3A, %dma_start3A_184] : memref<100000x33xf32, #tpu.memory_space<hbm>> -> memref<1x33xf32, #tpu.memory_space<hbm>>
      %dma_start3A_186 = arith.constant 0 : i32
      %dma_start3A_187 = tpu.memref_slice %arg10[%add3A_181, %dma_start3A_186] : memref<64x33xf32, #tpu.memory_space<vmem>> -> memref<1x33xf32, #tpu.memory_space<vmem>>
      %dma_start3A_188 = arith.constant 0 : i32
      %dma_start3A_189 = tpu.memref_slice %arg4[%squeeze3A, %dma_start3A_188] : memref<100000x33xf32, #tpu.memory_space<hbm>> -> memref<1x33xf32, #tpu.memory_space<hbm>>
      tpu.enqueue_dma source(%dma_start3A_189 : memref<1x33xf32, #tpu.memory_space<hbm>>) target(%dma_start3A_187 : memref<1x33xf32, #tpu.memory_space<vmem>>) target_semaphore(%arg12 : memref<!tpu.dma_semaphore, #tpu.memory_space<semaphore_mem>>)
      %slice3A_190 = vector.extract_strided_slice %get3A_177 {offsets = [1], sizes = [1], strides = [1]} : vector<16xi32> to vector<1xi32>
      %squeeze3A_191 = vector.extract %slice3A_190[0] : i32 from vector<1xi32>
      %mul3A_192 = arith.constant 16 : i32
      %mul3A_193 = arith.muli %scan3A_172, %mul3A_192 : i32
      %add3A_194 = arith.constant 1 : i32
      %add3A_195 = arith.addi %mul3A_193, %add3A_194 : i32
      %dma_start3A_196 = arith.constant 0 : i32
      %dma_start3A_197 = tpu.memref_slice %arg10[%add3A_195, %dma_start3A_196] : memref<64x33xf32, #tpu.memory_space<vmem>> -> memref<1x33xf32, #tpu.memory_space<vmem>>
      %dma_start3A_198 = arith.constant 0 : i32
      %dma_start3A_199 = tpu.memref_slice %arg4[%squeeze3A_191, %dma_start3A_198] : memref<100000x33xf32, #tpu.memory_space<hbm>> -> memref<1x33xf32, #tpu.memory_space<hbm>>
      %dma_start3A_200 = arith.constant 0 : i32
      %dma_start3A_201 = tpu.memref_slice %arg10[%add3A_195, %dma_start3A_200] : memref<64x33xf32, #tpu.memory_space<vmem>> -> memref<1x33xf32, #tpu.memory_space<vmem>>
      %dma_start3A_202 = arith.constant 0 : i32
      %dma_start3A_203 = tpu.memref_slice %arg4[%squeeze3A_191, %dma_start3A_202] : memref<100000x33xf32, #tpu.memory_space<hbm>> -> memref<1x33xf32, #tpu.memory_space<hbm>>
      tpu.enqueue_dma source(%dma_start3A_203 : memref<1x33xf32, #tpu.memory_space<hbm>>) target(%dma_start3A_201 : memref<1x33xf32, #tpu.memory_space<vmem>>) target_semaphore(%arg12 : memref<!tpu.dma_semaphore, #tpu.memory_space<semaphore_mem>>)
      %slice3A_204 = vector.extract_strided_slice %get3A_177 {offsets = [2], sizes = [1], strides = [1]} : vector<16xi32> to vector<1xi32>
      %squeeze3A_205 = vector.extract %slice3A_204[0] : i32 from vector<1xi32>
      %mul3A_206 = arith.constant 16 : i32
      %mul3A_207 = arith.muli %scan3A_172, %mul3A_206 : i32
      %add3A_208 = arith.constant 2 : i32
      %add3A_209 = arith.addi %mul3A_207, %add3A_208 : i32
      %dma_start3A_210 = arith.constant 0 : i32
      %dma_start3A_211 = tpu.memref_slice %arg10[%add3A_209, %dma_start3A_210] : memref<64x33xf32, #tpu.memory_space<vmem>> -> memref<1x33xf32, #tpu.memory_space<vmem>>
      %dma_start3A_212 = arith.constant 0 : i32
      %dma_start3A_213 = tpu.memref_slice %arg4[%squeeze3A_205, %dma_start3A_212] : memref<100000x33xf32, #tpu.memory_space<hbm>> -> memref<1x33xf32, #tpu.memory_space<hbm>>
      %dma_start3A_214 = arith.constant 0 : i32
      %dma_start3A_215 = tpu.memref_slice %arg10[%add3A_209, %dma_start3A_214] : memref<64x33xf32, #tpu.memory_space<vmem>> -> memref<1x33xf32, #tpu.memory_space<vmem>>
      %dma_start3A_216 = arith.constant 0 : i32
      %dma_start3A_217 = tpu.memref_slice %arg4[%squeeze3A_205, %dma_start3A_216] : memref<100000x33xf32, #tpu.memory_space<hbm>> -> memref<1x33xf32, #tpu.memory_space<hbm>>
      tpu.enqueue_dma source(%dma_start3A_217 : memref<1x33xf32, #tpu.memory_space<hbm>>) target(%dma_start3A_215 : memref<1x33xf32, #tpu.memory_space<vmem>>) target_semaphore(%arg12 : memref<!tpu.dma_semaphore, #tpu.memory_space<semaphore_mem>>)
      %slice3A_218 = vector.extract_strided_slice %get3A_177 {offsets = [3], sizes = [1], strides = [1]} : vector<16xi32> to vector<1xi32>
      %squeeze3A_219 = vector.extract %slice3A_218[0] : i32 from vector<1xi32>
      %mul3A_220 = arith.constant 16 : i32
      %mul3A_221 = arith.muli %scan3A_172, %mul3A_220 : i32
      %add3A_222 = arith.constant 3 : i32
      %add3A_223 = arith.addi %mul3A_221, %add3A_222 : i32
      %dma_start3A_224 = arith.constant 0 : i32
      %dma_start3A_225 = tpu.memref_slice %arg10[%add3A_223, %dma_start3A_224] : memref<64x33xf32, #tpu.memory_space<vmem>> -> memref<1x33xf32, #tpu.memory_space<vmem>>
      %dma_start3A_226 = arith.constant 0 : i32
      %dma_start3A_227 = tpu.memref_slice %arg4[%squeeze3A_219, %dma_start3A_226] : memref<100000x33xf32, #tpu.memory_space<hbm>> -> memref<1x33xf32, #tpu.memory_space<hbm>>
      %dma_start3A_228 = arith.constant 0 : i32
      %dma_start3A_229 = tpu.memref_slice %arg10[%add3A_223, %dma_start3A_228] : memref<64x33xf32, #tpu.memory_space<vmem>> -> memref<1x33xf32, #tpu.memory_space<vmem>>
      %dma_start3A_230 = arith.constant 0 : i32
      %dma_start3A_231 = tpu.memref_slice %arg4[%squeeze3A_219, %dma_start3A_230] : memref<100000x33xf32, #tpu.memory_space<hbm>> -> memref<1x33xf32, #tpu.memory_space<hbm>>
      tpu.enqueue_dma source(%dma_start3A_231 : memref<1x33xf32, #tpu.memory_space<hbm>>) target(%dma_start3A_229 : memref<1x33xf32, #tpu.memory_space<vmem>>) target_semaphore(%arg12 : memref<!tpu.dma_semaphore, #tpu.memory_space<semaphore_mem>>)
      %slice3A_232 = vector.extract_strided_slice %get3A_177 {offsets = [4], sizes = [1], strides = [1]} : vector<16xi32> to vector<1xi32>
      %squeeze3A_233 = vector.extract %slice3A_232[0] : i32 from vector<1xi32>
      %mul3A_234 = arith.constant 16 : i32
      %mul3A_235 = arith.muli %scan3A_172, %mul3A_234 : i32
      %add3A_236 = arith.constant 4 : i32
      %add3A_237 = arith.addi %mul3A_235, %add3A_236 : i32
      %dma_start3A_238 = arith.constant 0 : i32
      %dma_start3A_239 = tpu.memref_slice %arg10[%add3A_237, %dma_start3A_238] : memref<64x33xf32, #tpu.memory_space<vmem>> -> memref<1x33xf32, #tpu.memory_space<vmem>>
      %dma_start3A_240 = arith.constant 0 : i32
      %dma_start3A_241 = tpu.memref_slice %arg4[%squeeze3A_233, %dma_start3A_240] : memref<100000x33xf32, #tpu.memory_space<hbm>> -> memref<1x33xf32, #tpu.memory_space<hbm>>
      %dma_start3A_242 = arith.constant 0 : i32
      %dma_start3A_243 = tpu.memref_slice %arg10[%add3A_237, %dma_start3A_242] : memref<64x33xf32, #tpu.memory_space<vmem>> -> memref<1x33xf32, #tpu.memory_space<vmem>>
      %dma_start3A_244 = arith.constant 0 : i32
      %dma_start3A_245 = tpu.memref_slice %arg4[%squeeze3A_233, %dma_start3A_244] : memref<100000x33xf32, #tpu.memory_space<hbm>> -> memref<1x33xf32, #tpu.memory_space<hbm>>
      tpu.enqueue_dma source(%dma_start3A_245 : memref<1x33xf32, #tpu.memory_space<hbm>>) target(%dma_start3A_243 : memref<1x33xf32, #tpu.memory_space<vmem>>) target_semaphore(%arg12 : memref<!tpu.dma_semaphore, #tpu.memory_space<semaphore_mem>>)
      %slice3A_246 = vector.extract_strided_slice %get3A_177 {offsets = [5], sizes = [1], strides = [1]} : vector<16xi32> to vector<1xi32>
      %squeeze3A_247 = vector.extract %slice3A_246[0] : i32 from vector<1xi32>
      %mul3A_248 = arith.constant 16 : i32
      %mul3A_249 = arith.muli %scan3A_172, %mul3A_248 : i32
      %add3A_250 = arith.constant 5 : i32
      %add3A_251 = arith.addi %mul3A_249, %add3A_250 : i32
      %dma_start3A_252 = arith.constant 0 : i32
      %dma_start3A_253 = tpu.memref_slice %arg10[%add3A_251, %dma_start3A_252] : memref<64x33xf32, #tpu.memory_space<vmem>> -> memref<1x33xf32, #tpu.memory_space<vmem>>
      %dma_start3A_254 = arith.constant 0 : i32
      %dma_start3A_255 = tpu.memref_slice %arg4[%squeeze3A_247, %dma_start3A_254] : memref<100000x33xf32, #tpu.memory_space<hbm>> -> memref<1x33xf32, #tpu.memory_space<hbm>>
      %dma_start3A_256 = arith.constant 0 : i32
      %dma_start3A_257 = tpu.memref_slice %arg10[%add3A_251, %dma_start3A_256] : memref<64x33xf32, #tpu.memory_space<vmem>> -> memref<1x33xf32, #tpu.memory_space<vmem>>
      %dma_start3A_258 = arith.constant 0 : i32
      %dma_start3A_259 = tpu.memref_slice %arg4[%squeeze3A_247, %dma_start3A_258] : memref<100000x33xf32, #tpu.memory_space<hbm>> -> memref<1x33xf32, #tpu.memory_space<hbm>>
      tpu.enqueue_dma source(%dma_start3A_259 : memref<1x33xf32, #tpu.memory_space<hbm>>) target(%dma_start3A_257 : memref<1x33xf32, #tpu.memory_space<vmem>>) target_semaphore(%arg12 : memref<!tpu.dma_semaphore, #tpu.memory_space<semaphore_mem>>)
      %slice3A_260 = vector.extract_strided_slice %get3A_177 {offsets = [6], sizes = [1], strides = [1]} : vector<16xi32> to vector<1xi32>
      %squeeze3A_261 = vector.extract %slice3A_260[0] : i32 from vector<1xi32>
      %mul3A_262 = arith.constant 16 : i32
      %mul3A_263 = arith.muli %scan3A_172, %mul3A_262 : i32
      %add3A_264 = arith.constant 6 : i32
      %add3A_265 = arith.addi %mul3A_263, %add3A_264 : i32
      %dma_start3A_266 = arith.constant 0 : i32
      %dma_start3A_267 = tpu.memref_slice %arg10[%add3A_265, %dma_start3A_266] : memref<64x33xf32, #tpu.memory_space<vmem>> -> memref<1x33xf32, #tpu.memory_space<vmem>>
      %dma_start3A_268 = arith.constant 0 : i32
      %dma_start3A_269 = tpu.memref_slice %arg4[%squeeze3A_261, %dma_start3A_268] : memref<100000x33xf32, #tpu.memory_space<hbm>> -> memref<1x33xf32, #tpu.memory_space<hbm>>
      %dma_start3A_270 = arith.constant 0 : i32
      %dma_start3A_271 = tpu.memref_slice %arg10[%add3A_265, %dma_start3A_270] : memref<64x33xf32, #tpu.memory_space<vmem>> -> memref<1x33xf32, #tpu.memory_space<vmem>>
      %dma_start3A_272 = arith.constant 0 : i32
      %dma_start3A_273 = tpu.memref_slice %arg4[%squeeze3A_261, %dma_start3A_272] : memref<100000x33xf32, #tpu.memory_space<hbm>> -> memref<1x33xf32, #tpu.memory_space<hbm>>
      tpu.enqueue_dma source(%dma_start3A_273 : memref<1x33xf32, #tpu.memory_space<hbm>>) target(%dma_start3A_271 : memref<1x33xf32, #tpu.memory_space<vmem>>) target_semaphore(%arg12 : memref<!tpu.dma_semaphore, #tpu.memory_space<semaphore_mem>>)
      %slice3A_274 = vector.extract_strided_slice %get3A_177 {offsets = [7], sizes = [1], strides = [1]} : vector<16xi32> to vector<1xi32>
      %squeeze3A_275 = vector.extract %slice3A_274[0] : i32 from vector<1xi32>
      %mul3A_276 = arith.constant 16 : i32
      %mul3A_277 = arith.muli %scan3A_172, %mul3A_276 : i32
      %add3A_278 = arith.constant 7 : i32
      %add3A_279 = arith.addi %mul3A_277, %add3A_278 : i32
      %dma_start3A_280 = arith.constant 0 : i32
      %dma_start3A_281 = tpu.memref_slice %arg10[%add3A_279, %dma_start3A_280] : memref<64x33xf32, #tpu.memory_space<vmem>> -> memref<1x33xf32, #tpu.memory_space<vmem>>
      %dma_start3A_282 = arith.constant 0 : i32
      %dma_start3A_283 = tpu.memref_slice %arg4[%squeeze3A_275, %dma_start3A_282] : memref<100000x33xf32, #tpu.memory_space<hbm>> -> memref<1x33xf32, #tpu.memory_space<hbm>>
      %dma_start3A_284 = arith.constant 0 : i32
      %dma_start3A_285 = tpu.memref_slice %arg10[%add3A_279, %dma_start3A_284] : memref<64x33xf32, #tpu.memory_space<vmem>> -> memref<1x33xf32, #tpu.memory_space<vmem>>
      %dma_start3A_286 = arith.constant 0 : i32
      %dma_start3A_287 = tpu.memref_slice %arg4[%squeeze3A_275, %dma_start3A_286] : memref<100000x33xf32, #tpu.memory_space<hbm>> -> memref<1x33xf32, #tpu.memory_space<hbm>>
      tpu.enqueue_dma source(%dma_start3A_287 : memref<1x33xf32, #tpu.memory_space<hbm>>) target(%dma_start3A_285 : memref<1x33xf32, #tpu.memory_space<vmem>>) target_semaphore(%arg12 : memref<!tpu.dma_semaphore, #tpu.memory_space<semaphore_mem>>)
      %slice3A_288 = vector.extract_strided_slice %get3A_177 {offsets = [8], sizes = [1], strides = [1]} : vector<16xi32> to vector<1xi32>
      %squeeze3A_289 = vector.extract %slice3A_288[0] : i32 from vector<1xi32>
      %mul3A_290 = arith.constant 16 : i32
      %mul3A_291 = arith.muli %scan3A_172, %mul3A_290 : i32
      %add3A_292 = arith.constant 8 : i32
      %add3A_293 = arith.addi %mul3A_291, %add3A_292 : i32
      %dma_start3A_294 = arith.constant 0 : i32
      %dma_start3A_295 = tpu.memref_slice %arg10[%add3A_293, %dma_start3A_294] : memref<64x33xf32, #tpu.memory_space<vmem>> -> memref<1x33xf32, #tpu.memory_space<vmem>>
      %dma_start3A_296 = arith.constant 0 : i32
      %dma_start3A_297 = tpu.memref_slice %arg4[%squeeze3A_289, %dma_start3A_296] : memref<100000x33xf32, #tpu.memory_space<hbm>> -> memref<1x33xf32, #tpu.memory_space<hbm>>
      %dma_start3A_298 = arith.constant 0 : i32
      %dma_start3A_299 = tpu.memref_slice %arg10[%add3A_293, %dma_start3A_298] : memref<64x33xf32, #tpu.memory_space<vmem>> -> memref<1x33xf32, #tpu.memory_space<vmem>>
      %dma_start3A_300 = arith.constant 0 : i32
      %dma_start3A_301 = tpu.memref_slice %arg4[%squeeze3A_289, %dma_start3A_300] : memref<100000x33xf32, #tpu.memory_space<hbm>> -> memref<1x33xf32, #tpu.memory_space<hbm>>
      tpu.enqueue_dma source(%dma_start3A_301 : memref<1x33xf32, #tpu.memory_space<hbm>>) target(%dma_start3A_299 : memref<1x33xf32, #tpu.memory_space<vmem>>) target_semaphore(%arg12 : memref<!tpu.dma_semaphore, #tpu.memory_space<semaphore_mem>>)
      %slice3A_302 = vector.extract_strided_slice %get3A_177 {offsets = [9], sizes = [1], strides = [1]} : vector<16xi32> to vector<1xi32>
      %squeeze3A_303 = vector.extract %slice3A_302[0] : i32 from vector<1xi32>
      %mul3A_304 = arith.constant 16 : i32
      %mul3A_305 = arith.muli %scan3A_172, %mul3A_304 : i32
      %add3A_306 = arith.constant 9 : i32
      %add3A_307 = arith.addi %mul3A_305, %add3A_306 : i32
      %dma_start3A_308 = arith.constant 0 : i32
      %dma_start3A_309 = tpu.memref_slice %arg10[%add3A_307, %dma_start3A_308] : memref<64x33xf32, #tpu.memory_space<vmem>> -> memref<1x33xf32, #tpu.memory_space<vmem>>
      %dma_start3A_310 = arith.constant 0 : i32
      %dma_start3A_311 = tpu.memref_slice %arg4[%squeeze3A_303, %dma_start3A_310] : memref<100000x33xf32, #tpu.memory_space<hbm>> -> memref<1x33xf32, #tpu.memory_space<hbm>>
      %dma_start3A_312 = arith.constant 0 : i32
      %dma_start3A_313 = tpu.memref_slice %arg10[%add3A_307, %dma_start3A_312] : memref<64x33xf32, #tpu.memory_space<vmem>> -> memref<1x33xf32, #tpu.memory_space<vmem>>
      %dma_start3A_314 = arith.constant 0 : i32
      %dma_start3A_315 = tpu.memref_slice %arg4[%squeeze3A_303, %dma_start3A_314] : memref<100000x33xf32, #tpu.memory_space<hbm>> -> memref<1x33xf32, #tpu.memory_space<hbm>>
      tpu.enqueue_dma source(%dma_start3A_315 : memref<1x33xf32, #tpu.memory_space<hbm>>) target(%dma_start3A_313 : memref<1x33xf32, #tpu.memory_space<vmem>>) target_semaphore(%arg12 : memref<!tpu.dma_semaphore, #tpu.memory_space<semaphore_mem>>)
      %slice3A_316 = vector.extract_strided_slice %get3A_177 {offsets = [10], sizes = [1], strides = [1]} : vector<16xi32> to vector<1xi32>
      %squeeze3A_317 = vector.extract %slice3A_316[0] : i32 from vector<1xi32>
      %mul3A_318 = arith.constant 16 : i32
      %mul3A_319 = arith.muli %scan3A_172, %mul3A_318 : i32
      %add3A_320 = arith.constant 10 : i32
      %add3A_321 = arith.addi %mul3A_319, %add3A_320 : i32
      %dma_start3A_322 = arith.constant 0 : i32
      %dma_start3A_323 = tpu.memref_slice %arg10[%add3A_321, %dma_start3A_322] : memref<64x33xf32, #tpu.memory_space<vmem>> -> memref<1x33xf32, #tpu.memory_space<vmem>>
      %dma_start3A_324 = arith.constant 0 : i32
      %dma_start3A_325 = tpu.memref_slice %arg4[%squeeze3A_317, %dma_start3A_324] : memref<100000x33xf32, #tpu.memory_space<hbm>> -> memref<1x33xf32, #tpu.memory_space<hbm>>
      %dma_start3A_326 = arith.constant 0 : i32
      %dma_start3A_327 = tpu.memref_slice %arg10[%add3A_321, %dma_start3A_326] : memref<64x33xf32, #tpu.memory_space<vmem>> -> memref<1x33xf32, #tpu.memory_space<vmem>>
      %dma_start3A_328 = arith.constant 0 : i32
      %dma_start3A_329 = tpu.memref_slice %arg4[%squeeze3A_317, %dma_start3A_328] : memref<100000x33xf32, #tpu.memory_space<hbm>> -> memref<1x33xf32, #tpu.memory_space<hbm>>
      tpu.enqueue_dma source(%dma_start3A_329 : memref<1x33xf32, #tpu.memory_space<hbm>>) target(%dma_start3A_327 : memref<1x33xf32, #tpu.memory_space<vmem>>) target_semaphore(%arg12 : memref<!tpu.dma_semaphore, #tpu.memory_space<semaphore_mem>>)
      %slice3A_330 = vector.extract_strided_slice %get3A_177 {offsets = [11], sizes = [1], strides = [1]} : vector<16xi32> to vector<1xi32>
      %squeeze3A_331 = vector.extract %slice3A_330[0] : i32 from vector<1xi32>
      %mul3A_332 = arith.constant 16 : i32
      %mul3A_333 = arith.muli %scan3A_172, %mul3A_332 : i32
      %add3A_334 = arith.constant 11 : i32
      %add3A_335 = arith.addi %mul3A_333, %add3A_334 : i32
      %dma_start3A_336 = arith.constant 0 : i32
      %dma_start3A_337 = tpu.memref_slice %arg10[%add3A_335, %dma_start3A_336] : memref<64x33xf32, #tpu.memory_space<vmem>> -> memref<1x33xf32, #tpu.memory_space<vmem>>
      %dma_start3A_338 = arith.constant 0 : i32
      %dma_start3A_339 = tpu.memref_slice %arg4[%squeeze3A_331, %dma_start3A_338] : memref<100000x33xf32, #tpu.memory_space<hbm>> -> memref<1x33xf32, #tpu.memory_space<hbm>>
      %dma_start3A_340 = arith.constant 0 : i32
      %dma_start3A_341 = tpu.memref_slice %arg10[%add3A_335, %dma_start3A_340] : memref<64x33xf32, #tpu.memory_space<vmem>> -> memref<1x33xf32, #tpu.memory_space<vmem>>
      %dma_start3A_342 = arith.constant 0 : i32
      %dma_start3A_343 = tpu.memref_slice %arg4[%squeeze3A_331, %dma_start3A_342] : memref<100000x33xf32, #tpu.memory_space<hbm>> -> memref<1x33xf32, #tpu.memory_space<hbm>>
      tpu.enqueue_dma source(%dma_start3A_343 : memref<1x33xf32, #tpu.memory_space<hbm>>) target(%dma_start3A_341 : memref<1x33xf32, #tpu.memory_space<vmem>>) target_semaphore(%arg12 : memref<!tpu.dma_semaphore, #tpu.memory_space<semaphore_mem>>)
      %slice3A_344 = vector.extract_strided_slice %get3A_177 {offsets = [12], sizes = [1], strides = [1]} : vector<16xi32> to vector<1xi32>
      %squeeze3A_345 = vector.extract %slice3A_344[0] : i32 from vector<1xi32>
      %mul3A_346 = arith.constant 16 : i32
      %mul3A_347 = arith.muli %scan3A_172, %mul3A_346 : i32
      %add3A_348 = arith.constant 12 : i32
      %add3A_349 = arith.addi %mul3A_347, %add3A_348 : i32
      %dma_start3A_350 = arith.constant 0 : i32
      %dma_start3A_351 = tpu.memref_slice %arg10[%add3A_349, %dma_start3A_350] : memref<64x33xf32, #tpu.memory_space<vmem>> -> memref<1x33xf32, #tpu.memory_space<vmem>>
      %dma_start3A_352 = arith.constant 0 : i32
      %dma_start3A_353 = tpu.memref_slice %arg4[%squeeze3A_345, %dma_start3A_352] : memref<100000x33xf32, #tpu.memory_space<hbm>> -> memref<1x33xf32, #tpu.memory_space<hbm>>
      %dma_start3A_354 = arith.constant 0 : i32
      %dma_start3A_355 = tpu.memref_slice %arg10[%add3A_349, %dma_start3A_354] : memref<64x33xf32, #tpu.memory_space<vmem>> -> memref<1x33xf32, #tpu.memory_space<vmem>>
      %dma_start3A_356 = arith.constant 0 : i32
      %dma_start3A_357 = tpu.memref_slice %arg4[%squeeze3A_345, %dma_start3A_356] : memref<100000x33xf32, #tpu.memory_space<hbm>> -> memref<1x33xf32, #tpu.memory_space<hbm>>
      tpu.enqueue_dma source(%dma_start3A_357 : memref<1x33xf32, #tpu.memory_space<hbm>>) target(%dma_start3A_355 : memref<1x33xf32, #tpu.memory_space<vmem>>) target_semaphore(%arg12 : memref<!tpu.dma_semaphore, #tpu.memory_space<semaphore_mem>>)
      %slice3A_358 = vector.extract_strided_slice %get3A_177 {offsets = [13], sizes = [1], strides = [1]} : vector<16xi32> to vector<1xi32>
      %squeeze3A_359 = vector.extract %slice3A_358[0] : i32 from vector<1xi32>
      %mul3A_360 = arith.constant 16 : i32
      %mul3A_361 = arith.muli %scan3A_172, %mul3A_360 : i32
      %add3A_362 = arith.constant 13 : i32
      %add3A_363 = arith.addi %mul3A_361, %add3A_362 : i32
      %dma_start3A_364 = arith.constant 0 : i32
      %dma_start3A_365 = tpu.memref_slice %arg10[%add3A_363, %dma_start3A_364] : memref<64x33xf32, #tpu.memory_space<vmem>> -> memref<1x33xf32, #tpu.memory_space<vmem>>
      %dma_start3A_366 = arith.constant 0 : i32
      %dma_start3A_367 = tpu.memref_slice %arg4[%squeeze3A_359, %dma_start3A_366] : memref<100000x33xf32, #tpu.memory_space<hbm>> -> memref<1x33xf32, #tpu.memory_space<hbm>>
      %dma_start3A_368 = arith.constant 0 : i32
      %dma_start3A_369 = tpu.memref_slice %arg10[%add3A_363, %dma_start3A_368] : memref<64x33xf32, #tpu.memory_space<vmem>> -> memref<1x33xf32, #tpu.memory_space<vmem>>
      %dma_start3A_370 = arith.constant 0 : i32
      %dma_start3A_371 = tpu.memref_slice %arg4[%squeeze3A_359, %dma_start3A_370] : memref<100000x33xf32, #tpu.memory_space<hbm>> -> memref<1x33xf32, #tpu.memory_space<hbm>>
      tpu.enqueue_dma source(%dma_start3A_371 : memref<1x33xf32, #tpu.memory_space<hbm>>) target(%dma_start3A_369 : memref<1x33xf32, #tpu.memory_space<vmem>>) target_semaphore(%arg12 : memref<!tpu.dma_semaphore, #tpu.memory_space<semaphore_mem>>)
      %slice3A_372 = vector.extract_strided_slice %get3A_177 {offsets = [14], sizes = [1], strides = [1]} : vector<16xi32> to vector<1xi32>
      %squeeze3A_373 = vector.extract %slice3A_372[0] : i32 from vector<1xi32>
      %mul3A_374 = arith.constant 16 : i32
      %mul3A_375 = arith.muli %scan3A_172, %mul3A_374 : i32
      %add3A_376 = arith.constant 14 : i32
      %add3A_377 = arith.addi %mul3A_375, %add3A_376 : i32
      %dma_start3A_378 = arith.constant 0 : i32
      %dma_start3A_379 = tpu.memref_slice %arg10[%add3A_377, %dma_start3A_378] : memref<64x33xf32, #tpu.memory_space<vmem>> -> memref<1x33xf32, #tpu.memory_space<vmem>>
      %dma_start3A_380 = arith.constant 0 : i32
      %dma_start3A_381 = tpu.memref_slice %arg4[%squeeze3A_373, %dma_start3A_380] : memref<100000x33xf32, #tpu.memory_space<hbm>> -> memref<1x33xf32, #tpu.memory_space<hbm>>
      %dma_start3A_382 = arith.constant 0 : i32
      %dma_start3A_383 = tpu.memref_slice %arg10[%add3A_377, %dma_start3A_382] : memref<64x33xf32, #tpu.memory_space<vmem>> -> memref<1x33xf32, #tpu.memory_space<vmem>>
      %dma_start3A_384 = arith.constant 0 : i32
      %dma_start3A_385 = tpu.memref_slice %arg4[%squeeze3A_373, %dma_start3A_384] : memref<100000x33xf32, #tpu.memory_space<hbm>> -> memref<1x33xf32, #tpu.memory_space<hbm>>
      tpu.enqueue_dma source(%dma_start3A_385 : memref<1x33xf32, #tpu.memory_space<hbm>>) target(%dma_start3A_383 : memref<1x33xf32, #tpu.memory_space<vmem>>) target_semaphore(%arg12 : memref<!tpu.dma_semaphore, #tpu.memory_space<semaphore_mem>>)
      %slice3A_386 = vector.extract_strided_slice %get3A_177 {offsets = [15], sizes = [1], strides = [1]} : vector<16xi32> to vector<1xi32>
      %squeeze3A_387 = vector.extract %slice3A_386[0] : i32 from vector<1xi32>
      %mul3A_388 = arith.constant 16 : i32
      %mul3A_389 = arith.muli %scan3A_172, %mul3A_388 : i32
      %add3A_390 = arith.constant 15 : i32
      %add3A_391 = arith.addi %mul3A_389, %add3A_390 : i32
      %dma_start3A_392 = arith.constant 0 : i32
      %dma_start3A_393 = tpu.memref_slice %arg10[%add3A_391, %dma_start3A_392] : memref<64x33xf32, #tpu.memory_space<vmem>> -> memref<1x33xf32, #tpu.memory_space<vmem>>
      %dma_start3A_394 = arith.constant 0 : i32
      %dma_start3A_395 = tpu.memref_slice %arg4[%squeeze3A_387, %dma_start3A_394] : memref<100000x33xf32, #tpu.memory_space<hbm>> -> memref<1x33xf32, #tpu.memory_space<hbm>>
      %dma_start3A_396 = arith.constant 0 : i32
      %dma_start3A_397 = tpu.memref_slice %arg10[%add3A_391, %dma_start3A_396] : memref<64x33xf32, #tpu.memory_space<vmem>> -> memref<1x33xf32, #tpu.memory_space<vmem>>
      %dma_start3A_398 = arith.constant 0 : i32
      %dma_start3A_399 = tpu.memref_slice %arg4[%squeeze3A_387, %dma_start3A_398] : memref<100000x33xf32, #tpu.memory_space<hbm>> -> memref<1x33xf32, #tpu.memory_space<hbm>>
      tpu.enqueue_dma source(%dma_start3A_399 : memref<1x33xf32, #tpu.memory_space<hbm>>) target(%dma_start3A_397 : memref<1x33xf32, #tpu.memory_space<vmem>>) target_semaphore(%arg12 : memref<!tpu.dma_semaphore, #tpu.memory_space<semaphore_mem>>)
    }
    %scan3A_13 = arith.constant 4 : i32
    %dma_wait3A = arith.constant 0 : i32
    %dma_wait3A_14 = arith.constant 0 : i32
    %dma_wait3A_15 = tpu.memref_slice %arg4[%dma_wait3A, %dma_wait3A_14] : memref<100000x33xf32, #tpu.memory_space<hbm>> -> memref<64x33xf32, #tpu.memory_space<hbm>>
    %dma_wait3A_16 = arith.constant 0 : i32
    %dma_wait3A_17 = arith.constant 0 : i32
    %dma_wait3A_18 = tpu.memref_slice %arg4[%dma_wait3A_16, %dma_wait3A_17] : memref<100000x33xf32, #tpu.memory_space<hbm>> -> memref<64x33xf32, #tpu.memory_space<hbm>>
    tpu.wait_dma2 semaphore(%arg11 : memref<!tpu.dma_semaphore, #tpu.memory_space<semaphore_mem>>) src(%dma_wait3A_18 : memref<64x33xf32, #tpu.memory_space<hbm>>) dst(%arg9 : memref<64x33xf32, #tpu.memory_space<vmem>>)
    %scan3A_19 = arith.constant 0 : i32
    %scan3A_20 = arith.constant 2.000000e-01 : f32
    %scan3A_21 = arith.constant 3.000000e-01 : f32
    %scan3A_22 = arith.constant 5.000000e-01 : f32
    %scan3A_23 = arith.constant 0 : i32
    %scan3A_24 = arith.constant 4 : i32
    %scan3A_25 = arith.addi %scan3A_23, %scan3A_24 : i32
    %scan3A_26 = arith.constant 1 : i32
    scf.for %scan3A_172 = %scan3A_23 to %scan3A_25 step %scan3A_26  : i32 {
      %mul3A_173 = arith.constant 16 : i32
      %mul3A_174 = arith.muli %scan3A_172, %mul3A_173 : i32
      %add3A_175 = vector.broadcast %mul3A_174 : i32 to vector<16xi32>
      %add3A_176 = arith.addi %add3A_175, %iota3A : vector<16xi32>
      %mul3A_177 = arith.constant 16 : i32
      %mul3A_178 = arith.muli %scan3A_172, %mul3A_177 : i32
      %add3A_179 = arith.constant 0 : i32
      %add3A_180 = arith.addi %add3A_179, %mul3A_178 : i32
      %get3A = arith.index_cast %add3A_180 : i32 to index
      %get3A_181 = tpu.vector_load %arg7[%get3A] {strides = array<i32>} : memref<512xi32, #tpu.memory_space<vmem>>, vector<16xi32>,
      %gather3A = tpu.vector_load_idx %arg9[%add3A_176, %get3A_181] : memref<64x33xf32, #tpu.memory_space<vmem>>[vector<16xi32>, vector<16xi32>], vector<16xf32>,
      %add3A_182 = arith.constant 1 : i32
      %add3A_183 = vector.broadcast %add3A_182 : i32 to vector<16xi32>
      %add3A_184 = arith.addi %get3A_181, %add3A_183 : vector<16xi32>
      %gather3A_185 = tpu.vector_load_idx %arg9[%add3A_176, %add3A_184] : memref<64x33xf32, #tpu.memory_space<vmem>>[vector<16xi32>, vector<16xi32>], vector<16xf32>,
      %add3A_186 = arith.constant 2 : i32
      %add3A_187 = vector.broadcast %add3A_186 : i32 to vector<16xi32>
      %add3A_188 = arith.addi %get3A_181, %add3A_187 : vector<16xi32>
      %gather3A_189 = tpu.vector_load_idx %arg9[%add3A_176, %add3A_188] : memref<64x33xf32, #tpu.memory_space<vmem>>[vector<16xi32>, vector<16xi32>], vector<16xf32>,
      %mul3A_190 = vector.broadcast %scan3A_20 : f32 to vector<16xf32>
      %mul3A_191 = arith.mulf %mul3A_190, %gather3A : vector<16xf32>
      %mul3A_192 = vector.broadcast %scan3A_21 : f32 to vector<16xf32>
      %mul3A_193 = arith.mulf %mul3A_192, %gather3A_185 : vector<16xf32>
      %add3A_194 = arith.addf %mul3A_191, %mul3A_193 : vector<16xf32>
      %mul3A_195 = vector.broadcast %scan3A_22 : f32 to vector<16xf32>
      %mul3A_196 = arith.mulf %mul3A_195, %gather3A_189 : vector<16xf32>
      %add3A_197 = arith.addf %add3A_194, %mul3A_196 : vector<16xf32>
      %swap3A = arith.index_cast %add3A_180 : i32 to index
      %swap3A_198 = tpu.vector_load %arg8[%swap3A] {strides = array<i32>} : memref<512xf32, #tpu.memory_space<vmem>>, vector<16xf32>,
      tpu.vector_store %arg8[%swap3A], %add3A_197 {strides = array<i32>} : memref<512xf32, #tpu.memory_space<vmem>>, vector<16xf32>,
    }
    %scan3A_27 = arith.constant 4 : i32
    %scan3A_28 = arith.constant 0 : i32
    %scan3A_29 = arith.constant 0 : i32
    %scan3A_30 = arith.constant 4 : i32
    %scan3A_31 = arith.addi %scan3A_29, %scan3A_30 : i32
    %scan3A_32 = arith.constant 1 : i32
    scf.for %scan3A_172 = %scan3A_29 to %scan3A_31 step %scan3A_32  : i32 {
      %mul3A_173 = arith.constant 16 : i32
      %mul3A_174 = arith.muli %scan3A_172, %mul3A_173 : i32
      %add3A_175 = arith.constant 128 : i32
      %add3A_176 = arith.addi %add3A_175, %mul3A_174 : i32
      %get3A = arith.index_cast %add3A_176 : i32 to index
      %get3A_177 = tpu.vector_load %arg6[%get3A] {strides = array<i32>} : memref<512xi32, #tpu.memory_space<vmem>>, vector<16xi32>,
      %slice3A = vector.extract_strided_slice %get3A_177 {offsets = [0], sizes = [1], strides = [1]} : vector<16xi32> to vector<1xi32>
      %squeeze3A = vector.extract %slice3A[0] : i32 from vector<1xi32>
      %mul3A_178 = arith.constant 16 : i32
      %mul3A_179 = arith.muli %scan3A_172, %mul3A_178 : i32
      %add3A_180 = arith.constant 0 : i32
      %add3A_181 = arith.addi %mul3A_179, %add3A_180 : i32
      %dma_start3A_182 = arith.constant 0 : i32
      %dma_start3A_183 = tpu.memref_slice %arg9[%add3A_181, %dma_start3A_182] : memref<64x33xf32, #tpu.memory_space<vmem>> -> memref<1x33xf32, #tpu.memory_space<vmem>>
      %dma_start3A_184 = arith.constant 0 : i32
      %dma_start3A_185 = tpu.memref_slice %arg4[%squeeze3A, %dma_start3A_184] : memref<100000x33xf32, #tpu.memory_space<hbm>> -> memref<1x33xf32, #tpu.memory_space<hbm>>
      %dma_start3A_186 = arith.constant 0 : i32
      %dma_start3A_187 = tpu.memref_slice %arg9[%add3A_181, %dma_start3A_186] : memref<64x33xf32, #tpu.memory_space<vmem>> -> memref<1x33xf32, #tpu.memory_space<vmem>>
      %dma_start3A_188 = arith.constant 0 : i32
      %dma_start3A_189 = tpu.memref_slice %arg4[%squeeze3A, %dma_start3A_188] : memref<100000x33xf32, #tpu.memory_space<hbm>> -> memref<1x33xf32, #tpu.memory_space<hbm>>
      tpu.enqueue_dma source(%dma_start3A_189 : memref<1x33xf32, #tpu.memory_space<hbm>>) target(%dma_start3A_187 : memref<1x33xf32, #tpu.memory_space<vmem>>) target_semaphore(%arg11 : memref<!tpu.dma_semaphore, #tpu.memory_space<semaphore_mem>>)
      %slice3A_190 = vector.extract_strided_slice %get3A_177 {offsets = [1], sizes = [1], strides = [1]} : vector<16xi32> to vector<1xi32>
      %squeeze3A_191 = vector.extract %slice3A_190[0] : i32 from vector<1xi32>
      %mul3A_192 = arith.constant 16 : i32
      %mul3A_193 = arith.muli %scan3A_172, %mul3A_192 : i32
      %add3A_194 = arith.constant 1 : i32
      %add3A_195 = arith.addi %mul3A_193, %add3A_194 : i32
      %dma_start3A_196 = arith.constant 0 : i32
      %dma_start3A_197 = tpu.memref_slice %arg9[%add3A_195, %dma_start3A_196] : memref<64x33xf32, #tpu.memory_space<vmem>> -> memref<1x33xf32, #tpu.memory_space<vmem>>
      %dma_start3A_198 = arith.constant 0 : i32
      %dma_start3A_199 = tpu.memref_slice %arg4[%squeeze3A_191, %dma_start3A_198] : memref<100000x33xf32, #tpu.memory_space<hbm>> -> memref<1x33xf32, #tpu.memory_space<hbm>>
      %dma_start3A_200 = arith.constant 0 : i32
      %dma_start3A_201 = tpu.memref_slice %arg9[%add3A_195, %dma_start3A_200] : memref<64x33xf32, #tpu.memory_space<vmem>> -> memref<1x33xf32, #tpu.memory_space<vmem>>
      %dma_start3A_202 = arith.constant 0 : i32
      %dma_start3A_203 = tpu.memref_slice %arg4[%squeeze3A_191, %dma_start3A_202] : memref<100000x33xf32, #tpu.memory_space<hbm>> -> memref<1x33xf32, #tpu.memory_space<hbm>>
      tpu.enqueue_dma source(%dma_start3A_203 : memref<1x33xf32, #tpu.memory_space<hbm>>) target(%dma_start3A_201 : memref<1x33xf32, #tpu.memory_space<vmem>>) target_semaphore(%arg11 : memref<!tpu.dma_semaphore, #tpu.memory_space<semaphore_mem>>)
      %slice3A_204 = vector.extract_strided_slice %get3A_177 {offsets = [2], sizes = [1], strides = [1]} : vector<16xi32> to vector<1xi32>
      %squeeze3A_205 = vector.extract %slice3A_204[0] : i32 from vector<1xi32>
      %mul3A_206 = arith.constant 16 : i32
      %mul3A_207 = arith.muli %scan3A_172, %mul3A_206 : i32
      %add3A_208 = arith.constant 2 : i32
      %add3A_209 = arith.addi %mul3A_207, %add3A_208 : i32
      %dma_start3A_210 = arith.constant 0 : i32
      %dma_start3A_211 = tpu.memref_slice %arg9[%add3A_209, %dma_start3A_210] : memref<64x33xf32, #tpu.memory_space<vmem>> -> memref<1x33xf32, #tpu.memory_space<vmem>>
      %dma_start3A_212 = arith.constant 0 : i32
      %dma_start3A_213 = tpu.memref_slice %arg4[%squeeze3A_205, %dma_start3A_212] : memref<100000x33xf32, #tpu.memory_space<hbm>> -> memref<1x33xf32, #tpu.memory_space<hbm>>
      %dma_start3A_214 = arith.constant 0 : i32
      %dma_start3A_215 = tpu.memref_slice %arg9[%add3A_209, %dma_start3A_214] : memref<64x33xf32, #tpu.memory_space<vmem>> -> memref<1x33xf32, #tpu.memory_space<vmem>>
      %dma_start3A_216 = arith.constant 0 : i32
      %dma_start3A_217 = tpu.memref_slice %arg4[%squeeze3A_205, %dma_start3A_216] : memref<100000x33xf32, #tpu.memory_space<hbm>> -> memref<1x33xf32, #tpu.memory_space<hbm>>
      tpu.enqueue_dma source(%dma_start3A_217 : memref<1x33xf32, #tpu.memory_space<hbm>>) target(%dma_start3A_215 : memref<1x33xf32, #tpu.memory_space<vmem>>) target_semaphore(%arg11 : memref<!tpu.dma_semaphore, #tpu.memory_space<semaphore_mem>>)
      %slice3A_218 = vector.extract_strided_slice %get3A_177 {offsets = [3], sizes = [1], strides = [1]} : vector<16xi32> to vector<1xi32>
      %squeeze3A_219 = vector.extract %slice3A_218[0] : i32 from vector<1xi32>
      %mul3A_220 = arith.constant 16 : i32
      %mul3A_221 = arith.muli %scan3A_172, %mul3A_220 : i32
      %add3A_222 = arith.constant 3 : i32
      %add3A_223 = arith.addi %mul3A_221, %add3A_222 : i32
      %dma_start3A_224 = arith.constant 0 : i32
      %dma_start3A_225 = tpu.memref_slice %arg9[%add3A_223, %dma_start3A_224] : memref<64x33xf32, #tpu.memory_space<vmem>> -> memref<1x33xf32, #tpu.memory_space<vmem>>
      %dma_start3A_226 = arith.constant 0 : i32
      %dma_start3A_227 = tpu.memref_slice %arg4[%squeeze3A_219, %dma_start3A_226] : memref<100000x33xf32, #tpu.memory_space<hbm>> -> memref<1x33xf32, #tpu.memory_space<hbm>>
      %dma_start3A_228 = arith.constant 0 : i32
      %dma_start3A_229 = tpu.memref_slice %arg9[%add3A_223, %dma_start3A_228] : memref<64x33xf32, #tpu.memory_space<vmem>> -> memref<1x33xf32, #tpu.memory_space<vmem>>
      %dma_start3A_230 = arith.constant 0 : i32
      %dma_start3A_231 = tpu.memref_slice %arg4[%squeeze3A_219, %dma_start3A_230] : memref<100000x33xf32, #tpu.memory_space<hbm>> -> memref<1x33xf32, #tpu.memory_space<hbm>>
      tpu.enqueue_dma source(%dma_start3A_231 : memref<1x33xf32, #tpu.memory_space<hbm>>) target(%dma_start3A_229 : memref<1x33xf32, #tpu.memory_space<vmem>>) target_semaphore(%arg11 : memref<!tpu.dma_semaphore, #tpu.memory_space<semaphore_mem>>)
      %slice3A_232 = vector.extract_strided_slice %get3A_177 {offsets = [4], sizes = [1], strides = [1]} : vector<16xi32> to vector<1xi32>
      %squeeze3A_233 = vector.extract %slice3A_232[0] : i32 from vector<1xi32>
      %mul3A_234 = arith.constant 16 : i32
      %mul3A_235 = arith.muli %scan3A_172, %mul3A_234 : i32
      %add3A_236 = arith.constant 4 : i32
      %add3A_237 = arith.addi %mul3A_235, %add3A_236 : i32
      %dma_start3A_238 = arith.constant 0 : i32
      %dma_start3A_239 = tpu.memref_slice %arg9[%add3A_237, %dma_start3A_238] : memref<64x33xf32, #tpu.memory_space<vmem>> -> memref<1x33xf32, #tpu.memory_space<vmem>>
      %dma_start3A_240 = arith.constant 0 : i32
      %dma_start3A_241 = tpu.memref_slice %arg4[%squeeze3A_233, %dma_start3A_240] : memref<100000x33xf32, #tpu.memory_space<hbm>> -> memref<1x33xf32, #tpu.memory_space<hbm>>
      %dma_start3A_242 = arith.constant 0 : i32
      %dma_start3A_243 = tpu.memref_slice %arg9[%add3A_237, %dma_start3A_242] : memref<64x33xf32, #tpu.memory_space<vmem>> -> memref<1x33xf32, #tpu.memory_space<vmem>>
      %dma_start3A_244 = arith.constant 0 : i32
      %dma_start3A_245 = tpu.memref_slice %arg4[%squeeze3A_233, %dma_start3A_244] : memref<100000x33xf32, #tpu.memory_space<hbm>> -> memref<1x33xf32, #tpu.memory_space<hbm>>
      tpu.enqueue_dma source(%dma_start3A_245 : memref<1x33xf32, #tpu.memory_space<hbm>>) target(%dma_start3A_243 : memref<1x33xf32, #tpu.memory_space<vmem>>) target_semaphore(%arg11 : memref<!tpu.dma_semaphore, #tpu.memory_space<semaphore_mem>>)
      %slice3A_246 = vector.extract_strided_slice %get3A_177 {offsets = [5], sizes = [1], strides = [1]} : vector<16xi32> to vector<1xi32>
      %squeeze3A_247 = vector.extract %slice3A_246[0] : i32 from vector<1xi32>
      %mul3A_248 = arith.constant 16 : i32
      %mul3A_249 = arith.muli %scan3A_172, %mul3A_248 : i32
      %add3A_250 = arith.constant 5 : i32
      %add3A_251 = arith.addi %mul3A_249, %add3A_250 : i32
      %dma_start3A_252 = arith.constant 0 : i32
      %dma_start3A_253 = tpu.memref_slice %arg9[%add3A_251, %dma_start3A_252] : memref<64x33xf32, #tpu.memory_space<vmem>> -> memref<1x33xf32, #tpu.memory_space<vmem>>
      %dma_start3A_254 = arith.constant 0 : i32
      %dma_start3A_255 = tpu.memref_slice %arg4[%squeeze3A_247, %dma_start3A_254] : memref<100000x33xf32, #tpu.memory_space<hbm>> -> memref<1x33xf32, #tpu.memory_space<hbm>>
      %dma_start3A_256 = arith.constant 0 : i32
      %dma_start3A_257 = tpu.memref_slice %arg9[%add3A_251, %dma_start3A_256] : memref<64x33xf32, #tpu.memory_space<vmem>> -> memref<1x33xf32, #tpu.memory_space<vmem>>
      %dma_start3A_258 = arith.constant 0 : i32
      %dma_start3A_259 = tpu.memref_slice %arg4[%squeeze3A_247, %dma_start3A_258] : memref<100000x33xf32, #tpu.memory_space<hbm>> -> memref<1x33xf32, #tpu.memory_space<hbm>>
      tpu.enqueue_dma source(%dma_start3A_259 : memref<1x33xf32, #tpu.memory_space<hbm>>) target(%dma_start3A_257 : memref<1x33xf32, #tpu.memory_space<vmem>>) target_semaphore(%arg11 : memref<!tpu.dma_semaphore, #tpu.memory_space<semaphore_mem>>)
      %slice3A_260 = vector.extract_strided_slice %get3A_177 {offsets = [6], sizes = [1], strides = [1]} : vector<16xi32> to vector<1xi32>
      %squeeze3A_261 = vector.extract %slice3A_260[0] : i32 from vector<1xi32>
      %mul3A_262 = arith.constant 16 : i32
      %mul3A_263 = arith.muli %scan3A_172, %mul3A_262 : i32
      %add3A_264 = arith.constant 6 : i32
      %add3A_265 = arith.addi %mul3A_263, %add3A_264 : i32
      %dma_start3A_266 = arith.constant 0 : i32
      %dma_start3A_267 = tpu.memref_slice %arg9[%add3A_265, %dma_start3A_266] : memref<64x33xf32, #tpu.memory_space<vmem>> -> memref<1x33xf32, #tpu.memory_space<vmem>>
      %dma_start3A_268 = arith.constant 0 : i32
      %dma_start3A_269 = tpu.memref_slice %arg4[%squeeze3A_261, %dma_start3A_268] : memref<100000x33xf32, #tpu.memory_space<hbm>> -> memref<1x33xf32, #tpu.memory_space<hbm>>
      %dma_start3A_270 = arith.constant 0 : i32
      %dma_start3A_271 = tpu.memref_slice %arg9[%add3A_265, %dma_start3A_270] : memref<64x33xf32, #tpu.memory_space<vmem>> -> memref<1x33xf32, #tpu.memory_space<vmem>>
      %dma_start3A_272 = arith.constant 0 : i32
      %dma_start3A_273 = tpu.memref_slice %arg4[%squeeze3A_261, %dma_start3A_272] : memref<100000x33xf32, #tpu.memory_space<hbm>> -> memref<1x33xf32, #tpu.memory_space<hbm>>
      tpu.enqueue_dma source(%dma_start3A_273 : memref<1x33xf32, #tpu.memory_space<hbm>>) target(%dma_start3A_271 : memref<1x33xf32, #tpu.memory_space<vmem>>) target_semaphore(%arg11 : memref<!tpu.dma_semaphore, #tpu.memory_space<semaphore_mem>>)
      %slice3A_274 = vector.extract_strided_slice %get3A_177 {offsets = [7], sizes = [1], strides = [1]} : vector<16xi32> to vector<1xi32>
      %squeeze3A_275 = vector.extract %slice3A_274[0] : i32 from vector<1xi32>
      %mul3A_276 = arith.constant 16 : i32
      %mul3A_277 = arith.muli %scan3A_172, %mul3A_276 : i32
      %add3A_278 = arith.constant 7 : i32
      %add3A_279 = arith.addi %mul3A_277, %add3A_278 : i32
      %dma_start3A_280 = arith.constant 0 : i32
      %dma_start3A_281 = tpu.memref_slice %arg9[%add3A_279, %dma_start3A_280] : memref<64x33xf32, #tpu.memory_space<vmem>> -> memref<1x33xf32, #tpu.memory_space<vmem>>
      %dma_start3A_282 = arith.constant 0 : i32
      %dma_start3A_283 = tpu.memref_slice %arg4[%squeeze3A_275, %dma_start3A_282] : memref<100000x33xf32, #tpu.memory_space<hbm>> -> memref<1x33xf32, #tpu.memory_space<hbm>>
      %dma_start3A_284 = arith.constant 0 : i32
      %dma_start3A_285 = tpu.memref_slice %arg9[%add3A_279, %dma_start3A_284] : memref<64x33xf32, #tpu.memory_space<vmem>> -> memref<1x33xf32, #tpu.memory_space<vmem>>
      %dma_start3A_286 = arith.constant 0 : i32
      %dma_start3A_287 = tpu.memref_slice %arg4[%squeeze3A_275, %dma_start3A_286] : memref<100000x33xf32, #tpu.memory_space<hbm>> -> memref<1x33xf32, #tpu.memory_space<hbm>>
      tpu.enqueue_dma source(%dma_start3A_287 : memref<1x33xf32, #tpu.memory_space<hbm>>) target(%dma_start3A_285 : memref<1x33xf32, #tpu.memory_space<vmem>>) target_semaphore(%arg11 : memref<!tpu.dma_semaphore, #tpu.memory_space<semaphore_mem>>)
      %slice3A_288 = vector.extract_strided_slice %get3A_177 {offsets = [8], sizes = [1], strides = [1]} : vector<16xi32> to vector<1xi32>
      %squeeze3A_289 = vector.extract %slice3A_288[0] : i32 from vector<1xi32>
      %mul3A_290 = arith.constant 16 : i32
      %mul3A_291 = arith.muli %scan3A_172, %mul3A_290 : i32
      %add3A_292 = arith.constant 8 : i32
      %add3A_293 = arith.addi %mul3A_291, %add3A_292 : i32
      %dma_start3A_294 = arith.constant 0 : i32
      %dma_start3A_295 = tpu.memref_slice %arg9[%add3A_293, %dma_start3A_294] : memref<64x33xf32, #tpu.memory_space<vmem>> -> memref<1x33xf32, #tpu.memory_space<vmem>>
      %dma_start3A_296 = arith.constant 0 : i32
      %dma_start3A_297 = tpu.memref_slice %arg4[%squeeze3A_289, %dma_start3A_296] : memref<100000x33xf32, #tpu.memory_space<hbm>> -> memref<1x33xf32, #tpu.memory_space<hbm>>
      %dma_start3A_298 = arith.constant 0 : i32
      %dma_start3A_299 = tpu.memref_slice %arg9[%add3A_293, %dma_start3A_298] : memref<64x33xf32, #tpu.memory_space<vmem>> -> memref<1x33xf32, #tpu.memory_space<vmem>>
      %dma_start3A_300 = arith.constant 0 : i32
      %dma_start3A_301 = tpu.memref_slice %arg4[%squeeze3A_289, %dma_start3A_300] : memref<100000x33xf32, #tpu.memory_space<hbm>> -> memref<1x33xf32, #tpu.memory_space<hbm>>
      tpu.enqueue_dma source(%dma_start3A_301 : memref<1x33xf32, #tpu.memory_space<hbm>>) target(%dma_start3A_299 : memref<1x33xf32, #tpu.memory_space<vmem>>) target_semaphore(%arg11 : memref<!tpu.dma_semaphore, #tpu.memory_space<semaphore_mem>>)
      %slice3A_302 = vector.extract_strided_slice %get3A_177 {offsets = [9], sizes = [1], strides = [1]} : vector<16xi32> to vector<1xi32>
      %squeeze3A_303 = vector.extract %slice3A_302[0] : i32 from vector<1xi32>
      %mul3A_304 = arith.constant 16 : i32
      %mul3A_305 = arith.muli %scan3A_172, %mul3A_304 : i32
      %add3A_306 = arith.constant 9 : i32
      %add3A_307 = arith.addi %mul3A_305, %add3A_306 : i32
      %dma_start3A_308 = arith.constant 0 : i32
      %dma_start3A_309 = tpu.memref_slice %arg9[%add3A_307, %dma_start3A_308] : memref<64x33xf32, #tpu.memory_space<vmem>> -> memref<1x33xf32, #tpu.memory_space<vmem>>
      %dma_start3A_310 = arith.constant 0 : i32
      %dma_start3A_311 = tpu.memref_slice %arg4[%squeeze3A_303, %dma_start3A_310] : memref<100000x33xf32, #tpu.memory_space<hbm>> -> memref<1x33xf32, #tpu.memory_space<hbm>>
      %dma_start3A_312 = arith.constant 0 : i32
      %dma_start3A_313 = tpu.memref_slice %arg9[%add3A_307, %dma_start3A_312] : memref<64x33xf32, #tpu.memory_space<vmem>> -> memref<1x33xf32, #tpu.memory_space<vmem>>
      %dma_start3A_314 = arith.constant 0 : i32
      %dma_start3A_315 = tpu.memref_slice %arg4[%squeeze3A_303, %dma_start3A_314] : memref<100000x33xf32, #tpu.memory_space<hbm>> -> memref<1x33xf32, #tpu.memory_space<hbm>>
      tpu.enqueue_dma source(%dma_start3A_315 : memref<1x33xf32, #tpu.memory_space<hbm>>) target(%dma_start3A_313 : memref<1x33xf32, #tpu.memory_space<vmem>>) target_semaphore(%arg11 : memref<!tpu.dma_semaphore, #tpu.memory_space<semaphore_mem>>)
      %slice3A_316 = vector.extract_strided_slice %get3A_177 {offsets = [10], sizes = [1], strides = [1]} : vector<16xi32> to vector<1xi32>
      %squeeze3A_317 = vector.extract %slice3A_316[0] : i32 from vector<1xi32>
      %mul3A_318 = arith.constant 16 : i32
      %mul3A_319 = arith.muli %scan3A_172, %mul3A_318 : i32
      %add3A_320 = arith.constant 10 : i32
      %add3A_321 = arith.addi %mul3A_319, %add3A_320 : i32
      %dma_start3A_322 = arith.constant 0 : i32
      %dma_start3A_323 = tpu.memref_slice %arg9[%add3A_321, %dma_start3A_322] : memref<64x33xf32, #tpu.memory_space<vmem>> -> memref<1x33xf32, #tpu.memory_space<vmem>>
      %dma_start3A_324 = arith.constant 0 : i32
      %dma_start3A_325 = tpu.memref_slice %arg4[%squeeze3A_317, %dma_start3A_324] : memref<100000x33xf32, #tpu.memory_space<hbm>> -> memref<1x33xf32, #tpu.memory_space<hbm>>
      %dma_start3A_326 = arith.constant 0 : i32
      %dma_start3A_327 = tpu.memref_slice %arg9[%add3A_321, %dma_start3A_326] : memref<64x33xf32, #tpu.memory_space<vmem>> -> memref<1x33xf32, #tpu.memory_space<vmem>>
      %dma_start3A_328 = arith.constant 0 : i32
      %dma_start3A_329 = tpu.memref_slice %arg4[%squeeze3A_317, %dma_start3A_328] : memref<100000x33xf32, #tpu.memory_space<hbm>> -> memref<1x33xf32, #tpu.memory_space<hbm>>
      tpu.enqueue_dma source(%dma_start3A_329 : memref<1x33xf32, #tpu.memory_space<hbm>>) target(%dma_start3A_327 : memref<1x33xf32, #tpu.memory_space<vmem>>) target_semaphore(%arg11 : memref<!tpu.dma_semaphore, #tpu.memory_space<semaphore_mem>>)
      %slice3A_330 = vector.extract_strided_slice %get3A_177 {offsets = [11], sizes = [1], strides = [1]} : vector<16xi32> to vector<1xi32>
      %squeeze3A_331 = vector.extract %slice3A_330[0] : i32 from vector<1xi32>
      %mul3A_332 = arith.constant 16 : i32
      %mul3A_333 = arith.muli %scan3A_172, %mul3A_332 : i32
      %add3A_334 = arith.constant 11 : i32
      %add3A_335 = arith.addi %mul3A_333, %add3A_334 : i32
      %dma_start3A_336 = arith.constant 0 : i32
      %dma_start3A_337 = tpu.memref_slice %arg9[%add3A_335, %dma_start3A_336] : memref<64x33xf32, #tpu.memory_space<vmem>> -> memref<1x33xf32, #tpu.memory_space<vmem>>
      %dma_start3A_338 = arith.constant 0 : i32
      %dma_start3A_339 = tpu.memref_slice %arg4[%squeeze3A_331, %dma_start3A_338] : memref<100000x33xf32, #tpu.memory_space<hbm>> -> memref<1x33xf32, #tpu.memory_space<hbm>>
      %dma_start3A_340 = arith.constant 0 : i32
      %dma_start3A_341 = tpu.memref_slice %arg9[%add3A_335, %dma_start3A_340] : memref<64x33xf32, #tpu.memory_space<vmem>> -> memref<1x33xf32, #tpu.memory_space<vmem>>
      %dma_start3A_342 = arith.constant 0 : i32
      %dma_start3A_343 = tpu.memref_slice %arg4[%squeeze3A_331, %dma_start3A_342] : memref<100000x33xf32, #tpu.memory_space<hbm>> -> memref<1x33xf32, #tpu.memory_space<hbm>>
      tpu.enqueue_dma source(%dma_start3A_343 : memref<1x33xf32, #tpu.memory_space<hbm>>) target(%dma_start3A_341 : memref<1x33xf32, #tpu.memory_space<vmem>>) target_semaphore(%arg11 : memref<!tpu.dma_semaphore, #tpu.memory_space<semaphore_mem>>)
      %slice3A_344 = vector.extract_strided_slice %get3A_177 {offsets = [12], sizes = [1], strides = [1]} : vector<16xi32> to vector<1xi32>
      %squeeze3A_345 = vector.extract %slice3A_344[0] : i32 from vector<1xi32>
      %mul3A_346 = arith.constant 16 : i32
      %mul3A_347 = arith.muli %scan3A_172, %mul3A_346 : i32
      %add3A_348 = arith.constant 12 : i32
      %add3A_349 = arith.addi %mul3A_347, %add3A_348 : i32
      %dma_start3A_350 = arith.constant 0 : i32
      %dma_start3A_351 = tpu.memref_slice %arg9[%add3A_349, %dma_start3A_350] : memref<64x33xf32, #tpu.memory_space<vmem>> -> memref<1x33xf32, #tpu.memory_space<vmem>>
      %dma_start3A_352 = arith.constant 0 : i32
      %dma_start3A_353 = tpu.memref_slice %arg4[%squeeze3A_345, %dma_start3A_352] : memref<100000x33xf32, #tpu.memory_space<hbm>> -> memref<1x33xf32, #tpu.memory_space<hbm>>
      %dma_start3A_354 = arith.constant 0 : i32
      %dma_start3A_355 = tpu.memref_slice %arg9[%add3A_349, %dma_start3A_354] : memref<64x33xf32, #tpu.memory_space<vmem>> -> memref<1x33xf32, #tpu.memory_space<vmem>>
      %dma_start3A_356 = arith.constant 0 : i32
      %dma_start3A_357 = tpu.memref_slice %arg4[%squeeze3A_345, %dma_start3A_356] : memref<100000x33xf32, #tpu.memory_space<hbm>> -> memref<1x33xf32, #tpu.memory_space<hbm>>
      tpu.enqueue_dma source(%dma_start3A_357 : memref<1x33xf32, #tpu.memory_space<hbm>>) target(%dma_start3A_355 : memref<1x33xf32, #tpu.memory_space<vmem>>) target_semaphore(%arg11 : memref<!tpu.dma_semaphore, #tpu.memory_space<semaphore_mem>>)
      %slice3A_358 = vector.extract_strided_slice %get3A_177 {offsets = [13], sizes = [1], strides = [1]} : vector<16xi32> to vector<1xi32>
      %squeeze3A_359 = vector.extract %slice3A_358[0] : i32 from vector<1xi32>
      %mul3A_360 = arith.constant 16 : i32
      %mul3A_361 = arith.muli %scan3A_172, %mul3A_360 : i32
      %add3A_362 = arith.constant 13 : i32
      %add3A_363 = arith.addi %mul3A_361, %add3A_362 : i32
      %dma_start3A_364 = arith.constant 0 : i32
      %dma_start3A_365 = tpu.memref_slice %arg9[%add3A_363, %dma_start3A_364] : memref<64x33xf32, #tpu.memory_space<vmem>> -> memref<1x33xf32, #tpu.memory_space<vmem>>
      %dma_start3A_366 = arith.constant 0 : i32
      %dma_start3A_367 = tpu.memref_slice %arg4[%squeeze3A_359, %dma_start3A_366] : memref<100000x33xf32, #tpu.memory_space<hbm>> -> memref<1x33xf32, #tpu.memory_space<hbm>>
      %dma_start3A_368 = arith.constant 0 : i32
      %dma_start3A_369 = tpu.memref_slice %arg9[%add3A_363, %dma_start3A_368] : memref<64x33xf32, #tpu.memory_space<vmem>> -> memref<1x33xf32, #tpu.memory_space<vmem>>
      %dma_start3A_370 = arith.constant 0 : i32
      %dma_start3A_371 = tpu.memref_slice %arg4[%squeeze3A_359, %dma_start3A_370] : memref<100000x33xf32, #tpu.memory_space<hbm>> -> memref<1x33xf32, #tpu.memory_space<hbm>>
      tpu.enqueue_dma source(%dma_start3A_371 : memref<1x33xf32, #tpu.memory_space<hbm>>) target(%dma_start3A_369 : memref<1x33xf32, #tpu.memory_space<vmem>>) target_semaphore(%arg11 : memref<!tpu.dma_semaphore, #tpu.memory_space<semaphore_mem>>)
      %slice3A_372 = vector.extract_strided_slice %get3A_177 {offsets = [14], sizes = [1], strides = [1]} : vector<16xi32> to vector<1xi32>
      %squeeze3A_373 = vector.extract %slice3A_372[0] : i32 from vector<1xi32>
      %mul3A_374 = arith.constant 16 : i32
      %mul3A_375 = arith.muli %scan3A_172, %mul3A_374 : i32
      %add3A_376 = arith.constant 14 : i32
      %add3A_377 = arith.addi %mul3A_375, %add3A_376 : i32
      %dma_start3A_378 = arith.constant 0 : i32
      %dma_start3A_379 = tpu.memref_slice %arg9[%add3A_377, %dma_start3A_378] : memref<64x33xf32, #tpu.memory_space<vmem>> -> memref<1x33xf32, #tpu.memory_space<vmem>>
      %dma_start3A_380 = arith.constant 0 : i32
      %dma_start3A_381 = tpu.memref_slice %arg4[%squeeze3A_373, %dma_start3A_380] : memref<100000x33xf32, #tpu.memory_space<hbm>> -> memref<1x33xf32, #tpu.memory_space<hbm>>
      %dma_start3A_382 = arith.constant 0 : i32
      %dma_start3A_383 = tpu.memref_slice %arg9[%add3A_377, %dma_start3A_382] : memref<64x33xf32, #tpu.memory_space<vmem>> -> memref<1x33xf32, #tpu.memory_space<vmem>>
      %dma_start3A_384 = arith.constant 0 : i32
      %dma_start3A_385 = tpu.memref_slice %arg4[%squeeze3A_373, %dma_start3A_384] : memref<100000x33xf32, #tpu.memory_space<hbm>> -> memref<1x33xf32, #tpu.memory_space<hbm>>
      tpu.enqueue_dma source(%dma_start3A_385 : memref<1x33xf32, #tpu.memory_space<hbm>>) target(%dma_start3A_383 : memref<1x33xf32, #tpu.memory_space<vmem>>) target_semaphore(%arg11 : memref<!tpu.dma_semaphore, #tpu.memory_space<semaphore_mem>>)
      %slice3A_386 = vector.extract_strided_slice %get3A_177 {offsets = [15], sizes = [1], strides = [1]} : vector<16xi32> to vector<1xi32>
      %squeeze3A_387 = vector.extract %slice3A_386[0] : i32 from vector<1xi32>
      %mul3A_388 = arith.constant 16 : i32
      %mul3A_389 = arith.muli %scan3A_172, %mul3A_388 : i32
      %add3A_390 = arith.constant 15 : i32
      %add3A_391 = arith.addi %mul3A_389, %add3A_390 : i32
      %dma_start3A_392 = arith.constant 0 : i32
      %dma_start3A_393 = tpu.memref_slice %arg9[%add3A_391, %dma_start3A_392] : memref<64x33xf32, #tpu.memory_space<vmem>> -> memref<1x33xf32, #tpu.memory_space<vmem>>
      %dma_start3A_394 = arith.constant 0 : i32
      %dma_start3A_395 = tpu.memref_slice %arg4[%squeeze3A_387, %dma_start3A_394] : memref<100000x33xf32, #tpu.memory_space<hbm>> -> memref<1x33xf32, #tpu.memory_space<hbm>>
      %dma_start3A_396 = arith.constant 0 : i32
      %dma_start3A_397 = tpu.memref_slice %arg9[%add3A_391, %dma_start3A_396] : memref<64x33xf32, #tpu.memory_space<vmem>> -> memref<1x33xf32, #tpu.memory_space<vmem>>
      %dma_start3A_398 = arith.constant 0 : i32
      %dma_start3A_399 = tpu.memref_slice %arg4[%squeeze3A_387, %dma_start3A_398] : memref<100000x33xf32, #tpu.memory_space<hbm>> -> memref<1x33xf32, #tpu.memory_space<hbm>>
      tpu.enqueue_dma source(%dma_start3A_399 : memref<1x33xf32, #tpu.memory_space<hbm>>) target(%dma_start3A_397 : memref<1x33xf32, #tpu.memory_space<vmem>>) target_semaphore(%arg11 : memref<!tpu.dma_semaphore, #tpu.memory_space<semaphore_mem>>)
    }
    %scan3A_33 = arith.constant 4 : i32
    %dma_wait3A_34 = arith.constant 0 : i32
    %dma_wait3A_35 = arith.constant 0 : i32
    %dma_wait3A_36 = tpu.memref_slice %arg4[%dma_wait3A_34, %dma_wait3A_35] : memref<100000x33xf32, #tpu.memory_space<hbm>> -> memref<64x33xf32, #tpu.memory_space<hbm>>
    %dma_wait3A_37 = arith.constant 0 : i32
    %dma_wait3A_38 = arith.constant 0 : i32
    %dma_wait3A_39 = tpu.memref_slice %arg4[%dma_wait3A_37, %dma_wait3A_38] : memref<100000x33xf32, #tpu.memory_space<hbm>> -> memref<64x33xf32, #tpu.memory_space<hbm>>
    tpu.wait_dma2 semaphore(%arg12 : memref<!tpu.dma_semaphore, #tpu.memory_space<semaphore_mem>>) src(%dma_wait3A_39 : memref<64x33xf32, #tpu.memory_space<hbm>>) dst(%arg10 : memref<64x33xf32, #tpu.memory_space<vmem>>)
    %scan3A_40 = arith.constant 0 : i32
    %scan3A_41 = arith.constant 2.000000e-01 : f32
    %scan3A_42 = arith.constant 3.000000e-01 : f32
    %scan3A_43 = arith.constant 5.000000e-01 : f32
    %scan3A_44 = arith.constant 0 : i32
    %scan3A_45 = arith.constant 4 : i32
    %scan3A_46 = arith.addi %scan3A_44, %scan3A_45 : i32
    %scan3A_47 = arith.constant 1 : i32
    scf.for %scan3A_172 = %scan3A_44 to %scan3A_46 step %scan3A_47  : i32 {
      %mul3A_173 = arith.constant 16 : i32
      %mul3A_174 = arith.muli %scan3A_172, %mul3A_173 : i32
      %add3A_175 = vector.broadcast %mul3A_174 : i32 to vector<16xi32>
      %add3A_176 = arith.addi %add3A_175, %iota3A : vector<16xi32>
      %mul3A_177 = arith.constant 16 : i32
      %mul3A_178 = arith.muli %scan3A_172, %mul3A_177 : i32
      %add3A_179 = arith.constant 64 : i32
      %add3A_180 = arith.addi %add3A_179, %mul3A_178 : i32
      %get3A = arith.index_cast %add3A_180 : i32 to index
      %get3A_181 = tpu.vector_load %arg7[%get3A] {strides = array<i32>} : memref<512xi32, #tpu.memory_space<vmem>>, vector<16xi32>,
      %gather3A = tpu.vector_load_idx %arg10[%add3A_176, %get3A_181] : memref<64x33xf32, #tpu.memory_space<vmem>>[vector<16xi32>, vector<16xi32>], vector<16xf32>,
      %add3A_182 = arith.constant 1 : i32
      %add3A_183 = vector.broadcast %add3A_182 : i32 to vector<16xi32>
      %add3A_184 = arith.addi %get3A_181, %add3A_183 : vector<16xi32>
      %gather3A_185 = tpu.vector_load_idx %arg10[%add3A_176, %add3A_184] : memref<64x33xf32, #tpu.memory_space<vmem>>[vector<16xi32>, vector<16xi32>], vector<16xf32>,
      %add3A_186 = arith.constant 2 : i32
      %add3A_187 = vector.broadcast %add3A_186 : i32 to vector<16xi32>
      %add3A_188 = arith.addi %get3A_181, %add3A_187 : vector<16xi32>
      %gather3A_189 = tpu.vector_load_idx %arg10[%add3A_176, %add3A_188] : memref<64x33xf32, #tpu.memory_space<vmem>>[vector<16xi32>, vector<16xi32>], vector<16xf32>,
      %mul3A_190 = vector.broadcast %scan3A_41 : f32 to vector<16xf32>
      %mul3A_191 = arith.mulf %mul3A_190, %gather3A : vector<16xf32>
      %mul3A_192 = vector.broadcast %scan3A_42 : f32 to vector<16xf32>
      %mul3A_193 = arith.mulf %mul3A_192, %gather3A_185 : vector<16xf32>
      %add3A_194 = arith.addf %mul3A_191, %mul3A_193 : vector<16xf32>
      %mul3A_195 = vector.broadcast %scan3A_43 : f32 to vector<16xf32>
      %mul3A_196 = arith.mulf %mul3A_195, %gather3A_189 : vector<16xf32>
      %add3A_197 = arith.addf %add3A_194, %mul3A_196 : vector<16xf32>
      %swap3A = arith.index_cast %add3A_180 : i32 to index
      %swap3A_198 = tpu.vector_load %arg8[%swap3A] {strides = array<i32>} : memref<512xf32, #tpu.memory_space<vmem>>, vector<16xf32>,
      tpu.vector_store %arg8[%swap3A], %add3A_197 {strides = array<i32>} : memref<512xf32, #tpu.memory_space<vmem>>, vector<16xf32>,
    }
    %scan3A_48 = arith.constant 4 : i32
    %scan3A_49 = arith.constant 0 : i32
    %scan3A_50 = arith.constant 0 : i32
    %scan3A_51 = arith.constant 4 : i32
    %scan3A_52 = arith.addi %scan3A_50, %scan3A_51 : i32
    %scan3A_53 = arith.constant 1 : i32
    scf.for %scan3A_172 = %scan3A_50 to %scan3A_52 step %scan3A_53  : i32 {
      %mul3A_173 = arith.constant 16 : i32
      %mul3A_174 = arith.muli %scan3A_172, %mul3A_173 : i32
      %add3A_175 = arith.constant 192 : i32
      %add3A_176 = arith.addi %add3A_175, %mul3A_174 : i32
      %get3A = arith.index_cast %add3A_176 : i32 to index
      %get3A_177 = tpu.vector_load %arg6[%get3A] {strides = array<i32>} : memref<512xi32, #tpu.memory_space<vmem>>, vector<16xi32>,
      %slice3A = vector.extract_strided_slice %get3A_177 {offsets = [0], sizes = [1], strides = [1]} : vector<16xi32> to vector<1xi32>
      %squeeze3A = vector.extract %slice3A[0] : i32 from vector<1xi32>
      %mul3A_178 = arith.constant 16 : i32
      %mul3A_179 = arith.muli %scan3A_172, %mul3A_178 : i32
      %add3A_180 = arith.constant 0 : i32
      %add3A_181 = arith.addi %mul3A_179, %add3A_180 : i32
      %dma_start3A_182 = arith.constant 0 : i32
      %dma_start3A_183 = tpu.memref_slice %arg10[%add3A_181, %dma_start3A_182] : memref<64x33xf32, #tpu.memory_space<vmem>> -> memref<1x33xf32, #tpu.memory_space<vmem>>
      %dma_start3A_184 = arith.constant 0 : i32
      %dma_start3A_185 = tpu.memref_slice %arg4[%squeeze3A, %dma_start3A_184] : memref<100000x33xf32, #tpu.memory_space<hbm>> -> memref<1x33xf32, #tpu.memory_space<hbm>>
      %dma_start3A_186 = arith.constant 0 : i32
      %dma_start3A_187 = tpu.memref_slice %arg10[%add3A_181, %dma_start3A_186] : memref<64x33xf32, #tpu.memory_space<vmem>> -> memref<1x33xf32, #tpu.memory_space<vmem>>
      %dma_start3A_188 = arith.constant 0 : i32
      %dma_start3A_189 = tpu.memref_slice %arg4[%squeeze3A, %dma_start3A_188] : memref<100000x33xf32, #tpu.memory_space<hbm>> -> memref<1x33xf32, #tpu.memory_space<hbm>>
      tpu.enqueue_dma source(%dma_start3A_189 : memref<1x33xf32, #tpu.memory_space<hbm>>) target(%dma_start3A_187 : memref<1x33xf32, #tpu.memory_space<vmem>>) target_semaphore(%arg12 : memref<!tpu.dma_semaphore, #tpu.memory_space<semaphore_mem>>)
      %slice3A_190 = vector.extract_strided_slice %get3A_177 {offsets = [1], sizes = [1], strides = [1]} : vector<16xi32> to vector<1xi32>
      %squeeze3A_191 = vector.extract %slice3A_190[0] : i32 from vector<1xi32>
      %mul3A_192 = arith.constant 16 : i32
      %mul3A_193 = arith.muli %scan3A_172, %mul3A_192 : i32
      %add3A_194 = arith.constant 1 : i32
      %add3A_195 = arith.addi %mul3A_193, %add3A_194 : i32
      %dma_start3A_196 = arith.constant 0 : i32
      %dma_start3A_197 = tpu.memref_slice %arg10[%add3A_195, %dma_start3A_196] : memref<64x33xf32, #tpu.memory_space<vmem>> -> memref<1x33xf32, #tpu.memory_space<vmem>>
      %dma_start3A_198 = arith.constant 0 : i32
      %dma_start3A_199 = tpu.memref_slice %arg4[%squeeze3A_191, %dma_start3A_198] : memref<100000x33xf32, #tpu.memory_space<hbm>> -> memref<1x33xf32, #tpu.memory_space<hbm>>
      %dma_start3A_200 = arith.constant 0 : i32
      %dma_start3A_201 = tpu.memref_slice %arg10[%add3A_195, %dma_start3A_200] : memref<64x33xf32, #tpu.memory_space<vmem>> -> memref<1x33xf32, #tpu.memory_space<vmem>>
      %dma_start3A_202 = arith.constant 0 : i32
      %dma_start3A_203 = tpu.memref_slice %arg4[%squeeze3A_191, %dma_start3A_202] : memref<100000x33xf32, #tpu.memory_space<hbm>> -> memref<1x33xf32, #tpu.memory_space<hbm>>
      tpu.enqueue_dma source(%dma_start3A_203 : memref<1x33xf32, #tpu.memory_space<hbm>>) target(%dma_start3A_201 : memref<1x33xf32, #tpu.memory_space<vmem>>) target_semaphore(%arg12 : memref<!tpu.dma_semaphore, #tpu.memory_space<semaphore_mem>>)
      %slice3A_204 = vector.extract_strided_slice %get3A_177 {offsets = [2], sizes = [1], strides = [1]} : vector<16xi32> to vector<1xi32>
      %squeeze3A_205 = vector.extract %slice3A_204[0] : i32 from vector<1xi32>
      %mul3A_206 = arith.constant 16 : i32
      %mul3A_207 = arith.muli %scan3A_172, %mul3A_206 : i32
      %add3A_208 = arith.constant 2 : i32
      %add3A_209 = arith.addi %mul3A_207, %add3A_208 : i32
      %dma_start3A_210 = arith.constant 0 : i32
      %dma_start3A_211 = tpu.memref_slice %arg10[%add3A_209, %dma_start3A_210] : memref<64x33xf32, #tpu.memory_space<vmem>> -> memref<1x33xf32, #tpu.memory_space<vmem>>
      %dma_start3A_212 = arith.constant 0 : i32
      %dma_start3A_213 = tpu.memref_slice %arg4[%squeeze3A_205, %dma_start3A_212] : memref<100000x33xf32, #tpu.memory_space<hbm>> -> memref<1x33xf32, #tpu.memory_space<hbm>>
      %dma_start3A_214 = arith.constant 0 : i32
      %dma_start3A_215 = tpu.memref_slice %arg10[%add3A_209, %dma_start3A_214] : memref<64x33xf32, #tpu.memory_space<vmem>> -> memref<1x33xf32, #tpu.memory_space<vmem>>
      %dma_start3A_216 = arith.constant 0 : i32
      %dma_start3A_217 = tpu.memref_slice %arg4[%squeeze3A_205, %dma_start3A_216] : memref<100000x33xf32, #tpu.memory_space<hbm>> -> memref<1x33xf32, #tpu.memory_space<hbm>>
      tpu.enqueue_dma source(%dma_start3A_217 : memref<1x33xf32, #tpu.memory_space<hbm>>) target(%dma_start3A_215 : memref<1x33xf32, #tpu.memory_space<vmem>>) target_semaphore(%arg12 : memref<!tpu.dma_semaphore, #tpu.memory_space<semaphore_mem>>)
      %slice3A_218 = vector.extract_strided_slice %get3A_177 {offsets = [3], sizes = [1], strides = [1]} : vector<16xi32> to vector<1xi32>
      %squeeze3A_219 = vector.extract %slice3A_218[0] : i32 from vector<1xi32>
      %mul3A_220 = arith.constant 16 : i32
      %mul3A_221 = arith.muli %scan3A_172, %mul3A_220 : i32
      %add3A_222 = arith.constant 3 : i32
      %add3A_223 = arith.addi %mul3A_221, %add3A_222 : i32
      %dma_start3A_224 = arith.constant 0 : i32
      %dma_start3A_225 = tpu.memref_slice %arg10[%add3A_223, %dma_start3A_224] : memref<64x33xf32, #tpu.memory_space<vmem>> -> memref<1x33xf32, #tpu.memory_space<vmem>>
      %dma_start3A_226 = arith.constant 0 : i32
      %dma_start3A_227 = tpu.memref_slice %arg4[%squeeze3A_219, %dma_start3A_226] : memref<100000x33xf32, #tpu.memory_space<hbm>> -> memref<1x33xf32, #tpu.memory_space<hbm>>
      %dma_start3A_228 = arith.constant 0 : i32
      %dma_start3A_229 = tpu.memref_slice %arg10[%add3A_223, %dma_start3A_228] : memref<64x33xf32, #tpu.memory_space<vmem>> -> memref<1x33xf32, #tpu.memory_space<vmem>>
      %dma_start3A_230 = arith.constant 0 : i32
      %dma_start3A_231 = tpu.memref_slice %arg4[%squeeze3A_219, %dma_start3A_230] : memref<100000x33xf32, #tpu.memory_space<hbm>> -> memref<1x33xf32, #tpu.memory_space<hbm>>
      tpu.enqueue_dma source(%dma_start3A_231 : memref<1x33xf32, #tpu.memory_space<hbm>>) target(%dma_start3A_229 : memref<1x33xf32, #tpu.memory_space<vmem>>) target_semaphore(%arg12 : memref<!tpu.dma_semaphore, #tpu.memory_space<semaphore_mem>>)
      %slice3A_232 = vector.extract_strided_slice %get3A_177 {offsets = [4], sizes = [1], strides = [1]} : vector<16xi32> to vector<1xi32>
      %squeeze3A_233 = vector.extract %slice3A_232[0] : i32 from vector<1xi32>
      %mul3A_234 = arith.constant 16 : i32
      %mul3A_235 = arith.muli %scan3A_172, %mul3A_234 : i32
      %add3A_236 = arith.constant 4 : i32
      %add3A_237 = arith.addi %mul3A_235, %add3A_236 : i32
      %dma_start3A_238 = arith.constant 0 : i32
      %dma_start3A_239 = tpu.memref_slice %arg10[%add3A_237, %dma_start3A_238] : memref<64x33xf32, #tpu.memory_space<vmem>> -> memref<1x33xf32, #tpu.memory_space<vmem>>
      %dma_start3A_240 = arith.constant 0 : i32
      %dma_start3A_241 = tpu.memref_slice %arg4[%squeeze3A_233, %dma_start3A_240] : memref<100000x33xf32, #tpu.memory_space<hbm>> -> memref<1x33xf32, #tpu.memory_space<hbm>>
      %dma_start3A_242 = arith.constant 0 : i32
      %dma_start3A_243 = tpu.memref_slice %arg10[%add3A_237, %dma_start3A_242] : memref<64x33xf32, #tpu.memory_space<vmem>> -> memref<1x33xf32, #tpu.memory_space<vmem>>
      %dma_start3A_244 = arith.constant 0 : i32
      %dma_start3A_245 = tpu.memref_slice %arg4[%squeeze3A_233, %dma_start3A_244] : memref<100000x33xf32, #tpu.memory_space<hbm>> -> memref<1x33xf32, #tpu.memory_space<hbm>>
      tpu.enqueue_dma source(%dma_start3A_245 : memref<1x33xf32, #tpu.memory_space<hbm>>) target(%dma_start3A_243 : memref<1x33xf32, #tpu.memory_space<vmem>>) target_semaphore(%arg12 : memref<!tpu.dma_semaphore, #tpu.memory_space<semaphore_mem>>)
      %slice3A_246 = vector.extract_strided_slice %get3A_177 {offsets = [5], sizes = [1], strides = [1]} : vector<16xi32> to vector<1xi32>
      %squeeze3A_247 = vector.extract %slice3A_246[0] : i32 from vector<1xi32>
      %mul3A_248 = arith.constant 16 : i32
      %mul3A_249 = arith.muli %scan3A_172, %mul3A_248 : i32
      %add3A_250 = arith.constant 5 : i32
      %add3A_251 = arith.addi %mul3A_249, %add3A_250 : i32
      %dma_start3A_252 = arith.constant 0 : i32
      %dma_start3A_253 = tpu.memref_slice %arg10[%add3A_251, %dma_start3A_252] : memref<64x33xf32, #tpu.memory_space<vmem>> -> memref<1x33xf32, #tpu.memory_space<vmem>>
      %dma_start3A_254 = arith.constant 0 : i32
      %dma_start3A_255 = tpu.memref_slice %arg4[%squeeze3A_247, %dma_start3A_254] : memref<100000x33xf32, #tpu.memory_space<hbm>> -> memref<1x33xf32, #tpu.memory_space<hbm>>
      %dma_start3A_256 = arith.constant 0 : i32
      %dma_start3A_257 = tpu.memref_slice %arg10[%add3A_251, %dma_start3A_256] : memref<64x33xf32, #tpu.memory_space<vmem>> -> memref<1x33xf32, #tpu.memory_space<vmem>>
      %dma_start3A_258 = arith.constant 0 : i32
      %dma_start3A_259 = tpu.memref_slice %arg4[%squeeze3A_247, %dma_start3A_258] : memref<100000x33xf32, #tpu.memory_space<hbm>> -> memref<1x33xf32, #tpu.memory_space<hbm>>
      tpu.enqueue_dma source(%dma_start3A_259 : memref<1x33xf32, #tpu.memory_space<hbm>>) target(%dma_start3A_257 : memref<1x33xf32, #tpu.memory_space<vmem>>) target_semaphore(%arg12 : memref<!tpu.dma_semaphore, #tpu.memory_space<semaphore_mem>>)
      %slice3A_260 = vector.extract_strided_slice %get3A_177 {offsets = [6], sizes = [1], strides = [1]} : vector<16xi32> to vector<1xi32>
      %squeeze3A_261 = vector.extract %slice3A_260[0] : i32 from vector<1xi32>
      %mul3A_262 = arith.constant 16 : i32
      %mul3A_263 = arith.muli %scan3A_172, %mul3A_262 : i32
      %add3A_264 = arith.constant 6 : i32
      %add3A_265 = arith.addi %mul3A_263, %add3A_264 : i32
      %dma_start3A_266 = arith.constant 0 : i32
      %dma_start3A_267 = tpu.memref_slice %arg10[%add3A_265, %dma_start3A_266] : memref<64x33xf32, #tpu.memory_space<vmem>> -> memref<1x33xf32, #tpu.memory_space<vmem>>
      %dma_start3A_268 = arith.constant 0 : i32
      %dma_start3A_269 = tpu.memref_slice %arg4[%squeeze3A_261, %dma_start3A_268] : memref<100000x33xf32, #tpu.memory_space<hbm>> -> memref<1x33xf32, #tpu.memory_space<hbm>>
      %dma_start3A_270 = arith.constant 0 : i32
      %dma_start3A_271 = tpu.memref_slice %arg10[%add3A_265, %dma_start3A_270] : memref<64x33xf32, #tpu.memory_space<vmem>> -> memref<1x33xf32, #tpu.memory_space<vmem>>
      %dma_start3A_272 = arith.constant 0 : i32
      %dma_start3A_273 = tpu.memref_slice %arg4[%squeeze3A_261, %dma_start3A_272] : memref<100000x33xf32, #tpu.memory_space<hbm>> -> memref<1x33xf32, #tpu.memory_space<hbm>>
      tpu.enqueue_dma source(%dma_start3A_273 : memref<1x33xf32, #tpu.memory_space<hbm>>) target(%dma_start3A_271 : memref<1x33xf32, #tpu.memory_space<vmem>>) target_semaphore(%arg12 : memref<!tpu.dma_semaphore, #tpu.memory_space<semaphore_mem>>)
      %slice3A_274 = vector.extract_strided_slice %get3A_177 {offsets = [7], sizes = [1], strides = [1]} : vector<16xi32> to vector<1xi32>
      %squeeze3A_275 = vector.extract %slice3A_274[0] : i32 from vector<1xi32>
      %mul3A_276 = arith.constant 16 : i32
      %mul3A_277 = arith.muli %scan3A_172, %mul3A_276 : i32
      %add3A_278 = arith.constant 7 : i32
      %add3A_279 = arith.addi %mul3A_277, %add3A_278 : i32
      %dma_start3A_280 = arith.constant 0 : i32
      %dma_start3A_281 = tpu.memref_slice %arg10[%add3A_279, %dma_start3A_280] : memref<64x33xf32, #tpu.memory_space<vmem>> -> memref<1x33xf32, #tpu.memory_space<vmem>>
      %dma_start3A_282 = arith.constant 0 : i32
      %dma_start3A_283 = tpu.memref_slice %arg4[%squeeze3A_275, %dma_start3A_282] : memref<100000x33xf32, #tpu.memory_space<hbm>> -> memref<1x33xf32, #tpu.memory_space<hbm>>
      %dma_start3A_284 = arith.constant 0 : i32
      %dma_start3A_285 = tpu.memref_slice %arg10[%add3A_279, %dma_start3A_284] : memref<64x33xf32, #tpu.memory_space<vmem>> -> memref<1x33xf32, #tpu.memory_space<vmem>>
      %dma_start3A_286 = arith.constant 0 : i32
      %dma_start3A_287 = tpu.memref_slice %arg4[%squeeze3A_275, %dma_start3A_286] : memref<100000x33xf32, #tpu.memory_space<hbm>> -> memref<1x33xf32, #tpu.memory_space<hbm>>
      tpu.enqueue_dma source(%dma_start3A_287 : memref<1x33xf32, #tpu.memory_space<hbm>>) target(%dma_start3A_285 : memref<1x33xf32, #tpu.memory_space<vmem>>) target_semaphore(%arg12 : memref<!tpu.dma_semaphore, #tpu.memory_space<semaphore_mem>>)
      %slice3A_288 = vector.extract_strided_slice %get3A_177 {offsets = [8], sizes = [1], strides = [1]} : vector<16xi32> to vector<1xi32>
      %squeeze3A_289 = vector.extract %slice3A_288[0] : i32 from vector<1xi32>
      %mul3A_290 = arith.constant 16 : i32
      %mul3A_291 = arith.muli %scan3A_172, %mul3A_290 : i32
      %add3A_292 = arith.constant 8 : i32
      %add3A_293 = arith.addi %mul3A_291, %add3A_292 : i32
      %dma_start3A_294 = arith.constant 0 : i32
      %dma_start3A_295 = tpu.memref_slice %arg10[%add3A_293, %dma_start3A_294] : memref<64x33xf32, #tpu.memory_space<vmem>> -> memref<1x33xf32, #tpu.memory_space<vmem>>
      %dma_start3A_296 = arith.constant 0 : i32
      %dma_start3A_297 = tpu.memref_slice %arg4[%squeeze3A_289, %dma_start3A_296] : memref<100000x33xf32, #tpu.memory_space<hbm>> -> memref<1x33xf32, #tpu.memory_space<hbm>>
      %dma_start3A_298 = arith.constant 0 : i32
      %dma_start3A_299 = tpu.memref_slice %arg10[%add3A_293, %dma_start3A_298] : memref<64x33xf32, #tpu.memory_space<vmem>> -> memref<1x33xf32, #tpu.memory_space<vmem>>
      %dma_start3A_300 = arith.constant 0 : i32
      %dma_start3A_301 = tpu.memref_slice %arg4[%squeeze3A_289, %dma_start3A_300] : memref<100000x33xf32, #tpu.memory_space<hbm>> -> memref<1x33xf32, #tpu.memory_space<hbm>>
      tpu.enqueue_dma source(%dma_start3A_301 : memref<1x33xf32, #tpu.memory_space<hbm>>) target(%dma_start3A_299 : memref<1x33xf32, #tpu.memory_space<vmem>>) target_semaphore(%arg12 : memref<!tpu.dma_semaphore, #tpu.memory_space<semaphore_mem>>)
      %slice3A_302 = vector.extract_strided_slice %get3A_177 {offsets = [9], sizes = [1], strides = [1]} : vector<16xi32> to vector<1xi32>
      %squeeze3A_303 = vector.extract %slice3A_302[0] : i32 from vector<1xi32>
      %mul3A_304 = arith.constant 16 : i32
      %mul3A_305 = arith.muli %scan3A_172, %mul3A_304 : i32
      %add3A_306 = arith.constant 9 : i32
      %add3A_307 = arith.addi %mul3A_305, %add3A_306 : i32
      %dma_start3A_308 = arith.constant 0 : i32
      %dma_start3A_309 = tpu.memref_slice %arg10[%add3A_307, %dma_start3A_308] : memref<64x33xf32, #tpu.memory_space<vmem>> -> memref<1x33xf32, #tpu.memory_space<vmem>>
      %dma_start3A_310 = arith.constant 0 : i32
      %dma_start3A_311 = tpu.memref_slice %arg4[%squeeze3A_303, %dma_start3A_310] : memref<100000x33xf32, #tpu.memory_space<hbm>> -> memref<1x33xf32, #tpu.memory_space<hbm>>
      %dma_start3A_312 = arith.constant 0 : i32
      %dma_start3A_313 = tpu.memref_slice %arg10[%add3A_307, %dma_start3A_312] : memref<64x33xf32, #tpu.memory_space<vmem>> -> memref<1x33xf32, #tpu.memory_space<vmem>>
      %dma_start3A_314 = arith.constant 0 : i32
      %dma_start3A_315 = tpu.memref_slice %arg4[%squeeze3A_303, %dma_start3A_314] : memref<100000x33xf32, #tpu.memory_space<hbm>> -> memref<1x33xf32, #tpu.memory_space<hbm>>
      tpu.enqueue_dma source(%dma_start3A_315 : memref<1x33xf32, #tpu.memory_space<hbm>>) target(%dma_start3A_313 : memref<1x33xf32, #tpu.memory_space<vmem>>) target_semaphore(%arg12 : memref<!tpu.dma_semaphore, #tpu.memory_space<semaphore_mem>>)
      %slice3A_316 = vector.extract_strided_slice %get3A_177 {offsets = [10], sizes = [1], strides = [1]} : vector<16xi32> to vector<1xi32>
      %squeeze3A_317 = vector.extract %slice3A_316[0] : i32 from vector<1xi32>
      %mul3A_318 = arith.constant 16 : i32
      %mul3A_319 = arith.muli %scan3A_172, %mul3A_318 : i32
      %add3A_320 = arith.constant 10 : i32
      %add3A_321 = arith.addi %mul3A_319, %add3A_320 : i32
      %dma_start3A_322 = arith.constant 0 : i32
      %dma_start3A_323 = tpu.memref_slice %arg10[%add3A_321, %dma_start3A_322] : memref<64x33xf32, #tpu.memory_space<vmem>> -> memref<1x33xf32, #tpu.memory_space<vmem>>
      %dma_start3A_324 = arith.constant 0 : i32
      %dma_start3A_325 = tpu.memref_slice %arg4[%squeeze3A_317, %dma_start3A_324] : memref<100000x33xf32, #tpu.memory_space<hbm>> -> memref<1x33xf32, #tpu.memory_space<hbm>>
      %dma_start3A_326 = arith.constant 0 : i32
      %dma_start3A_327 = tpu.memref_slice %arg10[%add3A_321, %dma_start3A_326] : memref<64x33xf32, #tpu.memory_space<vmem>> -> memref<1x33xf32, #tpu.memory_space<vmem>>
      %dma_start3A_328 = arith.constant 0 : i32
      %dma_start3A_329 = tpu.memref_slice %arg4[%squeeze3A_317, %dma_start3A_328] : memref<100000x33xf32, #tpu.memory_space<hbm>> -> memref<1x33xf32, #tpu.memory_space<hbm>>
      tpu.enqueue_dma source(%dma_start3A_329 : memref<1x33xf32, #tpu.memory_space<hbm>>) target(%dma_start3A_327 : memref<1x33xf32, #tpu.memory_space<vmem>>) target_semaphore(%arg12 : memref<!tpu.dma_semaphore, #tpu.memory_space<semaphore_mem>>)
      %slice3A_330 = vector.extract_strided_slice %get3A_177 {offsets = [11], sizes = [1], strides = [1]} : vector<16xi32> to vector<1xi32>
      %squeeze3A_331 = vector.extract %slice3A_330[0] : i32 from vector<1xi32>
      %mul3A_332 = arith.constant 16 : i32
      %mul3A_333 = arith.muli %scan3A_172, %mul3A_332 : i32
      %add3A_334 = arith.constant 11 : i32
      %add3A_335 = arith.addi %mul3A_333, %add3A_334 : i32
      %dma_start3A_336 = arith.constant 0 : i32
      %dma_start3A_337 = tpu.memref_slice %arg10[%add3A_335, %dma_start3A_336] : memref<64x33xf32, #tpu.memory_space<vmem>> -> memref<1x33xf32, #tpu.memory_space<vmem>>
      %dma_start3A_338 = arith.constant 0 : i32
      %dma_start3A_339 = tpu.memref_slice %arg4[%squeeze3A_331, %dma_start3A_338] : memref<100000x33xf32, #tpu.memory_space<hbm>> -> memref<1x33xf32, #tpu.memory_space<hbm>>
      %dma_start3A_340 = arith.constant 0 : i32
      %dma_start3A_341 = tpu.memref_slice %arg10[%add3A_335, %dma_start3A_340] : memref<64x33xf32, #tpu.memory_space<vmem>> -> memref<1x33xf32, #tpu.memory_space<vmem>>
      %dma_start3A_342 = arith.constant 0 : i32
      %dma_start3A_343 = tpu.memref_slice %arg4[%squeeze3A_331, %dma_start3A_342] : memref<100000x33xf32, #tpu.memory_space<hbm>> -> memref<1x33xf32, #tpu.memory_space<hbm>>
      tpu.enqueue_dma source(%dma_start3A_343 : memref<1x33xf32, #tpu.memory_space<hbm>>) target(%dma_start3A_341 : memref<1x33xf32, #tpu.memory_space<vmem>>) target_semaphore(%arg12 : memref<!tpu.dma_semaphore, #tpu.memory_space<semaphore_mem>>)
      %slice3A_344 = vector.extract_strided_slice %get3A_177 {offsets = [12], sizes = [1], strides = [1]} : vector<16xi32> to vector<1xi32>
      %squeeze3A_345 = vector.extract %slice3A_344[0] : i32 from vector<1xi32>
      %mul3A_346 = arith.constant 16 : i32
      %mul3A_347 = arith.muli %scan3A_172, %mul3A_346 : i32
      %add3A_348 = arith.constant 12 : i32
      %add3A_349 = arith.addi %mul3A_347, %add3A_348 : i32
      %dma_start3A_350 = arith.constant 0 : i32
      %dma_start3A_351 = tpu.memref_slice %arg10[%add3A_349, %dma_start3A_350] : memref<64x33xf32, #tpu.memory_space<vmem>> -> memref<1x33xf32, #tpu.memory_space<vmem>>
      %dma_start3A_352 = arith.constant 0 : i32
      %dma_start3A_353 = tpu.memref_slice %arg4[%squeeze3A_345, %dma_start3A_352] : memref<100000x33xf32, #tpu.memory_space<hbm>> -> memref<1x33xf32, #tpu.memory_space<hbm>>
      %dma_start3A_354 = arith.constant 0 : i32
      %dma_start3A_355 = tpu.memref_slice %arg10[%add3A_349, %dma_start3A_354] : memref<64x33xf32, #tpu.memory_space<vmem>> -> memref<1x33xf32, #tpu.memory_space<vmem>>
      %dma_start3A_356 = arith.constant 0 : i32
      %dma_start3A_357 = tpu.memref_slice %arg4[%squeeze3A_345, %dma_start3A_356] : memref<100000x33xf32, #tpu.memory_space<hbm>> -> memref<1x33xf32, #tpu.memory_space<hbm>>
      tpu.enqueue_dma source(%dma_start3A_357 : memref<1x33xf32, #tpu.memory_space<hbm>>) target(%dma_start3A_355 : memref<1x33xf32, #tpu.memory_space<vmem>>) target_semaphore(%arg12 : memref<!tpu.dma_semaphore, #tpu.memory_space<semaphore_mem>>)
      %slice3A_358 = vector.extract_strided_slice %get3A_177 {offsets = [13], sizes = [1], strides = [1]} : vector<16xi32> to vector<1xi32>
      %squeeze3A_359 = vector.extract %slice3A_358[0] : i32 from vector<1xi32>
      %mul3A_360 = arith.constant 16 : i32
      %mul3A_361 = arith.muli %scan3A_172, %mul3A_360 : i32
      %add3A_362 = arith.constant 13 : i32
      %add3A_363 = arith.addi %mul3A_361, %add3A_362 : i32
      %dma_start3A_364 = arith.constant 0 : i32
      %dma_start3A_365 = tpu.memref_slice %arg10[%add3A_363, %dma_start3A_364] : memref<64x33xf32, #tpu.memory_space<vmem>> -> memref<1x33xf32, #tpu.memory_space<vmem>>
      %dma_start3A_366 = arith.constant 0 : i32
      %dma_start3A_367 = tpu.memref_slice %arg4[%squeeze3A_359, %dma_start3A_366] : memref<100000x33xf32, #tpu.memory_space<hbm>> -> memref<1x33xf32, #tpu.memory_space<hbm>>
      %dma_start3A_368 = arith.constant 0 : i32
      %dma_start3A_369 = tpu.memref_slice %arg10[%add3A_363, %dma_start3A_368] : memref<64x33xf32, #tpu.memory_space<vmem>> -> memref<1x33xf32, #tpu.memory_space<vmem>>
      %dma_start3A_370 = arith.constant 0 : i32
      %dma_start3A_371 = tpu.memref_slice %arg4[%squeeze3A_359, %dma_start3A_370] : memref<100000x33xf32, #tpu.memory_space<hbm>> -> memref<1x33xf32, #tpu.memory_space<hbm>>
      tpu.enqueue_dma source(%dma_start3A_371 : memref<1x33xf32, #tpu.memory_space<hbm>>) target(%dma_start3A_369 : memref<1x33xf32, #tpu.memory_space<vmem>>) target_semaphore(%arg12 : memref<!tpu.dma_semaphore, #tpu.memory_space<semaphore_mem>>)
      %slice3A_372 = vector.extract_strided_slice %get3A_177 {offsets = [14], sizes = [1], strides = [1]} : vector<16xi32> to vector<1xi32>
      %squeeze3A_373 = vector.extract %slice3A_372[0] : i32 from vector<1xi32>
      %mul3A_374 = arith.constant 16 : i32
      %mul3A_375 = arith.muli %scan3A_172, %mul3A_374 : i32
      %add3A_376 = arith.constant 14 : i32
      %add3A_377 = arith.addi %mul3A_375, %add3A_376 : i32
      %dma_start3A_378 = arith.constant 0 : i32
      %dma_start3A_379 = tpu.memref_slice %arg10[%add3A_377, %dma_start3A_378] : memref<64x33xf32, #tpu.memory_space<vmem>> -> memref<1x33xf32, #tpu.memory_space<vmem>>
      %dma_start3A_380 = arith.constant 0 : i32
      %dma_start3A_381 = tpu.memref_slice %arg4[%squeeze3A_373, %dma_start3A_380] : memref<100000x33xf32, #tpu.memory_space<hbm>> -> memref<1x33xf32, #tpu.memory_space<hbm>>
      %dma_start3A_382 = arith.constant 0 : i32
      %dma_start3A_383 = tpu.memref_slice %arg10[%add3A_377, %dma_start3A_382] : memref<64x33xf32, #tpu.memory_space<vmem>> -> memref<1x33xf32, #tpu.memory_space<vmem>>
      %dma_start3A_384 = arith.constant 0 : i32
      %dma_start3A_385 = tpu.memref_slice %arg4[%squeeze3A_373, %dma_start3A_384] : memref<100000x33xf32, #tpu.memory_space<hbm>> -> memref<1x33xf32, #tpu.memory_space<hbm>>
      tpu.enqueue_dma source(%dma_start3A_385 : memref<1x33xf32, #tpu.memory_space<hbm>>) target(%dma_start3A_383 : memref<1x33xf32, #tpu.memory_space<vmem>>) target_semaphore(%arg12 : memref<!tpu.dma_semaphore, #tpu.memory_space<semaphore_mem>>)
      %slice3A_386 = vector.extract_strided_slice %get3A_177 {offsets = [15], sizes = [1], strides = [1]} : vector<16xi32> to vector<1xi32>
      %squeeze3A_387 = vector.extract %slice3A_386[0] : i32 from vector<1xi32>
      %mul3A_388 = arith.constant 16 : i32
      %mul3A_389 = arith.muli %scan3A_172, %mul3A_388 : i32
      %add3A_390 = arith.constant 15 : i32
      %add3A_391 = arith.addi %mul3A_389, %add3A_390 : i32
      %dma_start3A_392 = arith.constant 0 : i32
      %dma_start3A_393 = tpu.memref_slice %arg10[%add3A_391, %dma_start3A_392] : memref<64x33xf32, #tpu.memory_space<vmem>> -> memref<1x33xf32, #tpu.memory_space<vmem>>
      %dma_start3A_394 = arith.constant 0 : i32
      %dma_start3A_395 = tpu.memref_slice %arg4[%squeeze3A_387, %dma_start3A_394] : memref<100000x33xf32, #tpu.memory_space<hbm>> -> memref<1x33xf32, #tpu.memory_space<hbm>>
      %dma_start3A_396 = arith.constant 0 : i32
      %dma_start3A_397 = tpu.memref_slice %arg10[%add3A_391, %dma_start3A_396] : memref<64x33xf32, #tpu.memory_space<vmem>> -> memref<1x33xf32, #tpu.memory_space<vmem>>
      %dma_start3A_398 = arith.constant 0 : i32
      %dma_start3A_399 = tpu.memref_slice %arg4[%squeeze3A_387, %dma_start3A_398] : memref<100000x33xf32, #tpu.memory_space<hbm>> -> memref<1x33xf32, #tpu.memory_space<hbm>>
      tpu.enqueue_dma source(%dma_start3A_399 : memref<1x33xf32, #tpu.memory_space<hbm>>) target(%dma_start3A_397 : memref<1x33xf32, #tpu.memory_space<vmem>>) target_semaphore(%arg12 : memref<!tpu.dma_semaphore, #tpu.memory_space<semaphore_mem>>)
    }
    %scan3A_54 = arith.constant 4 : i32
    %dma_wait3A_55 = arith.constant 0 : i32
    %dma_wait3A_56 = arith.constant 0 : i32
    %dma_wait3A_57 = tpu.memref_slice %arg4[%dma_wait3A_55, %dma_wait3A_56] : memref<100000x33xf32, #tpu.memory_space<hbm>> -> memref<64x33xf32, #tpu.memory_space<hbm>>
    %dma_wait3A_58 = arith.constant 0 : i32
    %dma_wait3A_59 = arith.constant 0 : i32
    %dma_wait3A_60 = tpu.memref_slice %arg4[%dma_wait3A_58, %dma_wait3A_59] : memref<100000x33xf32, #tpu.memory_space<hbm>> -> memref<64x33xf32, #tpu.memory_space<hbm>>
    tpu.wait_dma2 semaphore(%arg11 : memref<!tpu.dma_semaphore, #tpu.memory_space<semaphore_mem>>) src(%dma_wait3A_60 : memref<64x33xf32, #tpu.memory_space<hbm>>) dst(%arg9 : memref<64x33xf32, #tpu.memory_space<vmem>>)
    %scan3A_61 = arith.constant 0 : i32
    %scan3A_62 = arith.constant 2.000000e-01 : f32
    %scan3A_63 = arith.constant 3.000000e-01 : f32
    %scan3A_64 = arith.constant 5.000000e-01 : f32
    %scan3A_65 = arith.constant 0 : i32
    %scan3A_66 = arith.constant 4 : i32
    %scan3A_67 = arith.addi %scan3A_65, %scan3A_66 : i32
    %scan3A_68 = arith.constant 1 : i32
    scf.for %scan3A_172 = %scan3A_65 to %scan3A_67 step %scan3A_68  : i32 {
      %mul3A_173 = arith.constant 16 : i32
      %mul3A_174 = arith.muli %scan3A_172, %mul3A_173 : i32
      %add3A_175 = vector.broadcast %mul3A_174 : i32 to vector<16xi32>
      %add3A_176 = arith.addi %add3A_175, %iota3A : vector<16xi32>
      %mul3A_177 = arith.constant 16 : i32
      %mul3A_178 = arith.muli %scan3A_172, %mul3A_177 : i32
      %add3A_179 = arith.constant 128 : i32
      %add3A_180 = arith.addi %add3A_179, %mul3A_178 : i32
      %get3A = arith.index_cast %add3A_180 : i32 to index
      %get3A_181 = tpu.vector_load %arg7[%get3A] {strides = array<i32>} : memref<512xi32, #tpu.memory_space<vmem>>, vector<16xi32>,
      %gather3A = tpu.vector_load_idx %arg9[%add3A_176, %get3A_181] : memref<64x33xf32, #tpu.memory_space<vmem>>[vector<16xi32>, vector<16xi32>], vector<16xf32>,
      %add3A_182 = arith.constant 1 : i32
      %add3A_183 = vector.broadcast %add3A_182 : i32 to vector<16xi32>
      %add3A_184 = arith.addi %get3A_181, %add3A_183 : vector<16xi32>
      %gather3A_185 = tpu.vector_load_idx %arg9[%add3A_176, %add3A_184] : memref<64x33xf32, #tpu.memory_space<vmem>>[vector<16xi32>, vector<16xi32>], vector<16xf32>,
      %add3A_186 = arith.constant 2 : i32
      %add3A_187 = vector.broadcast %add3A_186 : i32 to vector<16xi32>
      %add3A_188 = arith.addi %get3A_181, %add3A_187 : vector<16xi32>
      %gather3A_189 = tpu.vector_load_idx %arg9[%add3A_176, %add3A_188] : memref<64x33xf32, #tpu.memory_space<vmem>>[vector<16xi32>, vector<16xi32>], vector<16xf32>,
      %mul3A_190 = vector.broadcast %scan3A_62 : f32 to vector<16xf32>
      %mul3A_191 = arith.mulf %mul3A_190, %gather3A : vector<16xf32>
      %mul3A_192 = vector.broadcast %scan3A_63 : f32 to vector<16xf32>
      %mul3A_193 = arith.mulf %mul3A_192, %gather3A_185 : vector<16xf32>
      %add3A_194 = arith.addf %mul3A_191, %mul3A_193 : vector<16xf32>
      %mul3A_195 = vector.broadcast %scan3A_64 : f32 to vector<16xf32>
      %mul3A_196 = arith.mulf %mul3A_195, %gather3A_189 : vector<16xf32>
      %add3A_197 = arith.addf %add3A_194, %mul3A_196 : vector<16xf32>
      %swap3A = arith.index_cast %add3A_180 : i32 to index
      %swap3A_198 = tpu.vector_load %arg8[%swap3A] {strides = array<i32>} : memref<512xf32, #tpu.memory_space<vmem>>, vector<16xf32>,
      tpu.vector_store %arg8[%swap3A], %add3A_197 {strides = array<i32>} : memref<512xf32, #tpu.memory_space<vmem>>, vector<16xf32>,
    }
    %scan3A_69 = arith.constant 4 : i32
    %scan3A_70 = arith.constant 0 : i32
    %scan3A_71 = arith.constant 0 : i32
    %scan3A_72 = arith.constant 4 : i32
    %scan3A_73 = arith.addi %scan3A_71, %scan3A_72 : i32
    %scan3A_74 = arith.constant 1 : i32
    scf.for %scan3A_172 = %scan3A_71 to %scan3A_73 step %scan3A_74  : i32 {
      %mul3A_173 = arith.constant 16 : i32
      %mul3A_174 = arith.muli %scan3A_172, %mul3A_173 : i32
      %add3A_175 = arith.constant 256 : i32
      %add3A_176 = arith.addi %add3A_175, %mul3A_174 : i32
      %get3A = arith.index_cast %add3A_176 : i32 to index
      %get3A_177 = tpu.vector_load %arg6[%get3A] {strides = array<i32>} : memref<512xi32, #tpu.memory_space<vmem>>, vector<16xi32>,
      %slice3A = vector.extract_strided_slice %get3A_177 {offsets = [0], sizes = [1], strides = [1]} : vector<16xi32> to vector<1xi32>
      %squeeze3A = vector.extract %slice3A[0] : i32 from vector<1xi32>
      %mul3A_178 = arith.constant 16 : i32
      %mul3A_179 = arith.muli %scan3A_172, %mul3A_178 : i32
      %add3A_180 = arith.constant 0 : i32
      %add3A_181 = arith.addi %mul3A_179, %add3A_180 : i32
      %dma_start3A_182 = arith.constant 0 : i32
      %dma_start3A_183 = tpu.memref_slice %arg9[%add3A_181, %dma_start3A_182] : memref<64x33xf32, #tpu.memory_space<vmem>> -> memref<1x33xf32, #tpu.memory_space<vmem>>
      %dma_start3A_184 = arith.constant 0 : i32
      %dma_start3A_185 = tpu.memref_slice %arg4[%squeeze3A, %dma_start3A_184] : memref<100000x33xf32, #tpu.memory_space<hbm>> -> memref<1x33xf32, #tpu.memory_space<hbm>>
      %dma_start3A_186 = arith.constant 0 : i32
      %dma_start3A_187 = tpu.memref_slice %arg9[%add3A_181, %dma_start3A_186] : memref<64x33xf32, #tpu.memory_space<vmem>> -> memref<1x33xf32, #tpu.memory_space<vmem>>
      %dma_start3A_188 = arith.constant 0 : i32
      %dma_start3A_189 = tpu.memref_slice %arg4[%squeeze3A, %dma_start3A_188] : memref<100000x33xf32, #tpu.memory_space<hbm>> -> memref<1x33xf32, #tpu.memory_space<hbm>>
      tpu.enqueue_dma source(%dma_start3A_189 : memref<1x33xf32, #tpu.memory_space<hbm>>) target(%dma_start3A_187 : memref<1x33xf32, #tpu.memory_space<vmem>>) target_semaphore(%arg11 : memref<!tpu.dma_semaphore, #tpu.memory_space<semaphore_mem>>)
      %slice3A_190 = vector.extract_strided_slice %get3A_177 {offsets = [1], sizes = [1], strides = [1]} : vector<16xi32> to vector<1xi32>
      %squeeze3A_191 = vector.extract %slice3A_190[0] : i32 from vector<1xi32>
      %mul3A_192 = arith.constant 16 : i32
      %mul3A_193 = arith.muli %scan3A_172, %mul3A_192 : i32
      %add3A_194 = arith.constant 1 : i32
      %add3A_195 = arith.addi %mul3A_193, %add3A_194 : i32
      %dma_start3A_196 = arith.constant 0 : i32
      %dma_start3A_197 = tpu.memref_slice %arg9[%add3A_195, %dma_start3A_196] : memref<64x33xf32, #tpu.memory_space<vmem>> -> memref<1x33xf32, #tpu.memory_space<vmem>>
      %dma_start3A_198 = arith.constant 0 : i32
      %dma_start3A_199 = tpu.memref_slice %arg4[%squeeze3A_191, %dma_start3A_198] : memref<100000x33xf32, #tpu.memory_space<hbm>> -> memref<1x33xf32, #tpu.memory_space<hbm>>
      %dma_start3A_200 = arith.constant 0 : i32
      %dma_start3A_201 = tpu.memref_slice %arg9[%add3A_195, %dma_start3A_200] : memref<64x33xf32, #tpu.memory_space<vmem>> -> memref<1x33xf32, #tpu.memory_space<vmem>>
      %dma_start3A_202 = arith.constant 0 : i32
      %dma_start3A_203 = tpu.memref_slice %arg4[%squeeze3A_191, %dma_start3A_202] : memref<100000x33xf32, #tpu.memory_space<hbm>> -> memref<1x33xf32, #tpu.memory_space<hbm>>
      tpu.enqueue_dma source(%dma_start3A_203 : memref<1x33xf32, #tpu.memory_space<hbm>>) target(%dma_start3A_201 : memref<1x33xf32, #tpu.memory_space<vmem>>) target_semaphore(%arg11 : memref<!tpu.dma_semaphore, #tpu.memory_space<semaphore_mem>>)
      %slice3A_204 = vector.extract_strided_slice %get3A_177 {offsets = [2], sizes = [1], strides = [1]} : vector<16xi32> to vector<1xi32>
      %squeeze3A_205 = vector.extract %slice3A_204[0] : i32 from vector<1xi32>
      %mul3A_206 = arith.constant 16 : i32
      %mul3A_207 = arith.muli %scan3A_172, %mul3A_206 : i32
      %add3A_208 = arith.constant 2 : i32
      %add3A_209 = arith.addi %mul3A_207, %add3A_208 : i32
      %dma_start3A_210 = arith.constant 0 : i32
      %dma_start3A_211 = tpu.memref_slice %arg9[%add3A_209, %dma_start3A_210] : memref<64x33xf32, #tpu.memory_space<vmem>> -> memref<1x33xf32, #tpu.memory_space<vmem>>
      %dma_start3A_212 = arith.constant 0 : i32
      %dma_start3A_213 = tpu.memref_slice %arg4[%squeeze3A_205, %dma_start3A_212] : memref<100000x33xf32, #tpu.memory_space<hbm>> -> memref<1x33xf32, #tpu.memory_space<hbm>>
      %dma_start3A_214 = arith.constant 0 : i32
      %dma_start3A_215 = tpu.memref_slice %arg9[%add3A_209, %dma_start3A_214] : memref<64x33xf32, #tpu.memory_space<vmem>> -> memref<1x33xf32, #tpu.memory_space<vmem>>
      %dma_start3A_216 = arith.constant 0 : i32
      %dma_start3A_217 = tpu.memref_slice %arg4[%squeeze3A_205, %dma_start3A_216] : memref<100000x33xf32, #tpu.memory_space<hbm>> -> memref<1x33xf32, #tpu.memory_space<hbm>>
      tpu.enqueue_dma source(%dma_start3A_217 : memref<1x33xf32, #tpu.memory_space<hbm>>) target(%dma_start3A_215 : memref<1x33xf32, #tpu.memory_space<vmem>>) target_semaphore(%arg11 : memref<!tpu.dma_semaphore, #tpu.memory_space<semaphore_mem>>)
      %slice3A_218 = vector.extract_strided_slice %get3A_177 {offsets = [3], sizes = [1], strides = [1]} : vector<16xi32> to vector<1xi32>
      %squeeze3A_219 = vector.extract %slice3A_218[0] : i32 from vector<1xi32>
      %mul3A_220 = arith.constant 16 : i32
      %mul3A_221 = arith.muli %scan3A_172, %mul3A_220 : i32
      %add3A_222 = arith.constant 3 : i32
      %add3A_223 = arith.addi %mul3A_221, %add3A_222 : i32
      %dma_start3A_224 = arith.constant 0 : i32
      %dma_start3A_225 = tpu.memref_slice %arg9[%add3A_223, %dma_start3A_224] : memref<64x33xf32, #tpu.memory_space<vmem>> -> memref<1x33xf32, #tpu.memory_space<vmem>>
      %dma_start3A_226 = arith.constant 0 : i32
      %dma_start3A_227 = tpu.memref_slice %arg4[%squeeze3A_219, %dma_start3A_226] : memref<100000x33xf32, #tpu.memory_space<hbm>> -> memref<1x33xf32, #tpu.memory_space<hbm>>
      %dma_start3A_228 = arith.constant 0 : i32
      %dma_start3A_229 = tpu.memref_slice %arg9[%add3A_223, %dma_start3A_228] : memref<64x33xf32, #tpu.memory_space<vmem>> -> memref<1x33xf32, #tpu.memory_space<vmem>>
      %dma_start3A_230 = arith.constant 0 : i32
      %dma_start3A_231 = tpu.memref_slice %arg4[%squeeze3A_219, %dma_start3A_230] : memref<100000x33xf32, #tpu.memory_space<hbm>> -> memref<1x33xf32, #tpu.memory_space<hbm>>
      tpu.enqueue_dma source(%dma_start3A_231 : memref<1x33xf32, #tpu.memory_space<hbm>>) target(%dma_start3A_229 : memref<1x33xf32, #tpu.memory_space<vmem>>) target_semaphore(%arg11 : memref<!tpu.dma_semaphore, #tpu.memory_space<semaphore_mem>>)
      %slice3A_232 = vector.extract_strided_slice %get3A_177 {offsets = [4], sizes = [1], strides = [1]} : vector<16xi32> to vector<1xi32>
      %squeeze3A_233 = vector.extract %slice3A_232[0] : i32 from vector<1xi32>
      %mul3A_234 = arith.constant 16 : i32
      %mul3A_235 = arith.muli %scan3A_172, %mul3A_234 : i32
      %add3A_236 = arith.constant 4 : i32
      %add3A_237 = arith.addi %mul3A_235, %add3A_236 : i32
      %dma_start3A_238 = arith.constant 0 : i32
      %dma_start3A_239 = tpu.memref_slice %arg9[%add3A_237, %dma_start3A_238] : memref<64x33xf32, #tpu.memory_space<vmem>> -> memref<1x33xf32, #tpu.memory_space<vmem>>
      %dma_start3A_240 = arith.constant 0 : i32
      %dma_start3A_241 = tpu.memref_slice %arg4[%squeeze3A_233, %dma_start3A_240] : memref<100000x33xf32, #tpu.memory_space<hbm>> -> memref<1x33xf32, #tpu.memory_space<hbm>>
      %dma_start3A_242 = arith.constant 0 : i32
      %dma_start3A_243 = tpu.memref_slice %arg9[%add3A_237, %dma_start3A_242] : memref<64x33xf32, #tpu.memory_space<vmem>> -> memref<1x33xf32, #tpu.memory_space<vmem>>
      %dma_start3A_244 = arith.constant 0 : i32
      %dma_start3A_245 = tpu.memref_slice %arg4[%squeeze3A_233, %dma_start3A_244] : memref<100000x33xf32, #tpu.memory_space<hbm>> -> memref<1x33xf32, #tpu.memory_space<hbm>>
      tpu.enqueue_dma source(%dma_start3A_245 : memref<1x33xf32, #tpu.memory_space<hbm>>) target(%dma_start3A_243 : memref<1x33xf32, #tpu.memory_space<vmem>>) target_semaphore(%arg11 : memref<!tpu.dma_semaphore, #tpu.memory_space<semaphore_mem>>)
      %slice3A_246 = vector.extract_strided_slice %get3A_177 {offsets = [5], sizes = [1], strides = [1]} : vector<16xi32> to vector<1xi32>
      %squeeze3A_247 = vector.extract %slice3A_246[0] : i32 from vector<1xi32>
      %mul3A_248 = arith.constant 16 : i32
      %mul3A_249 = arith.muli %scan3A_172, %mul3A_248 : i32
      %add3A_250 = arith.constant 5 : i32
      %add3A_251 = arith.addi %mul3A_249, %add3A_250 : i32
      %dma_start3A_252 = arith.constant 0 : i32
      %dma_start3A_253 = tpu.memref_slice %arg9[%add3A_251, %dma_start3A_252] : memref<64x33xf32, #tpu.memory_space<vmem>> -> memref<1x33xf32, #tpu.memory_space<vmem>>
      %dma_start3A_254 = arith.constant 0 : i32
      %dma_start3A_255 = tpu.memref_slice %arg4[%squeeze3A_247, %dma_start3A_254] : memref<100000x33xf32, #tpu.memory_space<hbm>> -> memref<1x33xf32, #tpu.memory_space<hbm>>
      %dma_start3A_256 = arith.constant 0 : i32
      %dma_start3A_257 = tpu.memref_slice %arg9[%add3A_251, %dma_start3A_256] : memref<64x33xf32, #tpu.memory_space<vmem>> -> memref<1x33xf32, #tpu.memory_space<vmem>>
      %dma_start3A_258 = arith.constant 0 : i32
      %dma_start3A_259 = tpu.memref_slice %arg4[%squeeze3A_247, %dma_start3A_258] : memref<100000x33xf32, #tpu.memory_space<hbm>> -> memref<1x33xf32, #tpu.memory_space<hbm>>
      tpu.enqueue_dma source(%dma_start3A_259 : memref<1x33xf32, #tpu.memory_space<hbm>>) target(%dma_start3A_257 : memref<1x33xf32, #tpu.memory_space<vmem>>) target_semaphore(%arg11 : memref<!tpu.dma_semaphore, #tpu.memory_space<semaphore_mem>>)
      %slice3A_260 = vector.extract_strided_slice %get3A_177 {offsets = [6], sizes = [1], strides = [1]} : vector<16xi32> to vector<1xi32>
      %squeeze3A_261 = vector.extract %slice3A_260[0] : i32 from vector<1xi32>
      %mul3A_262 = arith.constant 16 : i32
      %mul3A_263 = arith.muli %scan3A_172, %mul3A_262 : i32
      %add3A_264 = arith.constant 6 : i32
      %add3A_265 = arith.addi %mul3A_263, %add3A_264 : i32
      %dma_start3A_266 = arith.constant 0 : i32
      %dma_start3A_267 = tpu.memref_slice %arg9[%add3A_265, %dma_start3A_266] : memref<64x33xf32, #tpu.memory_space<vmem>> -> memref<1x33xf32, #tpu.memory_space<vmem>>
      %dma_start3A_268 = arith.constant 0 : i32
      %dma_start3A_269 = tpu.memref_slice %arg4[%squeeze3A_261, %dma_start3A_268] : memref<100000x33xf32, #tpu.memory_space<hbm>> -> memref<1x33xf32, #tpu.memory_space<hbm>>
      %dma_start3A_270 = arith.constant 0 : i32
      %dma_start3A_271 = tpu.memref_slice %arg9[%add3A_265, %dma_start3A_270] : memref<64x33xf32, #tpu.memory_space<vmem>> -> memref<1x33xf32, #tpu.memory_space<vmem>>
      %dma_start3A_272 = arith.constant 0 : i32
      %dma_start3A_273 = tpu.memref_slice %arg4[%squeeze3A_261, %dma_start3A_272] : memref<100000x33xf32, #tpu.memory_space<hbm>> -> memref<1x33xf32, #tpu.memory_space<hbm>>
      tpu.enqueue_dma source(%dma_start3A_273 : memref<1x33xf32, #tpu.memory_space<hbm>>) target(%dma_start3A_271 : memref<1x33xf32, #tpu.memory_space<vmem>>) target_semaphore(%arg11 : memref<!tpu.dma_semaphore, #tpu.memory_space<semaphore_mem>>)
      %slice3A_274 = vector.extract_strided_slice %get3A_177 {offsets = [7], sizes = [1], strides = [1]} : vector<16xi32> to vector<1xi32>
      %squeeze3A_275 = vector.extract %slice3A_274[0] : i32 from vector<1xi32>
      %mul3A_276 = arith.constant 16 : i32
      %mul3A_277 = arith.muli %scan3A_172, %mul3A_276 : i32
      %add3A_278 = arith.constant 7 : i32
      %add3A_279 = arith.addi %mul3A_277, %add3A_278 : i32
      %dma_start3A_280 = arith.constant 0 : i32
      %dma_start3A_281 = tpu.memref_slice %arg9[%add3A_279, %dma_start3A_280] : memref<64x33xf32, #tpu.memory_space<vmem>> -> memref<1x33xf32, #tpu.memory_space<vmem>>
      %dma_start3A_282 = arith.constant 0 : i32
      %dma_start3A_283 = tpu.memref_slice %arg4[%squeeze3A_275, %dma_start3A_282] : memref<100000x33xf32, #tpu.memory_space<hbm>> -> memref<1x33xf32, #tpu.memory_space<hbm>>
      %dma_start3A_284 = arith.constant 0 : i32
      %dma_start3A_285 = tpu.memref_slice %arg9[%add3A_279, %dma_start3A_284] : memref<64x33xf32, #tpu.memory_space<vmem>> -> memref<1x33xf32, #tpu.memory_space<vmem>>
      %dma_start3A_286 = arith.constant 0 : i32
      %dma_start3A_287 = tpu.memref_slice %arg4[%squeeze3A_275, %dma_start3A_286] : memref<100000x33xf32, #tpu.memory_space<hbm>> -> memref<1x33xf32, #tpu.memory_space<hbm>>
      tpu.enqueue_dma source(%dma_start3A_287 : memref<1x33xf32, #tpu.memory_space<hbm>>) target(%dma_start3A_285 : memref<1x33xf32, #tpu.memory_space<vmem>>) target_semaphore(%arg11 : memref<!tpu.dma_semaphore, #tpu.memory_space<semaphore_mem>>)
      %slice3A_288 = vector.extract_strided_slice %get3A_177 {offsets = [8], sizes = [1], strides = [1]} : vector<16xi32> to vector<1xi32>
      %squeeze3A_289 = vector.extract %slice3A_288[0] : i32 from vector<1xi32>
      %mul3A_290 = arith.constant 16 : i32
      %mul3A_291 = arith.muli %scan3A_172, %mul3A_290 : i32
      %add3A_292 = arith.constant 8 : i32
      %add3A_293 = arith.addi %mul3A_291, %add3A_292 : i32
      %dma_start3A_294 = arith.constant 0 : i32
      %dma_start3A_295 = tpu.memref_slice %arg9[%add3A_293, %dma_start3A_294] : memref<64x33xf32, #tpu.memory_space<vmem>> -> memref<1x33xf32, #tpu.memory_space<vmem>>
      %dma_start3A_296 = arith.constant 0 : i32
      %dma_start3A_297 = tpu.memref_slice %arg4[%squeeze3A_289, %dma_start3A_296] : memref<100000x33xf32, #tpu.memory_space<hbm>> -> memref<1x33xf32, #tpu.memory_space<hbm>>
      %dma_start3A_298 = arith.constant 0 : i32
      %dma_start3A_299 = tpu.memref_slice %arg9[%add3A_293, %dma_start3A_298] : memref<64x33xf32, #tpu.memory_space<vmem>> -> memref<1x33xf32, #tpu.memory_space<vmem>>
      %dma_start3A_300 = arith.constant 0 : i32
      %dma_start3A_301 = tpu.memref_slice %arg4[%squeeze3A_289, %dma_start3A_300] : memref<100000x33xf32, #tpu.memory_space<hbm>> -> memref<1x33xf32, #tpu.memory_space<hbm>>
      tpu.enqueue_dma source(%dma_start3A_301 : memref<1x33xf32, #tpu.memory_space<hbm>>) target(%dma_start3A_299 : memref<1x33xf32, #tpu.memory_space<vmem>>) target_semaphore(%arg11 : memref<!tpu.dma_semaphore, #tpu.memory_space<semaphore_mem>>)
      %slice3A_302 = vector.extract_strided_slice %get3A_177 {offsets = [9], sizes = [1], strides = [1]} : vector<16xi32> to vector<1xi32>
      %squeeze3A_303 = vector.extract %slice3A_302[0] : i32 from vector<1xi32>
      %mul3A_304 = arith.constant 16 : i32
      %mul3A_305 = arith.muli %scan3A_172, %mul3A_304 : i32
      %add3A_306 = arith.constant 9 : i32
      %add3A_307 = arith.addi %mul3A_305, %add3A_306 : i32
      %dma_start3A_308 = arith.constant 0 : i32
      %dma_start3A_309 = tpu.memref_slice %arg9[%add3A_307, %dma_start3A_308] : memref<64x33xf32, #tpu.memory_space<vmem>> -> memref<1x33xf32, #tpu.memory_space<vmem>>
      %dma_start3A_310 = arith.constant 0 : i32
      %dma_start3A_311 = tpu.memref_slice %arg4[%squeeze3A_303, %dma_start3A_310] : memref<100000x33xf32, #tpu.memory_space<hbm>> -> memref<1x33xf32, #tpu.memory_space<hbm>>
      %dma_start3A_312 = arith.constant 0 : i32
      %dma_start3A_313 = tpu.memref_slice %arg9[%add3A_307, %dma_start3A_312] : memref<64x33xf32, #tpu.memory_space<vmem>> -> memref<1x33xf32, #tpu.memory_space<vmem>>
      %dma_start3A_314 = arith.constant 0 : i32
      %dma_start3A_315 = tpu.memref_slice %arg4[%squeeze3A_303, %dma_start3A_314] : memref<100000x33xf32, #tpu.memory_space<hbm>> -> memref<1x33xf32, #tpu.memory_space<hbm>>
      tpu.enqueue_dma source(%dma_start3A_315 : memref<1x33xf32, #tpu.memory_space<hbm>>) target(%dma_start3A_313 : memref<1x33xf32, #tpu.memory_space<vmem>>) target_semaphore(%arg11 : memref<!tpu.dma_semaphore, #tpu.memory_space<semaphore_mem>>)
      %slice3A_316 = vector.extract_strided_slice %get3A_177 {offsets = [10], sizes = [1], strides = [1]} : vector<16xi32> to vector<1xi32>
      %squeeze3A_317 = vector.extract %slice3A_316[0] : i32 from vector<1xi32>
      %mul3A_318 = arith.constant 16 : i32
      %mul3A_319 = arith.muli %scan3A_172, %mul3A_318 : i32
      %add3A_320 = arith.constant 10 : i32
      %add3A_321 = arith.addi %mul3A_319, %add3A_320 : i32
      %dma_start3A_322 = arith.constant 0 : i32
      %dma_start3A_323 = tpu.memref_slice %arg9[%add3A_321, %dma_start3A_322] : memref<64x33xf32, #tpu.memory_space<vmem>> -> memref<1x33xf32, #tpu.memory_space<vmem>>
      %dma_start3A_324 = arith.constant 0 : i32
      %dma_start3A_325 = tpu.memref_slice %arg4[%squeeze3A_317, %dma_start3A_324] : memref<100000x33xf32, #tpu.memory_space<hbm>> -> memref<1x33xf32, #tpu.memory_space<hbm>>
      %dma_start3A_326 = arith.constant 0 : i32
      %dma_start3A_327 = tpu.memref_slice %arg9[%add3A_321, %dma_start3A_326] : memref<64x33xf32, #tpu.memory_space<vmem>> -> memref<1x33xf32, #tpu.memory_space<vmem>>
      %dma_start3A_328 = arith.constant 0 : i32
      %dma_start3A_329 = tpu.memref_slice %arg4[%squeeze3A_317, %dma_start3A_328] : memref<100000x33xf32, #tpu.memory_space<hbm>> -> memref<1x33xf32, #tpu.memory_space<hbm>>
      tpu.enqueue_dma source(%dma_start3A_329 : memref<1x33xf32, #tpu.memory_space<hbm>>) target(%dma_start3A_327 : memref<1x33xf32, #tpu.memory_space<vmem>>) target_semaphore(%arg11 : memref<!tpu.dma_semaphore, #tpu.memory_space<semaphore_mem>>)
      %slice3A_330 = vector.extract_strided_slice %get3A_177 {offsets = [11], sizes = [1], strides = [1]} : vector<16xi32> to vector<1xi32>
      %squeeze3A_331 = vector.extract %slice3A_330[0] : i32 from vector<1xi32>
      %mul3A_332 = arith.constant 16 : i32
      %mul3A_333 = arith.muli %scan3A_172, %mul3A_332 : i32
      %add3A_334 = arith.constant 11 : i32
      %add3A_335 = arith.addi %mul3A_333, %add3A_334 : i32
      %dma_start3A_336 = arith.constant 0 : i32
      %dma_start3A_337 = tpu.memref_slice %arg9[%add3A_335, %dma_start3A_336] : memref<64x33xf32, #tpu.memory_space<vmem>> -> memref<1x33xf32, #tpu.memory_space<vmem>>
      %dma_start3A_338 = arith.constant 0 : i32
      %dma_start3A_339 = tpu.memref_slice %arg4[%squeeze3A_331, %dma_start3A_338] : memref<100000x33xf32, #tpu.memory_space<hbm>> -> memref<1x33xf32, #tpu.memory_space<hbm>>
      %dma_start3A_340 = arith.constant 0 : i32
      %dma_start3A_341 = tpu.memref_slice %arg9[%add3A_335, %dma_start3A_340] : memref<64x33xf32, #tpu.memory_space<vmem>> -> memref<1x33xf32, #tpu.memory_space<vmem>>
      %dma_start3A_342 = arith.constant 0 : i32
      %dma_start3A_343 = tpu.memref_slice %arg4[%squeeze3A_331, %dma_start3A_342] : memref<100000x33xf32, #tpu.memory_space<hbm>> -> memref<1x33xf32, #tpu.memory_space<hbm>>
      tpu.enqueue_dma source(%dma_start3A_343 : memref<1x33xf32, #tpu.memory_space<hbm>>) target(%dma_start3A_341 : memref<1x33xf32, #tpu.memory_space<vmem>>) target_semaphore(%arg11 : memref<!tpu.dma_semaphore, #tpu.memory_space<semaphore_mem>>)
      %slice3A_344 = vector.extract_strided_slice %get3A_177 {offsets = [12], sizes = [1], strides = [1]} : vector<16xi32> to vector<1xi32>
      %squeeze3A_345 = vector.extract %slice3A_344[0] : i32 from vector<1xi32>
      %mul3A_346 = arith.constant 16 : i32
      %mul3A_347 = arith.muli %scan3A_172, %mul3A_346 : i32
      %add3A_348 = arith.constant 12 : i32
      %add3A_349 = arith.addi %mul3A_347, %add3A_348 : i32
      %dma_start3A_350 = arith.constant 0 : i32
      %dma_start3A_351 = tpu.memref_slice %arg9[%add3A_349, %dma_start3A_350] : memref<64x33xf32, #tpu.memory_space<vmem>> -> memref<1x33xf32, #tpu.memory_space<vmem>>
      %dma_start3A_352 = arith.constant 0 : i32
      %dma_start3A_353 = tpu.memref_slice %arg4[%squeeze3A_345, %dma_start3A_352] : memref<100000x33xf32, #tpu.memory_space<hbm>> -> memref<1x33xf32, #tpu.memory_space<hbm>>
      %dma_start3A_354 = arith.constant 0 : i32
      %dma_start3A_355 = tpu.memref_slice %arg9[%add3A_349, %dma_start3A_354] : memref<64x33xf32, #tpu.memory_space<vmem>> -> memref<1x33xf32, #tpu.memory_space<vmem>>
      %dma_start3A_356 = arith.constant 0 : i32
      %dma_start3A_357 = tpu.memref_slice %arg4[%squeeze3A_345, %dma_start3A_356] : memref<100000x33xf32, #tpu.memory_space<hbm>> -> memref<1x33xf32, #tpu.memory_space<hbm>>
      tpu.enqueue_dma source(%dma_start3A_357 : memref<1x33xf32, #tpu.memory_space<hbm>>) target(%dma_start3A_355 : memref<1x33xf32, #tpu.memory_space<vmem>>) target_semaphore(%arg11 : memref<!tpu.dma_semaphore, #tpu.memory_space<semaphore_mem>>)
      %slice3A_358 = vector.extract_strided_slice %get3A_177 {offsets = [13], sizes = [1], strides = [1]} : vector<16xi32> to vector<1xi32>
      %squeeze3A_359 = vector.extract %slice3A_358[0] : i32 from vector<1xi32>
      %mul3A_360 = arith.constant 16 : i32
      %mul3A_361 = arith.muli %scan3A_172, %mul3A_360 : i32
      %add3A_362 = arith.constant 13 : i32
      %add3A_363 = arith.addi %mul3A_361, %add3A_362 : i32
      %dma_start3A_364 = arith.constant 0 : i32
      %dma_start3A_365 = tpu.memref_slice %arg9[%add3A_363, %dma_start3A_364] : memref<64x33xf32, #tpu.memory_space<vmem>> -> memref<1x33xf32, #tpu.memory_space<vmem>>
      %dma_start3A_366 = arith.constant 0 : i32
      %dma_start3A_367 = tpu.memref_slice %arg4[%squeeze3A_359, %dma_start3A_366] : memref<100000x33xf32, #tpu.memory_space<hbm>> -> memref<1x33xf32, #tpu.memory_space<hbm>>
      %dma_start3A_368 = arith.constant 0 : i32
      %dma_start3A_369 = tpu.memref_slice %arg9[%add3A_363, %dma_start3A_368] : memref<64x33xf32, #tpu.memory_space<vmem>> -> memref<1x33xf32, #tpu.memory_space<vmem>>
      %dma_start3A_370 = arith.constant 0 : i32
      %dma_start3A_371 = tpu.memref_slice %arg4[%squeeze3A_359, %dma_start3A_370] : memref<100000x33xf32, #tpu.memory_space<hbm>> -> memref<1x33xf32, #tpu.memory_space<hbm>>
      tpu.enqueue_dma source(%dma_start3A_371 : memref<1x33xf32, #tpu.memory_space<hbm>>) target(%dma_start3A_369 : memref<1x33xf32, #tpu.memory_space<vmem>>) target_semaphore(%arg11 : memref<!tpu.dma_semaphore, #tpu.memory_space<semaphore_mem>>)
      %slice3A_372 = vector.extract_strided_slice %get3A_177 {offsets = [14], sizes = [1], strides = [1]} : vector<16xi32> to vector<1xi32>
      %squeeze3A_373 = vector.extract %slice3A_372[0] : i32 from vector<1xi32>
      %mul3A_374 = arith.constant 16 : i32
      %mul3A_375 = arith.muli %scan3A_172, %mul3A_374 : i32
      %add3A_376 = arith.constant 14 : i32
      %add3A_377 = arith.addi %mul3A_375, %add3A_376 : i32
      %dma_start3A_378 = arith.constant 0 : i32
      %dma_start3A_379 = tpu.memref_slice %arg9[%add3A_377, %dma_start3A_378] : memref<64x33xf32, #tpu.memory_space<vmem>> -> memref<1x33xf32, #tpu.memory_space<vmem>>
      %dma_start3A_380 = arith.constant 0 : i32
      %dma_start3A_381 = tpu.memref_slice %arg4[%squeeze3A_373, %dma_start3A_380] : memref<100000x33xf32, #tpu.memory_space<hbm>> -> memref<1x33xf32, #tpu.memory_space<hbm>>
      %dma_start3A_382 = arith.constant 0 : i32
      %dma_start3A_383 = tpu.memref_slice %arg9[%add3A_377, %dma_start3A_382] : memref<64x33xf32, #tpu.memory_space<vmem>> -> memref<1x33xf32, #tpu.memory_space<vmem>>
      %dma_start3A_384 = arith.constant 0 : i32
      %dma_start3A_385 = tpu.memref_slice %arg4[%squeeze3A_373, %dma_start3A_384] : memref<100000x33xf32, #tpu.memory_space<hbm>> -> memref<1x33xf32, #tpu.memory_space<hbm>>
      tpu.enqueue_dma source(%dma_start3A_385 : memref<1x33xf32, #tpu.memory_space<hbm>>) target(%dma_start3A_383 : memref<1x33xf32, #tpu.memory_space<vmem>>) target_semaphore(%arg11 : memref<!tpu.dma_semaphore, #tpu.memory_space<semaphore_mem>>)
      %slice3A_386 = vector.extract_strided_slice %get3A_177 {offsets = [15], sizes = [1], strides = [1]} : vector<16xi32> to vector<1xi32>
      %squeeze3A_387 = vector.extract %slice3A_386[0] : i32 from vector<1xi32>
      %mul3A_388 = arith.constant 16 : i32
      %mul3A_389 = arith.muli %scan3A_172, %mul3A_388 : i32
      %add3A_390 = arith.constant 15 : i32
      %add3A_391 = arith.addi %mul3A_389, %add3A_390 : i32
      %dma_start3A_392 = arith.constant 0 : i32
      %dma_start3A_393 = tpu.memref_slice %arg9[%add3A_391, %dma_start3A_392] : memref<64x33xf32, #tpu.memory_space<vmem>> -> memref<1x33xf32, #tpu.memory_space<vmem>>
      %dma_start3A_394 = arith.constant 0 : i32
      %dma_start3A_395 = tpu.memref_slice %arg4[%squeeze3A_387, %dma_start3A_394] : memref<100000x33xf32, #tpu.memory_space<hbm>> -> memref<1x33xf32, #tpu.memory_space<hbm>>
      %dma_start3A_396 = arith.constant 0 : i32
      %dma_start3A_397 = tpu.memref_slice %arg9[%add3A_391, %dma_start3A_396] : memref<64x33xf32, #tpu.memory_space<vmem>> -> memref<1x33xf32, #tpu.memory_space<vmem>>
      %dma_start3A_398 = arith.constant 0 : i32
      %dma_start3A_399 = tpu.memref_slice %arg4[%squeeze3A_387, %dma_start3A_398] : memref<100000x33xf32, #tpu.memory_space<hbm>> -> memref<1x33xf32, #tpu.memory_space<hbm>>
      tpu.enqueue_dma source(%dma_start3A_399 : memref<1x33xf32, #tpu.memory_space<hbm>>) target(%dma_start3A_397 : memref<1x33xf32, #tpu.memory_space<vmem>>) target_semaphore(%arg11 : memref<!tpu.dma_semaphore, #tpu.memory_space<semaphore_mem>>)
    }
    %scan3A_75 = arith.constant 4 : i32
    %dma_wait3A_76 = arith.constant 0 : i32
    %dma_wait3A_77 = arith.constant 0 : i32
    %dma_wait3A_78 = tpu.memref_slice %arg4[%dma_wait3A_76, %dma_wait3A_77] : memref<100000x33xf32, #tpu.memory_space<hbm>> -> memref<64x33xf32, #tpu.memory_space<hbm>>
    %dma_wait3A_79 = arith.constant 0 : i32
    %dma_wait3A_80 = arith.constant 0 : i32
    %dma_wait3A_81 = tpu.memref_slice %arg4[%dma_wait3A_79, %dma_wait3A_80] : memref<100000x33xf32, #tpu.memory_space<hbm>> -> memref<64x33xf32, #tpu.memory_space<hbm>>
    tpu.wait_dma2 semaphore(%arg12 : memref<!tpu.dma_semaphore, #tpu.memory_space<semaphore_mem>>) src(%dma_wait3A_81 : memref<64x33xf32, #tpu.memory_space<hbm>>) dst(%arg10 : memref<64x33xf32, #tpu.memory_space<vmem>>)
    %scan3A_82 = arith.constant 0 : i32
    %scan3A_83 = arith.constant 2.000000e-01 : f32
    %scan3A_84 = arith.constant 3.000000e-01 : f32
    %scan3A_85 = arith.constant 5.000000e-01 : f32
    %scan3A_86 = arith.constant 0 : i32
    %scan3A_87 = arith.constant 4 : i32
    %scan3A_88 = arith.addi %scan3A_86, %scan3A_87 : i32
    %scan3A_89 = arith.constant 1 : i32
    scf.for %scan3A_172 = %scan3A_86 to %scan3A_88 step %scan3A_89  : i32 {
      %mul3A_173 = arith.constant 16 : i32
      %mul3A_174 = arith.muli %scan3A_172, %mul3A_173 : i32
      %add3A_175 = vector.broadcast %mul3A_174 : i32 to vector<16xi32>
      %add3A_176 = arith.addi %add3A_175, %iota3A : vector<16xi32>
      %mul3A_177 = arith.constant 16 : i32
      %mul3A_178 = arith.muli %scan3A_172, %mul3A_177 : i32
      %add3A_179 = arith.constant 192 : i32
      %add3A_180 = arith.addi %add3A_179, %mul3A_178 : i32
      %get3A = arith.index_cast %add3A_180 : i32 to index
      %get3A_181 = tpu.vector_load %arg7[%get3A] {strides = array<i32>} : memref<512xi32, #tpu.memory_space<vmem>>, vector<16xi32>,
      %gather3A = tpu.vector_load_idx %arg10[%add3A_176, %get3A_181] : memref<64x33xf32, #tpu.memory_space<vmem>>[vector<16xi32>, vector<16xi32>], vector<16xf32>,
      %add3A_182 = arith.constant 1 : i32
      %add3A_183 = vector.broadcast %add3A_182 : i32 to vector<16xi32>
      %add3A_184 = arith.addi %get3A_181, %add3A_183 : vector<16xi32>
      %gather3A_185 = tpu.vector_load_idx %arg10[%add3A_176, %add3A_184] : memref<64x33xf32, #tpu.memory_space<vmem>>[vector<16xi32>, vector<16xi32>], vector<16xf32>,
      %add3A_186 = arith.constant 2 : i32
      %add3A_187 = vector.broadcast %add3A_186 : i32 to vector<16xi32>
      %add3A_188 = arith.addi %get3A_181, %add3A_187 : vector<16xi32>
      %gather3A_189 = tpu.vector_load_idx %arg10[%add3A_176, %add3A_188] : memref<64x33xf32, #tpu.memory_space<vmem>>[vector<16xi32>, vector<16xi32>], vector<16xf32>,
      %mul3A_190 = vector.broadcast %scan3A_83 : f32 to vector<16xf32>
      %mul3A_191 = arith.mulf %mul3A_190, %gather3A : vector<16xf32>
      %mul3A_192 = vector.broadcast %scan3A_84 : f32 to vector<16xf32>
      %mul3A_193 = arith.mulf %mul3A_192, %gather3A_185 : vector<16xf32>
      %add3A_194 = arith.addf %mul3A_191, %mul3A_193 : vector<16xf32>
      %mul3A_195 = vector.broadcast %scan3A_85 : f32 to vector<16xf32>
      %mul3A_196 = arith.mulf %mul3A_195, %gather3A_189 : vector<16xf32>
      %add3A_197 = arith.addf %add3A_194, %mul3A_196 : vector<16xf32>
      %swap3A = arith.index_cast %add3A_180 : i32 to index
      %swap3A_198 = tpu.vector_load %arg8[%swap3A] {strides = array<i32>} : memref<512xf32, #tpu.memory_space<vmem>>, vector<16xf32>,
      tpu.vector_store %arg8[%swap3A], %add3A_197 {strides = array<i32>} : memref<512xf32, #tpu.memory_space<vmem>>, vector<16xf32>,
    }
    %scan3A_90 = arith.constant 4 : i32
    %scan3A_91 = arith.constant 0 : i32
    %scan3A_92 = arith.constant 0 : i32
    %scan3A_93 = arith.constant 4 : i32
    %scan3A_94 = arith.addi %scan3A_92, %scan3A_93 : i32
    %scan3A_95 = arith.constant 1 : i32
    scf.for %scan3A_172 = %scan3A_92 to %scan3A_94 step %scan3A_95  : i32 {
      %mul3A_173 = arith.constant 16 : i32
      %mul3A_174 = arith.muli %scan3A_172, %mul3A_173 : i32
      %add3A_175 = arith.constant 320 : i32
      %add3A_176 = arith.addi %add3A_175, %mul3A_174 : i32
      %get3A = arith.index_cast %add3A_176 : i32 to index
      %get3A_177 = tpu.vector_load %arg6[%get3A] {strides = array<i32>} : memref<512xi32, #tpu.memory_space<vmem>>, vector<16xi32>,
      %slice3A = vector.extract_strided_slice %get3A_177 {offsets = [0], sizes = [1], strides = [1]} : vector<16xi32> to vector<1xi32>
      %squeeze3A = vector.extract %slice3A[0] : i32 from vector<1xi32>
      %mul3A_178 = arith.constant 16 : i32
      %mul3A_179 = arith.muli %scan3A_172, %mul3A_178 : i32
      %add3A_180 = arith.constant 0 : i32
      %add3A_181 = arith.addi %mul3A_179, %add3A_180 : i32
      %dma_start3A_182 = arith.constant 0 : i32
      %dma_start3A_183 = tpu.memref_slice %arg10[%add3A_181, %dma_start3A_182] : memref<64x33xf32, #tpu.memory_space<vmem>> -> memref<1x33xf32, #tpu.memory_space<vmem>>
      %dma_start3A_184 = arith.constant 0 : i32
      %dma_start3A_185 = tpu.memref_slice %arg4[%squeeze3A, %dma_start3A_184] : memref<100000x33xf32, #tpu.memory_space<hbm>> -> memref<1x33xf32, #tpu.memory_space<hbm>>
      %dma_start3A_186 = arith.constant 0 : i32
      %dma_start3A_187 = tpu.memref_slice %arg10[%add3A_181, %dma_start3A_186] : memref<64x33xf32, #tpu.memory_space<vmem>> -> memref<1x33xf32, #tpu.memory_space<vmem>>
      %dma_start3A_188 = arith.constant 0 : i32
      %dma_start3A_189 = tpu.memref_slice %arg4[%squeeze3A, %dma_start3A_188] : memref<100000x33xf32, #tpu.memory_space<hbm>> -> memref<1x33xf32, #tpu.memory_space<hbm>>
      tpu.enqueue_dma source(%dma_start3A_189 : memref<1x33xf32, #tpu.memory_space<hbm>>) target(%dma_start3A_187 : memref<1x33xf32, #tpu.memory_space<vmem>>) target_semaphore(%arg12 : memref<!tpu.dma_semaphore, #tpu.memory_space<semaphore_mem>>)
      %slice3A_190 = vector.extract_strided_slice %get3A_177 {offsets = [1], sizes = [1], strides = [1]} : vector<16xi32> to vector<1xi32>
      %squeeze3A_191 = vector.extract %slice3A_190[0] : i32 from vector<1xi32>
      %mul3A_192 = arith.constant 16 : i32
      %mul3A_193 = arith.muli %scan3A_172, %mul3A_192 : i32
      %add3A_194 = arith.constant 1 : i32
      %add3A_195 = arith.addi %mul3A_193, %add3A_194 : i32
      %dma_start3A_196 = arith.constant 0 : i32
      %dma_start3A_197 = tpu.memref_slice %arg10[%add3A_195, %dma_start3A_196] : memref<64x33xf32, #tpu.memory_space<vmem>> -> memref<1x33xf32, #tpu.memory_space<vmem>>
      %dma_start3A_198 = arith.constant 0 : i32
      %dma_start3A_199 = tpu.memref_slice %arg4[%squeeze3A_191, %dma_start3A_198] : memref<100000x33xf32, #tpu.memory_space<hbm>> -> memref<1x33xf32, #tpu.memory_space<hbm>>
      %dma_start3A_200 = arith.constant 0 : i32
      %dma_start3A_201 = tpu.memref_slice %arg10[%add3A_195, %dma_start3A_200] : memref<64x33xf32, #tpu.memory_space<vmem>> -> memref<1x33xf32, #tpu.memory_space<vmem>>
      %dma_start3A_202 = arith.constant 0 : i32
      %dma_start3A_203 = tpu.memref_slice %arg4[%squeeze3A_191, %dma_start3A_202] : memref<100000x33xf32, #tpu.memory_space<hbm>> -> memref<1x33xf32, #tpu.memory_space<hbm>>
      tpu.enqueue_dma source(%dma_start3A_203 : memref<1x33xf32, #tpu.memory_space<hbm>>) target(%dma_start3A_201 : memref<1x33xf32, #tpu.memory_space<vmem>>) target_semaphore(%arg12 : memref<!tpu.dma_semaphore, #tpu.memory_space<semaphore_mem>>)
      %slice3A_204 = vector.extract_strided_slice %get3A_177 {offsets = [2], sizes = [1], strides = [1]} : vector<16xi32> to vector<1xi32>
      %squeeze3A_205 = vector.extract %slice3A_204[0] : i32 from vector<1xi32>
      %mul3A_206 = arith.constant 16 : i32
      %mul3A_207 = arith.muli %scan3A_172, %mul3A_206 : i32
      %add3A_208 = arith.constant 2 : i32
      %add3A_209 = arith.addi %mul3A_207, %add3A_208 : i32
      %dma_start3A_210 = arith.constant 0 : i32
      %dma_start3A_211 = tpu.memref_slice %arg10[%add3A_209, %dma_start3A_210] : memref<64x33xf32, #tpu.memory_space<vmem>> -> memref<1x33xf32, #tpu.memory_space<vmem>>
      %dma_start3A_212 = arith.constant 0 : i32
      %dma_start3A_213 = tpu.memref_slice %arg4[%squeeze3A_205, %dma_start3A_212] : memref<100000x33xf32, #tpu.memory_space<hbm>> -> memref<1x33xf32, #tpu.memory_space<hbm>>
      %dma_start3A_214 = arith.constant 0 : i32
      %dma_start3A_215 = tpu.memref_slice %arg10[%add3A_209, %dma_start3A_214] : memref<64x33xf32, #tpu.memory_space<vmem>> -> memref<1x33xf32, #tpu.memory_space<vmem>>
      %dma_start3A_216 = arith.constant 0 : i32
      %dma_start3A_217 = tpu.memref_slice %arg4[%squeeze3A_205, %dma_start3A_216] : memref<100000x33xf32, #tpu.memory_space<hbm>> -> memref<1x33xf32, #tpu.memory_space<hbm>>
      tpu.enqueue_dma source(%dma_start3A_217 : memref<1x33xf32, #tpu.memory_space<hbm>>) target(%dma_start3A_215 : memref<1x33xf32, #tpu.memory_space<vmem>>) target_semaphore(%arg12 : memref<!tpu.dma_semaphore, #tpu.memory_space<semaphore_mem>>)
      %slice3A_218 = vector.extract_strided_slice %get3A_177 {offsets = [3], sizes = [1], strides = [1]} : vector<16xi32> to vector<1xi32>
      %squeeze3A_219 = vector.extract %slice3A_218[0] : i32 from vector<1xi32>
      %mul3A_220 = arith.constant 16 : i32
      %mul3A_221 = arith.muli %scan3A_172, %mul3A_220 : i32
      %add3A_222 = arith.constant 3 : i32
      %add3A_223 = arith.addi %mul3A_221, %add3A_222 : i32
      %dma_start3A_224 = arith.constant 0 : i32
      %dma_start3A_225 = tpu.memref_slice %arg10[%add3A_223, %dma_start3A_224] : memref<64x33xf32, #tpu.memory_space<vmem>> -> memref<1x33xf32, #tpu.memory_space<vmem>>
      %dma_start3A_226 = arith.constant 0 : i32
      %dma_start3A_227 = tpu.memref_slice %arg4[%squeeze3A_219, %dma_start3A_226] : memref<100000x33xf32, #tpu.memory_space<hbm>> -> memref<1x33xf32, #tpu.memory_space<hbm>>
      %dma_start3A_228 = arith.constant 0 : i32
      %dma_start3A_229 = tpu.memref_slice %arg10[%add3A_223, %dma_start3A_228] : memref<64x33xf32, #tpu.memory_space<vmem>> -> memref<1x33xf32, #tpu.memory_space<vmem>>
      %dma_start3A_230 = arith.constant 0 : i32
      %dma_start3A_231 = tpu.memref_slice %arg4[%squeeze3A_219, %dma_start3A_230] : memref<100000x33xf32, #tpu.memory_space<hbm>> -> memref<1x33xf32, #tpu.memory_space<hbm>>
      tpu.enqueue_dma source(%dma_start3A_231 : memref<1x33xf32, #tpu.memory_space<hbm>>) target(%dma_start3A_229 : memref<1x33xf32, #tpu.memory_space<vmem>>) target_semaphore(%arg12 : memref<!tpu.dma_semaphore, #tpu.memory_space<semaphore_mem>>)
      %slice3A_232 = vector.extract_strided_slice %get3A_177 {offsets = [4], sizes = [1], strides = [1]} : vector<16xi32> to vector<1xi32>
      %squeeze3A_233 = vector.extract %slice3A_232[0] : i32 from vector<1xi32>
      %mul3A_234 = arith.constant 16 : i32
      %mul3A_235 = arith.muli %scan3A_172, %mul3A_234 : i32
      %add3A_236 = arith.constant 4 : i32
      %add3A_237 = arith.addi %mul3A_235, %add3A_236 : i32
      %dma_start3A_238 = arith.constant 0 : i32
      %dma_start3A_239 = tpu.memref_slice %arg10[%add3A_237, %dma_start3A_238] : memref<64x33xf32, #tpu.memory_space<vmem>> -> memref<1x33xf32, #tpu.memory_space<vmem>>
      %dma_start3A_240 = arith.constant 0 : i32
      %dma_start3A_241 = tpu.memref_slice %arg4[%squeeze3A_233, %dma_start3A_240] : memref<100000x33xf32, #tpu.memory_space<hbm>> -> memref<1x33xf32, #tpu.memory_space<hbm>>
      %dma_start3A_242 = arith.constant 0 : i32
      %dma_start3A_243 = tpu.memref_slice %arg10[%add3A_237, %dma_start3A_242] : memref<64x33xf32, #tpu.memory_space<vmem>> -> memref<1x33xf32, #tpu.memory_space<vmem>>
      %dma_start3A_244 = arith.constant 0 : i32
      %dma_start3A_245 = tpu.memref_slice %arg4[%squeeze3A_233, %dma_start3A_244] : memref<100000x33xf32, #tpu.memory_space<hbm>> -> memref<1x33xf32, #tpu.memory_space<hbm>>
      tpu.enqueue_dma source(%dma_start3A_245 : memref<1x33xf32, #tpu.memory_space<hbm>>) target(%dma_start3A_243 : memref<1x33xf32, #tpu.memory_space<vmem>>) target_semaphore(%arg12 : memref<!tpu.dma_semaphore, #tpu.memory_space<semaphore_mem>>)
      %slice3A_246 = vector.extract_strided_slice %get3A_177 {offsets = [5], sizes = [1], strides = [1]} : vector<16xi32> to vector<1xi32>
      %squeeze3A_247 = vector.extract %slice3A_246[0] : i32 from vector<1xi32>
      %mul3A_248 = arith.constant 16 : i32
      %mul3A_249 = arith.muli %scan3A_172, %mul3A_248 : i32
      %add3A_250 = arith.constant 5 : i32
      %add3A_251 = arith.addi %mul3A_249, %add3A_250 : i32
      %dma_start3A_252 = arith.constant 0 : i32
      %dma_start3A_253 = tpu.memref_slice %arg10[%add3A_251, %dma_start3A_252] : memref<64x33xf32, #tpu.memory_space<vmem>> -> memref<1x33xf32, #tpu.memory_space<vmem>>
      %dma_start3A_254 = arith.constant 0 : i32
      %dma_start3A_255 = tpu.memref_slice %arg4[%squeeze3A_247, %dma_start3A_254] : memref<100000x33xf32, #tpu.memory_space<hbm>> -> memref<1x33xf32, #tpu.memory_space<hbm>>
      %dma_start3A_256 = arith.constant 0 : i32
      %dma_start3A_257 = tpu.memref_slice %arg10[%add3A_251, %dma_start3A_256] : memref<64x33xf32, #tpu.memory_space<vmem>> -> memref<1x33xf32, #tpu.memory_space<vmem>>
      %dma_start3A_258 = arith.constant 0 : i32
      %dma_start3A_259 = tpu.memref_slice %arg4[%squeeze3A_247, %dma_start3A_258] : memref<100000x33xf32, #tpu.memory_space<hbm>> -> memref<1x33xf32, #tpu.memory_space<hbm>>
      tpu.enqueue_dma source(%dma_start3A_259 : memref<1x33xf32, #tpu.memory_space<hbm>>) target(%dma_start3A_257 : memref<1x33xf32, #tpu.memory_space<vmem>>) target_semaphore(%arg12 : memref<!tpu.dma_semaphore, #tpu.memory_space<semaphore_mem>>)
      %slice3A_260 = vector.extract_strided_slice %get3A_177 {offsets = [6], sizes = [1], strides = [1]} : vector<16xi32> to vector<1xi32>
      %squeeze3A_261 = vector.extract %slice3A_260[0] : i32 from vector<1xi32>
      %mul3A_262 = arith.constant 16 : i32
      %mul3A_263 = arith.muli %scan3A_172, %mul3A_262 : i32
      %add3A_264 = arith.constant 6 : i32
      %add3A_265 = arith.addi %mul3A_263, %add3A_264 : i32
      %dma_start3A_266 = arith.constant 0 : i32
      %dma_start3A_267 = tpu.memref_slice %arg10[%add3A_265, %dma_start3A_266] : memref<64x33xf32, #tpu.memory_space<vmem>> -> memref<1x33xf32, #tpu.memory_space<vmem>>
      %dma_start3A_268 = arith.constant 0 : i32
      %dma_start3A_269 = tpu.memref_slice %arg4[%squeeze3A_261, %dma_start3A_268] : memref<100000x33xf32, #tpu.memory_space<hbm>> -> memref<1x33xf32, #tpu.memory_space<hbm>>
      %dma_start3A_270 = arith.constant 0 : i32
      %dma_start3A_271 = tpu.memref_slice %arg10[%add3A_265, %dma_start3A_270] : memref<64x33xf32, #tpu.memory_space<vmem>> -> memref<1x33xf32, #tpu.memory_space<vmem>>
      %dma_start3A_272 = arith.constant 0 : i32
      %dma_start3A_273 = tpu.memref_slice %arg4[%squeeze3A_261, %dma_start3A_272] : memref<100000x33xf32, #tpu.memory_space<hbm>> -> memref<1x33xf32, #tpu.memory_space<hbm>>
      tpu.enqueue_dma source(%dma_start3A_273 : memref<1x33xf32, #tpu.memory_space<hbm>>) target(%dma_start3A_271 : memref<1x33xf32, #tpu.memory_space<vmem>>) target_semaphore(%arg12 : memref<!tpu.dma_semaphore, #tpu.memory_space<semaphore_mem>>)
      %slice3A_274 = vector.extract_strided_slice %get3A_177 {offsets = [7], sizes = [1], strides = [1]} : vector<16xi32> to vector<1xi32>
      %squeeze3A_275 = vector.extract %slice3A_274[0] : i32 from vector<1xi32>
      %mul3A_276 = arith.constant 16 : i32
      %mul3A_277 = arith.muli %scan3A_172, %mul3A_276 : i32
      %add3A_278 = arith.constant 7 : i32
      %add3A_279 = arith.addi %mul3A_277, %add3A_278 : i32
      %dma_start3A_280 = arith.constant 0 : i32
      %dma_start3A_281 = tpu.memref_slice %arg10[%add3A_279, %dma_start3A_280] : memref<64x33xf32, #tpu.memory_space<vmem>> -> memref<1x33xf32, #tpu.memory_space<vmem>>
      %dma_start3A_282 = arith.constant 0 : i32
      %dma_start3A_283 = tpu.memref_slice %arg4[%squeeze3A_275, %dma_start3A_282] : memref<100000x33xf32, #tpu.memory_space<hbm>> -> memref<1x33xf32, #tpu.memory_space<hbm>>
      %dma_start3A_284 = arith.constant 0 : i32
      %dma_start3A_285 = tpu.memref_slice %arg10[%add3A_279, %dma_start3A_284] : memref<64x33xf32, #tpu.memory_space<vmem>> -> memref<1x33xf32, #tpu.memory_space<vmem>>
      %dma_start3A_286 = arith.constant 0 : i32
      %dma_start3A_287 = tpu.memref_slice %arg4[%squeeze3A_275, %dma_start3A_286] : memref<100000x33xf32, #tpu.memory_space<hbm>> -> memref<1x33xf32, #tpu.memory_space<hbm>>
      tpu.enqueue_dma source(%dma_start3A_287 : memref<1x33xf32, #tpu.memory_space<hbm>>) target(%dma_start3A_285 : memref<1x33xf32, #tpu.memory_space<vmem>>) target_semaphore(%arg12 : memref<!tpu.dma_semaphore, #tpu.memory_space<semaphore_mem>>)
      %slice3A_288 = vector.extract_strided_slice %get3A_177 {offsets = [8], sizes = [1], strides = [1]} : vector<16xi32> to vector<1xi32>
      %squeeze3A_289 = vector.extract %slice3A_288[0] : i32 from vector<1xi32>
      %mul3A_290 = arith.constant 16 : i32
      %mul3A_291 = arith.muli %scan3A_172, %mul3A_290 : i32
      %add3A_292 = arith.constant 8 : i32
      %add3A_293 = arith.addi %mul3A_291, %add3A_292 : i32
      %dma_start3A_294 = arith.constant 0 : i32
      %dma_start3A_295 = tpu.memref_slice %arg10[%add3A_293, %dma_start3A_294] : memref<64x33xf32, #tpu.memory_space<vmem>> -> memref<1x33xf32, #tpu.memory_space<vmem>>
      %dma_start3A_296 = arith.constant 0 : i32
      %dma_start3A_297 = tpu.memref_slice %arg4[%squeeze3A_289, %dma_start3A_296] : memref<100000x33xf32, #tpu.memory_space<hbm>> -> memref<1x33xf32, #tpu.memory_space<hbm>>
      %dma_start3A_298 = arith.constant 0 : i32
      %dma_start3A_299 = tpu.memref_slice %arg10[%add3A_293, %dma_start3A_298] : memref<64x33xf32, #tpu.memory_space<vmem>> -> memref<1x33xf32, #tpu.memory_space<vmem>>
      %dma_start3A_300 = arith.constant 0 : i32
      %dma_start3A_301 = tpu.memref_slice %arg4[%squeeze3A_289, %dma_start3A_300] : memref<100000x33xf32, #tpu.memory_space<hbm>> -> memref<1x33xf32, #tpu.memory_space<hbm>>
      tpu.enqueue_dma source(%dma_start3A_301 : memref<1x33xf32, #tpu.memory_space<hbm>>) target(%dma_start3A_299 : memref<1x33xf32, #tpu.memory_space<vmem>>) target_semaphore(%arg12 : memref<!tpu.dma_semaphore, #tpu.memory_space<semaphore_mem>>)
      %slice3A_302 = vector.extract_strided_slice %get3A_177 {offsets = [9], sizes = [1], strides = [1]} : vector<16xi32> to vector<1xi32>
      %squeeze3A_303 = vector.extract %slice3A_302[0] : i32 from vector<1xi32>
      %mul3A_304 = arith.constant 16 : i32
      %mul3A_305 = arith.muli %scan3A_172, %mul3A_304 : i32
      %add3A_306 = arith.constant 9 : i32
      %add3A_307 = arith.addi %mul3A_305, %add3A_306 : i32
      %dma_start3A_308 = arith.constant 0 : i32
      %dma_start3A_309 = tpu.memref_slice %arg10[%add3A_307, %dma_start3A_308] : memref<64x33xf32, #tpu.memory_space<vmem>> -> memref<1x33xf32, #tpu.memory_space<vmem>>
      %dma_start3A_310 = arith.constant 0 : i32
      %dma_start3A_311 = tpu.memref_slice %arg4[%squeeze3A_303, %dma_start3A_310] : memref<100000x33xf32, #tpu.memory_space<hbm>> -> memref<1x33xf32, #tpu.memory_space<hbm>>
      %dma_start3A_312 = arith.constant 0 : i32
      %dma_start3A_313 = tpu.memref_slice %arg10[%add3A_307, %dma_start3A_312] : memref<64x33xf32, #tpu.memory_space<vmem>> -> memref<1x33xf32, #tpu.memory_space<vmem>>
      %dma_start3A_314 = arith.constant 0 : i32
      %dma_start3A_315 = tpu.memref_slice %arg4[%squeeze3A_303, %dma_start3A_314] : memref<100000x33xf32, #tpu.memory_space<hbm>> -> memref<1x33xf32, #tpu.memory_space<hbm>>
      tpu.enqueue_dma source(%dma_start3A_315 : memref<1x33xf32, #tpu.memory_space<hbm>>) target(%dma_start3A_313 : memref<1x33xf32, #tpu.memory_space<vmem>>) target_semaphore(%arg12 : memref<!tpu.dma_semaphore, #tpu.memory_space<semaphore_mem>>)
      %slice3A_316 = vector.extract_strided_slice %get3A_177 {offsets = [10], sizes = [1], strides = [1]} : vector<16xi32> to vector<1xi32>
      %squeeze3A_317 = vector.extract %slice3A_316[0] : i32 from vector<1xi32>
      %mul3A_318 = arith.constant 16 : i32
      %mul3A_319 = arith.muli %scan3A_172, %mul3A_318 : i32
      %add3A_320 = arith.constant 10 : i32
      %add3A_321 = arith.addi %mul3A_319, %add3A_320 : i32
      %dma_start3A_322 = arith.constant 0 : i32
      %dma_start3A_323 = tpu.memref_slice %arg10[%add3A_321, %dma_start3A_322] : memref<64x33xf32, #tpu.memory_space<vmem>> -> memref<1x33xf32, #tpu.memory_space<vmem>>
      %dma_start3A_324 = arith.constant 0 : i32
      %dma_start3A_325 = tpu.memref_slice %arg4[%squeeze3A_317, %dma_start3A_324] : memref<100000x33xf32, #tpu.memory_space<hbm>> -> memref<1x33xf32, #tpu.memory_space<hbm>>
      %dma_start3A_326 = arith.constant 0 : i32
      %dma_start3A_327 = tpu.memref_slice %arg10[%add3A_321, %dma_start3A_326] : memref<64x33xf32, #tpu.memory_space<vmem>> -> memref<1x33xf32, #tpu.memory_space<vmem>>
      %dma_start3A_328 = arith.constant 0 : i32
      %dma_start3A_329 = tpu.memref_slice %arg4[%squeeze3A_317, %dma_start3A_328] : memref<100000x33xf32, #tpu.memory_space<hbm>> -> memref<1x33xf32, #tpu.memory_space<hbm>>
      tpu.enqueue_dma source(%dma_start3A_329 : memref<1x33xf32, #tpu.memory_space<hbm>>) target(%dma_start3A_327 : memref<1x33xf32, #tpu.memory_space<vmem>>) target_semaphore(%arg12 : memref<!tpu.dma_semaphore, #tpu.memory_space<semaphore_mem>>)
      %slice3A_330 = vector.extract_strided_slice %get3A_177 {offsets = [11], sizes = [1], strides = [1]} : vector<16xi32> to vector<1xi32>
      %squeeze3A_331 = vector.extract %slice3A_330[0] : i32 from vector<1xi32>
      %mul3A_332 = arith.constant 16 : i32
      %mul3A_333 = arith.muli %scan3A_172, %mul3A_332 : i32
      %add3A_334 = arith.constant 11 : i32
      %add3A_335 = arith.addi %mul3A_333, %add3A_334 : i32
      %dma_start3A_336 = arith.constant 0 : i32
      %dma_start3A_337 = tpu.memref_slice %arg10[%add3A_335, %dma_start3A_336] : memref<64x33xf32, #tpu.memory_space<vmem>> -> memref<1x33xf32, #tpu.memory_space<vmem>>
      %dma_start3A_338 = arith.constant 0 : i32
      %dma_start3A_339 = tpu.memref_slice %arg4[%squeeze3A_331, %dma_start3A_338] : memref<100000x33xf32, #tpu.memory_space<hbm>> -> memref<1x33xf32, #tpu.memory_space<hbm>>
      %dma_start3A_340 = arith.constant 0 : i32
      %dma_start3A_341 = tpu.memref_slice %arg10[%add3A_335, %dma_start3A_340] : memref<64x33xf32, #tpu.memory_space<vmem>> -> memref<1x33xf32, #tpu.memory_space<vmem>>
      %dma_start3A_342 = arith.constant 0 : i32
      %dma_start3A_343 = tpu.memref_slice %arg4[%squeeze3A_331, %dma_start3A_342] : memref<100000x33xf32, #tpu.memory_space<hbm>> -> memref<1x33xf32, #tpu.memory_space<hbm>>
      tpu.enqueue_dma source(%dma_start3A_343 : memref<1x33xf32, #tpu.memory_space<hbm>>) target(%dma_start3A_341 : memref<1x33xf32, #tpu.memory_space<vmem>>) target_semaphore(%arg12 : memref<!tpu.dma_semaphore, #tpu.memory_space<semaphore_mem>>)
      %slice3A_344 = vector.extract_strided_slice %get3A_177 {offsets = [12], sizes = [1], strides = [1]} : vector<16xi32> to vector<1xi32>
      %squeeze3A_345 = vector.extract %slice3A_344[0] : i32 from vector<1xi32>
      %mul3A_346 = arith.constant 16 : i32
      %mul3A_347 = arith.muli %scan3A_172, %mul3A_346 : i32
      %add3A_348 = arith.constant 12 : i32
      %add3A_349 = arith.addi %mul3A_347, %add3A_348 : i32
      %dma_start3A_350 = arith.constant 0 : i32
      %dma_start3A_351 = tpu.memref_slice %arg10[%add3A_349, %dma_start3A_350] : memref<64x33xf32, #tpu.memory_space<vmem>> -> memref<1x33xf32, #tpu.memory_space<vmem>>
      %dma_start3A_352 = arith.constant 0 : i32
      %dma_start3A_353 = tpu.memref_slice %arg4[%squeeze3A_345, %dma_start3A_352] : memref<100000x33xf32, #tpu.memory_space<hbm>> -> memref<1x33xf32, #tpu.memory_space<hbm>>
      %dma_start3A_354 = arith.constant 0 : i32
      %dma_start3A_355 = tpu.memref_slice %arg10[%add3A_349, %dma_start3A_354] : memref<64x33xf32, #tpu.memory_space<vmem>> -> memref<1x33xf32, #tpu.memory_space<vmem>>
      %dma_start3A_356 = arith.constant 0 : i32
      %dma_start3A_357 = tpu.memref_slice %arg4[%squeeze3A_345, %dma_start3A_356] : memref<100000x33xf32, #tpu.memory_space<hbm>> -> memref<1x33xf32, #tpu.memory_space<hbm>>
      tpu.enqueue_dma source(%dma_start3A_357 : memref<1x33xf32, #tpu.memory_space<hbm>>) target(%dma_start3A_355 : memref<1x33xf32, #tpu.memory_space<vmem>>) target_semaphore(%arg12 : memref<!tpu.dma_semaphore, #tpu.memory_space<semaphore_mem>>)
      %slice3A_358 = vector.extract_strided_slice %get3A_177 {offsets = [13], sizes = [1], strides = [1]} : vector<16xi32> to vector<1xi32>
      %squeeze3A_359 = vector.extract %slice3A_358[0] : i32 from vector<1xi32>
      %mul3A_360 = arith.constant 16 : i32
      %mul3A_361 = arith.muli %scan3A_172, %mul3A_360 : i32
      %add3A_362 = arith.constant 13 : i32
      %add3A_363 = arith.addi %mul3A_361, %add3A_362 : i32
      %dma_start3A_364 = arith.constant 0 : i32
      %dma_start3A_365 = tpu.memref_slice %arg10[%add3A_363, %dma_start3A_364] : memref<64x33xf32, #tpu.memory_space<vmem>> -> memref<1x33xf32, #tpu.memory_space<vmem>>
      %dma_start3A_366 = arith.constant 0 : i32
      %dma_start3A_367 = tpu.memref_slice %arg4[%squeeze3A_359, %dma_start3A_366] : memref<100000x33xf32, #tpu.memory_space<hbm>> -> memref<1x33xf32, #tpu.memory_space<hbm>>
      %dma_start3A_368 = arith.constant 0 : i32
      %dma_start3A_369 = tpu.memref_slice %arg10[%add3A_363, %dma_start3A_368] : memref<64x33xf32, #tpu.memory_space<vmem>> -> memref<1x33xf32, #tpu.memory_space<vmem>>
      %dma_start3A_370 = arith.constant 0 : i32
      %dma_start3A_371 = tpu.memref_slice %arg4[%squeeze3A_359, %dma_start3A_370] : memref<100000x33xf32, #tpu.memory_space<hbm>> -> memref<1x33xf32, #tpu.memory_space<hbm>>
      tpu.enqueue_dma source(%dma_start3A_371 : memref<1x33xf32, #tpu.memory_space<hbm>>) target(%dma_start3A_369 : memref<1x33xf32, #tpu.memory_space<vmem>>) target_semaphore(%arg12 : memref<!tpu.dma_semaphore, #tpu.memory_space<semaphore_mem>>)
      %slice3A_372 = vector.extract_strided_slice %get3A_177 {offsets = [14], sizes = [1], strides = [1]} : vector<16xi32> to vector<1xi32>
      %squeeze3A_373 = vector.extract %slice3A_372[0] : i32 from vector<1xi32>
      %mul3A_374 = arith.constant 16 : i32
      %mul3A_375 = arith.muli %scan3A_172, %mul3A_374 : i32
      %add3A_376 = arith.constant 14 : i32
      %add3A_377 = arith.addi %mul3A_375, %add3A_376 : i32
      %dma_start3A_378 = arith.constant 0 : i32
      %dma_start3A_379 = tpu.memref_slice %arg10[%add3A_377, %dma_start3A_378] : memref<64x33xf32, #tpu.memory_space<vmem>> -> memref<1x33xf32, #tpu.memory_space<vmem>>
      %dma_start3A_380 = arith.constant 0 : i32
      %dma_start3A_381 = tpu.memref_slice %arg4[%squeeze3A_373, %dma_start3A_380] : memref<100000x33xf32, #tpu.memory_space<hbm>> -> memref<1x33xf32, #tpu.memory_space<hbm>>
      %dma_start3A_382 = arith.constant 0 : i32
      %dma_start3A_383 = tpu.memref_slice %arg10[%add3A_377, %dma_start3A_382] : memref<64x33xf32, #tpu.memory_space<vmem>> -> memref<1x33xf32, #tpu.memory_space<vmem>>
      %dma_start3A_384 = arith.constant 0 : i32
      %dma_start3A_385 = tpu.memref_slice %arg4[%squeeze3A_373, %dma_start3A_384] : memref<100000x33xf32, #tpu.memory_space<hbm>> -> memref<1x33xf32, #tpu.memory_space<hbm>>
      tpu.enqueue_dma source(%dma_start3A_385 : memref<1x33xf32, #tpu.memory_space<hbm>>) target(%dma_start3A_383 : memref<1x33xf32, #tpu.memory_space<vmem>>) target_semaphore(%arg12 : memref<!tpu.dma_semaphore, #tpu.memory_space<semaphore_mem>>)
      %slice3A_386 = vector.extract_strided_slice %get3A_177 {offsets = [15], sizes = [1], strides = [1]} : vector<16xi32> to vector<1xi32>
      %squeeze3A_387 = vector.extract %slice3A_386[0] : i32 from vector<1xi32>
      %mul3A_388 = arith.constant 16 : i32
      %mul3A_389 = arith.muli %scan3A_172, %mul3A_388 : i32
      %add3A_390 = arith.constant 15 : i32
      %add3A_391 = arith.addi %mul3A_389, %add3A_390 : i32
      %dma_start3A_392 = arith.constant 0 : i32
      %dma_start3A_393 = tpu.memref_slice %arg10[%add3A_391, %dma_start3A_392] : memref<64x33xf32, #tpu.memory_space<vmem>> -> memref<1x33xf32, #tpu.memory_space<vmem>>
      %dma_start3A_394 = arith.constant 0 : i32
      %dma_start3A_395 = tpu.memref_slice %arg4[%squeeze3A_387, %dma_start3A_394] : memref<100000x33xf32, #tpu.memory_space<hbm>> -> memref<1x33xf32, #tpu.memory_space<hbm>>
      %dma_start3A_396 = arith.constant 0 : i32
      %dma_start3A_397 = tpu.memref_slice %arg10[%add3A_391, %dma_start3A_396] : memref<64x33xf32, #tpu.memory_space<vmem>> -> memref<1x33xf32, #tpu.memory_space<vmem>>
      %dma_start3A_398 = arith.constant 0 : i32
      %dma_start3A_399 = tpu.memref_slice %arg4[%squeeze3A_387, %dma_start3A_398] : memref<100000x33xf32, #tpu.memory_space<hbm>> -> memref<1x33xf32, #tpu.memory_space<hbm>>
      tpu.enqueue_dma source(%dma_start3A_399 : memref<1x33xf32, #tpu.memory_space<hbm>>) target(%dma_start3A_397 : memref<1x33xf32, #tpu.memory_space<vmem>>) target_semaphore(%arg12 : memref<!tpu.dma_semaphore, #tpu.memory_space<semaphore_mem>>)
    }
    %scan3A_96 = arith.constant 4 : i32
    %dma_wait3A_97 = arith.constant 0 : i32
    %dma_wait3A_98 = arith.constant 0 : i32
    %dma_wait3A_99 = tpu.memref_slice %arg4[%dma_wait3A_97, %dma_wait3A_98] : memref<100000x33xf32, #tpu.memory_space<hbm>> -> memref<64x33xf32, #tpu.memory_space<hbm>>
    %dma_wait3A_100 = arith.constant 0 : i32
    %dma_wait3A_101 = arith.constant 0 : i32
    %dma_wait3A_102 = tpu.memref_slice %arg4[%dma_wait3A_100, %dma_wait3A_101] : memref<100000x33xf32, #tpu.memory_space<hbm>> -> memref<64x33xf32, #tpu.memory_space<hbm>>
    tpu.wait_dma2 semaphore(%arg11 : memref<!tpu.dma_semaphore, #tpu.memory_space<semaphore_mem>>) src(%dma_wait3A_102 : memref<64x33xf32, #tpu.memory_space<hbm>>) dst(%arg9 : memref<64x33xf32, #tpu.memory_space<vmem>>)
    %scan3A_103 = arith.constant 0 : i32
    %scan3A_104 = arith.constant 2.000000e-01 : f32
    %scan3A_105 = arith.constant 3.000000e-01 : f32
    %scan3A_106 = arith.constant 5.000000e-01 : f32
    %scan3A_107 = arith.constant 0 : i32
    %scan3A_108 = arith.constant 4 : i32
    %scan3A_109 = arith.addi %scan3A_107, %scan3A_108 : i32
    %scan3A_110 = arith.constant 1 : i32
    scf.for %scan3A_172 = %scan3A_107 to %scan3A_109 step %scan3A_110  : i32 {
      %mul3A_173 = arith.constant 16 : i32
      %mul3A_174 = arith.muli %scan3A_172, %mul3A_173 : i32
      %add3A_175 = vector.broadcast %mul3A_174 : i32 to vector<16xi32>
      %add3A_176 = arith.addi %add3A_175, %iota3A : vector<16xi32>
      %mul3A_177 = arith.constant 16 : i32
      %mul3A_178 = arith.muli %scan3A_172, %mul3A_177 : i32
      %add3A_179 = arith.constant 256 : i32
      %add3A_180 = arith.addi %add3A_179, %mul3A_178 : i32
      %get3A = arith.index_cast %add3A_180 : i32 to index
      %get3A_181 = tpu.vector_load %arg7[%get3A] {strides = array<i32>} : memref<512xi32, #tpu.memory_space<vmem>>, vector<16xi32>,
      %gather3A = tpu.vector_load_idx %arg9[%add3A_176, %get3A_181] : memref<64x33xf32, #tpu.memory_space<vmem>>[vector<16xi32>, vector<16xi32>], vector<16xf32>,
      %add3A_182 = arith.constant 1 : i32
      %add3A_183 = vector.broadcast %add3A_182 : i32 to vector<16xi32>
      %add3A_184 = arith.addi %get3A_181, %add3A_183 : vector<16xi32>
      %gather3A_185 = tpu.vector_load_idx %arg9[%add3A_176, %add3A_184] : memref<64x33xf32, #tpu.memory_space<vmem>>[vector<16xi32>, vector<16xi32>], vector<16xf32>,
      %add3A_186 = arith.constant 2 : i32
      %add3A_187 = vector.broadcast %add3A_186 : i32 to vector<16xi32>
      %add3A_188 = arith.addi %get3A_181, %add3A_187 : vector<16xi32>
      %gather3A_189 = tpu.vector_load_idx %arg9[%add3A_176, %add3A_188] : memref<64x33xf32, #tpu.memory_space<vmem>>[vector<16xi32>, vector<16xi32>], vector<16xf32>,
      %mul3A_190 = vector.broadcast %scan3A_104 : f32 to vector<16xf32>
      %mul3A_191 = arith.mulf %mul3A_190, %gather3A : vector<16xf32>
      %mul3A_192 = vector.broadcast %scan3A_105 : f32 to vector<16xf32>
      %mul3A_193 = arith.mulf %mul3A_192, %gather3A_185 : vector<16xf32>
      %add3A_194 = arith.addf %mul3A_191, %mul3A_193 : vector<16xf32>
      %mul3A_195 = vector.broadcast %scan3A_106 : f32 to vector<16xf32>
      %mul3A_196 = arith.mulf %mul3A_195, %gather3A_189 : vector<16xf32>
      %add3A_197 = arith.addf %add3A_194, %mul3A_196 : vector<16xf32>
      %swap3A = arith.index_cast %add3A_180 : i32 to index
      %swap3A_198 = tpu.vector_load %arg8[%swap3A] {strides = array<i32>} : memref<512xf32, #tpu.memory_space<vmem>>, vector<16xf32>,
      tpu.vector_store %arg8[%swap3A], %add3A_197 {strides = array<i32>} : memref<512xf32, #tpu.memory_space<vmem>>, vector<16xf32>,
    }
    %scan3A_111 = arith.constant 4 : i32
    %scan3A_112 = arith.constant 0 : i32
    %scan3A_113 = arith.constant 0 : i32
    %scan3A_114 = arith.constant 4 : i32
    %scan3A_115 = arith.addi %scan3A_113, %scan3A_114 : i32
    %scan3A_116 = arith.constant 1 : i32
    scf.for %scan3A_172 = %scan3A_113 to %scan3A_115 step %scan3A_116  : i32 {
      %mul3A_173 = arith.constant 16 : i32
      %mul3A_174 = arith.muli %scan3A_172, %mul3A_173 : i32
      %add3A_175 = arith.constant 384 : i32
      %add3A_176 = arith.addi %add3A_175, %mul3A_174 : i32
      %get3A = arith.index_cast %add3A_176 : i32 to index
      %get3A_177 = tpu.vector_load %arg6[%get3A] {strides = array<i32>} : memref<512xi32, #tpu.memory_space<vmem>>, vector<16xi32>,
      %slice3A = vector.extract_strided_slice %get3A_177 {offsets = [0], sizes = [1], strides = [1]} : vector<16xi32> to vector<1xi32>
      %squeeze3A = vector.extract %slice3A[0] : i32 from vector<1xi32>
      %mul3A_178 = arith.constant 16 : i32
      %mul3A_179 = arith.muli %scan3A_172, %mul3A_178 : i32
      %add3A_180 = arith.constant 0 : i32
      %add3A_181 = arith.addi %mul3A_179, %add3A_180 : i32
      %dma_start3A_182 = arith.constant 0 : i32
      %dma_start3A_183 = tpu.memref_slice %arg9[%add3A_181, %dma_start3A_182] : memref<64x33xf32, #tpu.memory_space<vmem>> -> memref<1x33xf32, #tpu.memory_space<vmem>>
      %dma_start3A_184 = arith.constant 0 : i32
      %dma_start3A_185 = tpu.memref_slice %arg4[%squeeze3A, %dma_start3A_184] : memref<100000x33xf32, #tpu.memory_space<hbm>> -> memref<1x33xf32, #tpu.memory_space<hbm>>
      %dma_start3A_186 = arith.constant 0 : i32
      %dma_start3A_187 = tpu.memref_slice %arg9[%add3A_181, %dma_start3A_186] : memref<64x33xf32, #tpu.memory_space<vmem>> -> memref<1x33xf32, #tpu.memory_space<vmem>>
      %dma_start3A_188 = arith.constant 0 : i32
      %dma_start3A_189 = tpu.memref_slice %arg4[%squeeze3A, %dma_start3A_188] : memref<100000x33xf32, #tpu.memory_space<hbm>> -> memref<1x33xf32, #tpu.memory_space<hbm>>
      tpu.enqueue_dma source(%dma_start3A_189 : memref<1x33xf32, #tpu.memory_space<hbm>>) target(%dma_start3A_187 : memref<1x33xf32, #tpu.memory_space<vmem>>) target_semaphore(%arg11 : memref<!tpu.dma_semaphore, #tpu.memory_space<semaphore_mem>>)
      %slice3A_190 = vector.extract_strided_slice %get3A_177 {offsets = [1], sizes = [1], strides = [1]} : vector<16xi32> to vector<1xi32>
      %squeeze3A_191 = vector.extract %slice3A_190[0] : i32 from vector<1xi32>
      %mul3A_192 = arith.constant 16 : i32
      %mul3A_193 = arith.muli %scan3A_172, %mul3A_192 : i32
      %add3A_194 = arith.constant 1 : i32
      %add3A_195 = arith.addi %mul3A_193, %add3A_194 : i32
      %dma_start3A_196 = arith.constant 0 : i32
      %dma_start3A_197 = tpu.memref_slice %arg9[%add3A_195, %dma_start3A_196] : memref<64x33xf32, #tpu.memory_space<vmem>> -> memref<1x33xf32, #tpu.memory_space<vmem>>
      %dma_start3A_198 = arith.constant 0 : i32
      %dma_start3A_199 = tpu.memref_slice %arg4[%squeeze3A_191, %dma_start3A_198] : memref<100000x33xf32, #tpu.memory_space<hbm>> -> memref<1x33xf32, #tpu.memory_space<hbm>>
      %dma_start3A_200 = arith.constant 0 : i32
      %dma_start3A_201 = tpu.memref_slice %arg9[%add3A_195, %dma_start3A_200] : memref<64x33xf32, #tpu.memory_space<vmem>> -> memref<1x33xf32, #tpu.memory_space<vmem>>
      %dma_start3A_202 = arith.constant 0 : i32
      %dma_start3A_203 = tpu.memref_slice %arg4[%squeeze3A_191, %dma_start3A_202] : memref<100000x33xf32, #tpu.memory_space<hbm>> -> memref<1x33xf32, #tpu.memory_space<hbm>>
      tpu.enqueue_dma source(%dma_start3A_203 : memref<1x33xf32, #tpu.memory_space<hbm>>) target(%dma_start3A_201 : memref<1x33xf32, #tpu.memory_space<vmem>>) target_semaphore(%arg11 : memref<!tpu.dma_semaphore, #tpu.memory_space<semaphore_mem>>)
      %slice3A_204 = vector.extract_strided_slice %get3A_177 {offsets = [2], sizes = [1], strides = [1]} : vector<16xi32> to vector<1xi32>
      %squeeze3A_205 = vector.extract %slice3A_204[0] : i32 from vector<1xi32>
      %mul3A_206 = arith.constant 16 : i32
      %mul3A_207 = arith.muli %scan3A_172, %mul3A_206 : i32
      %add3A_208 = arith.constant 2 : i32
      %add3A_209 = arith.addi %mul3A_207, %add3A_208 : i32
      %dma_start3A_210 = arith.constant 0 : i32
      %dma_start3A_211 = tpu.memref_slice %arg9[%add3A_209, %dma_start3A_210] : memref<64x33xf32, #tpu.memory_space<vmem>> -> memref<1x33xf32, #tpu.memory_space<vmem>>
      %dma_start3A_212 = arith.constant 0 : i32
      %dma_start3A_213 = tpu.memref_slice %arg4[%squeeze3A_205, %dma_start3A_212] : memref<100000x33xf32, #tpu.memory_space<hbm>> -> memref<1x33xf32, #tpu.memory_space<hbm>>
      %dma_start3A_214 = arith.constant 0 : i32
      %dma_start3A_215 = tpu.memref_slice %arg9[%add3A_209, %dma_start3A_214] : memref<64x33xf32, #tpu.memory_space<vmem>> -> memref<1x33xf32, #tpu.memory_space<vmem>>
      %dma_start3A_216 = arith.constant 0 : i32
      %dma_start3A_217 = tpu.memref_slice %arg4[%squeeze3A_205, %dma_start3A_216] : memref<100000x33xf32, #tpu.memory_space<hbm>> -> memref<1x33xf32, #tpu.memory_space<hbm>>
      tpu.enqueue_dma source(%dma_start3A_217 : memref<1x33xf32, #tpu.memory_space<hbm>>) target(%dma_start3A_215 : memref<1x33xf32, #tpu.memory_space<vmem>>) target_semaphore(%arg11 : memref<!tpu.dma_semaphore, #tpu.memory_space<semaphore_mem>>)
      %slice3A_218 = vector.extract_strided_slice %get3A_177 {offsets = [3], sizes = [1], strides = [1]} : vector<16xi32> to vector<1xi32>
      %squeeze3A_219 = vector.extract %slice3A_218[0] : i32 from vector<1xi32>
      %mul3A_220 = arith.constant 16 : i32
      %mul3A_221 = arith.muli %scan3A_172, %mul3A_220 : i32
      %add3A_222 = arith.constant 3 : i32
      %add3A_223 = arith.addi %mul3A_221, %add3A_222 : i32
      %dma_start3A_224 = arith.constant 0 : i32
      %dma_start3A_225 = tpu.memref_slice %arg9[%add3A_223, %dma_start3A_224] : memref<64x33xf32, #tpu.memory_space<vmem>> -> memref<1x33xf32, #tpu.memory_space<vmem>>
      %dma_start3A_226 = arith.constant 0 : i32
      %dma_start3A_227 = tpu.memref_slice %arg4[%squeeze3A_219, %dma_start3A_226] : memref<100000x33xf32, #tpu.memory_space<hbm>> -> memref<1x33xf32, #tpu.memory_space<hbm>>
      %dma_start3A_228 = arith.constant 0 : i32
      %dma_start3A_229 = tpu.memref_slice %arg9[%add3A_223, %dma_start3A_228] : memref<64x33xf32, #tpu.memory_space<vmem>> -> memref<1x33xf32, #tpu.memory_space<vmem>>
      %dma_start3A_230 = arith.constant 0 : i32
      %dma_start3A_231 = tpu.memref_slice %arg4[%squeeze3A_219, %dma_start3A_230] : memref<100000x33xf32, #tpu.memory_space<hbm>> -> memref<1x33xf32, #tpu.memory_space<hbm>>
      tpu.enqueue_dma source(%dma_start3A_231 : memref<1x33xf32, #tpu.memory_space<hbm>>) target(%dma_start3A_229 : memref<1x33xf32, #tpu.memory_space<vmem>>) target_semaphore(%arg11 : memref<!tpu.dma_semaphore, #tpu.memory_space<semaphore_mem>>)
      %slice3A_232 = vector.extract_strided_slice %get3A_177 {offsets = [4], sizes = [1], strides = [1]} : vector<16xi32> to vector<1xi32>
      %squeeze3A_233 = vector.extract %slice3A_232[0] : i32 from vector<1xi32>
      %mul3A_234 = arith.constant 16 : i32
      %mul3A_235 = arith.muli %scan3A_172, %mul3A_234 : i32
      %add3A_236 = arith.constant 4 : i32
      %add3A_237 = arith.addi %mul3A_235, %add3A_236 : i32
      %dma_start3A_238 = arith.constant 0 : i32
      %dma_start3A_239 = tpu.memref_slice %arg9[%add3A_237, %dma_start3A_238] : memref<64x33xf32, #tpu.memory_space<vmem>> -> memref<1x33xf32, #tpu.memory_space<vmem>>
      %dma_start3A_240 = arith.constant 0 : i32
      %dma_start3A_241 = tpu.memref_slice %arg4[%squeeze3A_233, %dma_start3A_240] : memref<100000x33xf32, #tpu.memory_space<hbm>> -> memref<1x33xf32, #tpu.memory_space<hbm>>
      %dma_start3A_242 = arith.constant 0 : i32
      %dma_start3A_243 = tpu.memref_slice %arg9[%add3A_237, %dma_start3A_242] : memref<64x33xf32, #tpu.memory_space<vmem>> -> memref<1x33xf32, #tpu.memory_space<vmem>>
      %dma_start3A_244 = arith.constant 0 : i32
      %dma_start3A_245 = tpu.memref_slice %arg4[%squeeze3A_233, %dma_start3A_244] : memref<100000x33xf32, #tpu.memory_space<hbm>> -> memref<1x33xf32, #tpu.memory_space<hbm>>
      tpu.enqueue_dma source(%dma_start3A_245 : memref<1x33xf32, #tpu.memory_space<hbm>>) target(%dma_start3A_243 : memref<1x33xf32, #tpu.memory_space<vmem>>) target_semaphore(%arg11 : memref<!tpu.dma_semaphore, #tpu.memory_space<semaphore_mem>>)
      %slice3A_246 = vector.extract_strided_slice %get3A_177 {offsets = [5], sizes = [1], strides = [1]} : vector<16xi32> to vector<1xi32>
      %squeeze3A_247 = vector.extract %slice3A_246[0] : i32 from vector<1xi32>
      %mul3A_248 = arith.constant 16 : i32
      %mul3A_249 = arith.muli %scan3A_172, %mul3A_248 : i32
      %add3A_250 = arith.constant 5 : i32
      %add3A_251 = arith.addi %mul3A_249, %add3A_250 : i32
      %dma_start3A_252 = arith.constant 0 : i32
      %dma_start3A_253 = tpu.memref_slice %arg9[%add3A_251, %dma_start3A_252] : memref<64x33xf32, #tpu.memory_space<vmem>> -> memref<1x33xf32, #tpu.memory_space<vmem>>
      %dma_start3A_254 = arith.constant 0 : i32
      %dma_start3A_255 = tpu.memref_slice %arg4[%squeeze3A_247, %dma_start3A_254] : memref<100000x33xf32, #tpu.memory_space<hbm>> -> memref<1x33xf32, #tpu.memory_space<hbm>>
      %dma_start3A_256 = arith.constant 0 : i32
      %dma_start3A_257 = tpu.memref_slice %arg9[%add3A_251, %dma_start3A_256] : memref<64x33xf32, #tpu.memory_space<vmem>> -> memref<1x33xf32, #tpu.memory_space<vmem>>
      %dma_start3A_258 = arith.constant 0 : i32
      %dma_start3A_259 = tpu.memref_slice %arg4[%squeeze3A_247, %dma_start3A_258] : memref<100000x33xf32, #tpu.memory_space<hbm>> -> memref<1x33xf32, #tpu.memory_space<hbm>>
      tpu.enqueue_dma source(%dma_start3A_259 : memref<1x33xf32, #tpu.memory_space<hbm>>) target(%dma_start3A_257 : memref<1x33xf32, #tpu.memory_space<vmem>>) target_semaphore(%arg11 : memref<!tpu.dma_semaphore, #tpu.memory_space<semaphore_mem>>)
      %slice3A_260 = vector.extract_strided_slice %get3A_177 {offsets = [6], sizes = [1], strides = [1]} : vector<16xi32> to vector<1xi32>
      %squeeze3A_261 = vector.extract %slice3A_260[0] : i32 from vector<1xi32>
      %mul3A_262 = arith.constant 16 : i32
      %mul3A_263 = arith.muli %scan3A_172, %mul3A_262 : i32
      %add3A_264 = arith.constant 6 : i32
      %add3A_265 = arith.addi %mul3A_263, %add3A_264 : i32
      %dma_start3A_266 = arith.constant 0 : i32
      %dma_start3A_267 = tpu.memref_slice %arg9[%add3A_265, %dma_start3A_266] : memref<64x33xf32, #tpu.memory_space<vmem>> -> memref<1x33xf32, #tpu.memory_space<vmem>>
      %dma_start3A_268 = arith.constant 0 : i32
      %dma_start3A_269 = tpu.memref_slice %arg4[%squeeze3A_261, %dma_start3A_268] : memref<100000x33xf32, #tpu.memory_space<hbm>> -> memref<1x33xf32, #tpu.memory_space<hbm>>
      %dma_start3A_270 = arith.constant 0 : i32
      %dma_start3A_271 = tpu.memref_slice %arg9[%add3A_265, %dma_start3A_270] : memref<64x33xf32, #tpu.memory_space<vmem>> -> memref<1x33xf32, #tpu.memory_space<vmem>>
      %dma_start3A_272 = arith.constant 0 : i32
      %dma_start3A_273 = tpu.memref_slice %arg4[%squeeze3A_261, %dma_start3A_272] : memref<100000x33xf32, #tpu.memory_space<hbm>> -> memref<1x33xf32, #tpu.memory_space<hbm>>
      tpu.enqueue_dma source(%dma_start3A_273 : memref<1x33xf32, #tpu.memory_space<hbm>>) target(%dma_start3A_271 : memref<1x33xf32, #tpu.memory_space<vmem>>) target_semaphore(%arg11 : memref<!tpu.dma_semaphore, #tpu.memory_space<semaphore_mem>>)
      %slice3A_274 = vector.extract_strided_slice %get3A_177 {offsets = [7], sizes = [1], strides = [1]} : vector<16xi32> to vector<1xi32>
      %squeeze3A_275 = vector.extract %slice3A_274[0] : i32 from vector<1xi32>
      %mul3A_276 = arith.constant 16 : i32
      %mul3A_277 = arith.muli %scan3A_172, %mul3A_276 : i32
      %add3A_278 = arith.constant 7 : i32
      %add3A_279 = arith.addi %mul3A_277, %add3A_278 : i32
      %dma_start3A_280 = arith.constant 0 : i32
      %dma_start3A_281 = tpu.memref_slice %arg9[%add3A_279, %dma_start3A_280] : memref<64x33xf32, #tpu.memory_space<vmem>> -> memref<1x33xf32, #tpu.memory_space<vmem>>
      %dma_start3A_282 = arith.constant 0 : i32
      %dma_start3A_283 = tpu.memref_slice %arg4[%squeeze3A_275, %dma_start3A_282] : memref<100000x33xf32, #tpu.memory_space<hbm>> -> memref<1x33xf32, #tpu.memory_space<hbm>>
      %dma_start3A_284 = arith.constant 0 : i32
      %dma_start3A_285 = tpu.memref_slice %arg9[%add3A_279, %dma_start3A_284] : memref<64x33xf32, #tpu.memory_space<vmem>> -> memref<1x33xf32, #tpu.memory_space<vmem>>
      %dma_start3A_286 = arith.constant 0 : i32
      %dma_start3A_287 = tpu.memref_slice %arg4[%squeeze3A_275, %dma_start3A_286] : memref<100000x33xf32, #tpu.memory_space<hbm>> -> memref<1x33xf32, #tpu.memory_space<hbm>>
      tpu.enqueue_dma source(%dma_start3A_287 : memref<1x33xf32, #tpu.memory_space<hbm>>) target(%dma_start3A_285 : memref<1x33xf32, #tpu.memory_space<vmem>>) target_semaphore(%arg11 : memref<!tpu.dma_semaphore, #tpu.memory_space<semaphore_mem>>)
      %slice3A_288 = vector.extract_strided_slice %get3A_177 {offsets = [8], sizes = [1], strides = [1]} : vector<16xi32> to vector<1xi32>
      %squeeze3A_289 = vector.extract %slice3A_288[0] : i32 from vector<1xi32>
      %mul3A_290 = arith.constant 16 : i32
      %mul3A_291 = arith.muli %scan3A_172, %mul3A_290 : i32
      %add3A_292 = arith.constant 8 : i32
      %add3A_293 = arith.addi %mul3A_291, %add3A_292 : i32
      %dma_start3A_294 = arith.constant 0 : i32
      %dma_start3A_295 = tpu.memref_slice %arg9[%add3A_293, %dma_start3A_294] : memref<64x33xf32, #tpu.memory_space<vmem>> -> memref<1x33xf32, #tpu.memory_space<vmem>>
      %dma_start3A_296 = arith.constant 0 : i32
      %dma_start3A_297 = tpu.memref_slice %arg4[%squeeze3A_289, %dma_start3A_296] : memref<100000x33xf32, #tpu.memory_space<hbm>> -> memref<1x33xf32, #tpu.memory_space<hbm>>
      %dma_start3A_298 = arith.constant 0 : i32
      %dma_start3A_299 = tpu.memref_slice %arg9[%add3A_293, %dma_start3A_298] : memref<64x33xf32, #tpu.memory_space<vmem>> -> memref<1x33xf32, #tpu.memory_space<vmem>>
      %dma_start3A_300 = arith.constant 0 : i32
      %dma_start3A_301 = tpu.memref_slice %arg4[%squeeze3A_289, %dma_start3A_300] : memref<100000x33xf32, #tpu.memory_space<hbm>> -> memref<1x33xf32, #tpu.memory_space<hbm>>
      tpu.enqueue_dma source(%dma_start3A_301 : memref<1x33xf32, #tpu.memory_space<hbm>>) target(%dma_start3A_299 : memref<1x33xf32, #tpu.memory_space<vmem>>) target_semaphore(%arg11 : memref<!tpu.dma_semaphore, #tpu.memory_space<semaphore_mem>>)
      %slice3A_302 = vector.extract_strided_slice %get3A_177 {offsets = [9], sizes = [1], strides = [1]} : vector<16xi32> to vector<1xi32>
      %squeeze3A_303 = vector.extract %slice3A_302[0] : i32 from vector<1xi32>
      %mul3A_304 = arith.constant 16 : i32
      %mul3A_305 = arith.muli %scan3A_172, %mul3A_304 : i32
      %add3A_306 = arith.constant 9 : i32
      %add3A_307 = arith.addi %mul3A_305, %add3A_306 : i32
      %dma_start3A_308 = arith.constant 0 : i32
      %dma_start3A_309 = tpu.memref_slice %arg9[%add3A_307, %dma_start3A_308] : memref<64x33xf32, #tpu.memory_space<vmem>> -> memref<1x33xf32, #tpu.memory_space<vmem>>
      %dma_start3A_310 = arith.constant 0 : i32
      %dma_start3A_311 = tpu.memref_slice %arg4[%squeeze3A_303, %dma_start3A_310] : memref<100000x33xf32, #tpu.memory_space<hbm>> -> memref<1x33xf32, #tpu.memory_space<hbm>>
      %dma_start3A_312 = arith.constant 0 : i32
      %dma_start3A_313 = tpu.memref_slice %arg9[%add3A_307, %dma_start3A_312] : memref<64x33xf32, #tpu.memory_space<vmem>> -> memref<1x33xf32, #tpu.memory_space<vmem>>
      %dma_start3A_314 = arith.constant 0 : i32
      %dma_start3A_315 = tpu.memref_slice %arg4[%squeeze3A_303, %dma_start3A_314] : memref<100000x33xf32, #tpu.memory_space<hbm>> -> memref<1x33xf32, #tpu.memory_space<hbm>>
      tpu.enqueue_dma source(%dma_start3A_315 : memref<1x33xf32, #tpu.memory_space<hbm>>) target(%dma_start3A_313 : memref<1x33xf32, #tpu.memory_space<vmem>>) target_semaphore(%arg11 : memref<!tpu.dma_semaphore, #tpu.memory_space<semaphore_mem>>)
      %slice3A_316 = vector.extract_strided_slice %get3A_177 {offsets = [10], sizes = [1], strides = [1]} : vector<16xi32> to vector<1xi32>
      %squeeze3A_317 = vector.extract %slice3A_316[0] : i32 from vector<1xi32>
      %mul3A_318 = arith.constant 16 : i32
      %mul3A_319 = arith.muli %scan3A_172, %mul3A_318 : i32
      %add3A_320 = arith.constant 10 : i32
      %add3A_321 = arith.addi %mul3A_319, %add3A_320 : i32
      %dma_start3A_322 = arith.constant 0 : i32
      %dma_start3A_323 = tpu.memref_slice %arg9[%add3A_321, %dma_start3A_322] : memref<64x33xf32, #tpu.memory_space<vmem>> -> memref<1x33xf32, #tpu.memory_space<vmem>>
      %dma_start3A_324 = arith.constant 0 : i32
      %dma_start3A_325 = tpu.memref_slice %arg4[%squeeze3A_317, %dma_start3A_324] : memref<100000x33xf32, #tpu.memory_space<hbm>> -> memref<1x33xf32, #tpu.memory_space<hbm>>
      %dma_start3A_326 = arith.constant 0 : i32
      %dma_start3A_327 = tpu.memref_slice %arg9[%add3A_321, %dma_start3A_326] : memref<64x33xf32, #tpu.memory_space<vmem>> -> memref<1x33xf32, #tpu.memory_space<vmem>>
      %dma_start3A_328 = arith.constant 0 : i32
      %dma_start3A_329 = tpu.memref_slice %arg4[%squeeze3A_317, %dma_start3A_328] : memref<100000x33xf32, #tpu.memory_space<hbm>> -> memref<1x33xf32, #tpu.memory_space<hbm>>
      tpu.enqueue_dma source(%dma_start3A_329 : memref<1x33xf32, #tpu.memory_space<hbm>>) target(%dma_start3A_327 : memref<1x33xf32, #tpu.memory_space<vmem>>) target_semaphore(%arg11 : memref<!tpu.dma_semaphore, #tpu.memory_space<semaphore_mem>>)
      %slice3A_330 = vector.extract_strided_slice %get3A_177 {offsets = [11], sizes = [1], strides = [1]} : vector<16xi32> to vector<1xi32>
      %squeeze3A_331 = vector.extract %slice3A_330[0] : i32 from vector<1xi32>
      %mul3A_332 = arith.constant 16 : i32
      %mul3A_333 = arith.muli %scan3A_172, %mul3A_332 : i32
      %add3A_334 = arith.constant 11 : i32
      %add3A_335 = arith.addi %mul3A_333, %add3A_334 : i32
      %dma_start3A_336 = arith.constant 0 : i32
      %dma_start3A_337 = tpu.memref_slice %arg9[%add3A_335, %dma_start3A_336] : memref<64x33xf32, #tpu.memory_space<vmem>> -> memref<1x33xf32, #tpu.memory_space<vmem>>
      %dma_start3A_338 = arith.constant 0 : i32
      %dma_start3A_339 = tpu.memref_slice %arg4[%squeeze3A_331, %dma_start3A_338] : memref<100000x33xf32, #tpu.memory_space<hbm>> -> memref<1x33xf32, #tpu.memory_space<hbm>>
      %dma_start3A_340 = arith.constant 0 : i32
      %dma_start3A_341 = tpu.memref_slice %arg9[%add3A_335, %dma_start3A_340] : memref<64x33xf32, #tpu.memory_space<vmem>> -> memref<1x33xf32, #tpu.memory_space<vmem>>
      %dma_start3A_342 = arith.constant 0 : i32
      %dma_start3A_343 = tpu.memref_slice %arg4[%squeeze3A_331, %dma_start3A_342] : memref<100000x33xf32, #tpu.memory_space<hbm>> -> memref<1x33xf32, #tpu.memory_space<hbm>>
      tpu.enqueue_dma source(%dma_start3A_343 : memref<1x33xf32, #tpu.memory_space<hbm>>) target(%dma_start3A_341 : memref<1x33xf32, #tpu.memory_space<vmem>>) target_semaphore(%arg11 : memref<!tpu.dma_semaphore, #tpu.memory_space<semaphore_mem>>)
      %slice3A_344 = vector.extract_strided_slice %get3A_177 {offsets = [12], sizes = [1], strides = [1]} : vector<16xi32> to vector<1xi32>
      %squeeze3A_345 = vector.extract %slice3A_344[0] : i32 from vector<1xi32>
      %mul3A_346 = arith.constant 16 : i32
      %mul3A_347 = arith.muli %scan3A_172, %mul3A_346 : i32
      %add3A_348 = arith.constant 12 : i32
      %add3A_349 = arith.addi %mul3A_347, %add3A_348 : i32
      %dma_start3A_350 = arith.constant 0 : i32
      %dma_start3A_351 = tpu.memref_slice %arg9[%add3A_349, %dma_start3A_350] : memref<64x33xf32, #tpu.memory_space<vmem>> -> memref<1x33xf32, #tpu.memory_space<vmem>>
      %dma_start3A_352 = arith.constant 0 : i32
      %dma_start3A_353 = tpu.memref_slice %arg4[%squeeze3A_345, %dma_start3A_352] : memref<100000x33xf32, #tpu.memory_space<hbm>> -> memref<1x33xf32, #tpu.memory_space<hbm>>
      %dma_start3A_354 = arith.constant 0 : i32
      %dma_start3A_355 = tpu.memref_slice %arg9[%add3A_349, %dma_start3A_354] : memref<64x33xf32, #tpu.memory_space<vmem>> -> memref<1x33xf32, #tpu.memory_space<vmem>>
      %dma_start3A_356 = arith.constant 0 : i32
      %dma_start3A_357 = tpu.memref_slice %arg4[%squeeze3A_345, %dma_start3A_356] : memref<100000x33xf32, #tpu.memory_space<hbm>> -> memref<1x33xf32, #tpu.memory_space<hbm>>
      tpu.enqueue_dma source(%dma_start3A_357 : memref<1x33xf32, #tpu.memory_space<hbm>>) target(%dma_start3A_355 : memref<1x33xf32, #tpu.memory_space<vmem>>) target_semaphore(%arg11 : memref<!tpu.dma_semaphore, #tpu.memory_space<semaphore_mem>>)
      %slice3A_358 = vector.extract_strided_slice %get3A_177 {offsets = [13], sizes = [1], strides = [1]} : vector<16xi32> to vector<1xi32>
      %squeeze3A_359 = vector.extract %slice3A_358[0] : i32 from vector<1xi32>
      %mul3A_360 = arith.constant 16 : i32
      %mul3A_361 = arith.muli %scan3A_172, %mul3A_360 : i32
      %add3A_362 = arith.constant 13 : i32
      %add3A_363 = arith.addi %mul3A_361, %add3A_362 : i32
      %dma_start3A_364 = arith.constant 0 : i32
      %dma_start3A_365 = tpu.memref_slice %arg9[%add3A_363, %dma_start3A_364] : memref<64x33xf32, #tpu.memory_space<vmem>> -> memref<1x33xf32, #tpu.memory_space<vmem>>
      %dma_start3A_366 = arith.constant 0 : i32
      %dma_start3A_367 = tpu.memref_slice %arg4[%squeeze3A_359, %dma_start3A_366] : memref<100000x33xf32, #tpu.memory_space<hbm>> -> memref<1x33xf32, #tpu.memory_space<hbm>>
      %dma_start3A_368 = arith.constant 0 : i32
      %dma_start3A_369 = tpu.memref_slice %arg9[%add3A_363, %dma_start3A_368] : memref<64x33xf32, #tpu.memory_space<vmem>> -> memref<1x33xf32, #tpu.memory_space<vmem>>
      %dma_start3A_370 = arith.constant 0 : i32
      %dma_start3A_371 = tpu.memref_slice %arg4[%squeeze3A_359, %dma_start3A_370] : memref<100000x33xf32, #tpu.memory_space<hbm>> -> memref<1x33xf32, #tpu.memory_space<hbm>>
      tpu.enqueue_dma source(%dma_start3A_371 : memref<1x33xf32, #tpu.memory_space<hbm>>) target(%dma_start3A_369 : memref<1x33xf32, #tpu.memory_space<vmem>>) target_semaphore(%arg11 : memref<!tpu.dma_semaphore, #tpu.memory_space<semaphore_mem>>)
      %slice3A_372 = vector.extract_strided_slice %get3A_177 {offsets = [14], sizes = [1], strides = [1]} : vector<16xi32> to vector<1xi32>
      %squeeze3A_373 = vector.extract %slice3A_372[0] : i32 from vector<1xi32>
      %mul3A_374 = arith.constant 16 : i32
      %mul3A_375 = arith.muli %scan3A_172, %mul3A_374 : i32
      %add3A_376 = arith.constant 14 : i32
      %add3A_377 = arith.addi %mul3A_375, %add3A_376 : i32
      %dma_start3A_378 = arith.constant 0 : i32
      %dma_start3A_379 = tpu.memref_slice %arg9[%add3A_377, %dma_start3A_378] : memref<64x33xf32, #tpu.memory_space<vmem>> -> memref<1x33xf32, #tpu.memory_space<vmem>>
      %dma_start3A_380 = arith.constant 0 : i32
      %dma_start3A_381 = tpu.memref_slice %arg4[%squeeze3A_373, %dma_start3A_380] : memref<100000x33xf32, #tpu.memory_space<hbm>> -> memref<1x33xf32, #tpu.memory_space<hbm>>
      %dma_start3A_382 = arith.constant 0 : i32
      %dma_start3A_383 = tpu.memref_slice %arg9[%add3A_377, %dma_start3A_382] : memref<64x33xf32, #tpu.memory_space<vmem>> -> memref<1x33xf32, #tpu.memory_space<vmem>>
      %dma_start3A_384 = arith.constant 0 : i32
      %dma_start3A_385 = tpu.memref_slice %arg4[%squeeze3A_373, %dma_start3A_384] : memref<100000x33xf32, #tpu.memory_space<hbm>> -> memref<1x33xf32, #tpu.memory_space<hbm>>
      tpu.enqueue_dma source(%dma_start3A_385 : memref<1x33xf32, #tpu.memory_space<hbm>>) target(%dma_start3A_383 : memref<1x33xf32, #tpu.memory_space<vmem>>) target_semaphore(%arg11 : memref<!tpu.dma_semaphore, #tpu.memory_space<semaphore_mem>>)
      %slice3A_386 = vector.extract_strided_slice %get3A_177 {offsets = [15], sizes = [1], strides = [1]} : vector<16xi32> to vector<1xi32>
      %squeeze3A_387 = vector.extract %slice3A_386[0] : i32 from vector<1xi32>
      %mul3A_388 = arith.constant 16 : i32
      %mul3A_389 = arith.muli %scan3A_172, %mul3A_388 : i32
      %add3A_390 = arith.constant 15 : i32
      %add3A_391 = arith.addi %mul3A_389, %add3A_390 : i32
      %dma_start3A_392 = arith.constant 0 : i32
      %dma_start3A_393 = tpu.memref_slice %arg9[%add3A_391, %dma_start3A_392] : memref<64x33xf32, #tpu.memory_space<vmem>> -> memref<1x33xf32, #tpu.memory_space<vmem>>
      %dma_start3A_394 = arith.constant 0 : i32
      %dma_start3A_395 = tpu.memref_slice %arg4[%squeeze3A_387, %dma_start3A_394] : memref<100000x33xf32, #tpu.memory_space<hbm>> -> memref<1x33xf32, #tpu.memory_space<hbm>>
      %dma_start3A_396 = arith.constant 0 : i32
      %dma_start3A_397 = tpu.memref_slice %arg9[%add3A_391, %dma_start3A_396] : memref<64x33xf32, #tpu.memory_space<vmem>> -> memref<1x33xf32, #tpu.memory_space<vmem>>
      %dma_start3A_398 = arith.constant 0 : i32
      %dma_start3A_399 = tpu.memref_slice %arg4[%squeeze3A_387, %dma_start3A_398] : memref<100000x33xf32, #tpu.memory_space<hbm>> -> memref<1x33xf32, #tpu.memory_space<hbm>>
      tpu.enqueue_dma source(%dma_start3A_399 : memref<1x33xf32, #tpu.memory_space<hbm>>) target(%dma_start3A_397 : memref<1x33xf32, #tpu.memory_space<vmem>>) target_semaphore(%arg11 : memref<!tpu.dma_semaphore, #tpu.memory_space<semaphore_mem>>)
    }
    %scan3A_117 = arith.constant 4 : i32
    %dma_wait3A_118 = arith.constant 0 : i32
    %dma_wait3A_119 = arith.constant 0 : i32
    %dma_wait3A_120 = tpu.memref_slice %arg4[%dma_wait3A_118, %dma_wait3A_119] : memref<100000x33xf32, #tpu.memory_space<hbm>> -> memref<64x33xf32, #tpu.memory_space<hbm>>
    %dma_wait3A_121 = arith.constant 0 : i32
    %dma_wait3A_122 = arith.constant 0 : i32
    %dma_wait3A_123 = tpu.memref_slice %arg4[%dma_wait3A_121, %dma_wait3A_122] : memref<100000x33xf32, #tpu.memory_space<hbm>> -> memref<64x33xf32, #tpu.memory_space<hbm>>
    tpu.wait_dma2 semaphore(%arg12 : memref<!tpu.dma_semaphore, #tpu.memory_space<semaphore_mem>>) src(%dma_wait3A_123 : memref<64x33xf32, #tpu.memory_space<hbm>>) dst(%arg10 : memref<64x33xf32, #tpu.memory_space<vmem>>)
    %scan3A_124 = arith.constant 0 : i32
    %scan3A_125 = arith.constant 2.000000e-01 : f32
    %scan3A_126 = arith.constant 3.000000e-01 : f32
    %scan3A_127 = arith.constant 5.000000e-01 : f32
    %scan3A_128 = arith.constant 0 : i32
    %scan3A_129 = arith.constant 4 : i32
    %scan3A_130 = arith.addi %scan3A_128, %scan3A_129 : i32
    %scan3A_131 = arith.constant 1 : i32
    scf.for %scan3A_172 = %scan3A_128 to %scan3A_130 step %scan3A_131  : i32 {
      %mul3A_173 = arith.constant 16 : i32
      %mul3A_174 = arith.muli %scan3A_172, %mul3A_173 : i32
      %add3A_175 = vector.broadcast %mul3A_174 : i32 to vector<16xi32>
      %add3A_176 = arith.addi %add3A_175, %iota3A : vector<16xi32>
      %mul3A_177 = arith.constant 16 : i32
      %mul3A_178 = arith.muli %scan3A_172, %mul3A_177 : i32
      %add3A_179 = arith.constant 320 : i32
      %add3A_180 = arith.addi %add3A_179, %mul3A_178 : i32
      %get3A = arith.index_cast %add3A_180 : i32 to index
      %get3A_181 = tpu.vector_load %arg7[%get3A] {strides = array<i32>} : memref<512xi32, #tpu.memory_space<vmem>>, vector<16xi32>,
      %gather3A = tpu.vector_load_idx %arg10[%add3A_176, %get3A_181] : memref<64x33xf32, #tpu.memory_space<vmem>>[vector<16xi32>, vector<16xi32>], vector<16xf32>,
      %add3A_182 = arith.constant 1 : i32
      %add3A_183 = vector.broadcast %add3A_182 : i32 to vector<16xi32>
      %add3A_184 = arith.addi %get3A_181, %add3A_183 : vector<16xi32>
      %gather3A_185 = tpu.vector_load_idx %arg10[%add3A_176, %add3A_184] : memref<64x33xf32, #tpu.memory_space<vmem>>[vector<16xi32>, vector<16xi32>], vector<16xf32>,
      %add3A_186 = arith.constant 2 : i32
      %add3A_187 = vector.broadcast %add3A_186 : i32 to vector<16xi32>
      %add3A_188 = arith.addi %get3A_181, %add3A_187 : vector<16xi32>
      %gather3A_189 = tpu.vector_load_idx %arg10[%add3A_176, %add3A_188] : memref<64x33xf32, #tpu.memory_space<vmem>>[vector<16xi32>, vector<16xi32>], vector<16xf32>,
      %mul3A_190 = vector.broadcast %scan3A_125 : f32 to vector<16xf32>
      %mul3A_191 = arith.mulf %mul3A_190, %gather3A : vector<16xf32>
      %mul3A_192 = vector.broadcast %scan3A_126 : f32 to vector<16xf32>
      %mul3A_193 = arith.mulf %mul3A_192, %gather3A_185 : vector<16xf32>
      %add3A_194 = arith.addf %mul3A_191, %mul3A_193 : vector<16xf32>
      %mul3A_195 = vector.broadcast %scan3A_127 : f32 to vector<16xf32>
      %mul3A_196 = arith.mulf %mul3A_195, %gather3A_189 : vector<16xf32>
      %add3A_197 = arith.addf %add3A_194, %mul3A_196 : vector<16xf32>
      %swap3A = arith.index_cast %add3A_180 : i32 to index
      %swap3A_198 = tpu.vector_load %arg8[%swap3A] {strides = array<i32>} : memref<512xf32, #tpu.memory_space<vmem>>, vector<16xf32>,
      tpu.vector_store %arg8[%swap3A], %add3A_197 {strides = array<i32>} : memref<512xf32, #tpu.memory_space<vmem>>, vector<16xf32>,
    }
    %scan3A_132 = arith.constant 4 : i32
    %scan3A_133 = arith.constant 0 : i32
    %scan3A_134 = arith.constant 0 : i32
    %scan3A_135 = arith.constant 4 : i32
    %scan3A_136 = arith.addi %scan3A_134, %scan3A_135 : i32
    %scan3A_137 = arith.constant 1 : i32
    scf.for %scan3A_172 = %scan3A_134 to %scan3A_136 step %scan3A_137  : i32 {
      %mul3A_173 = arith.constant 16 : i32
      %mul3A_174 = arith.muli %scan3A_172, %mul3A_173 : i32
      %add3A_175 = arith.constant 448 : i32
      %add3A_176 = arith.addi %add3A_175, %mul3A_174 : i32
      %get3A = arith.index_cast %add3A_176 : i32 to index
      %get3A_177 = tpu.vector_load %arg6[%get3A] {strides = array<i32>} : memref<512xi32, #tpu.memory_space<vmem>>, vector<16xi32>,
      %slice3A = vector.extract_strided_slice %get3A_177 {offsets = [0], sizes = [1], strides = [1]} : vector<16xi32> to vector<1xi32>
      %squeeze3A = vector.extract %slice3A[0] : i32 from vector<1xi32>
      %mul3A_178 = arith.constant 16 : i32
      %mul3A_179 = arith.muli %scan3A_172, %mul3A_178 : i32
      %add3A_180 = arith.constant 0 : i32
      %add3A_181 = arith.addi %mul3A_179, %add3A_180 : i32
      %dma_start3A_182 = arith.constant 0 : i32
      %dma_start3A_183 = tpu.memref_slice %arg10[%add3A_181, %dma_start3A_182] : memref<64x33xf32, #tpu.memory_space<vmem>> -> memref<1x33xf32, #tpu.memory_space<vmem>>
      %dma_start3A_184 = arith.constant 0 : i32
      %dma_start3A_185 = tpu.memref_slice %arg4[%squeeze3A, %dma_start3A_184] : memref<100000x33xf32, #tpu.memory_space<hbm>> -> memref<1x33xf32, #tpu.memory_space<hbm>>
      %dma_start3A_186 = arith.constant 0 : i32
      %dma_start3A_187 = tpu.memref_slice %arg10[%add3A_181, %dma_start3A_186] : memref<64x33xf32, #tpu.memory_space<vmem>> -> memref<1x33xf32, #tpu.memory_space<vmem>>
      %dma_start3A_188 = arith.constant 0 : i32
      %dma_start3A_189 = tpu.memref_slice %arg4[%squeeze3A, %dma_start3A_188] : memref<100000x33xf32, #tpu.memory_space<hbm>> -> memref<1x33xf32, #tpu.memory_space<hbm>>
      tpu.enqueue_dma source(%dma_start3A_189 : memref<1x33xf32, #tpu.memory_space<hbm>>) target(%dma_start3A_187 : memref<1x33xf32, #tpu.memory_space<vmem>>) target_semaphore(%arg12 : memref<!tpu.dma_semaphore, #tpu.memory_space<semaphore_mem>>)
      %slice3A_190 = vector.extract_strided_slice %get3A_177 {offsets = [1], sizes = [1], strides = [1]} : vector<16xi32> to vector<1xi32>
      %squeeze3A_191 = vector.extract %slice3A_190[0] : i32 from vector<1xi32>
      %mul3A_192 = arith.constant 16 : i32
      %mul3A_193 = arith.muli %scan3A_172, %mul3A_192 : i32
      %add3A_194 = arith.constant 1 : i32
      %add3A_195 = arith.addi %mul3A_193, %add3A_194 : i32
      %dma_start3A_196 = arith.constant 0 : i32
      %dma_start3A_197 = tpu.memref_slice %arg10[%add3A_195, %dma_start3A_196] : memref<64x33xf32, #tpu.memory_space<vmem>> -> memref<1x33xf32, #tpu.memory_space<vmem>>
      %dma_start3A_198 = arith.constant 0 : i32
      %dma_start3A_199 = tpu.memref_slice %arg4[%squeeze3A_191, %dma_start3A_198] : memref<100000x33xf32, #tpu.memory_space<hbm>> -> memref<1x33xf32, #tpu.memory_space<hbm>>
      %dma_start3A_200 = arith.constant 0 : i32
      %dma_start3A_201 = tpu.memref_slice %arg10[%add3A_195, %dma_start3A_200] : memref<64x33xf32, #tpu.memory_space<vmem>> -> memref<1x33xf32, #tpu.memory_space<vmem>>
      %dma_start3A_202 = arith.constant 0 : i32
      %dma_start3A_203 = tpu.memref_slice %arg4[%squeeze3A_191, %dma_start3A_202] : memref<100000x33xf32, #tpu.memory_space<hbm>> -> memref<1x33xf32, #tpu.memory_space<hbm>>
      tpu.enqueue_dma source(%dma_start3A_203 : memref<1x33xf32, #tpu.memory_space<hbm>>) target(%dma_start3A_201 : memref<1x33xf32, #tpu.memory_space<vmem>>) target_semaphore(%arg12 : memref<!tpu.dma_semaphore, #tpu.memory_space<semaphore_mem>>)
      %slice3A_204 = vector.extract_strided_slice %get3A_177 {offsets = [2], sizes = [1], strides = [1]} : vector<16xi32> to vector<1xi32>
      %squeeze3A_205 = vector.extract %slice3A_204[0] : i32 from vector<1xi32>
      %mul3A_206 = arith.constant 16 : i32
      %mul3A_207 = arith.muli %scan3A_172, %mul3A_206 : i32
      %add3A_208 = arith.constant 2 : i32
      %add3A_209 = arith.addi %mul3A_207, %add3A_208 : i32
      %dma_start3A_210 = arith.constant 0 : i32
      %dma_start3A_211 = tpu.memref_slice %arg10[%add3A_209, %dma_start3A_210] : memref<64x33xf32, #tpu.memory_space<vmem>> -> memref<1x33xf32, #tpu.memory_space<vmem>>
      %dma_start3A_212 = arith.constant 0 : i32
      %dma_start3A_213 = tpu.memref_slice %arg4[%squeeze3A_205, %dma_start3A_212] : memref<100000x33xf32, #tpu.memory_space<hbm>> -> memref<1x33xf32, #tpu.memory_space<hbm>>
      %dma_start3A_214 = arith.constant 0 : i32
      %dma_start3A_215 = tpu.memref_slice %arg10[%add3A_209, %dma_start3A_214] : memref<64x33xf32, #tpu.memory_space<vmem>> -> memref<1x33xf32, #tpu.memory_space<vmem>>
      %dma_start3A_216 = arith.constant 0 : i32
      %dma_start3A_217 = tpu.memref_slice %arg4[%squeeze3A_205, %dma_start3A_216] : memref<100000x33xf32, #tpu.memory_space<hbm>> -> memref<1x33xf32, #tpu.memory_space<hbm>>
      tpu.enqueue_dma source(%dma_start3A_217 : memref<1x33xf32, #tpu.memory_space<hbm>>) target(%dma_start3A_215 : memref<1x33xf32, #tpu.memory_space<vmem>>) target_semaphore(%arg12 : memref<!tpu.dma_semaphore, #tpu.memory_space<semaphore_mem>>)
      %slice3A_218 = vector.extract_strided_slice %get3A_177 {offsets = [3], sizes = [1], strides = [1]} : vector<16xi32> to vector<1xi32>
      %squeeze3A_219 = vector.extract %slice3A_218[0] : i32 from vector<1xi32>
      %mul3A_220 = arith.constant 16 : i32
      %mul3A_221 = arith.muli %scan3A_172, %mul3A_220 : i32
      %add3A_222 = arith.constant 3 : i32
      %add3A_223 = arith.addi %mul3A_221, %add3A_222 : i32
      %dma_start3A_224 = arith.constant 0 : i32
      %dma_start3A_225 = tpu.memref_slice %arg10[%add3A_223, %dma_start3A_224] : memref<64x33xf32, #tpu.memory_space<vmem>> -> memref<1x33xf32, #tpu.memory_space<vmem>>
      %dma_start3A_226 = arith.constant 0 : i32
      %dma_start3A_227 = tpu.memref_slice %arg4[%squeeze3A_219, %dma_start3A_226] : memref<100000x33xf32, #tpu.memory_space<hbm>> -> memref<1x33xf32, #tpu.memory_space<hbm>>
      %dma_start3A_228 = arith.constant 0 : i32
      %dma_start3A_229 = tpu.memref_slice %arg10[%add3A_223, %dma_start3A_228] : memref<64x33xf32, #tpu.memory_space<vmem>> -> memref<1x33xf32, #tpu.memory_space<vmem>>
      %dma_start3A_230 = arith.constant 0 : i32
      %dma_start3A_231 = tpu.memref_slice %arg4[%squeeze3A_219, %dma_start3A_230] : memref<100000x33xf32, #tpu.memory_space<hbm>> -> memref<1x33xf32, #tpu.memory_space<hbm>>
      tpu.enqueue_dma source(%dma_start3A_231 : memref<1x33xf32, #tpu.memory_space<hbm>>) target(%dma_start3A_229 : memref<1x33xf32, #tpu.memory_space<vmem>>) target_semaphore(%arg12 : memref<!tpu.dma_semaphore, #tpu.memory_space<semaphore_mem>>)
      %slice3A_232 = vector.extract_strided_slice %get3A_177 {offsets = [4], sizes = [1], strides = [1]} : vector<16xi32> to vector<1xi32>
      %squeeze3A_233 = vector.extract %slice3A_232[0] : i32 from vector<1xi32>
      %mul3A_234 = arith.constant 16 : i32
      %mul3A_235 = arith.muli %scan3A_172, %mul3A_234 : i32
      %add3A_236 = arith.constant 4 : i32
      %add3A_237 = arith.addi %mul3A_235, %add3A_236 : i32
      %dma_start3A_238 = arith.constant 0 : i32
      %dma_start3A_239 = tpu.memref_slice %arg10[%add3A_237, %dma_start3A_238] : memref<64x33xf32, #tpu.memory_space<vmem>> -> memref<1x33xf32, #tpu.memory_space<vmem>>
      %dma_start3A_240 = arith.constant 0 : i32
      %dma_start3A_241 = tpu.memref_slice %arg4[%squeeze3A_233, %dma_start3A_240] : memref<100000x33xf32, #tpu.memory_space<hbm>> -> memref<1x33xf32, #tpu.memory_space<hbm>>
      %dma_start3A_242 = arith.constant 0 : i32
      %dma_start3A_243 = tpu.memref_slice %arg10[%add3A_237, %dma_start3A_242] : memref<64x33xf32, #tpu.memory_space<vmem>> -> memref<1x33xf32, #tpu.memory_space<vmem>>
      %dma_start3A_244 = arith.constant 0 : i32
      %dma_start3A_245 = tpu.memref_slice %arg4[%squeeze3A_233, %dma_start3A_244] : memref<100000x33xf32, #tpu.memory_space<hbm>> -> memref<1x33xf32, #tpu.memory_space<hbm>>
      tpu.enqueue_dma source(%dma_start3A_245 : memref<1x33xf32, #tpu.memory_space<hbm>>) target(%dma_start3A_243 : memref<1x33xf32, #tpu.memory_space<vmem>>) target_semaphore(%arg12 : memref<!tpu.dma_semaphore, #tpu.memory_space<semaphore_mem>>)
      %slice3A_246 = vector.extract_strided_slice %get3A_177 {offsets = [5], sizes = [1], strides = [1]} : vector<16xi32> to vector<1xi32>
      %squeeze3A_247 = vector.extract %slice3A_246[0] : i32 from vector<1xi32>
      %mul3A_248 = arith.constant 16 : i32
      %mul3A_249 = arith.muli %scan3A_172, %mul3A_248 : i32
      %add3A_250 = arith.constant 5 : i32
      %add3A_251 = arith.addi %mul3A_249, %add3A_250 : i32
      %dma_start3A_252 = arith.constant 0 : i32
      %dma_start3A_253 = tpu.memref_slice %arg10[%add3A_251, %dma_start3A_252] : memref<64x33xf32, #tpu.memory_space<vmem>> -> memref<1x33xf32, #tpu.memory_space<vmem>>
      %dma_start3A_254 = arith.constant 0 : i32
      %dma_start3A_255 = tpu.memref_slice %arg4[%squeeze3A_247, %dma_start3A_254] : memref<100000x33xf32, #tpu.memory_space<hbm>> -> memref<1x33xf32, #tpu.memory_space<hbm>>
      %dma_start3A_256 = arith.constant 0 : i32
      %dma_start3A_257 = tpu.memref_slice %arg10[%add3A_251, %dma_start3A_256] : memref<64x33xf32, #tpu.memory_space<vmem>> -> memref<1x33xf32, #tpu.memory_space<vmem>>
      %dma_start3A_258 = arith.constant 0 : i32
      %dma_start3A_259 = tpu.memref_slice %arg4[%squeeze3A_247, %dma_start3A_258] : memref<100000x33xf32, #tpu.memory_space<hbm>> -> memref<1x33xf32, #tpu.memory_space<hbm>>
      tpu.enqueue_dma source(%dma_start3A_259 : memref<1x33xf32, #tpu.memory_space<hbm>>) target(%dma_start3A_257 : memref<1x33xf32, #tpu.memory_space<vmem>>) target_semaphore(%arg12 : memref<!tpu.dma_semaphore, #tpu.memory_space<semaphore_mem>>)
      %slice3A_260 = vector.extract_strided_slice %get3A_177 {offsets = [6], sizes = [1], strides = [1]} : vector<16xi32> to vector<1xi32>
      %squeeze3A_261 = vector.extract %slice3A_260[0] : i32 from vector<1xi32>
      %mul3A_262 = arith.constant 16 : i32
      %mul3A_263 = arith.muli %scan3A_172, %mul3A_262 : i32
      %add3A_264 = arith.constant 6 : i32
      %add3A_265 = arith.addi %mul3A_263, %add3A_264 : i32
      %dma_start3A_266 = arith.constant 0 : i32
      %dma_start3A_267 = tpu.memref_slice %arg10[%add3A_265, %dma_start3A_266] : memref<64x33xf32, #tpu.memory_space<vmem>> -> memref<1x33xf32, #tpu.memory_space<vmem>>
      %dma_start3A_268 = arith.constant 0 : i32
      %dma_start3A_269 = tpu.memref_slice %arg4[%squeeze3A_261, %dma_start3A_268] : memref<100000x33xf32, #tpu.memory_space<hbm>> -> memref<1x33xf32, #tpu.memory_space<hbm>>
      %dma_start3A_270 = arith.constant 0 : i32
      %dma_start3A_271 = tpu.memref_slice %arg10[%add3A_265, %dma_start3A_270] : memref<64x33xf32, #tpu.memory_space<vmem>> -> memref<1x33xf32, #tpu.memory_space<vmem>>
      %dma_start3A_272 = arith.constant 0 : i32
      %dma_start3A_273 = tpu.memref_slice %arg4[%squeeze3A_261, %dma_start3A_272] : memref<100000x33xf32, #tpu.memory_space<hbm>> -> memref<1x33xf32, #tpu.memory_space<hbm>>
      tpu.enqueue_dma source(%dma_start3A_273 : memref<1x33xf32, #tpu.memory_space<hbm>>) target(%dma_start3A_271 : memref<1x33xf32, #tpu.memory_space<vmem>>) target_semaphore(%arg12 : memref<!tpu.dma_semaphore, #tpu.memory_space<semaphore_mem>>)
      %slice3A_274 = vector.extract_strided_slice %get3A_177 {offsets = [7], sizes = [1], strides = [1]} : vector<16xi32> to vector<1xi32>
      %squeeze3A_275 = vector.extract %slice3A_274[0] : i32 from vector<1xi32>
      %mul3A_276 = arith.constant 16 : i32
      %mul3A_277 = arith.muli %scan3A_172, %mul3A_276 : i32
      %add3A_278 = arith.constant 7 : i32
      %add3A_279 = arith.addi %mul3A_277, %add3A_278 : i32
      %dma_start3A_280 = arith.constant 0 : i32
      %dma_start3A_281 = tpu.memref_slice %arg10[%add3A_279, %dma_start3A_280] : memref<64x33xf32, #tpu.memory_space<vmem>> -> memref<1x33xf32, #tpu.memory_space<vmem>>
      %dma_start3A_282 = arith.constant 0 : i32
      %dma_start3A_283 = tpu.memref_slice %arg4[%squeeze3A_275, %dma_start3A_282] : memref<100000x33xf32, #tpu.memory_space<hbm>> -> memref<1x33xf32, #tpu.memory_space<hbm>>
      %dma_start3A_284 = arith.constant 0 : i32
      %dma_start3A_285 = tpu.memref_slice %arg10[%add3A_279, %dma_start3A_284] : memref<64x33xf32, #tpu.memory_space<vmem>> -> memref<1x33xf32, #tpu.memory_space<vmem>>
      %dma_start3A_286 = arith.constant 0 : i32
      %dma_start3A_287 = tpu.memref_slice %arg4[%squeeze3A_275, %dma_start3A_286] : memref<100000x33xf32, #tpu.memory_space<hbm>> -> memref<1x33xf32, #tpu.memory_space<hbm>>
      tpu.enqueue_dma source(%dma_start3A_287 : memref<1x33xf32, #tpu.memory_space<hbm>>) target(%dma_start3A_285 : memref<1x33xf32, #tpu.memory_space<vmem>>) target_semaphore(%arg12 : memref<!tpu.dma_semaphore, #tpu.memory_space<semaphore_mem>>)
      %slice3A_288 = vector.extract_strided_slice %get3A_177 {offsets = [8], sizes = [1], strides = [1]} : vector<16xi32> to vector<1xi32>
      %squeeze3A_289 = vector.extract %slice3A_288[0] : i32 from vector<1xi32>
      %mul3A_290 = arith.constant 16 : i32
      %mul3A_291 = arith.muli %scan3A_172, %mul3A_290 : i32
      %add3A_292 = arith.constant 8 : i32
      %add3A_293 = arith.addi %mul3A_291, %add3A_292 : i32
      %dma_start3A_294 = arith.constant 0 : i32
      %dma_start3A_295 = tpu.memref_slice %arg10[%add3A_293, %dma_start3A_294] : memref<64x33xf32, #tpu.memory_space<vmem>> -> memref<1x33xf32, #tpu.memory_space<vmem>>
      %dma_start3A_296 = arith.constant 0 : i32
      %dma_start3A_297 = tpu.memref_slice %arg4[%squeeze3A_289, %dma_start3A_296] : memref<100000x33xf32, #tpu.memory_space<hbm>> -> memref<1x33xf32, #tpu.memory_space<hbm>>
      %dma_start3A_298 = arith.constant 0 : i32
      %dma_start3A_299 = tpu.memref_slice %arg10[%add3A_293, %dma_start3A_298] : memref<64x33xf32, #tpu.memory_space<vmem>> -> memref<1x33xf32, #tpu.memory_space<vmem>>
      %dma_start3A_300 = arith.constant 0 : i32
      %dma_start3A_301 = tpu.memref_slice %arg4[%squeeze3A_289, %dma_start3A_300] : memref<100000x33xf32, #tpu.memory_space<hbm>> -> memref<1x33xf32, #tpu.memory_space<hbm>>
      tpu.enqueue_dma source(%dma_start3A_301 : memref<1x33xf32, #tpu.memory_space<hbm>>) target(%dma_start3A_299 : memref<1x33xf32, #tpu.memory_space<vmem>>) target_semaphore(%arg12 : memref<!tpu.dma_semaphore, #tpu.memory_space<semaphore_mem>>)
      %slice3A_302 = vector.extract_strided_slice %get3A_177 {offsets = [9], sizes = [1], strides = [1]} : vector<16xi32> to vector<1xi32>
      %squeeze3A_303 = vector.extract %slice3A_302[0] : i32 from vector<1xi32>
      %mul3A_304 = arith.constant 16 : i32
      %mul3A_305 = arith.muli %scan3A_172, %mul3A_304 : i32
      %add3A_306 = arith.constant 9 : i32
      %add3A_307 = arith.addi %mul3A_305, %add3A_306 : i32
      %dma_start3A_308 = arith.constant 0 : i32
      %dma_start3A_309 = tpu.memref_slice %arg10[%add3A_307, %dma_start3A_308] : memref<64x33xf32, #tpu.memory_space<vmem>> -> memref<1x33xf32, #tpu.memory_space<vmem>>
      %dma_start3A_310 = arith.constant 0 : i32
      %dma_start3A_311 = tpu.memref_slice %arg4[%squeeze3A_303, %dma_start3A_310] : memref<100000x33xf32, #tpu.memory_space<hbm>> -> memref<1x33xf32, #tpu.memory_space<hbm>>
      %dma_start3A_312 = arith.constant 0 : i32
      %dma_start3A_313 = tpu.memref_slice %arg10[%add3A_307, %dma_start3A_312] : memref<64x33xf32, #tpu.memory_space<vmem>> -> memref<1x33xf32, #tpu.memory_space<vmem>>
      %dma_start3A_314 = arith.constant 0 : i32
      %dma_start3A_315 = tpu.memref_slice %arg4[%squeeze3A_303, %dma_start3A_314] : memref<100000x33xf32, #tpu.memory_space<hbm>> -> memref<1x33xf32, #tpu.memory_space<hbm>>
      tpu.enqueue_dma source(%dma_start3A_315 : memref<1x33xf32, #tpu.memory_space<hbm>>) target(%dma_start3A_313 : memref<1x33xf32, #tpu.memory_space<vmem>>) target_semaphore(%arg12 : memref<!tpu.dma_semaphore, #tpu.memory_space<semaphore_mem>>)
      %slice3A_316 = vector.extract_strided_slice %get3A_177 {offsets = [10], sizes = [1], strides = [1]} : vector<16xi32> to vector<1xi32>
      %squeeze3A_317 = vector.extract %slice3A_316[0] : i32 from vector<1xi32>
      %mul3A_318 = arith.constant 16 : i32
      %mul3A_319 = arith.muli %scan3A_172, %mul3A_318 : i32
      %add3A_320 = arith.constant 10 : i32
      %add3A_321 = arith.addi %mul3A_319, %add3A_320 : i32
      %dma_start3A_322 = arith.constant 0 : i32
      %dma_start3A_323 = tpu.memref_slice %arg10[%add3A_321, %dma_start3A_322] : memref<64x33xf32, #tpu.memory_space<vmem>> -> memref<1x33xf32, #tpu.memory_space<vmem>>
      %dma_start3A_324 = arith.constant 0 : i32
      %dma_start3A_325 = tpu.memref_slice %arg4[%squeeze3A_317, %dma_start3A_324] : memref<100000x33xf32, #tpu.memory_space<hbm>> -> memref<1x33xf32, #tpu.memory_space<hbm>>
      %dma_start3A_326 = arith.constant 0 : i32
      %dma_start3A_327 = tpu.memref_slice %arg10[%add3A_321, %dma_start3A_326] : memref<64x33xf32, #tpu.memory_space<vmem>> -> memref<1x33xf32, #tpu.memory_space<vmem>>
      %dma_start3A_328 = arith.constant 0 : i32
      %dma_start3A_329 = tpu.memref_slice %arg4[%squeeze3A_317, %dma_start3A_328] : memref<100000x33xf32, #tpu.memory_space<hbm>> -> memref<1x33xf32, #tpu.memory_space<hbm>>
      tpu.enqueue_dma source(%dma_start3A_329 : memref<1x33xf32, #tpu.memory_space<hbm>>) target(%dma_start3A_327 : memref<1x33xf32, #tpu.memory_space<vmem>>) target_semaphore(%arg12 : memref<!tpu.dma_semaphore, #tpu.memory_space<semaphore_mem>>)
      %slice3A_330 = vector.extract_strided_slice %get3A_177 {offsets = [11], sizes = [1], strides = [1]} : vector<16xi32> to vector<1xi32>
      %squeeze3A_331 = vector.extract %slice3A_330[0] : i32 from vector<1xi32>
      %mul3A_332 = arith.constant 16 : i32
      %mul3A_333 = arith.muli %scan3A_172, %mul3A_332 : i32
      %add3A_334 = arith.constant 11 : i32
      %add3A_335 = arith.addi %mul3A_333, %add3A_334 : i32
      %dma_start3A_336 = arith.constant 0 : i32
      %dma_start3A_337 = tpu.memref_slice %arg10[%add3A_335, %dma_start3A_336] : memref<64x33xf32, #tpu.memory_space<vmem>> -> memref<1x33xf32, #tpu.memory_space<vmem>>
      %dma_start3A_338 = arith.constant 0 : i32
      %dma_start3A_339 = tpu.memref_slice %arg4[%squeeze3A_331, %dma_start3A_338] : memref<100000x33xf32, #tpu.memory_space<hbm>> -> memref<1x33xf32, #tpu.memory_space<hbm>>
      %dma_start3A_340 = arith.constant 0 : i32
      %dma_start3A_341 = tpu.memref_slice %arg10[%add3A_335, %dma_start3A_340] : memref<64x33xf32, #tpu.memory_space<vmem>> -> memref<1x33xf32, #tpu.memory_space<vmem>>
      %dma_start3A_342 = arith.constant 0 : i32
      %dma_start3A_343 = tpu.memref_slice %arg4[%squeeze3A_331, %dma_start3A_342] : memref<100000x33xf32, #tpu.memory_space<hbm>> -> memref<1x33xf32, #tpu.memory_space<hbm>>
      tpu.enqueue_dma source(%dma_start3A_343 : memref<1x33xf32, #tpu.memory_space<hbm>>) target(%dma_start3A_341 : memref<1x33xf32, #tpu.memory_space<vmem>>) target_semaphore(%arg12 : memref<!tpu.dma_semaphore, #tpu.memory_space<semaphore_mem>>)
      %slice3A_344 = vector.extract_strided_slice %get3A_177 {offsets = [12], sizes = [1], strides = [1]} : vector<16xi32> to vector<1xi32>
      %squeeze3A_345 = vector.extract %slice3A_344[0] : i32 from vector<1xi32>
      %mul3A_346 = arith.constant 16 : i32
      %mul3A_347 = arith.muli %scan3A_172, %mul3A_346 : i32
      %add3A_348 = arith.constant 12 : i32
      %add3A_349 = arith.addi %mul3A_347, %add3A_348 : i32
      %dma_start3A_350 = arith.constant 0 : i32
      %dma_start3A_351 = tpu.memref_slice %arg10[%add3A_349, %dma_start3A_350] : memref<64x33xf32, #tpu.memory_space<vmem>> -> memref<1x33xf32, #tpu.memory_space<vmem>>
      %dma_start3A_352 = arith.constant 0 : i32
      %dma_start3A_353 = tpu.memref_slice %arg4[%squeeze3A_345, %dma_start3A_352] : memref<100000x33xf32, #tpu.memory_space<hbm>> -> memref<1x33xf32, #tpu.memory_space<hbm>>
      %dma_start3A_354 = arith.constant 0 : i32
      %dma_start3A_355 = tpu.memref_slice %arg10[%add3A_349, %dma_start3A_354] : memref<64x33xf32, #tpu.memory_space<vmem>> -> memref<1x33xf32, #tpu.memory_space<vmem>>
      %dma_start3A_356 = arith.constant 0 : i32
      %dma_start3A_357 = tpu.memref_slice %arg4[%squeeze3A_345, %dma_start3A_356] : memref<100000x33xf32, #tpu.memory_space<hbm>> -> memref<1x33xf32, #tpu.memory_space<hbm>>
      tpu.enqueue_dma source(%dma_start3A_357 : memref<1x33xf32, #tpu.memory_space<hbm>>) target(%dma_start3A_355 : memref<1x33xf32, #tpu.memory_space<vmem>>) target_semaphore(%arg12 : memref<!tpu.dma_semaphore, #tpu.memory_space<semaphore_mem>>)
      %slice3A_358 = vector.extract_strided_slice %get3A_177 {offsets = [13], sizes = [1], strides = [1]} : vector<16xi32> to vector<1xi32>
      %squeeze3A_359 = vector.extract %slice3A_358[0] : i32 from vector<1xi32>
      %mul3A_360 = arith.constant 16 : i32
      %mul3A_361 = arith.muli %scan3A_172, %mul3A_360 : i32
      %add3A_362 = arith.constant 13 : i32
      %add3A_363 = arith.addi %mul3A_361, %add3A_362 : i32
      %dma_start3A_364 = arith.constant 0 : i32
      %dma_start3A_365 = tpu.memref_slice %arg10[%add3A_363, %dma_start3A_364] : memref<64x33xf32, #tpu.memory_space<vmem>> -> memref<1x33xf32, #tpu.memory_space<vmem>>
      %dma_start3A_366 = arith.constant 0 : i32
      %dma_start3A_367 = tpu.memref_slice %arg4[%squeeze3A_359, %dma_start3A_366] : memref<100000x33xf32, #tpu.memory_space<hbm>> -> memref<1x33xf32, #tpu.memory_space<hbm>>
      %dma_start3A_368 = arith.constant 0 : i32
      %dma_start3A_369 = tpu.memref_slice %arg10[%add3A_363, %dma_start3A_368] : memref<64x33xf32, #tpu.memory_space<vmem>> -> memref<1x33xf32, #tpu.memory_space<vmem>>
      %dma_start3A_370 = arith.constant 0 : i32
      %dma_start3A_371 = tpu.memref_slice %arg4[%squeeze3A_359, %dma_start3A_370] : memref<100000x33xf32, #tpu.memory_space<hbm>> -> memref<1x33xf32, #tpu.memory_space<hbm>>
      tpu.enqueue_dma source(%dma_start3A_371 : memref<1x33xf32, #tpu.memory_space<hbm>>) target(%dma_start3A_369 : memref<1x33xf32, #tpu.memory_space<vmem>>) target_semaphore(%arg12 : memref<!tpu.dma_semaphore, #tpu.memory_space<semaphore_mem>>)
      %slice3A_372 = vector.extract_strided_slice %get3A_177 {offsets = [14], sizes = [1], strides = [1]} : vector<16xi32> to vector<1xi32>
      %squeeze3A_373 = vector.extract %slice3A_372[0] : i32 from vector<1xi32>
      %mul3A_374 = arith.constant 16 : i32
      %mul3A_375 = arith.muli %scan3A_172, %mul3A_374 : i32
      %add3A_376 = arith.constant 14 : i32
      %add3A_377 = arith.addi %mul3A_375, %add3A_376 : i32
      %dma_start3A_378 = arith.constant 0 : i32
      %dma_start3A_379 = tpu.memref_slice %arg10[%add3A_377, %dma_start3A_378] : memref<64x33xf32, #tpu.memory_space<vmem>> -> memref<1x33xf32, #tpu.memory_space<vmem>>
      %dma_start3A_380 = arith.constant 0 : i32
      %dma_start3A_381 = tpu.memref_slice %arg4[%squeeze3A_373, %dma_start3A_380] : memref<100000x33xf32, #tpu.memory_space<hbm>> -> memref<1x33xf32, #tpu.memory_space<hbm>>
      %dma_start3A_382 = arith.constant 0 : i32
      %dma_start3A_383 = tpu.memref_slice %arg10[%add3A_377, %dma_start3A_382] : memref<64x33xf32, #tpu.memory_space<vmem>> -> memref<1x33xf32, #tpu.memory_space<vmem>>
      %dma_start3A_384 = arith.constant 0 : i32
      %dma_start3A_385 = tpu.memref_slice %arg4[%squeeze3A_373, %dma_start3A_384] : memref<100000x33xf32, #tpu.memory_space<hbm>> -> memref<1x33xf32, #tpu.memory_space<hbm>>
      tpu.enqueue_dma source(%dma_start3A_385 : memref<1x33xf32, #tpu.memory_space<hbm>>) target(%dma_start3A_383 : memref<1x33xf32, #tpu.memory_space<vmem>>) target_semaphore(%arg12 : memref<!tpu.dma_semaphore, #tpu.memory_space<semaphore_mem>>)
      %slice3A_386 = vector.extract_strided_slice %get3A_177 {offsets = [15], sizes = [1], strides = [1]} : vector<16xi32> to vector<1xi32>
      %squeeze3A_387 = vector.extract %slice3A_386[0] : i32 from vector<1xi32>
      %mul3A_388 = arith.constant 16 : i32
      %mul3A_389 = arith.muli %scan3A_172, %mul3A_388 : i32
      %add3A_390 = arith.constant 15 : i32
      %add3A_391 = arith.addi %mul3A_389, %add3A_390 : i32
      %dma_start3A_392 = arith.constant 0 : i32
      %dma_start3A_393 = tpu.memref_slice %arg10[%add3A_391, %dma_start3A_392] : memref<64x33xf32, #tpu.memory_space<vmem>> -> memref<1x33xf32, #tpu.memory_space<vmem>>
      %dma_start3A_394 = arith.constant 0 : i32
      %dma_start3A_395 = tpu.memref_slice %arg4[%squeeze3A_387, %dma_start3A_394] : memref<100000x33xf32, #tpu.memory_space<hbm>> -> memref<1x33xf32, #tpu.memory_space<hbm>>
      %dma_start3A_396 = arith.constant 0 : i32
      %dma_start3A_397 = tpu.memref_slice %arg10[%add3A_391, %dma_start3A_396] : memref<64x33xf32, #tpu.memory_space<vmem>> -> memref<1x33xf32, #tpu.memory_space<vmem>>
      %dma_start3A_398 = arith.constant 0 : i32
      %dma_start3A_399 = tpu.memref_slice %arg4[%squeeze3A_387, %dma_start3A_398] : memref<100000x33xf32, #tpu.memory_space<hbm>> -> memref<1x33xf32, #tpu.memory_space<hbm>>
      tpu.enqueue_dma source(%dma_start3A_399 : memref<1x33xf32, #tpu.memory_space<hbm>>) target(%dma_start3A_397 : memref<1x33xf32, #tpu.memory_space<vmem>>) target_semaphore(%arg12 : memref<!tpu.dma_semaphore, #tpu.memory_space<semaphore_mem>>)
    }
    %scan3A_138 = arith.constant 4 : i32
    %dma_wait3A_139 = arith.constant 0 : i32
    %dma_wait3A_140 = arith.constant 0 : i32
    %dma_wait3A_141 = tpu.memref_slice %arg4[%dma_wait3A_139, %dma_wait3A_140] : memref<100000x33xf32, #tpu.memory_space<hbm>> -> memref<64x33xf32, #tpu.memory_space<hbm>>
    %dma_wait3A_142 = arith.constant 0 : i32
    %dma_wait3A_143 = arith.constant 0 : i32
    %dma_wait3A_144 = tpu.memref_slice %arg4[%dma_wait3A_142, %dma_wait3A_143] : memref<100000x33xf32, #tpu.memory_space<hbm>> -> memref<64x33xf32, #tpu.memory_space<hbm>>
    tpu.wait_dma2 semaphore(%arg11 : memref<!tpu.dma_semaphore, #tpu.memory_space<semaphore_mem>>) src(%dma_wait3A_144 : memref<64x33xf32, #tpu.memory_space<hbm>>) dst(%arg9 : memref<64x33xf32, #tpu.memory_space<vmem>>)
    %scan3A_145 = arith.constant 0 : i32
    %scan3A_146 = arith.constant 2.000000e-01 : f32
    %scan3A_147 = arith.constant 3.000000e-01 : f32
    %scan3A_148 = arith.constant 5.000000e-01 : f32
    %scan3A_149 = arith.constant 0 : i32
    %scan3A_150 = arith.constant 4 : i32
    %scan3A_151 = arith.addi %scan3A_149, %scan3A_150 : i32
    %scan3A_152 = arith.constant 1 : i32
    scf.for %scan3A_172 = %scan3A_149 to %scan3A_151 step %scan3A_152  : i32 {
      %mul3A_173 = arith.constant 16 : i32
      %mul3A_174 = arith.muli %scan3A_172, %mul3A_173 : i32
      %add3A_175 = vector.broadcast %mul3A_174 : i32 to vector<16xi32>
      %add3A_176 = arith.addi %add3A_175, %iota3A : vector<16xi32>
      %mul3A_177 = arith.constant 16 : i32
      %mul3A_178 = arith.muli %scan3A_172, %mul3A_177 : i32
      %add3A_179 = arith.constant 384 : i32
      %add3A_180 = arith.addi %add3A_179, %mul3A_178 : i32
      %get3A = arith.index_cast %add3A_180 : i32 to index
      %get3A_181 = tpu.vector_load %arg7[%get3A] {strides = array<i32>} : memref<512xi32, #tpu.memory_space<vmem>>, vector<16xi32>,
      %gather3A = tpu.vector_load_idx %arg9[%add3A_176, %get3A_181] : memref<64x33xf32, #tpu.memory_space<vmem>>[vector<16xi32>, vector<16xi32>], vector<16xf32>,
      %add3A_182 = arith.constant 1 : i32
      %add3A_183 = vector.broadcast %add3A_182 : i32 to vector<16xi32>
      %add3A_184 = arith.addi %get3A_181, %add3A_183 : vector<16xi32>
      %gather3A_185 = tpu.vector_load_idx %arg9[%add3A_176, %add3A_184] : memref<64x33xf32, #tpu.memory_space<vmem>>[vector<16xi32>, vector<16xi32>], vector<16xf32>,
      %add3A_186 = arith.constant 2 : i32
      %add3A_187 = vector.broadcast %add3A_186 : i32 to vector<16xi32>
      %add3A_188 = arith.addi %get3A_181, %add3A_187 : vector<16xi32>
      %gather3A_189 = tpu.vector_load_idx %arg9[%add3A_176, %add3A_188] : memref<64x33xf32, #tpu.memory_space<vmem>>[vector<16xi32>, vector<16xi32>], vector<16xf32>,
      %mul3A_190 = vector.broadcast %scan3A_146 : f32 to vector<16xf32>
      %mul3A_191 = arith.mulf %mul3A_190, %gather3A : vector<16xf32>
      %mul3A_192 = vector.broadcast %scan3A_147 : f32 to vector<16xf32>
      %mul3A_193 = arith.mulf %mul3A_192, %gather3A_185 : vector<16xf32>
      %add3A_194 = arith.addf %mul3A_191, %mul3A_193 : vector<16xf32>
      %mul3A_195 = vector.broadcast %scan3A_148 : f32 to vector<16xf32>
      %mul3A_196 = arith.mulf %mul3A_195, %gather3A_189 : vector<16xf32>
      %add3A_197 = arith.addf %add3A_194, %mul3A_196 : vector<16xf32>
      %swap3A = arith.index_cast %add3A_180 : i32 to index
      %swap3A_198 = tpu.vector_load %arg8[%swap3A] {strides = array<i32>} : memref<512xf32, #tpu.memory_space<vmem>>, vector<16xf32>,
      tpu.vector_store %arg8[%swap3A], %add3A_197 {strides = array<i32>} : memref<512xf32, #tpu.memory_space<vmem>>, vector<16xf32>,
    }
    %scan3A_153 = arith.constant 4 : i32
    %dma_wait3A_154 = arith.constant 0 : i32
    %dma_wait3A_155 = arith.constant 0 : i32
    %dma_wait3A_156 = tpu.memref_slice %arg4[%dma_wait3A_154, %dma_wait3A_155] : memref<100000x33xf32, #tpu.memory_space<hbm>> -> memref<64x33xf32, #tpu.memory_space<hbm>>
    %dma_wait3A_157 = arith.constant 0 : i32
    %dma_wait3A_158 = arith.constant 0 : i32
    %dma_wait3A_159 = tpu.memref_slice %arg4[%dma_wait3A_157, %dma_wait3A_158] : memref<100000x33xf32, #tpu.memory_space<hbm>> -> memref<64x33xf32, #tpu.memory_space<hbm>>
    tpu.wait_dma2 semaphore(%arg12 : memref<!tpu.dma_semaphore, #tpu.memory_space<semaphore_mem>>) src(%dma_wait3A_159 : memref<64x33xf32, #tpu.memory_space<hbm>>) dst(%arg10 : memref<64x33xf32, #tpu.memory_space<vmem>>)
    %scan3A_160 = arith.constant 0 : i32
    %scan3A_161 = arith.constant 2.000000e-01 : f32
    %scan3A_162 = arith.constant 3.000000e-01 : f32
    %scan3A_163 = arith.constant 5.000000e-01 : f32
    %scan3A_164 = arith.constant 0 : i32
    %scan3A_165 = arith.constant 4 : i32
    %scan3A_166 = arith.addi %scan3A_164, %scan3A_165 : i32
    %scan3A_167 = arith.constant 1 : i32
    scf.for %scan3A_172 = %scan3A_164 to %scan3A_166 step %scan3A_167  : i32 {
      %mul3A_173 = arith.constant 16 : i32
      %mul3A_174 = arith.muli %scan3A_172, %mul3A_173 : i32
      %add3A_175 = vector.broadcast %mul3A_174 : i32 to vector<16xi32>
      %add3A_176 = arith.addi %add3A_175, %iota3A : vector<16xi32>
      %mul3A_177 = arith.constant 16 : i32
      %mul3A_178 = arith.muli %scan3A_172, %mul3A_177 : i32
      %add3A_179 = arith.constant 448 : i32
      %add3A_180 = arith.addi %add3A_179, %mul3A_178 : i32
      %get3A = arith.index_cast %add3A_180 : i32 to index
      %get3A_181 = tpu.vector_load %arg7[%get3A] {strides = array<i32>} : memref<512xi32, #tpu.memory_space<vmem>>, vector<16xi32>,
      %gather3A = tpu.vector_load_idx %arg10[%add3A_176, %get3A_181] : memref<64x33xf32, #tpu.memory_space<vmem>>[vector<16xi32>, vector<16xi32>], vector<16xf32>,
      %add3A_182 = arith.constant 1 : i32
      %add3A_183 = vector.broadcast %add3A_182 : i32 to vector<16xi32>
      %add3A_184 = arith.addi %get3A_181, %add3A_183 : vector<16xi32>
      %gather3A_185 = tpu.vector_load_idx %arg10[%add3A_176, %add3A_184] : memref<64x33xf32, #tpu.memory_space<vmem>>[vector<16xi32>, vector<16xi32>], vector<16xf32>,
      %add3A_186 = arith.constant 2 : i32
      %add3A_187 = vector.broadcast %add3A_186 : i32 to vector<16xi32>
      %add3A_188 = arith.addi %get3A_181, %add3A_187 : vector<16xi32>
      %gather3A_189 = tpu.vector_load_idx %arg10[%add3A_176, %add3A_188] : memref<64x33xf32, #tpu.memory_space<vmem>>[vector<16xi32>, vector<16xi32>], vector<16xf32>,
      %mul3A_190 = vector.broadcast %scan3A_161 : f32 to vector<16xf32>
      %mul3A_191 = arith.mulf %mul3A_190, %gather3A : vector<16xf32>
      %mul3A_192 = vector.broadcast %scan3A_162 : f32 to vector<16xf32>
      %mul3A_193 = arith.mulf %mul3A_192, %gather3A_185 : vector<16xf32>
      %add3A_194 = arith.addf %mul3A_191, %mul3A_193 : vector<16xf32>
      %mul3A_195 = vector.broadcast %scan3A_163 : f32 to vector<16xf32>
      %mul3A_196 = arith.mulf %mul3A_195, %gather3A_189 : vector<16xf32>
      %add3A_197 = arith.addf %add3A_194, %mul3A_196 : vector<16xf32>
      %swap3A = arith.index_cast %add3A_180 : i32 to index
      %swap3A_198 = tpu.vector_load %arg8[%swap3A] {strides = array<i32>} : memref<512xf32, #tpu.memory_space<vmem>>, vector<16xf32>,
      tpu.vector_store %arg8[%swap3A], %add3A_197 {strides = array<i32>} : memref<512xf32, #tpu.memory_space<vmem>>, vector<16xf32>,
    }
    %scan3A_168 = arith.constant 4 : i32
    %dma_start3A = tpu.memref_slice %arg5[%mul3A_2] : memref<16384xf32, #tpu.memory_space<hbm>> -> memref<512xf32, #tpu.memory_space<hbm>>
    %dma_start3A_169 = tpu.memref_slice %arg5[%mul3A_2] : memref<16384xf32, #tpu.memory_space<hbm>> -> memref<512xf32, #tpu.memory_space<hbm>>
    tpu.enqueue_dma source(%arg8 : memref<512xf32, #tpu.memory_space<vmem>>) target(%dma_start3A_169 : memref<512xf32, #tpu.memory_space<hbm>>) target_semaphore(%arg13 : memref<!tpu.dma_semaphore, #tpu.memory_space<semaphore_mem>>)
    %dma_wait3A_170 = tpu.memref_slice %arg5[%mul3A_2] : memref<16384xf32, #tpu.memory_space<hbm>> -> memref<512xf32, #tpu.memory_space<hbm>>
    %dma_wait3A_171 = tpu.memref_slice %arg5[%mul3A_2] : memref<16384xf32, #tpu.memory_space<hbm>> -> memref<512xf32, #tpu.memory_space<hbm>>
    tpu.wait_dma2 semaphore(%arg13 : memref<!tpu.dma_semaphore, #tpu.memory_space<semaphore_mem>>) src(%arg8 : memref<512xf32, #tpu.memory_space<vmem>>) dst(%dma_wait3A_171 : memref<512xf32, #tpu.memory_space<hbm>>)
    return
  }
}

module attributes {stable_mosaic.version = 14 : i64} {
  func.func @_blend_body(%arg0: i32, %arg1: memref<2048xf32, #tpu.memory_space<vmem>>, %arg2: memref<10x2048xf32, #tpu.memory_space<vmem>>, %arg3: memref<10x2048xf32, #tpu.memory_space<vmem>>, %arg4: memref<10x2048xf32, #tpu.memory_space<vmem>>) attributes {dimension_semantics = [#tpu.dimension_semantics<arbitrary>], iteration_bounds = array<i64: 8>, scalar_prefetch = 0 : i64, scratch_operands = 0 : i64, tpu.core_type = #tpu.core_type<tc>, window_params = [{transform_indices = @transform_0, window_bounds = array<i64: 2048>}, {transform_indices = @transform_1, window_bounds = array<i64: 10, 2048>}, {transform_indices = @transform_2, window_bounds = array<i64: 10, 2048>}, {transform_indices = @transform_3, window_bounds = array<i64: 10, 2048>}]} {
    %get3A = arith.constant 0 : index
    %get3A_0 = vector.load %arg1[%get3A] : memref<2048xf32, #tpu.memory_space<vmem>>, vector<2048xf32>
    %broadcast_in_dim3A = vector.shape_cast %get3A_0 : vector<2048xf32> to vector<1x2048xf32>
    %get3A_1 = arith.constant 0 : index
    %get3A_2 = arith.constant 0 : index
    %get3A_3 = vector.load %arg2[%get3A_1, %get3A_2] : memref<10x2048xf32, #tpu.memory_space<vmem>>, vector<10x2048xf32>
    %get3A_4 = arith.constant 0 : index
    %get3A_5 = arith.constant 0 : index
    %get3A_6 = vector.load %arg3[%get3A_4, %get3A_5] : memref<10x2048xf32, #tpu.memory_space<vmem>>, vector<10x2048xf32>
    %sub3A = arith.subf %get3A_6, %get3A_3 : vector<10x2048xf32>
    %mul3A = vector.broadcast %broadcast_in_dim3A : vector<1x2048xf32> to vector<10x2048xf32>
    %mul3A_7 = arith.mulf %mul3A, %sub3A : vector<10x2048xf32>
    %add3A = arith.addf %get3A_3, %mul3A_7 : vector<10x2048xf32>
    %swap3A = arith.constant 0 : index
    %swap3A_8 = arith.constant 0 : index
    %swap3A_9 = vector.load %arg4[%swap3A, %swap3A_8] : memref<10x2048xf32, #tpu.memory_space<vmem>>, vector<10x2048xf32>
    tpu.vector_store %arg4[%swap3A, %swap3A_8], %add3A {strides = array<i32>} : memref<10x2048xf32, #tpu.memory_space<vmem>>, vector<10x2048xf32>,
    return
  }
  func.func @transform_0(%arg0: i32) -> i32 {
    %c0_i32 = arith.constant 0 : i32
    return %arg0 : i32
  }
  func.func @transform_1(%arg0: i32) -> (i32, i32) {
    %c0_i32 = arith.constant 0 : i32
    %c0_i32_0 = arith.constant 0 : i32
    return %c0_i32, %arg0 : i32, i32
  }
  func.func @transform_2(%arg0: i32) -> (i32, i32) {
    %c0_i32 = arith.constant 0 : i32
    %c0_i32_0 = arith.constant 0 : i32
    return %c0_i32, %arg0 : i32, i32
  }
  func.func @transform_3(%arg0: i32) -> (i32, i32) {
    %c0_i32 = arith.constant 0 : i32
    %c0_i32_0 = arith.constant 0 : i32
    return %c0_i32, %arg0 : i32, i32
  }
}

</mosaic_0001>

<sc_bundles>
// kernel: kernel.4.cloned.1.call-start
scs
__scs_entry_jumppad:
0x0: {  	(pc) =	sbr.rel $0x88, $3  }
0x1: {  	(tag) =	ssettag $0x0;
	lr =	simm.s32 $0x1  }
0x2: {  	[smem:$0x3F9D] =	sst lr;
	_ =	strace $0xD0000000  }
0x3: {  	_ = 	snop  }
0x4: {  	_ = 	snop  }
0x5: {  	_ = 	snop  }
0x6: {  	_ = 	snop  }
0x7: {  	_ = 	snop  }
__scs_overlays_trampoline_lowered:
0x8: {  	[smem:$0x3FAC] =	sst s0  }
0x9: {  	[smem:$0x3FAD] =	sst s1  }
0xa: {  	[smem:$0x3FAE] =	sst s2  }
0xb: {  	[smem:$0x3FAF] =	sst s3  }
0xc: {  	[smem:$0x3FB0] =	sst s4  }
0xd: {  	[smem:$0x3FB1] =	sst s5  }
0xe: {  	[smem:$0x3FB2] =	sst s6  }
0xf: {  	[smem:$0x3FB3] =	sst s7  }
0x10: {  	[smem:$0x3FB4] =	sst s8  }
0x11: {  	[smem:$0x3FB5] =	sst s9;
	s0 =	simm.s32 @!p0 $0x0  }
0x12: {  	s1 =	sld [smem:$0x3F9B];
	s0 =	simm.s32 @p0 $0x1  }
0x13: {  	[smem:$0x3FB6] =	sst s0;
	s0 =	simm.s32 @!p1 $0x0  }
0x14: {  	s2 =	sld [smem:$0x3F9A];
	s0 =	simm.s32 @p1 $0x1  }
0x15: {  	[smem:$0x3FB7] =	sst s0;
	s0 =	simm.s32 @!p2 $0x0  }
0x16: {  	s3 =	sld [smem:$0x3FDB];
	s0 =	simm.s32 @p2 $0x1  }
0x17: {  	s4 =	simm.s32 $0x1BF5;
	[smem:$0x3FB9] =	sst s0  }
0x18: {  	s0 =	sld [smem:$0x3F9C];
	_ =	swait.ge [sflag:s4], $0x0  }
0x19: {  	s7 =	sld [smem:$0x3F9D]  }
0x1a: {  	s8 =	sadd.s32 $0xFFFFE003, lr  }
0x1b: {  	s9 =	sadd.s32 $0xFFFFFEF7, lr;
	s5 =	simm.s32 $0xFFFFFFFF;
	p2 =	slt.u32 s8, $0xFFFFF086  }
0x1c: {  	p1 =	slt.u32 s9, $0xF7A;
	s5 =	simm.s32 @!p2 $0x0  }
0x1d: {  	s5 =	simm.s32 @p1 $0x1;
	p0 =	seq.s32 s7, s2  }
0x1e: {  	s7 =	smul.u32 @!p0 $0xF7A, s2;
	p2 =	seq.s32 @!p0 s5, $0x0  }
0x1f: {  	s9 =	smul.u32 $0xF7A, s1;
	s8 =	simm.s32 @!p0 $0x1BF5;
	p2 =	por !p2, p0  }
0x20: {  	[sflag:s8] =	ssyncset.s32 @!p0 $0xFFFFF086;
	s6 =	sadd.s32 @!p0 s3, s7;
	s7 =	simm.s32 @!p0 $0x108  }
0x21: {  	s3 =	sadd.s32 s3, s9;
	s6 =	sadd.s32 @!p0 $0x88, s6;
	s7 =	simm.s32 @p2 $0x1082  }
0x22: {  	[simem:s7], [sflag:s8] =	dma.local @!p0 [hbm:s6], $0xF7A  }
0x23: {  	s9 =	sor.u32 $0xD0000000, s2;
	s6 =	simm.s32 $0x108;
	_ =	swait.ge @!p0 [sflag:s8], $0x0  }
0x24: {  	s3 =	sadd.s32 $0x88, s3;
	s6 =	simm.s32 @!p1 $0x1082;
	[sflag:s4] =	ssyncset.s32 $0xFFFFF086  }
0x25: {  	[simem:s6], [sflag:s4] =	dma.local [hbm:s3], $0xF7A  }
0x26: {  	[smem:$0x3F9D] =	sst s1;
	(tag) =	ssettag s2;
	_ =	strace s9  }
0x27: {  	s1 =	sld [smem:$0x3FAD]  }
0x28: {  	s2 =	sld [smem:$0x3FAE]  }
0x29: {  	s4 =	sld [smem:$0x3FB0]  }
0x2a: {  	p0 =	seq.s32 s5, $0x0;
	s5 =	sld [smem:$0x3FB1]  }
0x2b: {  	s6 =	sld [smem:$0x3FB2]  }
0x2c: {  	s7 =	sld [smem:$0x3FB3]  }
0x2d: {  	s3 =	simm.s32 $0x108;
	s8 =	sld [smem:$0x3FB4]  }
0x2e: {  	s3 =	simm.s32 @!p0 $0x1082;
	s9 =	sld [smem:$0x3FB5]  }
0x2f: {  	lr =	sadd.s32 s0, s3;
	s0 =	sld [smem:$0x3FAC]  }
0x30: {  	s3 =	sld [smem:$0x3FAF]  }
0x31: {  	[smem:$0x3FB8] =	sst s10  }
0x32: {  	s10 =	sld [smem:$0x3FB6];
	_ =	sdelay $0x3  }
0x33: {  	p0 =	seq.s32 s10, $0x1;
	s10 =	sld [smem:$0x3FB8];
	_ =	sdelay $0x3  }
0x34: {  	[smem:$0x3FB8] =	sst s10  }
0x35: {  	s10 =	sld [smem:$0x3FB7];
	_ =	sdelay $0x3  }
0x36: {  	p1 =	seq.s32 s10, $0x1;
	s10 =	sld [smem:$0x3FB8];
	_ =	sdelay $0x3  }
0x37: {  	[smem:$0x3FB8] =	sst s10  }
0x38: {  	s10 =	sld [smem:$0x3FB9]  }
0x39: {  	_ = 	snop;
	(pc) =	sbr.ind lr, $3  }
0x3a: {  	_ = 	snop  }
0x3b: {  	_ = 	snop  }
0x3c: {  	p2 =	seq.s32 s10, $0x1;
	s10 =	sld [smem:$0x3FB8]  }
0x3d: {  	_ =	shalt  }
0x3e: {  	_ =	shalt  }
0x3f: {  	_ =	shalt  }
0x40: {  	_ =	shalt  }
0x41: {  	_ =	shalt  }
0x42: {  	_ =	shalt  }
0x43: {  	_ =	shalt  }
0x44: {  	_ =	shalt  }
0x45: {  	_ =	shalt  }
0x46: {  	_ =	shalt  }
0x47: {  	_ =	shalt  }
0x48: {  	_ =	shalt  }
0x49: {  	_ =	shalt  }
0x4a: {  	_ =	shalt  }
0x4b: {  	_ =	shalt  }
0x4c: {  	_ =	shalt  }
0x4d: {  	_ =	shalt  }
0x4e: {  	_ =	shalt  }
0x4f: {  	_ =	shalt  }
0x50: {  	_ =	shalt  }
0x51: {  	_ =	shalt  }
0x52: {  	_ =	shalt  }
0x53: {  	_ =	shalt  }
0x54: {  	_ =	shalt  }
0x55: {  	_ =	shalt  }
0x56: {  	_ =	shalt  }
0x57: {  	_ =	shalt  }
0x58: {  	_ =	shalt  }
0x59: {  	_ =	shalt  }
0x5a: {  	_ =	shalt  }
0x5b: {  	_ =	shalt  }
0x5c: {  	_ =	shalt  }
0x5d: {  	_ =	shalt  }
0x5e: {  	_ =	shalt  }
0x5f: {  	_ =	shalt  }
0x60: {  	_ =	shalt  }
0x61: {  	_ =	shalt  }
0x62: {  	_ =	shalt  }
0x63: {  	_ =	shalt  }
0x64: {  	_ =	shalt  }
0x65: {  	_ =	shalt  }
0x66: {  	_ =	shalt  }
0x67: {  	_ =	shalt  }
0x68: {  	_ =	shalt  }
0x69: {  	_ =	shalt  }
0x6a: {  	_ =	shalt  }
0x6b: {  	_ =	shalt  }
0x6c: {  	_ =	shalt  }
0x6d: {  	_ =	shalt  }
0x6e: {  	_ =	shalt  }
0x6f: {  	_ =	shalt  }
0x70: {  	_ =	shalt  }
0x71: {  	_ =	shalt  }
0x72: {  	_ =	shalt  }
0x73: {  	_ =	shalt  }
0x74: {  	_ =	shalt  }
0x75: {  	_ =	shalt  }
0x76: {  	_ =	shalt  }
0x77: {  	_ =	shalt  }
0x78: {  	_ =	shalt  }
0x79: {  	_ =	shalt  }
0x7a: {  	_ =	shalt  }
0x7b: {  	_ =	shalt  }
0x7c: {  	_ =	shalt  }
0x7d: {  	_ =	shalt  }
0x7e: {  	_ =	shalt  }
0x7f: {  	_ =	shalt  }
0x80: {  	_ =	shalt  }
0x81: {  	_ =	shalt  }
0x82: {  	_ =	shalt  }
0x83: {  	_ =	shalt  }
0x84: {  	_ =	shalt  }
0x85: {  	_ =	shalt  }
0x86: {  	_ =	shalt  }
0x87: {  	_ =	shalt  }
.Lfunc_end0:
.L_simem_size_0:
called_computation_lowered:
.L_overlay_start_0:
0x88: {  	s2 =	sld [smem:$0x3FD9]  }
0x89: {  	s3 =	sld [smem:$0x3FFE];
	_ =	sdelay $0x1  }
0x8a: {  	s1 =	srdreg.scid  }
0x8b: {  	s0 =	sand.u32 $0x1, s1  }
0x8c: {  	s14 =	sshll.u32 s0, $0xA;
	s2 =	sadd.s32 s3, s2  }
0x8d: {  	s2 =	sadd.s32 s2, s14  }
0x8e: {  	[smem:$0x3FC4] =	sst s2  }
0x8f: {  	_ = 	snop  }
0x90: {  	s2 =	sld [smem:$0x3FD0];
	_ =	sdelay $0x2  }
0x91: {  	s15 =	simm.s32 $0xA;
	s4 =	simm.s32 $0x10  }
0x92: {  	[smem:s4], [sflag:s15] =	dma.local [hbm:s2], $0x1  }
0x93: {  	_ =	swait.eq [sflag:s15], $0x1  }
0x94: {  	[sflag:s15] =	ssyncset.done $0x0  }
0x95: {  	s16 =	sld [smem:$0x10];
	[sflag:s15] =	ssyncadd.s32 $0xFFFFFFFF  }
0x96: {  	s17 =	sld [smem:$0x11];
	(tm) =	ssettm $0x1  }
0x97: {  	s18 =	sld [smem:$0x3FFB];
	_ =	sdelay $0x3  }
0x98: {  	_ =	strace s18  }
0x99: {  	s4 =	sld [smem:$0x3FFC];
	_ =	sdelay $0x3  }
0x9a: {  	_ =	strace s4  }
0x9b: {  	s4 =	sld [smem:$0x3FFD];
	_ =	sdelay $0x3  }
0x9c: {  	_ =	strace s4  }
0x9d: {  	_ =	strace $0x8FFFFFFF  }
0x9e: {  	s19 =	sld [smem:$0x3FDB];
	_ =	sdelay $0x1  }
0x9f: {  	s5 =	simm.s32 $_scs_section_size  }
0xa0: {  	s6 =	simm.s32 $_size__tile_overlayer_lowered;
	s7 =	simm.s32 $_tile_overlayer_lowered  }
0xa1: {  	s22 =	simm.s32 $0x1BFF;
	s21 =	sshll.u32 s7, $0x1;
	s4 =	sadd.s32 s5, s19  }
0xa2: {  	s8 =	simm.s32 $0x0;
	s20 =	sshll.u32 s6, $0x1;
	s6 =	sadd.s32 s21, s4  }
0xa3: {  	[timem:s8], [sflag:s22] =	dma.local [hbm:s6], s20  }
0xa4: {  	_ =	swait.ge [sflag:s22], s20  }
0xa5: {  	s5 =	ssub.s32 $0x0, s20;
	[sflag:s22] =	ssyncset.done $0x0  }
0xa6: {  	[sflag:s22] =	ssyncadd.s32 s5;
	_ =	sdelay $0x1  }
0xa7: {  	s23 =	simm.s32 $0x1B8B  }
0xa8: {  	_ =	swait.ge [sflag:s23], $0x1  }
0xa9: {  	[sflag:s23] =	ssyncset.done $0x0  }
0xaa: {  	s25 =	simm.s32 $0x1B8E;
	s24 =	sld [smem:$0x3FFE];
	[sflag:s23] =	ssyncadd.s32 $0xFFFFFFFF  }
0xab: {  	s26 =	simm.s32 $execute0_lowered;
	[smem:$0x3FD2] =	sst s25  }
0xac: {  	s6 =	sshll.u32 s26, $0x1;
	_ =	strace $0x80000046;
	[dreg:$0x1] =	wrdreg $0xFFFFFFFF  }
0xad: {  	s28 =	simm.s32 $_size_execute0_lowered;
	s4 =	sadd.s32 s4, s6;
	[dreg:$0x0] =	wrdreg $0x0  }
0xae: {  	s6 =	sshll.u32 s28, $0x1;
	[dreg:$0x2] =	wrdreg s4  }
0xaf: {  	[dreg:$0x3] =	wrdreg s6  }
0xb0: {  	[dreg:$0x4] =	wrdreg $0xC0  }
0xb1: {  	_ =	task [dreg:s8], $0x5FFFF  }
0xb2: {  	[dreg:$0x1] =	wrdreg $0xFFFFFFFF  }
0xb3: {  	[dreg:$0x0] =	wrdreg $0x60  }
0xb4: {  	[dreg:$0x2] =	wrdreg s24  }
0xb5: {  	[dreg:$0x3] =	wrdreg s16  }
0xb6: {  	[dreg:$0x4] =	wrdreg s17  }
0xb7: {  	[dreg:$0x5] =	wrdreg $0x9  }
0xb8: {  	_ =	task.clear_ibuf [dreg:s8], $0x6FFFF;
	_ =	strace $0x90000046  }
0xb9: {  	s29 =	simm.s32 $0x9;
	_ =	strace $0x80000048  }
0xba: {  	_ =	swait.ge [sflag:s29], $0x1  }
0xbb: {  	[sflag:s29] =	ssyncadd.s32 $0xFFFFFFFF  }
0xbc: {  	_ =	strace $0x90000048  }
0xbd: {  	_ =	sfence  }
0xbe: {  	s30 =	sld [smem:$0x0];
	_ =	sdelay $0x2  }
0xbf: {  	s31 =	sshll.u32 s1, $0xD;
	s1 =	sshrl.u32 s1, $0x2  }
0xc0: {  	s3 =	sand.u32 $0x4000, s31;
	s1 =	sadd.s32 s1, s30  }
0xc1: {  	s0 =	sor.u32 s3, s0;
	s1 =	sshll.u32 s1, $0x11  }
0xc2: {  	s0 =	sor.u32 s1, s0  }
0xc3: {  	s0 =	sadd.s32 $0x8F2B, s0  }
0xc4: {  	[sflag:s0] =	ssyncadd.remote.s32 $0x1  }
0xc5: {  	_ =	sfence.sel $0xFFFF  }
0xc6: {  	[dreg:$0x0] =	wrdreg $0xFFFFFFFF;
	(pc) =	sbr.abs _section_cstart, $3  }
0xc7: {  	[dreg:$0x1] =	wrdreg $0xFFFFFFFF  }
0xc8: {  	_ =	task.clear_ibuf [dreg:s8], $0x2FFFF;
	_ =	strace $0x9FFFFFFF  }
0xc9: {  	(tm) =	ssettm $0x7FFFFFFF  }
tec
execute0_lowered:
.L_overlay_start_1:
0x0: {  	(tag) =	ssettag $0x1  }
0x1: {  	s3 =	rddreg [dreg:$0x0]  }
0x2: {  	s5 =	rddreg [dreg:$0x1]  }
0x3: {  	s6 =	rddreg [dreg:$0x2];
	s2 =	srdreg.scid  }
0x4: {  	s0 =	stileid.u32;
	s10 =	simm.s32 $0x1;
	s11 =	simm.s32 $0x600  }
0x5: {  	s12 =	simm.s32 $0x2;
	s13 =	simm.s32 $0x2600;
	s15 =	simm.s32 $0x3  }
0x6: {  	s16 =	simm.s32 $0x0;
	s4 =	sand.u32 $0x1, s2;
	s2 =	simm.s32 $0x0  }
0x7: {  	s7 =	sshll.u32 s0, $0x7;
	s8 =	sshll.u32 s4, $0x6;
	[smem:$0x7FF] =	sst s2  }
0x8: {  	s4 =	ssub.s32 $0x2, s4;
	s7 =	sor.u32 s8, s7;
	_ =	strace $0x80000047  }
0x9: {  	s9 =	sshrl.u32 s4, $0x1;
	s8 =	sadd.s32 s7, s3;
	s30 =	sadd.s32 s5, s7  }
0xa: {  	s3 =	sadd.s32 $0x1400, s3;
	s31 =	sadd.s32 s6, s7;
	[dreg:$0x5] =	wrdreg s30  }
0xb: {  	v0 =	vlaneseq.u32;
	s9 =	ssub.s32 s4, s9;
	s29 =	sadd.s32 $0xC00, s8;
	[dreg:$0x6] =	wrdreg s31  }
0xc: {  	v0 =	vmul.u32 $0x80, v0;
	s7 =	smax.u32 s9, $0x1;
	s8 =	simm.s32 $0x4;
	[dreg:$0x4] =	wrdreg s29  }
.LBB2_1:
0xd: {  	s0 =	rddreg [dreg:$0x4]  }
0xe: {  	[tilespmem:s2], [sflag:$0x4] =	stream.linear.gather [hbm4b:s0+s2], $0x200, $0x38;
	[tilespmem:$0x4600] =	vst v63  }
0xf: {  	_ =	swait.ge [sflag:s8], $0x200  }
0x10: {  	[sflag:s8] =	ssyncset.done $0x0  }
0x11: {  	s1 =	simm.s32 $0x200;
	s31 =	rddreg [dreg:$0x5];
	[sflag:s8] =	ssyncadd.s32 $0xFFFFFE00  }
0x12: {  	[tilespmem:s1], [sflag:$0x4] =	stream.linear.gather [hbm4b:s31+s2], $0x200, $0x38;
	[tilespmem:$0x4600] =	vst v63  }
0x13: {  	_ =	swait.ge [sflag:s8], $0x200  }
0x14: {  	[sflag:s8] =	ssyncset.done $0x0  }
0x15: {  	[sflag:s8] =	ssyncadd.s32 $0xFFFFFE00  }
0x16: {  	v1 =	vld [tilespmem:s2+$0x0];
	_ =	sdelay $0x4  }
0x17: {  	v1 =	vshll.u32 v1, $0x4  }
0x18: {  	(v2sf) =	vpush v1, $0x0  }
0x19: {  	(v2sf) =	vpush v1, $0x1  }
0x1a: {  	(v2sf) =	vpush v1, $0x2;
	_ =	sdelay $0x1  }
0x1b: {  	(v2sf) =	vpush v1, $0x4;
	_ =	sdelay $0x1  }
0x1c: {  	(v2sf) =	vpush v1, $0x3  }
0x1d: {  	(v2sf) =	vpush v1, $0x5  }
0x1e: {  	s19 =	simm.s32 $0x2000;
	s18 =	simm.s32 $0x0;
	s20 =	simm.s32 $0x0;
	(v2sf) =	vpush v1, $0x6  }
.LBB2_2:
0x1f: {  	p0 =	sne.s32 s19, $0x6000  }
0x20: {  	s31 =	sadd.s32 $0x680, s18;
	s24 =	sadd.s32 $0xB80, s18;
	s21 =	smov.u32 s19  }
0x21: {  	s19 =	sadd.s32 $0x2000, s19;
	s28 =	sadd.s32 $0x980, s18;
	s22 =	sadd.s32 $0xC00, s18;
	(v2sf) =	vpush v1, $0x7  }
0x22: {  	s30 =	sadd.s32 $0x880, s18;
	s25 =	sadd.s32 $0xA00, s18;
	s23 =	sadd.s32 $0xC80, s18  }
0x23: {  	s0 =	sadd.s32 $0x600, s18;
	s1 =	sadd.s32 $0x800, s18;
	(v2sf) =	vpush v1, $0x8  }
0x24: {  	s17 =	simm.s32 $0x0;
	s9 =	sadd.s32 $0x900, s18;
	s20 =	sadd.s32 $0x10, s20  }
0x25: {  	s14 =	sadd.s32 $0x700, s18;
	s26 =	sadd.s32 $0xB00, s18;
	s29 =	spop (v2sf);
	(v2sf) =	vpush v1, $0x9  }
0x26: {  	s4 =	sand.u32 $0x1FFFFFF0, s29;
	s29 =	sadd.s32 $0xA80, s18;
	s5 =	spop (v2sf)  }
0x27: {  	s4 =	sadd.s32 s3, s4;
	s5 =	sand.u32 $0x1FFFFFF0, s5;
	s6 =	spop (v2sf);
	(v2sf) =	vpush v1, $0xA  }
0x28: {  	[tilespmem:s0], [sflag:$0x1] =	stream.linear.gather [hbm4b:s4+s17], $0x80, $0x38;
	[tilespmem:$0x4600] =	vst v63  }
0x29: {  	s0 =	sadd.s32 s3, s5;
	s4 =	sadd.s32 $0x780, s18;
	s5 =	spop (v2sf);
	(v2sf) =	vpush v1, $0xB  }
0x2a: {  	[tilespmem:s31], [sflag:$0x1] =	stream.linear.gather [hbm4b:s0+s17], $0x80, $0x38;
	[tilespmem:$0x4600] =	vst v63  }
0x2b: {  	s0 =	sand.u32 $0x1FFFFFF0, s6;
	s5 =	sand.u32 $0x1FFFFFF0, s5;
	s6 =	spop (v2sf);
	(v2sf) =	vpush v1, $0xC  }
0x2c: {  	s0 =	sadd.s32 s3, s0;
	s6 =	sand.u32 $0x1FFFFFF0, s6;
	s31 =	spop (v2sf)  }
0x2d: {  	[tilespmem:s14], [sflag:$0x1] =	stream.linear.gather [hbm4b:s0+s17], $0x80, $0x38;
	(v2sf) =	vpush v1, $0xD;
	[tilespmem:$0x4600] =	vst v63  }
0x2e: {  	s0 =	sadd.s32 s3, s6;
	s6 =	sand.u32 $0x1FFFFFF0, s31;
	s14 =	spop (v2sf)  }
0x2f: {  	[tilespmem:s4], [sflag:$0x1] =	stream.linear.gather [hbm4b:s0+s17], $0x80, $0x38;
	(v2sf) =	vpush v1, $0xE;
	[tilespmem:$0x4600] =	vst v63  }
0x30: {  	s0 =	sadd.s32 s3, s5;
	s4 =	sand.u32 $0x1FFFFFF0, s14;
	s5 =	spop (v2sf)  }
0x31: {  	[tilespmem:s1], [sflag:$0x1] =	stream.linear.gather [hbm4b:s0+s17], $0x80, $0x38;
	(v2sf) =	vpush v1, $0xF;
	[tilespmem:$0x4600] =	vst v63  }
0x32: {  	s0 =	sadd.s32 s3, s6;
	s1 =	sand.u32 $0x1FFFFFF0, s5;
	s5 =	spop (v2sf)  }
0x33: {  	[tilespmem:s30], [sflag:$0x1] =	stream.linear.gather [hbm4b:s0+s17], $0x80, $0x38;
	[tilespmem:$0x4600] =	vst v63  }
0x34: {  	s0 =	sadd.s32 s3, s4;
	s4 =	sand.u32 $0x1FFFFFF0, s5;
	s5 =	spop (v2sf)  }
0x35: {  	[tilespmem:s9], [sflag:$0x1] =	stream.linear.gather [hbm4b:s0+s17], $0x80, $0x38;
	[tilespmem:$0x4600] =	vst v63  }
0x36: {  	s0 =	sadd.s32 s3, s1;
	s1 =	sand.u32 $0x1FFFFFF0, s5;
	s5 =	spop (v2sf)  }
0x37: {  	[tilespmem:s28], [sflag:$0x1] =	stream.linear.gather [hbm4b:s0+s17], $0x80, $0x38;
	[tilespmem:$0x4600] =	vst v63  }
0x38: {  	s0 =	sadd.s32 s3, s4;
	s4 =	sand.u32 $0x1FFFFFF0, s5;
	s5 =	spop (v2sf)  }
0x39: {  	[tilespmem:s25], [sflag:$0x1] =	stream.linear.gather [hbm4b:s0+s17], $0x80, $0x38;
	[tilespmem:$0x4600] =	vst v63  }
0x3a: {  	s0 =	sadd.s32 s3, s1;
	s1 =	sand.u32 $0x1FFFFFF0, s5;
	s5 =	spop (v2sf)  }
0x3b: {  	[tilespmem:s29], [sflag:$0x1] =	stream.linear.gather [hbm4b:s0+s17], $0x80, $0x38;
	[tilespmem:$0x4600] =	vst v63  }
0x3c: {  	s0 =	sadd.s32 s3, s4;
	s4 =	sand.u32 $0x1FFFFFF0, s5;
	s5 =	spop (v2sf)  }
0x3d: {  	[tilespmem:s26], [sflag:$0x1] =	stream.linear.gather [hbm4b:s0+s17], $0x80, $0x38;
	[tilespmem:$0x4600] =	vst v63  }
0x3e: {  	s0 =	sadd.s32 s3, s1;
	s1 =	sand.u32 $0x1FFFFFF0, s5;
	s5 =	spop (v2sf)  }
0x3f: {  	[tilespmem:s24], [sflag:$0x1] =	stream.linear.gather [hbm4b:s0+s17], $0x80, $0x38;
	[tilespmem:$0x4600] =	vst v63  }
0x40: {  	s0 =	sadd.s32 s3, s4;
	s4 =	sand.u32 $0x1FFFFFF0, s5;
	s5 =	spop (v2sf)  }
0x41: {  	[tilespmem:s22], [sflag:$0x1] =	stream.linear.gather [hbm4b:s0+s17], $0x80, $0x38;
	[tilespmem:$0x4600] =	vst v63  }
0x42: {  	s0 =	sadd.s32 s3, s1;
	s1 =	sand.u32 $0x1FFFFFF0, s5  }
0x43: {  	[tilespmem:s23], [sflag:$0x1] =	stream.linear.gather [hbm4b:s0+s17], $0x80, $0x38;
	[tilespmem:$0x4600] =	vst v63  }
0x44: {  	s4 =	sadd.s32 s3, s4;
	s0 =	sadd.s32 $0xD00, s18  }
0x45: {  	[tilespmem:s0], [sflag:$0x1] =	stream.linear.gather [hbm4b:s4+s17], $0x80, $0x38;
	[tilespmem:$0x4600] =	vst v63  }
0x46: {  	s1 =	sadd.s32 s3, s1;
	s0 =	sadd.s32 $0xD80, s18  }
0x47: {  	[tilespmem:s0], [sflag:$0x1] =	stream.linear.gather [hbm4b:s1+s17], $0x80, $0x38;
	[tilespmem:$0x4600] =	vst v63  }
0x48: {  	v1 =	vld [tilespmem:s20+$0x0];
	_ =	sdelay $0x4  }
0x49: {  	v1 =	vshll.u32 v1, $0x4  }
0x4a: {  	(v2sf) =	vpush v1, $0x0  }
0x4b: {  	(v2sf) =	vpush v1, $0x1  }
0x4c: {  	(v2sf) =	vpush v1, $0x2;
	_ =	sdelay $0x1  }
0x4d: {  	(v2sf) =	vpush v1, $0x4  }
.Ltmp0:
0x4e: {  	(pc) =	sbr.rel @p0 .LBB2_2-.Ltmp0, $3  }
0x4f: {  	(v2sf) =	vpush v1, $0x3  }
0x50: {  	(v2sf) =	vpush v1, $0x5;
	_ =	sdelay $0x1  }
0x51: {  	s18 =	sshra.s32 s21, $0x2;
	(v2sf) =	vpush v1, $0x6  }
0x52: {  	_ =	sdelay $0x1  }
0x53: {  	s0 =	sadd.s32 $0x680, s18;
	s21 =	sadd.s32 $0xB80, s18  }
0x54: {  	s1 =	sadd.s32 $0x980, s18;
	s19 =	sadd.s32 $0xC00, s18;
	(v2sf) =	vpush v1, $0x7;
	s4 =	sadd.s32 $0x880, s18  }
0x55: {  	s5 =	sadd.s32 $0xA00, s18;
	s20 =	sadd.s32 $0xC80, s18;
	s6 =	sadd.s32 $0x600, s18  }
0x56: {  	s9 =	sadd.s32 $0x800, s18;
	s14 =	sadd.s32 $0x900, s18;
	(v2sf) =	vpush v1, $0x8;
	s22 =	spop (v2sf)  }
0x57: {  	s23 =	sadd.s32 $0x700, s18;
	s22 =	sand.u32 $0x1FFFFFF0, s22;
	s24 =	spop (v2sf)  }
0x58: {  	(v2sf) =	vpush v1, $0x9;
	s22 =	sadd.s32 s3, s22;
	s24 =	sand.u32 $0x1FFFFFF0, s24;
	s25 =	spop (v2sf)  }
0x59: {  	[tilespmem:s6], [sflag:$0x1] =	stream.linear.gather [hbm4b:s22+s17], $0x80, $0x38;
	[tilespmem:$0x4600] =	vst v63  }
0x5a: {  	(v2sf) =	vpush v1, $0xA;
	s26 =	sadd.s32 s3, s24;
	s29 =	sand.u32 $0x1FFFFFF0, s25;
	s28 =	spop (v2sf)  }
0x5b: {  	[tilespmem:s0], [sflag:$0x1] =	stream.linear.gather [hbm4b:s26+s17], $0x80, $0x38;
	[tilespmem:$0x4600] =	vst v63  }
0x5c: {  	s6 =	sadd.s32 $0xB00, s18;
	(v2sf) =	vpush v1, $0xB;
	s22 =	sadd.s32 s3, s29;
	s30 =	spop (v2sf)  }
0x5d: {  	s0 =	sadd.s32 $0xA80, s18;
	s26 =	sadd.s32 $0x780, s18;
	s25 =	sand.u32 $0x1FFFFFF0, s30  }
0x5e: {  	(v2sf) =	vpush v1, $0xC;
	[tilespmem:s23], [sflag:$0x1] =	stream.linear.gather [hbm4b:s22+s17], $0x80, $0x38;
	[tilespmem:$0x4600] =	vst v63  }
0x5f: {  	s31 =	sand.u32 $0x1FFFFFF0, s28;
	s28 =	spop (v2sf);
	s29 =	sadd.s32 s3, s25  }
0x60: {  	(v2sf) =	vpush v1, $0xD;
	[tilespmem:s26], [sflag:$0x1] =	stream.linear.gather [hbm4b:s29+s17], $0x80, $0x38;
	[tilespmem:$0x4600] =	vst v63  }
0x61: {  	s22 =	sadd.s32 s3, s31;
	s23 =	sand.u32 $0x1FFFFFF0, s28;
	s30 =	spop (v2sf)  }
0x62: {  	(v2sf) =	vpush v1, $0xE;
	[tilespmem:s9], [sflag:$0x1] =	stream.linear.gather [hbm4b:s22+s17], $0x80, $0x38;
	[tilespmem:$0x4600] =	vst v63  }
0x63: {  	s23 =	sadd.s32 s3, s23;
	s31 =	sand.u32 $0x1FFFFFF0, s30;
	s24 =	spop (v2sf)  }
0x64: {  	(v2sf) =	vpush v1, $0xF;
	[tilespmem:s4], [sflag:$0x1] =	stream.linear.gather [hbm4b:s23+s17], $0x80, $0x38;
	[tilespmem:$0x4600] =	vst v63  }
0x65: {  	s25 =	sand.u32 $0x1FFFFFF0, s24;
	s26 =	spop (v2sf);
	s9 =	sadd.s32 s3, s31  }
0x66: {  	[tilespmem:s14], [sflag:$0x1] =	stream.linear.gather [hbm4b:s9+s17], $0x80, $0x38;
	[tilespmem:$0x4600] =	vst v63  }
0x67: {  	s28 =	sand.u32 $0x1FFFFFF0, s26;
	s4 =	sadd.s32 s3, s25;
	s29 =	spop (v2sf)  }
0x68: {  	[tilespmem:s1], [sflag:$0x1] =	stream.linear.gather [hbm4b:s4+s17], $0x80, $0x38;
	[tilespmem:$0x4600] =	vst v63  }
0x69: {  	s9 =	sadd.s32 s3, s28;
	s30 =	sand.u32 $0x1FFFFFF0, s29;
	s31 =	spop (v2sf)  }
0x6a: {  	[tilespmem:s5], [sflag:$0x1] =	stream.linear.gather [hbm4b:s9+s17], $0x80, $0x38;
	[tilespmem:$0x4600] =	vst v63  }
0x6b: {  	s4 =	sand.u32 $0x1FFFFFF0, s31;
	s1 =	sadd.s32 s3, s30;
	s9 =	spop (v2sf)  }
0x6c: {  	[tilespmem:s0], [sflag:$0x1] =	stream.linear.gather [hbm4b:s1+s17], $0x80, $0x38;
	[tilespmem:$0x4600] =	vst v63  }
0x6d: {  	s4 =	sadd.s32 s3, s4;
	s14 =	sand.u32 $0x1FFFFFF0, s9;
	s22 =	spop (v2sf)  }
0x6e: {  	[tilespmem:s6], [sflag:$0x1] =	stream.linear.gather [hbm4b:s4+s17], $0x80, $0x38;
	[tilespmem:$0x4600] =	vst v63  }
0x6f: {  	s0 =	sadd.s32 s3, s14;
	s1 =	sand.u32 $0x1FFFFFF0, s22;
	s23 =	spop (v2sf)  }
0x70: {  	[tilespmem:s21], [sflag:$0x1] =	stream.linear.gather [hbm4b:s0+s17], $0x80, $0x38;
	[tilespmem:$0x4600] =	vst v63  }
0x71: {  	s24 =	sand.u32 $0x1FFFFFF0, s23;
	s1 =	sadd.s32 s3, s1;
	s25 =	spop (v2sf)  }
0x72: {  	[tilespmem:s19], [sflag:$0x1] =	stream.linear.gather [hbm4b:s1+s17], $0x80, $0x38;
	[tilespmem:$0x4600] =	vst v63  }
0x73: {  	s26 =	sand.u32 $0x1FFFFFF0, s25;
	s28 =	spop (v2sf);
	s0 =	sadd.s32 s3, s24  }
0x74: {  	[tilespmem:s20], [sflag:$0x1] =	stream.linear.gather [hbm4b:s0+s17], $0x80, $0x38;
	[tilespmem:$0x4600] =	vst v63  }
0x75: {  	s30 =	sadd.s32 $0xD00, s18;
	s29 =	sand.u32 $0x1FFFFFF0, s28;
	s1 =	sadd.s32 s3, s26  }
0x76: {  	[tilespmem:s30], [sflag:$0x1] =	stream.linear.gather [hbm4b:s1+s17], $0x80, $0x38;
	[tilespmem:$0x4600] =	vst v63  }
0x77: {  	s31 =	sadd.s32 $0xD80, s18;
	s18 =	simm.s32 $0x40;
	s0 =	sadd.s32 s3, s29  }
0x78: {  	[tilespmem:s31], [sflag:$0x1] =	stream.linear.gather [hbm4b:s0+s17], $0x80, $0x38;
	[tilespmem:$0x4600] =	vst v63  }
0x79: {  	v1 =	vld [tilespmem:s18+$0x0];
	_ =	sdelay $0x4  }
0x7a: {  	v1 =	vshll.u32 v1, $0x4  }
0x7b: {  	(v2sf) =	vpush v1, $0x0  }
0x7c: {  	(v2sf) =	vpush v1, $0x1  }
0x7d: {  	(v2sf) =	vpush v1, $0x2;
	_ =	sdelay $0x1  }
0x7e: {  	(v2sf) =	vpush v1, $0x4;
	_ =	sdelay $0x1  }
0x7f: {  	(v2sf) =	vpush v1, $0x3  }
0x80: {  	(v2sf) =	vpush v1, $0x5  }
0x81: {  	s19 =	simm.s32 $0x2000;
	s17 =	simm.s32 $0x0;
	(v2sf) =	vpush v1, $0x6  }
.LBB2_4:
0x82: {  	p0 =	sne.s32 s19, $0x6000  }
0x83: {  	s0 =	sadd.s32 $0x2680, s17;
	s23 =	sadd.s32 $0x2B80, s17;
	s20 =	smov.u32 s19  }
0x84: {  	s19 =	sadd.s32 $0x2000, s19;
	s26 =	sadd.s32 $0x2980, s17;
	s21 =	sadd.s32 $0x2C00, s17;
	(v2sf) =	vpush v1, $0x7  }
0x85: {  	s29 =	sadd.s32 $0x2880, s17;
	s25 =	sadd.s32 $0x2A00, s17;
	s22 =	sadd.s32 $0x2C80, s17  }
0x86: {  	s1 =	sadd.s32 $0x2600, s17;
	s4 =	sadd.s32 $0x2800, s17;
	(v2sf) =	vpush v1, $0x8  }
0x87: {  	s5 =	sadd.s32 $0x2900, s17;
	s18 =	sadd.s32 $0x10, s18  }
0x88: {  	s6 =	sadd.s32 $0x2700, s17;
	s24 =	sadd.s32 $0x2B00, s17;
	s9 =	spop (v2sf);
	(v2sf) =	vpush v1, $0x9  }
0x89: {  	s28 =	sadd.s32 $0x2A80, s17;
	s9 =	sand.u32 $0x1FFFFFF0, s9;
	s14 =	spop (v2sf)  }
0x8a: {  	s9 =	sadd.s32 s3, s9;
	s14 =	sand.u32 $0x1FFFFFF0, s14;
	s30 =	spop (v2sf);
	(v2sf) =	vpush v1, $0xA  }
0x8b: {  	[tilespmem:s1], [sflag:$0x2] =	stream.linear.gather [hbm4b:s9+s2], $0x80, $0x38;
	[tilespmem:$0x4600] =	vst v63  }
0x8c: {  	s1 =	sadd.s32 s3, s14;
	s9 =	sadd.s32 $0x2780, s17;
	s14 =	spop (v2sf);
	(v2sf) =	vpush v1, $0xB  }
0x8d: {  	[tilespmem:s0], [sflag:$0x2] =	stream.linear.gather [hbm4b:s1+s2], $0x80, $0x38;
	[tilespmem:$0x4600] =	vst v63  }
0x8e: {  	s0 =	sand.u32 $0x1FFFFFF0, s30;
	s1 =	sand.u32 $0x1FFFFFF0, s14;
	s14 =	spop (v2sf);
	(v2sf) =	vpush v1, $0xC  }
0x8f: {  	s0 =	sadd.s32 s3, s0;
	s14 =	sand.u32 $0x1FFFFFF0, s14;
	s30 =	spop (v2sf)  }
0x90: {  	[tilespmem:s6], [sflag:$0x2] =	stream.linear.gather [hbm4b:s0+s2], $0x80, $0x38;
	(v2sf) =	vpush v1, $0xD;
	[tilespmem:$0x4600] =	vst v63  }
0x91: {  	s0 =	sadd.s32 s3, s14;
	s6 =	sand.u32 $0x1FFFFFF0, s30;
	s14 =	spop (v2sf)  }
0x92: {  	[tilespmem:s9], [sflag:$0x2] =	stream.linear.gather [hbm4b:s0+s2], $0x80, $0x38;
	(v2sf) =	vpush v1, $0xE;
	[tilespmem:$0x4600] =	vst v63  }
0x93: {  	s0 =	sadd.s32 s3, s1;
	s1 =	sand.u32 $0x1FFFFFF0, s14;
	s9 =	spop (v2sf)  }
0x94: {  	[tilespmem:s4], [sflag:$0x2] =	stream.linear.gather [hbm4b:s0+s2], $0x80, $0x38;
	(v2sf) =	vpush v1, $0xF;
	[tilespmem:$0x4600] =	vst v63  }
0x95: {  	s0 =	sadd.s32 s3, s6;
	s4 =	sand.u32 $0x1FFFFFF0, s9;
	s6 =	spop (v2sf)  }
0x96: {  	[tilespmem:s29], [sflag:$0x2] =	stream.linear.gather [hbm4b:s0+s2], $0x80, $0x38;
	[tilespmem:$0x4600] =	vst v63  }
0x97: {  	s0 =	sadd.s32 s3, s1;
	s1 =	sand.u32 $0x1FFFFFF0, s6;
	s6 =	spop (v2sf)  }
0x98: {  	[tilespmem:s5], [sflag:$0x2] =	stream.linear.gather [hbm4b:s0+s2], $0x80, $0x38;
	[tilespmem:$0x4600] =	vst v63  }
0x99: {  	s0 =	sadd.s32 s3, s4;
	s4 =	sand.u32 $0x1FFFFFF0, s6;
	s5 =	spop (v2sf)  }
0x9a: {  	[tilespmem:s26], [sflag:$0x2] =	stream.linear.gather [hbm4b:s0+s2], $0x80, $0x38;
	[tilespmem:$0x4600] =	vst v63  }
0x9b: {  	s0 =	sadd.s32 s3, s1;
	s1 =	sand.u32 $0x1FFFFFF0, s5;
	s5 =	spop (v2sf)  }
0x9c: {  	[tilespmem:s25], [sflag:$0x2] =	stream.linear.gather [hbm4b:s0+s2], $0x80, $0x38;
	[tilespmem:$0x4600] =	vst v63  }
0x9d: {  	s0 =	sadd.s32 s3, s4;
	s4 =	sand.u32 $0x1FFFFFF0, s5;
	s5 =	spop (v2sf)  }
0x9e: {  	[tilespmem:s28], [sflag:$0x2] =	stream.linear.gather [hbm4b:s0+s2], $0x80, $0x38;
	[tilespmem:$0x4600] =	vst v63  }
0x9f: {  	s0 =	sadd.s32 s3, s1;
	s1 =	sand.u32 $0x1FFFFFF0, s5;
	s5 =	spop (v2sf)  }
0xa0: {  	[tilespmem:s24], [sflag:$0x2] =	stream.linear.gather [hbm4b:s0+s2], $0x80, $0x38;
	[tilespmem:$0x4600] =	vst v63  }
0xa1: {  	s0 =	sadd.s32 s3, s4;
	s4 =	sand.u32 $0x1FFFFFF0, s5;
	s5 =	spop (v2sf)  }
0xa2: {  	[tilespmem:s23], [sflag:$0x2] =	stream.linear.gather [hbm4b:s0+s2], $0x80, $0x38;
	[tilespmem:$0x4600] =	vst v63  }
0xa3: {  	s0 =	sadd.s32 s3, s1;
	s1 =	sand.u32 $0x1FFFFFF0, s5;
	s5 =	spop (v2sf)  }
0xa4: {  	[tilespmem:s21], [sflag:$0x2] =	stream.linear.gather [hbm4b:s0+s2], $0x80, $0x38;
	[tilespmem:$0x4600] =	vst v63  }
0xa5: {  	s0 =	sadd.s32 s3, s4;
	s4 =	sand.u32 $0x1FFFFFF0, s5  }
0xa6: {  	[tilespmem:s22], [sflag:$0x2] =	stream.linear.gather [hbm4b:s0+s2], $0x80, $0x38;
	[tilespmem:$0x4600] =	vst v63  }
0xa7: {  	s1 =	sadd.s32 s3, s1;
	s0 =	sadd.s32 $0x2D00, s17  }
0xa8: {  	[tilespmem:s0], [sflag:$0x2] =	stream.linear.gather [hbm4b:s1+s2], $0x80, $0x38;
	[tilespmem:$0x4600] =	vst v63  }
0xa9: {  	s0 =	sadd.s32 $0x2D80, s17;
	s1 =	sadd.s32 s3, s4  }
0xaa: {  	[tilespmem:s0], [sflag:$0x2] =	stream.linear.gather [hbm4b:s1+s2], $0x80, $0x38;
	[tilespmem:$0x4600] =	vst v63  }
0xab: {  	v1 =	vld [tilespmem:s18+$0x0];
	_ =	sdelay $0x4  }
0xac: {  	v1 =	vshll.u32 v1, $0x4  }
0xad: {  	(v2sf) =	vpush v1, $0x0  }
0xae: {  	(v2sf) =	vpush v1, $0x1  }
0xaf: {  	(v2sf) =	vpush v1, $0x2;
	_ =	sdelay $0x1  }
0xb0: {  	(v2sf) =	vpush v1, $0x4  }
.Ltmp1:
0xb1: {  	(pc) =	sbr.rel @p0 .LBB2_4-.Ltmp1, $3  }
0xb2: {  	(v2sf) =	vpush v1, $0x3  }
0xb3: {  	(v2sf) =	vpush v1, $0x5;
	_ =	sdelay $0x1  }
0xb4: {  	s17 =	sshra.s32 s20, $0x2;
	(v2sf) =	vpush v1, $0x6  }
0xb5: {  	_ =	sdelay $0x1  }
0xb6: {  	s0 =	sadd.s32 $0x2680, s17;
	s20 =	sadd.s32 $0x2B80, s17  }
0xb7: {  	s1 =	sadd.s32 $0x2980, s17;
	s18 =	sadd.s32 $0x2C00, s17;
	(v2sf) =	vpush v1, $0x7;
	s4 =	sadd.s32 $0x2880, s17  }
0xb8: {  	s5 =	sadd.s32 $0x2A00, s17;
	s19 =	sadd.s32 $0x2C80, s17;
	s6 =	sadd.s32 $0x2600, s17  }
0xb9: {  	s9 =	sadd.s32 $0x2800, s17;
	s14 =	sadd.s32 $0x2900, s17;
	(v2sf) =	vpush v1, $0x8;
	s21 =	spop (v2sf)  }
0xba: {  	s22 =	sadd.s32 $0x2700, s17;
	s21 =	sand.u32 $0x1FFFFFF0, s21;
	s23 =	spop (v2sf)  }
0xbb: {  	(v2sf) =	vpush v1, $0x9;
	s21 =	sadd.s32 s3, s21;
	s23 =	sand.u32 $0x1FFFFFF0, s23;
	s24 =	spop (v2sf)  }
0xbc: {  	[tilespmem:s6], [sflag:$0x2] =	stream.linear.gather [hbm4b:s21+s2], $0x80, $0x38;
	[tilespmem:$0x4600] =	vst v63  }
0xbd: {  	s25 =	sadd.s32 $0x2780, s17;
	(v2sf) =	vpush v1, $0xA;
	s30 =	sadd.s32 s3, s23;
	s31 =	spop (v2sf)  }
0xbe: {  	[tilespmem:s0], [sflag:$0x2] =	stream.linear.gather [hbm4b:s30+s2], $0x80, $0x38;
	[tilespmem:$0x4600] =	vst v63  }
0xbf: {  	s6 =	sadd.s32 $0x2B00, s17;
	s24 =	sand.u32 $0x1FFFFFF0, s24;
	(v2sf) =	vpush v1, $0xB;
	s26 =	spop (v2sf)  }
0xc0: {  	s21 =	sadd.s32 s3, s24;
	s0 =	sadd.s32 $0x2A80, s17;
	s24 =	sand.u32 $0x1FFFFFF0, s26  }
0xc1: {  	(v2sf) =	vpush v1, $0xC;
	[tilespmem:s22], [sflag:$0x2] =	stream.linear.gather [hbm4b:s21+s2], $0x80, $0x38;
	[tilespmem:$0x4600] =	vst v63  }
0xc2: {  	s28 =	sand.u32 $0x1FFFFFF0, s31;
	s29 =	spop (v2sf);
	s30 =	sadd.s32 s3, s24  }
0xc3: {  	(v2sf) =	vpush v1, $0xD;
	[tilespmem:s25], [sflag:$0x2] =	stream.linear.gather [hbm4b:s30+s2], $0x80, $0x38;
	[tilespmem:$0x4600] =	vst v63  }
0xc4: {  	s21 =	sadd.s32 s3, s28;
	s22 =	sand.u32 $0x1FFFFFF0, s29;
	s31 =	spop (v2sf)  }
0xc5: {  	(v2sf) =	vpush v1, $0xE;
	[tilespmem:s9], [sflag:$0x2] =	stream.linear.gather [hbm4b:s21+s2], $0x80, $0x38;
	[tilespmem:$0x4600] =	vst v63  }
0xc6: {  	s22 =	sadd.s32 s3, s22;
	s23 =	sand.u32 $0x1FFFFFF0, s31;
	s24 =	spop (v2sf)  }
0xc7: {  	(v2sf) =	vpush v1, $0xF;
	[tilespmem:s4], [sflag:$0x2] =	stream.linear.gather [hbm4b:s22+s2], $0x80, $0x38;
	[tilespmem:$0x4600] =	vst v63  }
0xc8: {  	s25 =	sand.u32 $0x1FFFFFF0, s24;
	s26 =	spop (v2sf);
	s9 =	sadd.s32 s3, s23  }
0xc9: {  	[tilespmem:s14], [sflag:$0x2] =	stream.linear.gather [hbm4b:s9+s2], $0x80, $0x38;
	[tilespmem:$0x4600] =	vst v63  }
0xca: {  	s28 =	sand.u32 $0x1FFFFFF0, s26;
	s4 =	sadd.s32 s3, s25;
	s29 =	spop (v2sf)  }
0xcb: {  	[tilespmem:s1], [sflag:$0x2] =	stream.linear.gather [hbm4b:s4+s2], $0x80, $0x38;
	[tilespmem:$0x4600] =	vst v63  }
0xcc: {  	s9 =	sadd.s32 s3, s28;
	s30 =	sand.u32 $0x1FFFFFF0, s29;
	s31 =	spop (v2sf)  }
0xcd: {  	[tilespmem:s5], [sflag:$0x2] =	stream.linear.gather [hbm4b:s9+s2], $0x80, $0x38;
	[tilespmem:$0x4600] =	vst v63  }
0xce: {  	s4 =	sand.u32 $0x1FFFFFF0, s31;
	s1 =	sadd.s32 s3, s30;
	s14 =	spop (v2sf)  }
0xcf: {  	[tilespmem:s0], [sflag:$0x2] =	stream.linear.gather [hbm4b:s1+s2], $0x80, $0x38;
	[tilespmem:$0x4600] =	vst v63  }
0xd0: {  	s4 =	sadd.s32 s3, s4;
	s21 =	sand.u32 $0x1FFFFFF0, s14;
	s22 =	spop (v2sf)  }
0xd1: {  	[tilespmem:s6], [sflag:$0x2] =	stream.linear.gather [hbm4b:s4+s2], $0x80, $0x38;
	[tilespmem:$0x4600] =	vst v63  }
0xd2: {  	s0 =	sadd.s32 s3, s21;
	s1 =	sand.u32 $0x1FFFFFF0, s22;
	s23 =	spop (v2sf)  }
0xd3: {  	[tilespmem:s20], [sflag:$0x2] =	stream.linear.gather [hbm4b:s0+s2], $0x80, $0x38;
	[tilespmem:$0x4600] =	vst v63  }
0xd4: {  	s24 =	sand.u32 $0x1FFFFFF0, s23;
	s1 =	sadd.s32 s3, s1;
	s25 =	spop (v2sf)  }
0xd5: {  	[tilespmem:s18], [sflag:$0x2] =	stream.linear.gather [hbm4b:s1+s2], $0x80, $0x38;
	[tilespmem:$0x4600] =	vst v63  }
0xd6: {  	s26 =	sand.u32 $0x1FFFFFF0, s25;
	s28 =	spop (v2sf);
	s0 =	sadd.s32 s3, s24  }
0xd7: {  	[tilespmem:s19], [sflag:$0x2] =	stream.linear.gather [hbm4b:s0+s2], $0x80, $0x38;
	[tilespmem:$0x4600] =	vst v63  }
0xd8: {  	s30 =	sadd.s32 $0x2D00, s17;
	s29 =	sand.u32 $0x1FFFFFF0, s28;
	s1 =	sadd.s32 s3, s26  }
0xd9: {  	[tilespmem:s30], [sflag:$0x2] =	stream.linear.gather [hbm4b:s1+s2], $0x80, $0x38;
	[tilespmem:$0x4600] =	vst v63  }
0xda: {  	s31 =	sadd.s32 $0x2D80, s17;
	s0 =	sadd.s32 s3, s29  }
0xdb: {  	[tilespmem:s31], [sflag:$0x2] =	stream.linear.gather [hbm4b:s0+s2], $0x80, $0x38;
	[tilespmem:$0x4600] =	vst v63  }
0xdc: {  	_ =	swait.ge [sflag:s10], $0x2000  }
0xdd: {  	s17 =	simm.s32 $0x0;
	[sflag:s10] =	ssyncset.done $0x0  }
0xde: {  	s18 =	simm.s32 $0x200;
	s19 =	simm.s32 $0x400;
	[sflag:s10] =	ssyncadd.s32 $0xFFFFE000  }
.LBB2_6:
0xdf: {  	v1 =	vld [tilespmem:s18+$0x0];
	_ =	sdelay $0x1  }
0xe0: {  	v2 =	vmov s17  }
0xe1: {  	v2 =	vshll.u32 v2, $0x7  }
0xe2: {  	v2 =	vor.u32 v0, v2  }
0xe3: {  	v3 =	vand.u32 $0xFFFFFF80, v1;
	v4 =	vand.u32 $0x7F, v1;
	v5 =	vadd.s32 $0x1, v1  }
0xe4: {  	v1 =	vadd.s32 $0x2, v1;
	v3 =	vadd.s32 v2, v3;
	v62 =	vand.u32 $0xFFFFFF80, v5  }
0xe5: {  	v5 =	vand.u32 $0x7F, v5;
	v3 =	vor.u32 v4, v3;
	v4 =	vadd.s32 v2, v62  }
0xe6: {  	v63 =	vand.u32 $0xFFFFFF80, v1;
	v4 =	vor.u32 v5, v4  }
0xe7: {  	v1 =	vand.u32 $0x7F, v1;
	v2 =	vadd.s32 v2, v63  }
0xe8: {  	v1 =	vor.u32 v1, v2;
	_ =	sdelay $0x1  }
0xe9: {  	v2 =	vld.idx.msk [tilespmem:v3+s11+$0x0], $0xffff  }
0xea: {  	v3 =	vld.idx.msk [tilespmem:v4+s11+$0x0], $0xffff;
	_ =	sdelay $0x1  }
0xeb: {  	v1 =	vld.idx.msk [tilespmem:v1+s11+$0x0], $0xffff;
	_ =	sdelay $0x2  }
0xec: {  	v2 =	vmul.f32 $2.000000030e-01, v2;
	v3 =	vmul.f32 $3.000000120e-01, v3  }
0xed: {  	p0 =	sne.s32 s17, $0x30  }
.Ltmp2:
0xee: {  	v1 =	vmul.f32 $5.000000000e-01, v1;
	v2 =	vadd.f32 v3, v2;
	(pc) =	sbr.rel @p0 .LBB2_6-.Ltmp2, $3  }
0xef: {  	_ = 	snop  }
0xf0: {  	v1 =	vadd.f32 v1, v2;
	_ =	sdelay $0x1  }
0xf1: {  	s18 =	sadd.s32 $0x10, s18;
	s17 =	sadd.s32 $0x10, s17;
	[tilespmem:s19+$0x0] =	vst v1;
	s19 =	sadd.s32 $0x10, s19  }
0xf2: {  	s18 =	simm.s32 $0x80  }
0xf3: {  	v1 =	vld [tilespmem:s18+$0x0];
	_ =	sdelay $0x4  }
0xf4: {  	v1 =	vshll.u32 v1, $0x4  }
0xf5: {  	(v2sf) =	vpush v1, $0x0  }
0xf6: {  	(v2sf) =	vpush v1, $0x1  }
0xf7: {  	(v2sf) =	vpush v1, $0x2;
	_ =	sdelay $0x1  }
0xf8: {  	(v2sf) =	vpush v1, $0x4;
	_ =	sdelay $0x1  }
0xf9: {  	(v2sf) =	vpush v1, $0x3  }
0xfa: {  	(v2sf) =	vpush v1, $0x5  }
0xfb: {  	s19 =	simm.s32 $0x2000;
	s17 =	simm.s32 $0x0;
	(v2sf) =	vpush v1, $0x6  }
.LBB2_8:
0xfc: {  	p0 =	sne.s32 s19, $0x6000  }
0xfd: {  	s0 =	sadd.s32 $0x680, s17;
	s23 =	sadd.s32 $0xB80, s17;
	s20 =	smov.u32 s19  }
0xfe: {  	s19 =	sadd.s32 $0x2000, s19;
	s26 =	sadd.s32 $0x980, s17;
	s21 =	sadd.s32 $0xC00, s17;
	(v2sf) =	vpush v1, $0x7  }
0xff: {  	s29 =	sadd.s32 $0x880, s17;
	s25 =	sadd.s32 $0xA00, s17;
	s22 =	sadd.s32 $0xC80, s17  }
0x100: {  	s1 =	sadd.s32 $0x600, s17;
	s4 =	sadd.s32 $0x800, s17;
	(v2sf) =	vpush v1, $0x8  }
0x101: {  	s5 =	sadd.s32 $0x900, s17;
	s18 =	sadd.s32 $0x10, s18  }
0x102: {  	s6 =	sadd.s32 $0x700, s17;
	s24 =	sadd.s32 $0xB00, s17;
	s9 =	spop (v2sf);
	(v2sf) =	vpush v1, $0x9  }
0x103: {  	s28 =	sadd.s32 $0xA80, s17;
	s9 =	sand.u32 $0x1FFFFFF0, s9;
	s14 =	spop (v2sf)  }
0x104: {  	s9 =	sadd.s32 s3, s9;
	s14 =	sand.u32 $0x1FFFFFF0, s14;
	s30 =	spop (v2sf);
	(v2sf) =	vpush v1, $0xA  }
0x105: {  	[tilespmem:s1], [sflag:$0x1] =	stream.linear.gather [hbm4b:s9+s2], $0x80, $0x38;
	[tilespmem:$0x4600] =	vst v63  }
0x106: {  	s1 =	sadd.s32 s3, s14;
	s9 =	sadd.s32 $0x780, s17;
	s14 =	spop (v2sf);
	(v2sf) =	vpush v1, $0xB  }
0x107: {  	[tilespmem:s0], [sflag:$0x1] =	stream.linear.gather [hbm4b:s1+s2], $0x80, $0x38;
	[tilespmem:$0x4600] =	vst v63  }
0x108: {  	s0 =	sand.u32 $0x1FFFFFF0, s30;
	s1 =	sand.u32 $0x1FFFFFF0, s14;
	s14 =	spop (v2sf);
	(v2sf) =	vpush v1, $0xC  }
0x109: {  	s0 =	sadd.s32 s3, s0;
	s14 =	sand.u32 $0x1FFFFFF0, s14;
	s30 =	spop (v2sf)  }
0x10a: {  	[tilespmem:s6], [sflag:$0x1] =	stream.linear.gather [hbm4b:s0+s2], $0x80, $0x38;
	(v2sf) =	vpush v1, $0xD;
	[tilespmem:$0x4600] =	vst v63  }
0x10b: {  	s0 =	sadd.s32 s3, s14;
	s6 =	sand.u32 $0x1FFFFFF0, s30;
	s14 =	spop (v2sf)  }
0x10c: {  	[tilespmem:s9], [sflag:$0x1] =	stream.linear.gather [hbm4b:s0+s2], $0x80, $0x38;
	(v2sf) =	vpush v1, $0xE;
	[tilespmem:$0x4600] =	vst v63  }
0x10d: {  	s0 =	sadd.s32 s3, s1;
	s1 =	sand.u32 $0x1FFFFFF0, s14;
	s9 =	spop (v2sf)  }
0x10e: {  	[tilespmem:s4], [sflag:$0x1] =	stream.linear.gather [hbm4b:s0+s2], $0x80, $0x38;
	(v2sf) =	vpush v1, $0xF;
	[tilespmem:$0x4600] =	vst v63  }
0x10f: {  	s0 =	sadd.s32 s3, s6;
	s4 =	sand.u32 $0x1FFFFFF0, s9;
	s6 =	spop (v2sf)  }
0x110: {  	[tilespmem:s29], [sflag:$0x1] =	stream.linear.gather [hbm4b:s0+s2], $0x80, $0x38;
	[tilespmem:$0x4600] =	vst v63  }
0x111: {  	s0 =	sadd.s32 s3, s1;
	s1 =	sand.u32 $0x1FFFFFF0, s6;
	s6 =	spop (v2sf)  }
0x112: {  	[tilespmem:s5], [sflag:$0x1] =	stream.linear.gather [hbm4b:s0+s2], $0x80, $0x38;
	[tilespmem:$0x4600] =	vst v63  }
0x113: {  	s0 =	sadd.s32 s3, s4;
	s4 =	sand.u32 $0x1FFFFFF0, s6;
	s5 =	spop (v2sf)  }
0x114: {  	[tilespmem:s26], [sflag:$0x1] =	stream.linear.gather [hbm4b:s0+s2], $0x80, $0x38;
	[tilespmem:$0x4600] =	vst v63  }
0x115: {  	s0 =	sadd.s32 s3, s1;
	s1 =	sand.u32 $0x1FFFFFF0, s5;
	s5 =	spop (v2sf)  }
0x116: {  	[tilespmem:s25], [sflag:$0x1] =	stream.linear.gather [hbm4b:s0+s2], $0x80, $0x38;
	[tilespmem:$0x4600] =	vst v63  }
0x117: {  	s0 =	sadd.s32 s3, s4;
	s4 =	sand.u32 $0x1FFFFFF0, s5;
	s5 =	spop (v2sf)  }
0x118: {  	[tilespmem:s28], [sflag:$0x1] =	stream.linear.gather [hbm4b:s0+s2], $0x80, $0x38;
	[tilespmem:$0x4600] =	vst v63  }
0x119: {  	s0 =	sadd.s32 s3, s1;
	s1 =	sand.u32 $0x1FFFFFF0, s5;
	s5 =	spop (v2sf)  }
0x11a: {  	[tilespmem:s24], [sflag:$0x1] =	stream.linear.gather [hbm4b:s0+s2], $0x80, $0x38;
	[tilespmem:$0x4600] =	vst v63  }
0x11b: {  	s0 =	sadd.s32 s3, s4;
	s4 =	sand.u32 $0x1FFFFFF0, s5;
	s5 =	spop (v2sf)  }
0x11c: {  	[tilespmem:s23], [sflag:$0x1] =	stream.linear.gather [hbm4b:s0+s2], $0x80, $0x38;
	[tilespmem:$0x4600] =	vst v63  }
0x11d: {  	s0 =	sadd.s32 s3, s1;
	s1 =	sand.u32 $0x1FFFFFF0, s5;
	s5 =	spop (v2sf)  }
0x11e: {  	[tilespmem:s21], [sflag:$0x1] =	stream.linear.gather [hbm4b:s0+s2], $0x80, $0x38;
	[tilespmem:$0x4600] =	vst v63  }
0x11f: {  	s0 =	sadd.s32 s3, s4;
	s4 =	sand.u32 $0x1FFFFFF0, s5  }
0x120: {  	[tilespmem:s22], [sflag:$0x1] =	stream.linear.gather [hbm4b:s0+s2], $0x80, $0x38;
	[tilespmem:$0x4600] =	vst v63  }
0x121: {  	s1 =	sadd.s32 s3, s1;
	s0 =	sadd.s32 $0xD00, s17  }
0x122: {  	[tilespmem:s0], [sflag:$0x1] =	stream.linear.gather [hbm4b:s1+s2], $0x80, $0x38;
	[tilespmem:$0x4600] =	vst v63  }
0x123: {  	s0 =	sadd.s32 $0xD80, s17;
	s1 =	sadd.s32 s3, s4  }
0x124: {  	[tilespmem:s0], [sflag:$0x1] =	stream.linear.gather [hbm4b:s1+s2], $0x80, $0x38;
	[tilespmem:$0x4600] =	vst v63  }
0x125: {  	v1 =	vld [tilespmem:s18+$0x0];
	_ =	sdelay $0x4  }
0x126: {  	v1 =	vshll.u32 v1, $0x4  }
0x127: {  	(v2sf) =	vpush v1, $0x0  }
0x128: {  	(v2sf) =	vpush v1, $0x1  }
0x129: {  	(v2sf) =	vpush v1, $0x2;
	_ =	sdelay $0x1  }
0x12a: {  	(v2sf) =	vpush v1, $0x4  }
.Ltmp3:
0x12b: {  	(pc) =	sbr.rel @p0 .LBB2_8-.Ltmp3, $3  }
0x12c: {  	(v2sf) =	vpush v1, $0x3  }
0x12d: {  	(v2sf) =	vpush v1, $0x5;
	_ =	sdelay $0x1  }
0x12e: {  	s17 =	sshra.s32 s20, $0x2;
	(v2sf) =	vpush v1, $0x6  }
0x12f: {  	_ =	sdelay $0x1  }
0x130: {  	s0 =	sadd.s32 $0x680, s17;
	s20 =	sadd.s32 $0xB80, s17  }
0x131: {  	s1 =	sadd.s32 $0x980, s17;
	s18 =	sadd.s32 $0xC00, s17;
	(v2sf) =	vpush v1, $0x7;
	s4 =	sadd.s32 $0x880, s17  }
0x132: {  	s5 =	sadd.s32 $0xA00, s17;
	s19 =	sadd.s32 $0xC80, s17;
	s6 =	sadd.s32 $0x600, s17  }
0x133: {  	s9 =	sadd.s32 $0x800, s17;
	s14 =	sadd.s32 $0x900, s17;
	(v2sf) =	vpush v1, $0x8;
	s21 =	spop (v2sf)  }
0x134: {  	s22 =	sadd.s32 $0x700, s17;
	s21 =	sand.u32 $0x1FFFFFF0, s21;
	s23 =	spop (v2sf)  }
0x135: {  	(v2sf) =	vpush v1, $0x9;
	s21 =	sadd.s32 s3, s21;
	s23 =	sand.u32 $0x1FFFFFF0, s23;
	s24 =	spop (v2sf)  }
0x136: {  	[tilespmem:s6], [sflag:$0x1] =	stream.linear.gather [hbm4b:s21+s2], $0x80, $0x38;
	[tilespmem:$0x4600] =	vst v63  }
0x137: {  	s25 =	sadd.s32 $0x780, s17;
	(v2sf) =	vpush v1, $0xA;
	s30 =	sadd.s32 s3, s23;
	s31 =	spop (v2sf)  }
0x138: {  	[tilespmem:s0], [sflag:$0x1] =	stream.linear.gather [hbm4b:s30+s2], $0x80, $0x38;
	[tilespmem:$0x4600] =	vst v63  }
0x139: {  	s6 =	sadd.s32 $0xB00, s17;
	s24 =	sand.u32 $0x1FFFFFF0, s24;
	(v2sf) =	vpush v1, $0xB;
	s26 =	spop (v2sf)  }
0x13a: {  	s21 =	sadd.s32 s3, s24;
	s0 =	sadd.s32 $0xA80, s17;
	s24 =	sand.u32 $0x1FFFFFF0, s26  }
0x13b: {  	(v2sf) =	vpush v1, $0xC;
	[tilespmem:s22], [sflag:$0x1] =	stream.linear.gather [hbm4b:s21+s2], $0x80, $0x38;
	[tilespmem:$0x4600] =	vst v63  }
0x13c: {  	s28 =	sand.u32 $0x1FFFFFF0, s31;
	s29 =	spop (v2sf);
	s30 =	sadd.s32 s3, s24  }
0x13d: {  	(v2sf) =	vpush v1, $0xD;
	[tilespmem:s25], [sflag:$0x1] =	stream.linear.gather [hbm4b:s30+s2], $0x80, $0x38;
	[tilespmem:$0x4600] =	vst v63  }
0x13e: {  	s21 =	sadd.s32 s3, s28;
	s22 =	sand.u32 $0x1FFFFFF0, s29;
	s31 =	spop (v2sf)  }
0x13f: {  	(v2sf) =	vpush v1, $0xE;
	[tilespmem:s9], [sflag:$0x1] =	stream.linear.gather [hbm4b:s21+s2], $0x80, $0x38;
	[tilespmem:$0x4600] =	vst v63  }
0x140: {  	s22 =	sadd.s32 s3, s22;
	s23 =	sand.u32 $0x1FFFFFF0, s31;
	s24 =	spop (v2sf)  }
0x141: {  	(v2sf) =	vpush v1, $0xF;
	[tilespmem:s4], [sflag:$0x1] =	stream.linear.gather [hbm4b:s22+s2], $0x80, $0x38;
	[tilespmem:$0x4600] =	vst v63  }
0x142: {  	s25 =	sand.u32 $0x1FFFFFF0, s24;
	s26 =	spop (v2sf);
	s9 =	sadd.s32 s3, s23  }
0x143: {  	[tilespmem:s14], [sflag:$0x1] =	stream.linear.gather [hbm4b:s9+s2], $0x80, $0x38;
	[tilespmem:$0x4600] =	vst v63  }
0x144: {  	s28 =	sand.u32 $0x1FFFFFF0, s26;
	s4 =	sadd.s32 s3, s25;
	s29 =	spop (v2sf)  }
0x145: {  	[tilespmem:s1], [sflag:$0x1] =	stream.linear.gather [hbm4b:s4+s2], $0x80, $0x38;
	[tilespmem:$0x4600] =	vst v63  }
0x146: {  	s9 =	sadd.s32 s3, s28;
	s30 =	sand.u32 $0x1FFFFFF0, s29;
	s31 =	spop (v2sf)  }
0x147: {  	[tilespmem:s5], [sflag:$0x1] =	stream.linear.gather [hbm4b:s9+s2], $0x80, $0x38;
	[tilespmem:$0x4600] =	vst v63  }
0x148: {  	s4 =	sand.u32 $0x1FFFFFF0, s31;
	s1 =	sadd.s32 s3, s30;
	s14 =	spop (v2sf)  }
0x149: {  	[tilespmem:s0], [sflag:$0x1] =	stream.linear.gather [hbm4b:s1+s2], $0x80, $0x38;
	[tilespmem:$0x4600] =	vst v63  }
0x14a: {  	s4 =	sadd.s32 s3, s4;
	s21 =	sand.u32 $0x1FFFFFF0, s14;
	s22 =	spop (v2sf)  }
0x14b: {  	[tilespmem:s6], [sflag:$0x1] =	stream.linear.gather [hbm4b:s4+s2], $0x80, $0x38;
	[tilespmem:$0x4600] =	vst v63  }
0x14c: {  	s0 =	sadd.s32 s3, s21;
	s1 =	sand.u32 $0x1FFFFFF0, s22;
	s23 =	spop (v2sf)  }
0x14d: {  	[tilespmem:s20], [sflag:$0x1] =	stream.linear.gather [hbm4b:s0+s2], $0x80, $0x38;
	[tilespmem:$0x4600] =	vst v63  }
0x14e: {  	s24 =	sand.u32 $0x1FFFFFF0, s23;
	s1 =	sadd.s32 s3, s1;
	s25 =	spop (v2sf)  }
0x14f: {  	[tilespmem:s18], [sflag:$0x1] =	stream.linear.gather [hbm4b:s1+s2], $0x80, $0x38;
	[tilespmem:$0x4600] =	vst v63  }
0x150: {  	s26 =	sand.u32 $0x1FFFFFF0, s25;
	s28 =	spop (v2sf);
	s0 =	sadd.s32 s3, s24  }
0x151: {  	[tilespmem:s19], [sflag:$0x1] =	stream.linear.gather [hbm4b:s0+s2], $0x80, $0x38;
	[tilespmem:$0x4600] =	vst v63  }
0x152: {  	s30 =	sadd.s32 $0xD00, s17;
	s29 =	sand.u32 $0x1FFFFFF0, s28;
	s1 =	sadd.s32 s3, s26  }
0x153: {  	[tilespmem:s30], [sflag:$0x1] =	stream.linear.gather [hbm4b:s1+s2], $0x80, $0x38;
	[tilespmem:$0x4600] =	vst v63  }
0x154: {  	s31 =	sadd.s32 $0xD80, s17;
	s0 =	sadd.s32 s3, s29  }
0x155: {  	[tilespmem:s31], [sflag:$0x1] =	stream.linear.gather [hbm4b:s0+s2], $0x80, $0x38;
	[tilespmem:$0x4600] =	vst v63  }
0x156: {  	_ =	swait.ge [sflag:s12], $0x2000  }
0x157: {  	s17 =	simm.s32 $0x0;
	[sflag:s12] =	ssyncset.done $0x0  }
0x158: {  	s18 =	simm.s32 $0x440;
	s19 =	simm.s32 $0x240;
	[sflag:s12] =	ssyncadd.s32 $0xFFFFE000  }
.LBB2_10:
0x159: {  	v1 =	vld [tilespmem:s19+$0x0];
	_ =	sdelay $0x1  }
0x15a: {  	v2 =	vmov s17  }
0x15b: {  	v2 =	vshll.u32 v2, $0x7  }
0x15c: {  	v2 =	vor.u32 v0, v2  }
0x15d: {  	v3 =	vand.u32 $0xFFFFFF80, v1;
	v4 =	vand.u32 $0x7F, v1;
	v5 =	vadd.s32 $0x1, v1  }
0x15e: {  	v1 =	vadd.s32 $0x2, v1;
	v3 =	vadd.s32 v2, v3;
	v62 =	vand.u32 $0xFFFFFF80, v5  }
0x15f: {  	v5 =	vand.u32 $0x7F, v5;
	v3 =	vor.u32 v4, v3;
	v4 =	vadd.s32 v2, v62  }
0x160: {  	v63 =	vand.u32 $0xFFFFFF80, v1;
	v4 =	vor.u32 v5, v4  }
0x161: {  	v1 =	vand.u32 $0x7F, v1;
	v2 =	vadd.s32 v2, v63  }
0x162: {  	v1 =	vor.u32 v1, v2;
	_ =	sdelay $0x1  }
0x163: {  	v2 =	vld.idx.msk [tilespmem:v3+s13+$0x0], $0xffff  }
0x164: {  	v3 =	vld.idx.msk [tilespmem:v4+s13+$0x0], $0xffff;
	_ =	sdelay $0x1  }
0x165: {  	v1 =	vld.idx.msk [tilespmem:v1+s13+$0x0], $0xffff;
	_ =	sdelay $0x2  }
0x166: {  	v2 =	vmul.f32 $2.000000030e-01, v2;
	v3 =	vmul.f32 $3.000000120e-01, v3  }
0x167: {  	p0 =	sne.s32 s17, $0x30  }
.Ltmp4:
0x168: {  	v1 =	vmul.f32 $5.000000000e-01, v1;
	v2 =	vadd.f32 v3, v2;
	(pc) =	sbr.rel @p0 .LBB2_10-.Ltmp4, $3  }
0x169: {  	_ = 	snop  }
0x16a: {  	v1 =	vadd.f32 v1, v2;
	_ =	sdelay $0x1  }
0x16b: {  	s19 =	sadd.s32 $0x10, s19;
	s17 =	sadd.s32 $0x10, s17;
	[tilespmem:s18+$0x0] =	vst v1;
	s18 =	sadd.s32 $0x10, s18  }
0x16c: {  	s18 =	simm.s32 $0xC0  }
0x16d: {  	v1 =	vld [tilespmem:s18+$0x0];
	_ =	sdelay $0x4  }
0x16e: {  	v1 =	vshll.u32 v1, $0x4  }
0x16f: {  	(v2sf) =	vpush v1, $0x0  }
0x170: {  	(v2sf) =	vpush v1, $0x1  }
0x171: {  	(v2sf) =	vpush v1, $0x2;
	_ =	sdelay $0x1  }
0x172: {  	(v2sf) =	vpush v1, $0x4;
	_ =	sdelay $0x1  }
0x173: {  	(v2sf) =	vpush v1, $0x3  }
0x174: {  	(v2sf) =	vpush v1, $0x5  }
0x175: {  	s19 =	simm.s32 $0x2000;
	s17 =	simm.s32 $0x0;
	(v2sf) =	vpush v1, $0x6  }
.LBB2_12:
0x176: {  	p0 =	sne.s32 s19, $0x6000  }
0x177: {  	s0 =	sadd.s32 $0x2680, s17;
	s23 =	sadd.s32 $0x2B80, s17;
	s20 =	smov.u32 s19  }
0x178: {  	s19 =	sadd.s32 $0x2000, s19;
	s26 =	sadd.s32 $0x2980, s17;
	s21 =	sadd.s32 $0x2C00, s17;
	(v2sf) =	vpush v1, $0x7  }
0x179: {  	s29 =	sadd.s32 $0x2880, s17;
	s25 =	sadd.s32 $0x2A00, s17;
	s22 =	sadd.s32 $0x2C80, s17  }
0x17a: {  	s1 =	sadd.s32 $0x2600, s17;
	s4 =	sadd.s32 $0x2800, s17;
	(v2sf) =	vpush v1, $0x8  }
0x17b: {  	s5 =	sadd.s32 $0x2900, s17;
	s18 =	sadd.s32 $0x10, s18  }
0x17c: {  	s6 =	sadd.s32 $0x2700, s17;
	s24 =	sadd.s32 $0x2B00, s17;
	s9 =	spop (v2sf);
	(v2sf) =	vpush v1, $0x9  }
0x17d: {  	s28 =	sadd.s32 $0x2A80, s17;
	s9 =	sand.u32 $0x1FFFFFF0, s9;
	s14 =	spop (v2sf)  }
0x17e: {  	s9 =	sadd.s32 s3, s9;
	s14 =	sand.u32 $0x1FFFFFF0, s14;
	s30 =	spop (v2sf);
	(v2sf) =	vpush v1, $0xA  }
0x17f: {  	[tilespmem:s1], [sflag:$0x2] =	stream.linear.gather [hbm4b:s9+s2], $0x80, $0x38;
	[tilespmem:$0x4600] =	vst v63  }
0x180: {  	s1 =	sadd.s32 s3, s14;
	s9 =	sadd.s32 $0x2780, s17;
	s14 =	spop (v2sf);
	(v2sf) =	vpush v1, $0xB  }
0x181: {  	[tilespmem:s0], [sflag:$0x2] =	stream.linear.gather [hbm4b:s1+s2], $0x80, $0x38;
	[tilespmem:$0x4600] =	vst v63  }
0x182: {  	s0 =	sand.u32 $0x1FFFFFF0, s30;
	s1 =	sand.u32 $0x1FFFFFF0, s14;
	s14 =	spop (v2sf);
	(v2sf) =	vpush v1, $0xC  }
0x183: {  	s0 =	sadd.s32 s3, s0;
	s14 =	sand.u32 $0x1FFFFFF0, s14;
	s30 =	spop (v2sf)  }
0x184: {  	[tilespmem:s6], [sflag:$0x2] =	stream.linear.gather [hbm4b:s0+s2], $0x80, $0x38;
	(v2sf) =	vpush v1, $0xD;
	[tilespmem:$0x4600] =	vst v63  }
0x185: {  	s0 =	sadd.s32 s3, s14;
	s6 =	sand.u32 $0x1FFFFFF0, s30;
	s14 =	spop (v2sf)  }
0x186: {  	[tilespmem:s9], [sflag:$0x2] =	stream.linear.gather [hbm4b:s0+s2], $0x80, $0x38;
	(v2sf) =	vpush v1, $0xE;
	[tilespmem:$0x4600] =	vst v63  }
0x187: {  	s0 =	sadd.s32 s3, s1;
	s1 =	sand.u32 $0x1FFFFFF0, s14;
	s9 =	spop (v2sf)  }
0x188: {  	[tilespmem:s4], [sflag:$0x2] =	stream.linear.gather [hbm4b:s0+s2], $0x80, $0x38;
	(v2sf) =	vpush v1, $0xF;
	[tilespmem:$0x4600] =	vst v63  }
0x189: {  	s0 =	sadd.s32 s3, s6;
	s4 =	sand.u32 $0x1FFFFFF0, s9;
	s6 =	spop (v2sf)  }
0x18a: {  	[tilespmem:s29], [sflag:$0x2] =	stream.linear.gather [hbm4b:s0+s2], $0x80, $0x38;
	[tilespmem:$0x4600] =	vst v63  }
0x18b: {  	s0 =	sadd.s32 s3, s1;
	s1 =	sand.u32 $0x1FFFFFF0, s6;
	s6 =	spop (v2sf)  }
0x18c: {  	[tilespmem:s5], [sflag:$0x2] =	stream.linear.gather [hbm4b:s0+s2], $0x80, $0x38;
	[tilespmem:$0x4600] =	vst v63  }
0x18d: {  	s0 =	sadd.s32 s3, s4;
	s4 =	sand.u32 $0x1FFFFFF0, s6;
	s5 =	spop (v2sf)  }
0x18e: {  	[tilespmem:s26], [sflag:$0x2] =	stream.linear.gather [hbm4b:s0+s2], $0x80, $0x38;
	[tilespmem:$0x4600] =	vst v63  }
0x18f: {  	s0 =	sadd.s32 s3, s1;
	s1 =	sand.u32 $0x1FFFFFF0, s5;
	s5 =	spop (v2sf)  }
0x190: {  	[tilespmem:s25], [sflag:$0x2] =	stream.linear.gather [hbm4b:s0+s2], $0x80, $0x38;
	[tilespmem:$0x4600] =	vst v63  }
0x191: {  	s0 =	sadd.s32 s3, s4;
	s4 =	sand.u32 $0x1FFFFFF0, s5;
	s5 =	spop (v2sf)  }
0x192: {  	[tilespmem:s28], [sflag:$0x2] =	stream.linear.gather [hbm4b:s0+s2], $0x80, $0x38;
	[tilespmem:$0x4600] =	vst v63  }
0x193: {  	s0 =	sadd.s32 s3, s1;
	s1 =	sand.u32 $0x1FFFFFF0, s5;
	s5 =	spop (v2sf)  }
0x194: {  	[tilespmem:s24], [sflag:$0x2] =	stream.linear.gather [hbm4b:s0+s2], $0x80, $0x38;
	[tilespmem:$0x4600] =	vst v63  }
0x195: {  	s0 =	sadd.s32 s3, s4;
	s4 =	sand.u32 $0x1FFFFFF0, s5;
	s5 =	spop (v2sf)  }
0x196: {  	[tilespmem:s23], [sflag:$0x2] =	stream.linear.gather [hbm4b:s0+s2], $0x80, $0x38;
	[tilespmem:$0x4600] =	vst v63  }
0x197: {  	s0 =	sadd.s32 s3, s1;
	s1 =	sand.u32 $0x1FFFFFF0, s5;
	s5 =	spop (v2sf)  }
0x198: {  	[tilespmem:s21], [sflag:$0x2] =	stream.linear.gather [hbm4b:s0+s2], $0x80, $0x38;
	[tilespmem:$0x4600] =	vst v63  }
0x199: {  	s0 =	sadd.s32 s3, s4;
	s4 =	sand.u32 $0x1FFFFFF0, s5  }
0x19a: {  	[tilespmem:s22], [sflag:$0x2] =	stream.linear.gather [hbm4b:s0+s2], $0x80, $0x38;
	[tilespmem:$0x4600] =	vst v63  }
0x19b: {  	s1 =	sadd.s32 s3, s1;
	s0 =	sadd.s32 $0x2D00, s17  }
0x19c: {  	[tilespmem:s0], [sflag:$0x2] =	stream.linear.gather [hbm4b:s1+s2], $0x80, $0x38;
	[tilespmem:$0x4600] =	vst v63  }
0x19d: {  	s0 =	sadd.s32 $0x2D80, s17;
	s1 =	sadd.s32 s3, s4  }
0x19e: {  	[tilespmem:s0], [sflag:$0x2] =	stream.linear.gather [hbm4b:s1+s2], $0x80, $0x38;
	[tilespmem:$0x4600] =	vst v63  }
0x19f: {  	v1 =	vld [tilespmem:s18+$0x0];
	_ =	sdelay $0x4  }
0x1a0: {  	v1 =	vshll.u32 v1, $0x4  }
0x1a1: {  	(v2sf) =	vpush v1, $0x0  }
0x1a2: {  	(v2sf) =	vpush v1, $0x1  }
0x1a3: {  	(v2sf) =	vpush v1, $0x2;
	_ =	sdelay $0x1  }
0x1a4: {  	(v2sf) =	vpush v1, $0x4  }
.Ltmp5:
0x1a5: {  	(pc) =	sbr.rel @p0 .LBB2_12-.Ltmp5, $3  }
0x1a6: {  	(v2sf) =	vpush v1, $0x3  }
0x1a7: {  	(v2sf) =	vpush v1, $0x5;
	_ =	sdelay $0x1  }
0x1a8: {  	s17 =	sshra.s32 s20, $0x2;
	(v2sf) =	vpush v1, $0x6  }
0x1a9: {  	_ =	sdelay $0x1  }
0x1aa: {  	s0 =	sadd.s32 $0x2680, s17;
	s20 =	sadd.s32 $0x2B80, s17  }
0x1ab: {  	s1 =	sadd.s32 $0x2980, s17;
	s18 =	sadd.s32 $0x2C00, s17;
	(v2sf) =	vpush v1, $0x7;
	s4 =	sadd.s32 $0x2880, s17  }
0x1ac: {  	s5 =	sadd.s32 $0x2A00, s17;
	s19 =	sadd.s32 $0x2C80, s17;
	s6 =	sadd.s32 $0x2600, s17  }
0x1ad: {  	s9 =	sadd.s32 $0x2800, s17;
	s14 =	sadd.s32 $0x2900, s17;
	(v2sf) =	vpush v1, $0x8;
	s21 =	spop (v2sf)  }
0x1ae: {  	s22 =	sadd.s32 $0x2700, s17;
	s21 =	sand.u32 $0x1FFFFFF0, s21;
	s23 =	spop (v2sf)  }
0x1af: {  	(v2sf) =	vpush v1, $0x9;
	s21 =	sadd.s32 s3, s21;
	s23 =	sand.u32 $0x1FFFFFF0, s23;
	s24 =	spop (v2sf)  }
0x1b0: {  	[tilespmem:s6], [sflag:$0x2] =	stream.linear.gather [hbm4b:s21+s2], $0x80, $0x38;
	[tilespmem:$0x4600] =	vst v63  }
0x1b1: {  	s25 =	sadd.s32 $0x2780, s17;
	(v2sf) =	vpush v1, $0xA;
	s30 =	sadd.s32 s3, s23;
	s31 =	spop (v2sf)  }
0x1b2: {  	[tilespmem:s0], [sflag:$0x2] =	stream.linear.gather [hbm4b:s30+s2], $0x80, $0x38;
	[tilespmem:$0x4600] =	vst v63  }
0x1b3: {  	s6 =	sadd.s32 $0x2B00, s17;
	s24 =	sand.u32 $0x1FFFFFF0, s24;
	(v2sf) =	vpush v1, $0xB;
	s26 =	spop (v2sf)  }
0x1b4: {  	s21 =	sadd.s32 s3, s24;
	s0 =	sadd.s32 $0x2A80, s17;
	s24 =	sand.u32 $0x1FFFFFF0, s26  }
0x1b5: {  	(v2sf) =	vpush v1, $0xC;
	[tilespmem:s22], [sflag:$0x2] =	stream.linear.gather [hbm4b:s21+s2], $0x80, $0x38;
	[tilespmem:$0x4600] =	vst v63  }
0x1b6: {  	s28 =	sand.u32 $0x1FFFFFF0, s31;
	s29 =	spop (v2sf);
	s30 =	sadd.s32 s3, s24  }
0x1b7: {  	(v2sf) =	vpush v1, $0xD;
	[tilespmem:s25], [sflag:$0x2] =	stream.linear.gather [hbm4b:s30+s2], $0x80, $0x38;
	[tilespmem:$0x4600] =	vst v63  }
0x1b8: {  	s21 =	sadd.s32 s3, s28;
	s22 =	sand.u32 $0x1FFFFFF0, s29;
	s31 =	spop (v2sf)  }
0x1b9: {  	(v2sf) =	vpush v1, $0xE;
	[tilespmem:s9], [sflag:$0x2] =	stream.linear.gather [hbm4b:s21+s2], $0x80, $0x38;
	[tilespmem:$0x4600] =	vst v63  }
0x1ba: {  	s22 =	sadd.s32 s3, s22;
	s23 =	sand.u32 $0x1FFFFFF0, s31;
	s24 =	spop (v2sf)  }
0x1bb: {  	(v2sf) =	vpush v1, $0xF;
	[tilespmem:s4], [sflag:$0x2] =	stream.linear.gather [hbm4b:s22+s2], $0x80, $0x38;
	[tilespmem:$0x4600] =	vst v63  }
0x1bc: {  	s25 =	sand.u32 $0x1FFFFFF0, s24;
	s26 =	spop (v2sf);
	s9 =	sadd.s32 s3, s23  }
0x1bd: {  	[tilespmem:s14], [sflag:$0x2] =	stream.linear.gather [hbm4b:s9+s2], $0x80, $0x38;
	[tilespmem:$0x4600] =	vst v63  }
0x1be: {  	s28 =	sand.u32 $0x1FFFFFF0, s26;
	s4 =	sadd.s32 s3, s25;
	s29 =	spop (v2sf)  }
0x1bf: {  	[tilespmem:s1], [sflag:$0x2] =	stream.linear.gather [hbm4b:s4+s2], $0x80, $0x38;
	[tilespmem:$0x4600] =	vst v63  }
0x1c0: {  	s9 =	sadd.s32 s3, s28;
	s30 =	sand.u32 $0x1FFFFFF0, s29;
	s31 =	spop (v2sf)  }
0x1c1: {  	[tilespmem:s5], [sflag:$0x2] =	stream.linear.gather [hbm4b:s9+s2], $0x80, $0x38;
	[tilespmem:$0x4600] =	vst v63  }
0x1c2: {  	s4 =	sand.u32 $0x1FFFFFF0, s31;
	s1 =	sadd.s32 s3, s30;
	s14 =	spop (v2sf)  }
0x1c3: {  	[tilespmem:s0], [sflag:$0x2] =	stream.linear.gather [hbm4b:s1+s2], $0x80, $0x38;
	[tilespmem:$0x4600] =	vst v63  }
0x1c4: {  	s4 =	sadd.s32 s3, s4;
	s21 =	sand.u32 $0x1FFFFFF0, s14;
	s22 =	spop (v2sf)  }
0x1c5: {  	[tilespmem:s6], [sflag:$0x2] =	stream.linear.gather [hbm4b:s4+s2], $0x80, $0x38;
	[tilespmem:$0x4600] =	vst v63  }
0x1c6: {  	s0 =	sadd.s32 s3, s21;
	s1 =	sand.u32 $0x1FFFFFF0, s22;
	s23 =	spop (v2sf)  }
0x1c7: {  	[tilespmem:s20], [sflag:$0x2] =	stream.linear.gather [hbm4b:s0+s2], $0x80, $0x38;
	[tilespmem:$0x4600] =	vst v63  }
0x1c8: {  	s24 =	sand.u32 $0x1FFFFFF0, s23;
	s1 =	sadd.s32 s3, s1;
	s25 =	spop (v2sf)  }
0x1c9: {  	[tilespmem:s18], [sflag:$0x2] =	stream.linear.gather [hbm4b:s1+s2], $0x80, $0x38;
	[tilespmem:$0x4600] =	vst v63  }
0x1ca: {  	s26 =	sand.u32 $0x1FFFFFF0, s25;
	s28 =	spop (v2sf);
	s0 =	sadd.s32 s3, s24  }
0x1cb: {  	[tilespmem:s19], [sflag:$0x2] =	stream.linear.gather [hbm4b:s0+s2], $0x80, $0x38;
	[tilespmem:$0x4600] =	vst v63  }
0x1cc: {  	s30 =	sadd.s32 $0x2D00, s17;
	s29 =	sand.u32 $0x1FFFFFF0, s28;
	s1 =	sadd.s32 s3, s26  }
0x1cd: {  	[tilespmem:s30], [sflag:$0x2] =	stream.linear.gather [hbm4b:s1+s2], $0x80, $0x38;
	[tilespmem:$0x4600] =	vst v63  }
0x1ce: {  	s31 =	sadd.s32 $0x2D80, s17;
	s0 =	sadd.s32 s3, s29  }
0x1cf: {  	[tilespmem:s31], [sflag:$0x2] =	stream.linear.gather [hbm4b:s0+s2], $0x80, $0x38;
	[tilespmem:$0x4600] =	vst v63  }
0x1d0: {  	_ =	swait.ge [sflag:s10], $0x2000  }
0x1d1: {  	s17 =	simm.s32 $0x0;
	[sflag:s10] =	ssyncset.done $0x0  }
0x1d2: {  	s18 =	simm.s32 $0x280;
	s19 =	simm.s32 $0x480;
	[sflag:s10] =	ssyncadd.s32 $0xFFFFE000  }
.LBB2_14:
0x1d3: {  	v1 =	vld [tilespmem:s18+$0x0];
	_ =	sdelay $0x1  }
0x1d4: {  	v2 =	vmov s17  }
0x1d5: {  	v2 =	vshll.u32 v2, $0x7  }
0x1d6: {  	v2 =	vor.u32 v0, v2  }
0x1d7: {  	v3 =	vand.u32 $0xFFFFFF80, v1;
	v4 =	vand.u32 $0x7F, v1;
	v5 =	vadd.s32 $0x1, v1  }
0x1d8: {  	v1 =	vadd.s32 $0x2, v1;
	v3 =	vadd.s32 v2, v3;
	v62 =	vand.u32 $0xFFFFFF80, v5  }
0x1d9: {  	v5 =	vand.u32 $0x7F, v5;
	v3 =	vor.u32 v4, v3;
	v4 =	vadd.s32 v2, v62  }
0x1da: {  	v63 =	vand.u32 $0xFFFFFF80, v1;
	v4 =	vor.u32 v5, v4  }
0x1db: {  	v1 =	vand.u32 $0x7F, v1;
	v2 =	vadd.s32 v2, v63  }
0x1dc: {  	v1 =	vor.u32 v1, v2;
	_ =	sdelay $0x1  }
0x1dd: {  	v2 =	vld.idx.msk [tilespmem:v3+s11+$0x0], $0xffff  }
0x1de: {  	v3 =	vld.idx.msk [tilespmem:v4+s11+$0x0], $0xffff;
	_ =	sdelay $0x1  }
0x1df: {  	v1 =	vld.idx.msk [tilespmem:v1+s11+$0x0], $0xffff;
	_ =	sdelay $0x2  }
0x1e0: {  	v2 =	vmul.f32 $2.000000030e-01, v2;
	v3 =	vmul.f32 $3.000000120e-01, v3  }
0x1e1: {  	p0 =	sne.s32 s17, $0x30  }
.Ltmp6:
0x1e2: {  	v1 =	vmul.f32 $5.000000000e-01, v1;
	v2 =	vadd.f32 v3, v2;
	(pc) =	sbr.rel @p0 .LBB2_14-.Ltmp6, $3  }
0x1e3: {  	_ = 	snop  }
0x1e4: {  	v1 =	vadd.f32 v1, v2;
	_ =	sdelay $0x1  }
0x1e5: {  	s18 =	sadd.s32 $0x10, s18;
	s17 =	sadd.s32 $0x10, s17;
	[tilespmem:s19+$0x0] =	vst v1;
	s19 =	sadd.s32 $0x10, s19  }
0x1e6: {  	s18 =	simm.s32 $0x100  }
0x1e7: {  	v1 =	vld [tilespmem:s18+$0x0];
	_ =	sdelay $0x4  }
0x1e8: {  	v1 =	vshll.u32 v1, $0x4  }
0x1e9: {  	(v2sf) =	vpush v1, $0x0  }
0x1ea: {  	(v2sf) =	vpush v1, $0x1  }
0x1eb: {  	(v2sf) =	vpush v1, $0x2;
	_ =	sdelay $0x1  }
0x1ec: {  	(v2sf) =	vpush v1, $0x4;
	_ =	sdelay $0x1  }
0x1ed: {  	(v2sf) =	vpush v1, $0x3  }
0x1ee: {  	(v2sf) =	vpush v1, $0x5  }
0x1ef: {  	s19 =	simm.s32 $0x2000;
	s17 =	simm.s32 $0x0;
	(v2sf) =	vpush v1, $0x6  }
.LBB2_16:
0x1f0: {  	p0 =	sne.s32 s19, $0x6000  }
0x1f1: {  	s0 =	sadd.s32 $0x680, s17;
	s23 =	sadd.s32 $0xB80, s17;
	s20 =	smov.u32 s19  }
0x1f2: {  	s19 =	sadd.s32 $0x2000, s19;
	s26 =	sadd.s32 $0x980, s17;
	s21 =	sadd.s32 $0xC00, s17;
	(v2sf) =	vpush v1, $0x7  }
0x1f3: {  	s29 =	sadd.s32 $0x880, s17;
	s25 =	sadd.s32 $0xA00, s17;
	s22 =	sadd.s32 $0xC80, s17  }
0x1f4: {  	s1 =	sadd.s32 $0x600, s17;
	s4 =	sadd.s32 $0x800, s17;
	(v2sf) =	vpush v1, $0x8  }
0x1f5: {  	s5 =	sadd.s32 $0x900, s17;
	s18 =	sadd.s32 $0x10, s18  }
0x1f6: {  	s6 =	sadd.s32 $0x700, s17;
	s24 =	sadd.s32 $0xB00, s17;
	s9 =	spop (v2sf);
	(v2sf) =	vpush v1, $0x9  }
0x1f7: {  	s28 =	sadd.s32 $0xA80, s17;
	s9 =	sand.u32 $0x1FFFFFF0, s9;
	s14 =	spop (v2sf)  }
0x1f8: {  	s9 =	sadd.s32 s3, s9;
	s14 =	sand.u32 $0x1FFFFFF0, s14;
	s30 =	spop (v2sf);
	(v2sf) =	vpush v1, $0xA  }
0x1f9: {  	[tilespmem:s1], [sflag:$0x1] =	stream.linear.gather [hbm4b:s9+s2], $0x80, $0x38;
	[tilespmem:$0x4600] =	vst v63  }
0x1fa: {  	s1 =	sadd.s32 s3, s14;
	s9 =	sadd.s32 $0x780, s17;
	s14 =	spop (v2sf);
	(v2sf) =	vpush v1, $0xB  }
0x1fb: {  	[tilespmem:s0], [sflag:$0x1] =	stream.linear.gather [hbm4b:s1+s2], $0x80, $0x38;
	[tilespmem:$0x4600] =	vst v63  }
0x1fc: {  	s0 =	sand.u32 $0x1FFFFFF0, s30;
	s1 =	sand.u32 $0x1FFFFFF0, s14;
	s14 =	spop (v2sf);
	(v2sf) =	vpush v1, $0xC  }
0x1fd: {  	s0 =	sadd.s32 s3, s0;
	s14 =	sand.u32 $0x1FFFFFF0, s14;
	s30 =	spop (v2sf)  }
0x1fe: {  	[tilespmem:s6], [sflag:$0x1] =	stream.linear.gather [hbm4b:s0+s2], $0x80, $0x38;
	(v2sf) =	vpush v1, $0xD;
	[tilespmem:$0x4600] =	vst v63  }
0x1ff: {  	s0 =	sadd.s32 s3, s14;
	s6 =	sand.u32 $0x1FFFFFF0, s30;
	s14 =	spop (v2sf)  }
0x200: {  	[tilespmem:s9], [sflag:$0x1] =	stream.linear.gather [hbm4b:s0+s2], $0x80, $0x38;
	(v2sf) =	vpush v1, $0xE;
	[tilespmem:$0x4600] =	vst v63  }
0x201: {  	s0 =	sadd.s32 s3, s1;
	s1 =	sand.u32 $0x1FFFFFF0, s14;
	s9 =	spop (v2sf)  }
0x202: {  	[tilespmem:s4], [sflag:$0x1] =	stream.linear.gather [hbm4b:s0+s2], $0x80, $0x38;
	(v2sf) =	vpush v1, $0xF;
	[tilespmem:$0x4600] =	vst v63  }
0x203: {  	s0 =	sadd.s32 s3, s6;
	s4 =	sand.u32 $0x1FFFFFF0, s9;
	s6 =	spop (v2sf)  }
0x204: {  	[tilespmem:s29], [sflag:$0x1] =	stream.linear.gather [hbm4b:s0+s2], $0x80, $0x38;
	[tilespmem:$0x4600] =	vst v63  }
0x205: {  	s0 =	sadd.s32 s3, s1;
	s1 =	sand.u32 $0x1FFFFFF0, s6;
	s6 =	spop (v2sf)  }
0x206: {  	[tilespmem:s5], [sflag:$0x1] =	stream.linear.gather [hbm4b:s0+s2], $0x80, $0x38;
	[tilespmem:$0x4600] =	vst v63  }
0x207: {  	s0 =	sadd.s32 s3, s4;
	s4 =	sand.u32 $0x1FFFFFF0, s6;
	s5 =	spop (v2sf)  }
0x208: {  	[tilespmem:s26], [sflag:$0x1] =	stream.linear.gather [hbm4b:s0+s2], $0x80, $0x38;
	[tilespmem:$0x4600] =	vst v63  }
0x209: {  	s0 =	sadd.s32 s3, s1;
	s1 =	sand.u32 $0x1FFFFFF0, s5;
	s5 =	spop (v2sf)  }
0x20a: {  	[tilespmem:s25], [sflag:$0x1] =	stream.linear.gather [hbm4b:s0+s2], $0x80, $0x38;
	[tilespmem:$0x4600] =	vst v63  }
0x20b: {  	s0 =	sadd.s32 s3, s4;
	s4 =	sand.u32 $0x1FFFFFF0, s5;
	s5 =	spop (v2sf)  }
0x20c: {  	[tilespmem:s28], [sflag:$0x1] =	stream.linear.gather [hbm4b:s0+s2], $0x80, $0x38;
	[tilespmem:$0x4600] =	vst v63  }
0x20d: {  	s0 =	sadd.s32 s3, s1;
	s1 =	sand.u32 $0x1FFFFFF0, s5;
	s5 =	spop (v2sf)  }
0x20e: {  	[tilespmem:s24], [sflag:$0x1] =	stream.linear.gather [hbm4b:s0+s2], $0x80, $0x38;
	[tilespmem:$0x4600] =	vst v63  }
0x20f: {  	s0 =	sadd.s32 s3, s4;
	s4 =	sand.u32 $0x1FFFFFF0, s5;
	s5 =	spop (v2sf)  }
0x210: {  	[tilespmem:s23], [sflag:$0x1] =	stream.linear.gather [hbm4b:s0+s2], $0x80, $0x38;
	[tilespmem:$0x4600] =	vst v63  }
0x211: {  	s0 =	sadd.s32 s3, s1;
	s1 =	sand.u32 $0x1FFFFFF0, s5;
	s5 =	spop (v2sf)  }
0x212: {  	[tilespmem:s21], [sflag:$0x1] =	stream.linear.gather [hbm4b:s0+s2], $0x80, $0x38;
	[tilespmem:$0x4600] =	vst v63  }
0x213: {  	s0 =	sadd.s32 s3, s4;
	s4 =	sand.u32 $0x1FFFFFF0, s5  }
0x214: {  	[tilespmem:s22], [sflag:$0x1] =	stream.linear.gather [hbm4b:s0+s2], $0x80, $0x38;
	[tilespmem:$0x4600] =	vst v63  }
0x215: {  	s1 =	sadd.s32 s3, s1;
	s0 =	sadd.s32 $0xD00, s17  }
0x216: {  	[tilespmem:s0], [sflag:$0x1] =	stream.linear.gather [hbm4b:s1+s2], $0x80, $0x38;
	[tilespmem:$0x4600] =	vst v63  }
0x217: {  	s0 =	sadd.s32 $0xD80, s17;
	s1 =	sadd.s32 s3, s4  }
0x218: {  	[tilespmem:s0], [sflag:$0x1] =	stream.linear.gather [hbm4b:s1+s2], $0x80, $0x38;
	[tilespmem:$0x4600] =	vst v63  }
0x219: {  	v1 =	vld [tilespmem:s18+$0x0];
	_ =	sdelay $0x4  }
0x21a: {  	v1 =	vshll.u32 v1, $0x4  }
0x21b: {  	(v2sf) =	vpush v1, $0x0  }
0x21c: {  	(v2sf) =	vpush v1, $0x1  }
0x21d: {  	(v2sf) =	vpush v1, $0x2;
	_ =	sdelay $0x1  }
0x21e: {  	(v2sf) =	vpush v1, $0x4  }
.Ltmp7:
0x21f: {  	(pc) =	sbr.rel @p0 .LBB2_16-.Ltmp7, $3  }
0x220: {  	(v2sf) =	vpush v1, $0x3  }
0x221: {  	(v2sf) =	vpush v1, $0x5;
	_ =	sdelay $0x1  }
0x222: {  	s17 =	sshra.s32 s20, $0x2;
	(v2sf) =	vpush v1, $0x6  }
0x223: {  	_ =	sdelay $0x1  }
0x224: {  	s0 =	sadd.s32 $0x680, s17;
	s20 =	sadd.s32 $0xB80, s17  }
0x225: {  	s1 =	sadd.s32 $0x980, s17;
	s18 =	sadd.s32 $0xC00, s17;
	(v2sf) =	vpush v1, $0x7;
	s4 =	sadd.s32 $0x880, s17  }
0x226: {  	s5 =	sadd.s32 $0xA00, s17;
	s19 =	sadd.s32 $0xC80, s17;
	s6 =	sadd.s32 $0x600, s17  }
0x227: {  	s9 =	sadd.s32 $0x800, s17;
	s14 =	sadd.s32 $0x900, s17;
	(v2sf) =	vpush v1, $0x8;
	s21 =	spop (v2sf)  }
0x228: {  	s22 =	sadd.s32 $0x700, s17;
	s21 =	sand.u32 $0x1FFFFFF0, s21;
	s23 =	spop (v2sf)  }
0x229: {  	(v2sf) =	vpush v1, $0x9;
	s21 =	sadd.s32 s3, s21;
	s23 =	sand.u32 $0x1FFFFFF0, s23;
	s24 =	spop (v2sf)  }
0x22a: {  	[tilespmem:s6], [sflag:$0x1] =	stream.linear.gather [hbm4b:s21+s2], $0x80, $0x38;
	[tilespmem:$0x4600] =	vst v63  }
0x22b: {  	s25 =	sadd.s32 $0x780, s17;
	(v2sf) =	vpush v1, $0xA;
	s30 =	sadd.s32 s3, s23;
	s31 =	spop (v2sf)  }
0x22c: {  	[tilespmem:s0], [sflag:$0x1] =	stream.linear.gather [hbm4b:s30+s2], $0x80, $0x38;
	[tilespmem:$0x4600] =	vst v63  }
0x22d: {  	s6 =	sadd.s32 $0xB00, s17;
	s24 =	sand.u32 $0x1FFFFFF0, s24;
	(v2sf) =	vpush v1, $0xB;
	s26 =	spop (v2sf)  }
0x22e: {  	s21 =	sadd.s32 s3, s24;
	s0 =	sadd.s32 $0xA80, s17;
	s24 =	sand.u32 $0x1FFFFFF0, s26  }
0x22f: {  	(v2sf) =	vpush v1, $0xC;
	[tilespmem:s22], [sflag:$0x1] =	stream.linear.gather [hbm4b:s21+s2], $0x80, $0x38;
	[tilespmem:$0x4600] =	vst v63  }
0x230: {  	s28 =	sand.u32 $0x1FFFFFF0, s31;
	s29 =	spop (v2sf);
	s30 =	sadd.s32 s3, s24  }
0x231: {  	(v2sf) =	vpush v1, $0xD;
	[tilespmem:s25], [sflag:$0x1] =	stream.linear.gather [hbm4b:s30+s2], $0x80, $0x38;
	[tilespmem:$0x4600] =	vst v63  }
0x232: {  	s21 =	sadd.s32 s3, s28;
	s22 =	sand.u32 $0x1FFFFFF0, s29;
	s31 =	spop (v2sf)  }
0x233: {  	(v2sf) =	vpush v1, $0xE;
	[tilespmem:s9], [sflag:$0x1] =	stream.linear.gather [hbm4b:s21+s2], $0x80, $0x38;
	[tilespmem:$0x4600] =	vst v63  }
0x234: {  	s22 =	sadd.s32 s3, s22;
	s23 =	sand.u32 $0x1FFFFFF0, s31;
	s24 =	spop (v2sf)  }
0x235: {  	(v2sf) =	vpush v1, $0xF;
	[tilespmem:s4], [sflag:$0x1] =	stream.linear.gather [hbm4b:s22+s2], $0x80, $0x38;
	[tilespmem:$0x4600] =	vst v63  }
0x236: {  	s25 =	sand.u32 $0x1FFFFFF0, s24;
	s26 =	spop (v2sf);
	s9 =	sadd.s32 s3, s23  }
0x237: {  	[tilespmem:s14], [sflag:$0x1] =	stream.linear.gather [hbm4b:s9+s2], $0x80, $0x38;
	[tilespmem:$0x4600] =	vst v63  }
0x238: {  	s28 =	sand.u32 $0x1FFFFFF0, s26;
	s4 =	sadd.s32 s3, s25;
	s29 =	spop (v2sf)  }
0x239: {  	[tilespmem:s1], [sflag:$0x1] =	stream.linear.gather [hbm4b:s4+s2], $0x80, $0x38;
	[tilespmem:$0x4600] =	vst v63  }
0x23a: {  	s9 =	sadd.s32 s3, s28;
	s30 =	sand.u32 $0x1FFFFFF0, s29;
	s31 =	spop (v2sf)  }
0x23b: {  	[tilespmem:s5], [sflag:$0x1] =	stream.linear.gather [hbm4b:s9+s2], $0x80, $0x38;
	[tilespmem:$0x4600] =	vst v63  }
0x23c: {  	s4 =	sand.u32 $0x1FFFFFF0, s31;
	s1 =	sadd.s32 s3, s30;
	s14 =	spop (v2sf)  }
0x23d: {  	[tilespmem:s0], [sflag:$0x1] =	stream.linear.gather [hbm4b:s1+s2], $0x80, $0x38;
	[tilespmem:$0x4600] =	vst v63  }
0x23e: {  	s4 =	sadd.s32 s3, s4;
	s21 =	sand.u32 $0x1FFFFFF0, s14;
	s22 =	spop (v2sf)  }
0x23f: {  	[tilespmem:s6], [sflag:$0x1] =	stream.linear.gather [hbm4b:s4+s2], $0x80, $0x38;
	[tilespmem:$0x4600] =	vst v63  }
0x240: {  	s0 =	sadd.s32 s3, s21;
	s1 =	sand.u32 $0x1FFFFFF0, s22;
	s23 =	spop (v2sf)  }
0x241: {  	[tilespmem:s20], [sflag:$0x1] =	stream.linear.gather [hbm4b:s0+s2], $0x80, $0x38;
	[tilespmem:$0x4600] =	vst v63  }
0x242: {  	s24 =	sand.u32 $0x1FFFFFF0, s23;
	s1 =	sadd.s32 s3, s1;
	s25 =	spop (v2sf)  }
0x243: {  	[tilespmem:s18], [sflag:$0x1] =	stream.linear.gather [hbm4b:s1+s2], $0x80, $0x38;
	[tilespmem:$0x4600] =	vst v63  }
0x244: {  	s26 =	sand.u32 $0x1FFFFFF0, s25;
	s28 =	spop (v2sf);
	s0 =	sadd.s32 s3, s24  }
0x245: {  	[tilespmem:s19], [sflag:$0x1] =	stream.linear.gather [hbm4b:s0+s2], $0x80, $0x38;
	[tilespmem:$0x4600] =	vst v63  }
0x246: {  	s30 =	sadd.s32 $0xD00, s17;
	s29 =	sand.u32 $0x1FFFFFF0, s28;
	s1 =	sadd.s32 s3, s26  }
0x247: {  	[tilespmem:s30], [sflag:$0x1] =	stream.linear.gather [hbm4b:s1+s2], $0x80, $0x38;
	[tilespmem:$0x4600] =	vst v63  }
0x248: {  	s31 =	sadd.s32 $0xD80, s17;
	s0 =	sadd.s32 s3, s29  }
0x249: {  	[tilespmem:s31], [sflag:$0x1] =	stream.linear.gather [hbm4b:s0+s2], $0x80, $0x38;
	[tilespmem:$0x4600] =	vst v63  }
0x24a: {  	_ =	swait.ge [sflag:s12], $0x2000  }
0x24b: {  	s17 =	simm.s32 $0x0;
	[sflag:s12] =	ssyncset.done $0x0  }
0x24c: {  	s18 =	simm.s32 $0x4C0;
	s19 =	simm.s32 $0x2C0;
	[sflag:s12] =	ssyncadd.s32 $0xFFFFE000  }
.LBB2_18:
0x24d: {  	v1 =	vld [tilespmem:s19+$0x0];
	_ =	sdelay $0x1  }
0x24e: {  	v2 =	vmov s17  }
0x24f: {  	v2 =	vshll.u32 v2, $0x7  }
0x250: {  	v2 =	vor.u32 v0, v2  }
0x251: {  	v3 =	vand.u32 $0xFFFFFF80, v1;
	v4 =	vand.u32 $0x7F, v1;
	v5 =	vadd.s32 $0x1, v1  }
0x252: {  	v1 =	vadd.s32 $0x2, v1;
	v3 =	vadd.s32 v2, v3;
	v62 =	vand.u32 $0xFFFFFF80, v5  }
0x253: {  	v5 =	vand.u32 $0x7F, v5;
	v3 =	vor.u32 v4, v3;
	v4 =	vadd.s32 v2, v62  }
0x254: {  	v63 =	vand.u32 $0xFFFFFF80, v1;
	v4 =	vor.u32 v5, v4  }
0x255: {  	v1 =	vand.u32 $0x7F, v1;
	v2 =	vadd.s32 v2, v63  }
0x256: {  	v1 =	vor.u32 v1, v2;
	_ =	sdelay $0x1  }
0x257: {  	v2 =	vld.idx.msk [tilespmem:v3+s13+$0x0], $0xffff  }
0x258: {  	v3 =	vld.idx.msk [tilespmem:v4+s13+$0x0], $0xffff;
	_ =	sdelay $0x1  }
0x259: {  	v1 =	vld.idx.msk [tilespmem:v1+s13+$0x0], $0xffff;
	_ =	sdelay $0x2  }
0x25a: {  	v2 =	vmul.f32 $2.000000030e-01, v2;
	v3 =	vmul.f32 $3.000000120e-01, v3  }
0x25b: {  	p0 =	sne.s32 s17, $0x30  }
.Ltmp8:
0x25c: {  	v1 =	vmul.f32 $5.000000000e-01, v1;
	v2 =	vadd.f32 v3, v2;
	(pc) =	sbr.rel @p0 .LBB2_18-.Ltmp8, $3  }
0x25d: {  	_ = 	snop  }
0x25e: {  	v1 =	vadd.f32 v1, v2;
	_ =	sdelay $0x1  }
0x25f: {  	s19 =	sadd.s32 $0x10, s19;
	s17 =	sadd.s32 $0x10, s17;
	[tilespmem:s18+$0x0] =	vst v1;
	s18 =	sadd.s32 $0x10, s18  }
0x260: {  	s18 =	simm.s32 $0x140  }
0x261: {  	v1 =	vld [tilespmem:s18+$0x0];
	_ =	sdelay $0x4  }
0x262: {  	v1 =	vshll.u32 v1, $0x4  }
0x263: {  	(v2sf) =	vpush v1, $0x0  }
0x264: {  	(v2sf) =	vpush v1, $0x1  }
0x265: {  	(v2sf) =	vpush v1, $0x2;
	_ =	sdelay $0x1  }
0x266: {  	(v2sf) =	vpush v1, $0x4;
	_ =	sdelay $0x1  }
0x267: {  	(v2sf) =	vpush v1, $0x3  }
0x268: {  	(v2sf) =	vpush v1, $0x5  }
0x269: {  	s19 =	simm.s32 $0x2000;
	s17 =	simm.s32 $0x0;
	(v2sf) =	vpush v1, $0x6  }
.LBB2_20:
0x26a: {  	p0 =	sne.s32 s19, $0x6000  }
0x26b: {  	s0 =	sadd.s32 $0x2680, s17;
	s23 =	sadd.s32 $0x2B80, s17;
	s20 =	smov.u32 s19  }
0x26c: {  	s19 =	sadd.s32 $0x2000, s19;
	s26 =	sadd.s32 $0x2980, s17;
	s21 =	sadd.s32 $0x2C00, s17;
	(v2sf) =	vpush v1, $0x7  }
0x26d: {  	s29 =	sadd.s32 $0x2880, s17;
	s25 =	sadd.s32 $0x2A00, s17;
	s22 =	sadd.s32 $0x2C80, s17  }
0x26e: {  	s1 =	sadd.s32 $0x2600, s17;
	s4 =	sadd.s32 $0x2800, s17;
	(v2sf) =	vpush v1, $0x8  }
0x26f: {  	s5 =	sadd.s32 $0x2900, s17;
	s18 =	sadd.s32 $0x10, s18  }
0x270: {  	s6 =	sadd.s32 $0x2700, s17;
	s24 =	sadd.s32 $0x2B00, s17;
	s9 =	spop (v2sf);
	(v2sf) =	vpush v1, $0x9  }
0x271: {  	s28 =	sadd.s32 $0x2A80, s17;
	s9 =	sand.u32 $0x1FFFFFF0, s9;
	s14 =	spop (v2sf)  }
0x272: {  	s9 =	sadd.s32 s3, s9;
	s14 =	sand.u32 $0x1FFFFFF0, s14;
	s30 =	spop (v2sf);
	(v2sf) =	vpush v1, $0xA  }
0x273: {  	[tilespmem:s1], [sflag:$0x2] =	stream.linear.gather [hbm4b:s9+s2], $0x80, $0x38;
	[tilespmem:$0x4600] =	vst v63  }
0x274: {  	s1 =	sadd.s32 s3, s14;
	s9 =	sadd.s32 $0x2780, s17;
	s14 =	spop (v2sf);
	(v2sf) =	vpush v1, $0xB  }
0x275: {  	[tilespmem:s0], [sflag:$0x2] =	stream.linear.gather [hbm4b:s1+s2], $0x80, $0x38;
	[tilespmem:$0x4600] =	vst v63  }
0x276: {  	s0 =	sand.u32 $0x1FFFFFF0, s30;
	s1 =	sand.u32 $0x1FFFFFF0, s14;
	s14 =	spop (v2sf);
	(v2sf) =	vpush v1, $0xC  }
0x277: {  	s0 =	sadd.s32 s3, s0;
	s14 =	sand.u32 $0x1FFFFFF0, s14;
	s30 =	spop (v2sf)  }
0x278: {  	[tilespmem:s6], [sflag:$0x2] =	stream.linear.gather [hbm4b:s0+s2], $0x80, $0x38;
	(v2sf) =	vpush v1, $0xD;
	[tilespmem:$0x4600] =	vst v63  }
0x279: {  	s0 =	sadd.s32 s3, s14;
	s6 =	sand.u32 $0x1FFFFFF0, s30;
	s14 =	spop (v2sf)  }
0x27a: {  	[tilespmem:s9], [sflag:$0x2] =	stream.linear.gather [hbm4b:s0+s2], $0x80, $0x38;
	(v2sf) =	vpush v1, $0xE;
	[tilespmem:$0x4600] =	vst v63  }
0x27b: {  	s0 =	sadd.s32 s3, s1;
	s1 =	sand.u32 $0x1FFFFFF0, s14;
	s9 =	spop (v2sf)  }
0x27c: {  	[tilespmem:s4], [sflag:$0x2] =	stream.linear.gather [hbm4b:s0+s2], $0x80, $0x38;
	(v2sf) =	vpush v1, $0xF;
	[tilespmem:$0x4600] =	vst v63  }
0x27d: {  	s0 =	sadd.s32 s3, s6;
	s4 =	sand.u32 $0x1FFFFFF0, s9;
	s6 =	spop (v2sf)  }
0x27e: {  	[tilespmem:s29], [sflag:$0x2] =	stream.linear.gather [hbm4b:s0+s2], $0x80, $0x38;
	[tilespmem:$0x4600] =	vst v63  }
0x27f: {  	s0 =	sadd.s32 s3, s1;
	s1 =	sand.u32 $0x1FFFFFF0, s6;
	s6 =	spop (v2sf)  }
0x280: {  	[tilespmem:s5], [sflag:$0x2] =	stream.linear.gather [hbm4b:s0+s2], $0x80, $0x38;
	[tilespmem:$0x4600] =	vst v63  }
0x281: {  	s0 =	sadd.s32 s3, s4;
	s4 =	sand.u32 $0x1FFFFFF0, s6;
	s5 =	spop (v2sf)  }
0x282: {  	[tilespmem:s26], [sflag:$0x2] =	stream.linear.gather [hbm4b:s0+s2], $0x80, $0x38;
	[tilespmem:$0x4600] =	vst v63  }
0x283: {  	s0 =	sadd.s32 s3, s1;
	s1 =	sand.u32 $0x1FFFFFF0, s5;
	s5 =	spop (v2sf)  }
0x284: {  	[tilespmem:s25], [sflag:$0x2] =	stream.linear.gather [hbm4b:s0+s2], $0x80, $0x38;
	[tilespmem:$0x4600] =	vst v63  }
0x285: {  	s0 =	sadd.s32 s3, s4;
	s4 =	sand.u32 $0x1FFFFFF0, s5;
	s5 =	spop (v2sf)  }
0x286: {  	[tilespmem:s28], [sflag:$0x2] =	stream.linear.gather [hbm4b:s0+s2], $0x80, $0x38;
	[tilespmem:$0x4600] =	vst v63  }
0x287: {  	s0 =	sadd.s32 s3, s1;
	s1 =	sand.u32 $0x1FFFFFF0, s5;
	s5 =	spop (v2sf)  }
0x288: {  	[tilespmem:s24], [sflag:$0x2] =	stream.linear.gather [hbm4b:s0+s2], $0x80, $0x38;
	[tilespmem:$0x4600] =	vst v63  }
0x289: {  	s0 =	sadd.s32 s3, s4;
	s4 =	sand.u32 $0x1FFFFFF0, s5;
	s5 =	spop (v2sf)  }
0x28a: {  	[tilespmem:s23], [sflag:$0x2] =	stream.linear.gather [hbm4b:s0+s2], $0x80, $0x38;
	[tilespmem:$0x4600] =	vst v63  }
0x28b: {  	s0 =	sadd.s32 s3, s1;
	s1 =	sand.u32 $0x1FFFFFF0, s5;
	s5 =	spop (v2sf)  }
0x28c: {  	[tilespmem:s21], [sflag:$0x2] =	stream.linear.gather [hbm4b:s0+s2], $0x80, $0x38;
	[tilespmem:$0x4600] =	vst v63  }
0x28d: {  	s0 =	sadd.s32 s3, s4;
	s4 =	sand.u32 $0x1FFFFFF0, s5  }
0x28e: {  	[tilespmem:s22], [sflag:$0x2] =	stream.linear.gather [hbm4b:s0+s2], $0x80, $0x38;
	[tilespmem:$0x4600] =	vst v63  }
0x28f: {  	s1 =	sadd.s32 s3, s1;
	s0 =	sadd.s32 $0x2D00, s17  }
0x290: {  	[tilespmem:s0], [sflag:$0x2] =	stream.linear.gather [hbm4b:s1+s2], $0x80, $0x38;
	[tilespmem:$0x4600] =	vst v63  }
0x291: {  	s0 =	sadd.s32 $0x2D80, s17;
	s1 =	sadd.s32 s3, s4  }
0x292: {  	[tilespmem:s0], [sflag:$0x2] =	stream.linear.gather [hbm4b:s1+s2], $0x80, $0x38;
	[tilespmem:$0x4600] =	vst v63  }
0x293: {  	v1 =	vld [tilespmem:s18+$0x0];
	_ =	sdelay $0x4  }
0x294: {  	v1 =	vshll.u32 v1, $0x4  }
0x295: {  	(v2sf) =	vpush v1, $0x0  }
0x296: {  	(v2sf) =	vpush v1, $0x1  }
0x297: {  	(v2sf) =	vpush v1, $0x2;
	_ =	sdelay $0x1  }
0x298: {  	(v2sf) =	vpush v1, $0x4  }
.Ltmp9:
0x299: {  	(pc) =	sbr.rel @p0 .LBB2_20-.Ltmp9, $3  }
0x29a: {  	(v2sf) =	vpush v1, $0x3  }
0x29b: {  	(v2sf) =	vpush v1, $0x5;
	_ =	sdelay $0x1  }
0x29c: {  	s17 =	sshra.s32 s20, $0x2;
	(v2sf) =	vpush v1, $0x6  }
0x29d: {  	_ =	sdelay $0x1  }
0x29e: {  	s0 =	sadd.s32 $0x2680, s17;
	s20 =	sadd.s32 $0x2B80, s17  }
0x29f: {  	s1 =	sadd.s32 $0x2980, s17;
	s18 =	sadd.s32 $0x2C00, s17;
	(v2sf) =	vpush v1, $0x7;
	s4 =	sadd.s32 $0x2880, s17  }
0x2a0: {  	s5 =	sadd.s32 $0x2A00, s17;
	s19 =	sadd.s32 $0x2C80, s17;
	s6 =	sadd.s32 $0x2600, s17  }
0x2a1: {  	s9 =	sadd.s32 $0x2800, s17;
	s14 =	sadd.s32 $0x2900, s17;
	(v2sf) =	vpush v1, $0x8;
	s21 =	spop (v2sf)  }
0x2a2: {  	s22 =	sadd.s32 $0x2700, s17;
	s21 =	sand.u32 $0x1FFFFFF0, s21;
	s23 =	spop (v2sf)  }
0x2a3: {  	(v2sf) =	vpush v1, $0x9;
	s21 =	sadd.s32 s3, s21;
	s23 =	sand.u32 $0x1FFFFFF0, s23;
	s24 =	spop (v2sf)  }
0x2a4: {  	[tilespmem:s6], [sflag:$0x2] =	stream.linear.gather [hbm4b:s21+s2], $0x80, $0x38;
	[tilespmem:$0x4600] =	vst v63  }
0x2a5: {  	s25 =	sadd.s32 $0x2780, s17;
	(v2sf) =	vpush v1, $0xA;
	s30 =	sadd.s32 s3, s23;
	s31 =	spop (v2sf)  }
0x2a6: {  	[tilespmem:s0], [sflag:$0x2] =	stream.linear.gather [hbm4b:s30+s2], $0x80, $0x38;
	[tilespmem:$0x4600] =	vst v63  }
0x2a7: {  	s6 =	sadd.s32 $0x2B00, s17;
	s24 =	sand.u32 $0x1FFFFFF0, s24;
	(v2sf) =	vpush v1, $0xB;
	s26 =	spop (v2sf)  }
0x2a8: {  	s21 =	sadd.s32 s3, s24;
	s0 =	sadd.s32 $0x2A80, s17;
	s24 =	sand.u32 $0x1FFFFFF0, s26  }
0x2a9: {  	(v2sf) =	vpush v1, $0xC;
	[tilespmem:s22], [sflag:$0x2] =	stream.linear.gather [hbm4b:s21+s2], $0x80, $0x38;
	[tilespmem:$0x4600] =	vst v63  }
0x2aa: {  	s28 =	sand.u32 $0x1FFFFFF0, s31;
	s29 =	spop (v2sf);
	s30 =	sadd.s32 s3, s24  }
0x2ab: {  	(v2sf) =	vpush v1, $0xD;
	[tilespmem:s25], [sflag:$0x2] =	stream.linear.gather [hbm4b:s30+s2], $0x80, $0x38;
	[tilespmem:$0x4600] =	vst v63  }
0x2ac: {  	s21 =	sadd.s32 s3, s28;
	s22 =	sand.u32 $0x1FFFFFF0, s29;
	s31 =	spop (v2sf)  }
0x2ad: {  	(v2sf) =	vpush v1, $0xE;
	[tilespmem:s9], [sflag:$0x2] =	stream.linear.gather [hbm4b:s21+s2], $0x80, $0x38;
	[tilespmem:$0x4600] =	vst v63  }
0x2ae: {  	s22 =	sadd.s32 s3, s22;
	s23 =	sand.u32 $0x1FFFFFF0, s31;
	s24 =	spop (v2sf)  }
0x2af: {  	(v2sf) =	vpush v1, $0xF;
	[tilespmem:s4], [sflag:$0x2] =	stream.linear.gather [hbm4b:s22+s2], $0x80, $0x38;
	[tilespmem:$0x4600] =	vst v63  }
0x2b0: {  	s25 =	sand.u32 $0x1FFFFFF0, s24;
	s26 =	spop (v2sf);
	s9 =	sadd.s32 s3, s23  }
0x2b1: {  	[tilespmem:s14], [sflag:$0x2] =	stream.linear.gather [hbm4b:s9+s2], $0x80, $0x38;
	[tilespmem:$0x4600] =	vst v63  }
0x2b2: {  	s28 =	sand.u32 $0x1FFFFFF0, s26;
	s4 =	sadd.s32 s3, s25;
	s29 =	spop (v2sf)  }
0x2b3: {  	[tilespmem:s1], [sflag:$0x2] =	stream.linear.gather [hbm4b:s4+s2], $0x80, $0x38;
	[tilespmem:$0x4600] =	vst v63  }
0x2b4: {  	s9 =	sadd.s32 s3, s28;
	s30 =	sand.u32 $0x1FFFFFF0, s29;
	s31 =	spop (v2sf)  }
0x2b5: {  	[tilespmem:s5], [sflag:$0x2] =	stream.linear.gather [hbm4b:s9+s2], $0x80, $0x38;
	[tilespmem:$0x4600] =	vst v63  }
0x2b6: {  	s4 =	sand.u32 $0x1FFFFFF0, s31;
	s1 =	sadd.s32 s3, s30;
	s14 =	spop (v2sf)  }
0x2b7: {  	[tilespmem:s0], [sflag:$0x2] =	stream.linear.gather [hbm4b:s1+s2], $0x80, $0x38;
	[tilespmem:$0x4600] =	vst v63  }
0x2b8: {  	s4 =	sadd.s32 s3, s4;
	s21 =	sand.u32 $0x1FFFFFF0, s14;
	s22 =	spop (v2sf)  }
0x2b9: {  	[tilespmem:s6], [sflag:$0x2] =	stream.linear.gather [hbm4b:s4+s2], $0x80, $0x38;
	[tilespmem:$0x4600] =	vst v63  }
0x2ba: {  	s0 =	sadd.s32 s3, s21;
	s1 =	sand.u32 $0x1FFFFFF0, s22;
	s23 =	spop (v2sf)  }
0x2bb: {  	[tilespmem:s20], [sflag:$0x2] =	stream.linear.gather [hbm4b:s0+s2], $0x80, $0x38;
	[tilespmem:$0x4600] =	vst v63  }
0x2bc: {  	s24 =	sand.u32 $0x1FFFFFF0, s23;
	s1 =	sadd.s32 s3, s1;
	s25 =	spop (v2sf)  }
0x2bd: {  	[tilespmem:s18], [sflag:$0x2] =	stream.linear.gather [hbm4b:s1+s2], $0x80, $0x38;
	[tilespmem:$0x4600] =	vst v63  }
0x2be: {  	s26 =	sand.u32 $0x1FFFFFF0, s25;
	s28 =	spop (v2sf);
	s0 =	sadd.s32 s3, s24  }
0x2bf: {  	[tilespmem:s19], [sflag:$0x2] =	stream.linear.gather [hbm4b:s0+s2], $0x80, $0x38;
	[tilespmem:$0x4600] =	vst v63  }
0x2c0: {  	s30 =	sadd.s32 $0x2D00, s17;
	s29 =	sand.u32 $0x1FFFFFF0, s28;
	s1 =	sadd.s32 s3, s26  }
0x2c1: {  	[tilespmem:s30], [sflag:$0x2] =	stream.linear.gather [hbm4b:s1+s2], $0x80, $0x38;
	[tilespmem:$0x4600] =	vst v63  }
0x2c2: {  	s31 =	sadd.s32 $0x2D80, s17;
	s0 =	sadd.s32 s3, s29  }
0x2c3: {  	[tilespmem:s31], [sflag:$0x2] =	stream.linear.gather [hbm4b:s0+s2], $0x80, $0x38;
	[tilespmem:$0x4600] =	vst v63  }
0x2c4: {  	_ =	swait.ge [sflag:s10], $0x2000  }
0x2c5: {  	s17 =	simm.s32 $0x0;
	[sflag:s10] =	ssyncset.done $0x0  }
0x2c6: {  	s18 =	simm.s32 $0x300;
	s19 =	simm.s32 $0x500;
	[sflag:s10] =	ssyncadd.s32 $0xFFFFE000  }
.LBB2_22:
0x2c7: {  	v1 =	vld [tilespmem:s18+$0x0];
	_ =	sdelay $0x1  }
0x2c8: {  	v2 =	vmov s17  }
0x2c9: {  	v2 =	vshll.u32 v2, $0x7  }
0x2ca: {  	v2 =	vor.u32 v0, v2  }
0x2cb: {  	v3 =	vand.u32 $0xFFFFFF80, v1;
	v4 =	vand.u32 $0x7F, v1;
	v5 =	vadd.s32 $0x1, v1  }
0x2cc: {  	v1 =	vadd.s32 $0x2, v1;
	v3 =	vadd.s32 v2, v3;
	v62 =	vand.u32 $0xFFFFFF80, v5  }
0x2cd: {  	v5 =	vand.u32 $0x7F, v5;
	v3 =	vor.u32 v4, v3;
	v4 =	vadd.s32 v2, v62  }
0x2ce: {  	v63 =	vand.u32 $0xFFFFFF80, v1;
	v4 =	vor.u32 v5, v4  }
0x2cf: {  	v1 =	vand.u32 $0x7F, v1;
	v2 =	vadd.s32 v2, v63  }
0x2d0: {  	v1 =	vor.u32 v1, v2;
	_ =	sdelay $0x1  }
0x2d1: {  	v2 =	vld.idx.msk [tilespmem:v3+s11+$0x0], $0xffff  }
0x2d2: {  	v3 =	vld.idx.msk [tilespmem:v4+s11+$0x0], $0xffff;
	_ =	sdelay $0x1  }
0x2d3: {  	v1 =	vld.idx.msk [tilespmem:v1+s11+$0x0], $0xffff;
	_ =	sdelay $0x2  }
0x2d4: {  	v2 =	vmul.f32 $2.000000030e-01, v2;
	v3 =	vmul.f32 $3.000000120e-01, v3  }
0x2d5: {  	p0 =	sne.s32 s17, $0x30  }
.Ltmp10:
0x2d6: {  	v1 =	vmul.f32 $5.000000000e-01, v1;
	v2 =	vadd.f32 v3, v2;
	(pc) =	sbr.rel @p0 .LBB2_22-.Ltmp10, $3  }
0x2d7: {  	_ = 	snop  }
0x2d8: {  	v1 =	vadd.f32 v1, v2;
	_ =	sdelay $0x1  }
0x2d9: {  	s18 =	sadd.s32 $0x10, s18;
	s17 =	sadd.s32 $0x10, s17;
	[tilespmem:s19+$0x0] =	vst v1;
	s19 =	sadd.s32 $0x10, s19  }
0x2da: {  	s18 =	simm.s32 $0x180  }
0x2db: {  	v1 =	vld [tilespmem:s18+$0x0];
	_ =	sdelay $0x4  }
0x2dc: {  	v1 =	vshll.u32 v1, $0x4  }
0x2dd: {  	(v2sf) =	vpush v1, $0x0  }
0x2de: {  	(v2sf) =	vpush v1, $0x1  }
0x2df: {  	(v2sf) =	vpush v1, $0x2;
	_ =	sdelay $0x1  }
0x2e0: {  	(v2sf) =	vpush v1, $0x4;
	_ =	sdelay $0x1  }
0x2e1: {  	(v2sf) =	vpush v1, $0x3  }
0x2e2: {  	(v2sf) =	vpush v1, $0x5  }
0x2e3: {  	s19 =	simm.s32 $0x2000;
	s17 =	simm.s32 $0x0;
	(v2sf) =	vpush v1, $0x6  }
.LBB2_24:
0x2e4: {  	p0 =	sne.s32 s19, $0x6000  }
0x2e5: {  	s0 =	sadd.s32 $0x680, s17;
	s23 =	sadd.s32 $0xB80, s17;
	s20 =	smov.u32 s19  }
0x2e6: {  	s19 =	sadd.s32 $0x2000, s19;
	s26 =	sadd.s32 $0x980, s17;
	s21 =	sadd.s32 $0xC00, s17;
	(v2sf) =	vpush v1, $0x7  }
0x2e7: {  	s29 =	sadd.s32 $0x880, s17;
	s25 =	sadd.s32 $0xA00, s17;
	s22 =	sadd.s32 $0xC80, s17  }
0x2e8: {  	s1 =	sadd.s32 $0x600, s17;
	s4 =	sadd.s32 $0x800, s17;
	(v2sf) =	vpush v1, $0x8  }
0x2e9: {  	s5 =	sadd.s32 $0x900, s17;
	s18 =	sadd.s32 $0x10, s18  }
0x2ea: {  	s6 =	sadd.s32 $0x700, s17;
	s24 =	sadd.s32 $0xB00, s17;
	s9 =	spop (v2sf);
	(v2sf) =	vpush v1, $0x9  }
0x2eb: {  	s28 =	sadd.s32 $0xA80, s17;
	s9 =	sand.u32 $0x1FFFFFF0, s9;
	s14 =	spop (v2sf)  }
0x2ec: {  	s9 =	sadd.s32 s3, s9;
	s14 =	sand.u32 $0x1FFFFFF0, s14;
	s30 =	spop (v2sf);
	(v2sf) =	vpush v1, $0xA  }
0x2ed: {  	[tilespmem:s1], [sflag:$0x1] =	stream.linear.gather [hbm4b:s9+s2], $0x80, $0x38;
	[tilespmem:$0x4600] =	vst v63  }
0x2ee: {  	s1 =	sadd.s32 s3, s14;
	s9 =	sadd.s32 $0x780, s17;
	s14 =	spop (v2sf);
	(v2sf) =	vpush v1, $0xB  }
0x2ef: {  	[tilespmem:s0], [sflag:$0x1] =	stream.linear.gather [hbm4b:s1+s2], $0x80, $0x38;
	[tilespmem:$0x4600] =	vst v63  }
0x2f0: {  	s0 =	sand.u32 $0x1FFFFFF0, s30;
	s1 =	sand.u32 $0x1FFFFFF0, s14;
	s14 =	spop (v2sf);
	(v2sf) =	vpush v1, $0xC  }
0x2f1: {  	s0 =	sadd.s32 s3, s0;
	s14 =	sand.u32 $0x1FFFFFF0, s14;
	s30 =	spop (v2sf)  }
0x2f2: {  	[tilespmem:s6], [sflag:$0x1] =	stream.linear.gather [hbm4b:s0+s2], $0x80, $0x38;
	(v2sf) =	vpush v1, $0xD;
	[tilespmem:$0x4600] =	vst v63  }
0x2f3: {  	s0 =	sadd.s32 s3, s14;
	s6 =	sand.u32 $0x1FFFFFF0, s30;
	s14 =	spop (v2sf)  }
0x2f4: {  	[tilespmem:s9], [sflag:$0x1] =	stream.linear.gather [hbm4b:s0+s2], $0x80, $0x38;
	(v2sf) =	vpush v1, $0xE;
	[tilespmem:$0x4600] =	vst v63  }
0x2f5: {  	s0 =	sadd.s32 s3, s1;
	s1 =	sand.u32 $0x1FFFFFF0, s14;
	s9 =	spop (v2sf)  }
0x2f6: {  	[tilespmem:s4], [sflag:$0x1] =	stream.linear.gather [hbm4b:s0+s2], $0x80, $0x38;
	(v2sf) =	vpush v1, $0xF;
	[tilespmem:$0x4600] =	vst v63  }
0x2f7: {  	s0 =	sadd.s32 s3, s6;
	s4 =	sand.u32 $0x1FFFFFF0, s9;
	s6 =	spop (v2sf)  }
0x2f8: {  	[tilespmem:s29], [sflag:$0x1] =	stream.linear.gather [hbm4b:s0+s2], $0x80, $0x38;
	[tilespmem:$0x4600] =	vst v63  }
0x2f9: {  	s0 =	sadd.s32 s3, s1;
	s1 =	sand.u32 $0x1FFFFFF0, s6;
	s6 =	spop (v2sf)  }
0x2fa: {  	[tilespmem:s5], [sflag:$0x1] =	stream.linear.gather [hbm4b:s0+s2], $0x80, $0x38;
	[tilespmem:$0x4600] =	vst v63  }
0x2fb: {  	s0 =	sadd.s32 s3, s4;
	s4 =	sand.u32 $0x1FFFFFF0, s6;
	s5 =	spop (v2sf)  }
0x2fc: {  	[tilespmem:s26], [sflag:$0x1] =	stream.linear.gather [hbm4b:s0+s2], $0x80, $0x38;
	[tilespmem:$0x4600] =	vst v63  }
0x2fd: {  	s0 =	sadd.s32 s3, s1;
	s1 =	sand.u32 $0x1FFFFFF0, s5;
	s5 =	spop (v2sf)  }
0x2fe: {  	[tilespmem:s25], [sflag:$0x1] =	stream.linear.gather [hbm4b:s0+s2], $0x80, $0x38;
	[tilespmem:$0x4600] =	vst v63  }
0x2ff: {  	s0 =	sadd.s32 s3, s4;
	s4 =	sand.u32 $0x1FFFFFF0, s5;
	s5 =	spop (v2sf)  }
0x300: {  	[tilespmem:s28], [sflag:$0x1] =	stream.linear.gather [hbm4b:s0+s2], $0x80, $0x38;
	[tilespmem:$0x4600] =	vst v63  }
0x301: {  	s0 =	sadd.s32 s3, s1;
	s1 =	sand.u32 $0x1FFFFFF0, s5;
	s5 =	spop (v2sf)  }
0x302: {  	[tilespmem:s24], [sflag:$0x1] =	stream.linear.gather [hbm4b:s0+s2], $0x80, $0x38;
	[tilespmem:$0x4600] =	vst v63  }
0x303: {  	s0 =	sadd.s32 s3, s4;
	s4 =	sand.u32 $0x1FFFFFF0, s5;
	s5 =	spop (v2sf)  }
0x304: {  	[tilespmem:s23], [sflag:$0x1] =	stream.linear.gather [hbm4b:s0+s2], $0x80, $0x38;
	[tilespmem:$0x4600] =	vst v63  }
0x305: {  	s0 =	sadd.s32 s3, s1;
	s1 =	sand.u32 $0x1FFFFFF0, s5;
	s5 =	spop (v2sf)  }
0x306: {  	[tilespmem:s21], [sflag:$0x1] =	stream.linear.gather [hbm4b:s0+s2], $0x80, $0x38;
	[tilespmem:$0x4600] =	vst v63  }
0x307: {  	s0 =	sadd.s32 s3, s4;
	s4 =	sand.u32 $0x1FFFFFF0, s5  }
0x308: {  	[tilespmem:s22], [sflag:$0x1] =	stream.linear.gather [hbm4b:s0+s2], $0x80, $0x38;
	[tilespmem:$0x4600] =	vst v63  }
0x309: {  	s1 =	sadd.s32 s3, s1;
	s0 =	sadd.s32 $0xD00, s17  }
0x30a: {  	[tilespmem:s0], [sflag:$0x1] =	stream.linear.gather [hbm4b:s1+s2], $0x80, $0x38;
	[tilespmem:$0x4600] =	vst v63  }
0x30b: {  	s0 =	sadd.s32 $0xD80, s17;
	s1 =	sadd.s32 s3, s4  }
0x30c: {  	[tilespmem:s0], [sflag:$0x1] =	stream.linear.gather [hbm4b:s1+s2], $0x80, $0x38;
	[tilespmem:$0x4600] =	vst v63  }
0x30d: {  	v1 =	vld [tilespmem:s18+$0x0];
	_ =	sdelay $0x4  }
0x30e: {  	v1 =	vshll.u32 v1, $0x4  }
0x30f: {  	(v2sf) =	vpush v1, $0x0  }
0x310: {  	(v2sf) =	vpush v1, $0x1  }
0x311: {  	(v2sf) =	vpush v1, $0x2;
	_ =	sdelay $0x1  }
0x312: {  	(v2sf) =	vpush v1, $0x4  }
.Ltmp11:
0x313: {  	(pc) =	sbr.rel @p0 .LBB2_24-.Ltmp11, $3  }
0x314: {  	(v2sf) =	vpush v1, $0x3  }
0x315: {  	(v2sf) =	vpush v1, $0x5;
	_ =	sdelay $0x1  }
0x316: {  	s17 =	sshra.s32 s20, $0x2;
	(v2sf) =	vpush v1, $0x6  }
0x317: {  	_ =	sdelay $0x1  }
0x318: {  	s0 =	sadd.s32 $0x680, s17;
	s20 =	sadd.s32 $0xB80, s17  }
0x319: {  	s1 =	sadd.s32 $0x980, s17;
	s18 =	sadd.s32 $0xC00, s17;
	(v2sf) =	vpush v1, $0x7;
	s4 =	sadd.s32 $0x880, s17  }
0x31a: {  	s5 =	sadd.s32 $0xA00, s17;
	s19 =	sadd.s32 $0xC80, s17;
	s6 =	sadd.s32 $0x600, s17  }
0x31b: {  	s9 =	sadd.s32 $0x800, s17;
	s14 =	sadd.s32 $0x900, s17;
	(v2sf) =	vpush v1, $0x8;
	s21 =	spop (v2sf)  }
0x31c: {  	s22 =	sadd.s32 $0x700, s17;
	s21 =	sand.u32 $0x1FFFFFF0, s21;
	s23 =	spop (v2sf)  }
0x31d: {  	(v2sf) =	vpush v1, $0x9;
	s21 =	sadd.s32 s3, s21;
	s23 =	sand.u32 $0x1FFFFFF0, s23;
	s24 =	spop (v2sf)  }
0x31e: {  	[tilespmem:s6], [sflag:$0x1] =	stream.linear.gather [hbm4b:s21+s2], $0x80, $0x38;
	[tilespmem:$0x4600] =	vst v63  }
0x31f: {  	s25 =	sadd.s32 $0x780, s17;
	(v2sf) =	vpush v1, $0xA;
	s30 =	sadd.s32 s3, s23;
	s31 =	spop (v2sf)  }
0x320: {  	[tilespmem:s0], [sflag:$0x1] =	stream.linear.gather [hbm4b:s30+s2], $0x80, $0x38;
	[tilespmem:$0x4600] =	vst v63  }
0x321: {  	s6 =	sadd.s32 $0xB00, s17;
	s24 =	sand.u32 $0x1FFFFFF0, s24;
	(v2sf) =	vpush v1, $0xB;
	s26 =	spop (v2sf)  }
0x322: {  	s21 =	sadd.s32 s3, s24;
	s0 =	sadd.s32 $0xA80, s17;
	s24 =	sand.u32 $0x1FFFFFF0, s26  }
0x323: {  	(v2sf) =	vpush v1, $0xC;
	[tilespmem:s22], [sflag:$0x1] =	stream.linear.gather [hbm4b:s21+s2], $0x80, $0x38;
	[tilespmem:$0x4600] =	vst v63  }
0x324: {  	s28 =	sand.u32 $0x1FFFFFF0, s31;
	s29 =	spop (v2sf);
	s30 =	sadd.s32 s3, s24  }
0x325: {  	(v2sf) =	vpush v1, $0xD;
	[tilespmem:s25], [sflag:$0x1] =	stream.linear.gather [hbm4b:s30+s2], $0x80, $0x38;
	[tilespmem:$0x4600] =	vst v63  }
0x326: {  	s21 =	sadd.s32 s3, s28;
	s22 =	sand.u32 $0x1FFFFFF0, s29;
	s31 =	spop (v2sf)  }
0x327: {  	(v2sf) =	vpush v1, $0xE;
	[tilespmem:s9], [sflag:$0x1] =	stream.linear.gather [hbm4b:s21+s2], $0x80, $0x38;
	[tilespmem:$0x4600] =	vst v63  }
0x328: {  	s22 =	sadd.s32 s3, s22;
	s23 =	sand.u32 $0x1FFFFFF0, s31;
	s24 =	spop (v2sf)  }
0x329: {  	(v2sf) =	vpush v1, $0xF;
	[tilespmem:s4], [sflag:$0x1] =	stream.linear.gather [hbm4b:s22+s2], $0x80, $0x38;
	[tilespmem:$0x4600] =	vst v63  }
0x32a: {  	s25 =	sand.u32 $0x1FFFFFF0, s24;
	s26 =	spop (v2sf);
	s9 =	sadd.s32 s3, s23  }
0x32b: {  	[tilespmem:s14], [sflag:$0x1] =	stream.linear.gather [hbm4b:s9+s2], $0x80, $0x38;
	[tilespmem:$0x4600] =	vst v63  }
0x32c: {  	s28 =	sand.u32 $0x1FFFFFF0, s26;
	s4 =	sadd.s32 s3, s25;
	s29 =	spop (v2sf)  }
0x32d: {  	[tilespmem:s1], [sflag:$0x1] =	stream.linear.gather [hbm4b:s4+s2], $0x80, $0x38;
	[tilespmem:$0x4600] =	vst v63  }
0x32e: {  	s9 =	sadd.s32 s3, s28;
	s30 =	sand.u32 $0x1FFFFFF0, s29;
	s31 =	spop (v2sf)  }
0x32f: {  	[tilespmem:s5], [sflag:$0x1] =	stream.linear.gather [hbm4b:s9+s2], $0x80, $0x38;
	[tilespmem:$0x4600] =	vst v63  }
0x330: {  	s4 =	sand.u32 $0x1FFFFFF0, s31;
	s1 =	sadd.s32 s3, s30;
	s14 =	spop (v2sf)  }
0x331: {  	[tilespmem:s0], [sflag:$0x1] =	stream.linear.gather [hbm4b:s1+s2], $0x80, $0x38;
	[tilespmem:$0x4600] =	vst v63  }
0x332: {  	s4 =	sadd.s32 s3, s4;
	s21 =	sand.u32 $0x1FFFFFF0, s14;
	s22 =	spop (v2sf)  }
0x333: {  	[tilespmem:s6], [sflag:$0x1] =	stream.linear.gather [hbm4b:s4+s2], $0x80, $0x38;
	[tilespmem:$0x4600] =	vst v63  }
0x334: {  	s0 =	sadd.s32 s3, s21;
	s1 =	sand.u32 $0x1FFFFFF0, s22;
	s23 =	spop (v2sf)  }
0x335: {  	[tilespmem:s20], [sflag:$0x1] =	stream.linear.gather [hbm4b:s0+s2], $0x80, $0x38;
	[tilespmem:$0x4600] =	vst v63  }
0x336: {  	s24 =	sand.u32 $0x1FFFFFF0, s23;
	s1 =	sadd.s32 s3, s1;
	s25 =	spop (v2sf)  }
0x337: {  	[tilespmem:s18], [sflag:$0x1] =	stream.linear.gather [hbm4b:s1+s2], $0x80, $0x38;
	[tilespmem:$0x4600] =	vst v63  }
0x338: {  	s26 =	sand.u32 $0x1FFFFFF0, s25;
	s28 =	spop (v2sf);
	s0 =	sadd.s32 s3, s24  }
0x339: {  	[tilespmem:s19], [sflag:$0x1] =	stream.linear.gather [hbm4b:s0+s2], $0x80, $0x38;
	[tilespmem:$0x4600] =	vst v63  }
0x33a: {  	s30 =	sadd.s32 $0xD00, s17;
	s29 =	sand.u32 $0x1FFFFFF0, s28;
	s1 =	sadd.s32 s3, s26  }
0x33b: {  	[tilespmem:s30], [sflag:$0x1] =	stream.linear.gather [hbm4b:s1+s2], $0x80, $0x38;
	[tilespmem:$0x4600] =	vst v63  }
0x33c: {  	s31 =	sadd.s32 $0xD80, s17;
	s0 =	sadd.s32 s3, s29  }
0x33d: {  	[tilespmem:s31], [sflag:$0x1] =	stream.linear.gather [hbm4b:s0+s2], $0x80, $0x38;
	[tilespmem:$0x4600] =	vst v63  }
0x33e: {  	_ =	swait.ge [sflag:s12], $0x2000  }
0x33f: {  	s17 =	simm.s32 $0x0;
	[sflag:s12] =	ssyncset.done $0x0  }
0x340: {  	s18 =	simm.s32 $0x540;
	s19 =	simm.s32 $0x340;
	[sflag:s12] =	ssyncadd.s32 $0xFFFFE000  }
.LBB2_26:
0x341: {  	v1 =	vld [tilespmem:s19+$0x0];
	_ =	sdelay $0x1  }
0x342: {  	v2 =	vmov s17  }
0x343: {  	v2 =	vshll.u32 v2, $0x7  }
0x344: {  	v2 =	vor.u32 v0, v2  }
0x345: {  	v3 =	vand.u32 $0xFFFFFF80, v1;
	v4 =	vand.u32 $0x7F, v1;
	v5 =	vadd.s32 $0x1, v1  }
0x346: {  	v1 =	vadd.s32 $0x2, v1;
	v3 =	vadd.s32 v2, v3;
	v62 =	vand.u32 $0xFFFFFF80, v5  }
0x347: {  	v5 =	vand.u32 $0x7F, v5;
	v3 =	vor.u32 v4, v3;
	v4 =	vadd.s32 v2, v62  }
0x348: {  	v63 =	vand.u32 $0xFFFFFF80, v1;
	v4 =	vor.u32 v5, v4  }
0x349: {  	v1 =	vand.u32 $0x7F, v1;
	v2 =	vadd.s32 v2, v63  }
0x34a: {  	v1 =	vor.u32 v1, v2;
	_ =	sdelay $0x1  }
0x34b: {  	v2 =	vld.idx.msk [tilespmem:v3+s13+$0x0], $0xffff  }
0x34c: {  	v3 =	vld.idx.msk [tilespmem:v4+s13+$0x0], $0xffff;
	_ =	sdelay $0x1  }
0x34d: {  	v1 =	vld.idx.msk [tilespmem:v1+s13+$0x0], $0xffff;
	_ =	sdelay $0x2  }
0x34e: {  	v2 =	vmul.f32 $2.000000030e-01, v2;
	v3 =	vmul.f32 $3.000000120e-01, v3  }
0x34f: {  	p0 =	sne.s32 s17, $0x30  }
.Ltmp12:
0x350: {  	v1 =	vmul.f32 $5.000000000e-01, v1;
	v2 =	vadd.f32 v3, v2;
	(pc) =	sbr.rel @p0 .LBB2_26-.Ltmp12, $3  }
0x351: {  	_ = 	snop  }
0x352: {  	v1 =	vadd.f32 v1, v2;
	_ =	sdelay $0x1  }
0x353: {  	s19 =	sadd.s32 $0x10, s19;
	s17 =	sadd.s32 $0x10, s17;
	[tilespmem:s18+$0x0] =	vst v1;
	s18 =	sadd.s32 $0x10, s18  }
0x354: {  	s18 =	simm.s32 $0x1C0  }
0x355: {  	v1 =	vld [tilespmem:s18+$0x0];
	_ =	sdelay $0x4  }
0x356: {  	v1 =	vshll.u32 v1, $0x4  }
0x357: {  	(v2sf) =	vpush v1, $0x0  }
0x358: {  	(v2sf) =	vpush v1, $0x1  }
0x359: {  	(v2sf) =	vpush v1, $0x2;
	_ =	sdelay $0x1  }
0x35a: {  	(v2sf) =	vpush v1, $0x4;
	_ =	sdelay $0x1  }
0x35b: {  	(v2sf) =	vpush v1, $0x3  }
0x35c: {  	(v2sf) =	vpush v1, $0x5  }
0x35d: {  	s19 =	simm.s32 $0x2000;
	s17 =	simm.s32 $0x0;
	(v2sf) =	vpush v1, $0x6  }
.LBB2_28:
0x35e: {  	p0 =	sne.s32 s19, $0x6000  }
0x35f: {  	s0 =	sadd.s32 $0x2680, s17;
	s23 =	sadd.s32 $0x2B80, s17;
	s20 =	smov.u32 s19  }
0x360: {  	s19 =	sadd.s32 $0x2000, s19;
	s26 =	sadd.s32 $0x2980, s17;
	s21 =	sadd.s32 $0x2C00, s17;
	(v2sf) =	vpush v1, $0x7  }
0x361: {  	s29 =	sadd.s32 $0x2880, s17;
	s25 =	sadd.s32 $0x2A00, s17;
	s22 =	sadd.s32 $0x2C80, s17  }
0x362: {  	s1 =	sadd.s32 $0x2600, s17;
	s4 =	sadd.s32 $0x2800, s17;
	(v2sf) =	vpush v1, $0x8  }
0x363: {  	s5 =	sadd.s32 $0x2900, s17;
	s18 =	sadd.s32 $0x10, s18  }
0x364: {  	s6 =	sadd.s32 $0x2700, s17;
	s24 =	sadd.s32 $0x2B00, s17;
	s9 =	spop (v2sf);
	(v2sf) =	vpush v1, $0x9  }
0x365: {  	s28 =	sadd.s32 $0x2A80, s17;
	s9 =	sand.u32 $0x1FFFFFF0, s9;
	s14 =	spop (v2sf)  }
0x366: {  	s9 =	sadd.s32 s3, s9;
	s14 =	sand.u32 $0x1FFFFFF0, s14;
	s30 =	spop (v2sf);
	(v2sf) =	vpush v1, $0xA  }
0x367: {  	[tilespmem:s1], [sflag:$0x2] =	stream.linear.gather [hbm4b:s9+s2], $0x80, $0x38;
	[tilespmem:$0x4600] =	vst v63  }
0x368: {  	s1 =	sadd.s32 s3, s14;
	s9 =	sadd.s32 $0x2780, s17;
	s14 =	spop (v2sf);
	(v2sf) =	vpush v1, $0xB  }
0x369: {  	[tilespmem:s0], [sflag:$0x2] =	stream.linear.gather [hbm4b:s1+s2], $0x80, $0x38;
	[tilespmem:$0x4600] =	vst v63  }
0x36a: {  	s0 =	sand.u32 $0x1FFFFFF0, s30;
	s1 =	sand.u32 $0x1FFFFFF0, s14;
	s14 =	spop (v2sf);
	(v2sf) =	vpush v1, $0xC  }
0x36b: {  	s0 =	sadd.s32 s3, s0;
	s14 =	sand.u32 $0x1FFFFFF0, s14;
	s30 =	spop (v2sf)  }
0x36c: {  	[tilespmem:s6], [sflag:$0x2] =	stream.linear.gather [hbm4b:s0+s2], $0x80, $0x38;
	(v2sf) =	vpush v1, $0xD;
	[tilespmem:$0x4600] =	vst v63  }
0x36d: {  	s0 =	sadd.s32 s3, s14;
	s6 =	sand.u32 $0x1FFFFFF0, s30;
	s14 =	spop (v2sf)  }
0x36e: {  	[tilespmem:s9], [sflag:$0x2] =	stream.linear.gather [hbm4b:s0+s2], $0x80, $0x38;
	(v2sf) =	vpush v1, $0xE;
	[tilespmem:$0x4600] =	vst v63  }
0x36f: {  	s0 =	sadd.s32 s3, s1;
	s1 =	sand.u32 $0x1FFFFFF0, s14;
	s9 =	spop (v2sf)  }
0x370: {  	[tilespmem:s4], [sflag:$0x2] =	stream.linear.gather [hbm4b:s0+s2], $0x80, $0x38;
	(v2sf) =	vpush v1, $0xF;
	[tilespmem:$0x4600] =	vst v63  }
0x371: {  	s0 =	sadd.s32 s3, s6;
	s4 =	sand.u32 $0x1FFFFFF0, s9;
	s6 =	spop (v2sf)  }
0x372: {  	[tilespmem:s29], [sflag:$0x2] =	stream.linear.gather [hbm4b:s0+s2], $0x80, $0x38;
	[tilespmem:$0x4600] =	vst v63  }
0x373: {  	s0 =	sadd.s32 s3, s1;
	s1 =	sand.u32 $0x1FFFFFF0, s6;
	s6 =	spop (v2sf)  }
0x374: {  	[tilespmem:s5], [sflag:$0x2] =	stream.linear.gather [hbm4b:s0+s2], $0x80, $0x38;
	[tilespmem:$0x4600] =	vst v63  }
0x375: {  	s0 =	sadd.s32 s3, s4;
	s4 =	sand.u32 $0x1FFFFFF0, s6;
	s5 =	spop (v2sf)  }
0x376: {  	[tilespmem:s26], [sflag:$0x2] =	stream.linear.gather [hbm4b:s0+s2], $0x80, $0x38;
	[tilespmem:$0x4600] =	vst v63  }
0x377: {  	s0 =	sadd.s32 s3, s1;
	s1 =	sand.u32 $0x1FFFFFF0, s5;
	s5 =	spop (v2sf)  }
0x378: {  	[tilespmem:s25], [sflag:$0x2] =	stream.linear.gather [hbm4b:s0+s2], $0x80, $0x38;
	[tilespmem:$0x4600] =	vst v63  }
0x379: {  	s0 =	sadd.s32 s3, s4;
	s4 =	sand.u32 $0x1FFFFFF0, s5;
	s5 =	spop (v2sf)  }
0x37a: {  	[tilespmem:s28], [sflag:$0x2] =	stream.linear.gather [hbm4b:s0+s2], $0x80, $0x38;
	[tilespmem:$0x4600] =	vst v63  }
0x37b: {  	s0 =	sadd.s32 s3, s1;
	s1 =	sand.u32 $0x1FFFFFF0, s5;
	s5 =	spop (v2sf)  }
0x37c: {  	[tilespmem:s24], [sflag:$0x2] =	stream.linear.gather [hbm4b:s0+s2], $0x80, $0x38;
	[tilespmem:$0x4600] =	vst v63  }
0x37d: {  	s0 =	sadd.s32 s3, s4;
	s4 =	sand.u32 $0x1FFFFFF0, s5;
	s5 =	spop (v2sf)  }
0x37e: {  	[tilespmem:s23], [sflag:$0x2] =	stream.linear.gather [hbm4b:s0+s2], $0x80, $0x38;
	[tilespmem:$0x4600] =	vst v63  }
0x37f: {  	s0 =	sadd.s32 s3, s1;
	s1 =	sand.u32 $0x1FFFFFF0, s5;
	s5 =	spop (v2sf)  }
0x380: {  	[tilespmem:s21], [sflag:$0x2] =	stream.linear.gather [hbm4b:s0+s2], $0x80, $0x38;
	[tilespmem:$0x4600] =	vst v63  }
0x381: {  	s0 =	sadd.s32 s3, s4;
	s4 =	sand.u32 $0x1FFFFFF0, s5  }
0x382: {  	[tilespmem:s22], [sflag:$0x2] =	stream.linear.gather [hbm4b:s0+s2], $0x80, $0x38;
	[tilespmem:$0x4600] =	vst v63  }
0x383: {  	s1 =	sadd.s32 s3, s1;
	s0 =	sadd.s32 $0x2D00, s17  }
0x384: {  	[tilespmem:s0], [sflag:$0x2] =	stream.linear.gather [hbm4b:s1+s2], $0x80, $0x38;
	[tilespmem:$0x4600] =	vst v63  }
0x385: {  	s0 =	sadd.s32 $0x2D80, s17;
	s1 =	sadd.s32 s3, s4  }
0x386: {  	[tilespmem:s0], [sflag:$0x2] =	stream.linear.gather [hbm4b:s1+s2], $0x80, $0x38;
	[tilespmem:$0x4600] =	vst v63  }
0x387: {  	v1 =	vld [tilespmem:s18+$0x0];
	_ =	sdelay $0x4  }
0x388: {  	v1 =	vshll.u32 v1, $0x4  }
0x389: {  	(v2sf) =	vpush v1, $0x0  }
0x38a: {  	(v2sf) =	vpush v1, $0x1  }
0x38b: {  	(v2sf) =	vpush v1, $0x2;
	_ =	sdelay $0x1  }
0x38c: {  	(v2sf) =	vpush v1, $0x4  }
.Ltmp13:
0x38d: {  	(pc) =	sbr.rel @p0 .LBB2_28-.Ltmp13, $3  }
0x38e: {  	(v2sf) =	vpush v1, $0x3  }
0x38f: {  	(v2sf) =	vpush v1, $0x5;
	_ =	sdelay $0x1  }
0x390: {  	s17 =	sshra.s32 s20, $0x2;
	(v2sf) =	vpush v1, $0x6  }
0x391: {  	_ =	sdelay $0x1  }
0x392: {  	s0 =	sadd.s32 $0x2680, s17;
	s20 =	sadd.s32 $0x2B80, s17  }
0x393: {  	s1 =	sadd.s32 $0x2980, s17;
	s18 =	sadd.s32 $0x2C00, s17;
	(v2sf) =	vpush v1, $0x7;
	s4 =	sadd.s32 $0x2880, s17  }
0x394: {  	s5 =	sadd.s32 $0x2A00, s17;
	s19 =	sadd.s32 $0x2C80, s17;
	s6 =	sadd.s32 $0x2600, s17  }
0x395: {  	s9 =	sadd.s32 $0x2800, s17;
	s14 =	sadd.s32 $0x2900, s17;
	(v2sf) =	vpush v1, $0x8;
	s21 =	spop (v2sf)  }
0x396: {  	s22 =	sadd.s32 $0x2700, s17;
	s21 =	sand.u32 $0x1FFFFFF0, s21;
	s23 =	spop (v2sf)  }
0x397: {  	(v2sf) =	vpush v1, $0x9;
	s21 =	sadd.s32 s3, s21;
	s23 =	sand.u32 $0x1FFFFFF0, s23;
	s24 =	spop (v2sf)  }
0x398: {  	[tilespmem:s6], [sflag:$0x2] =	stream.linear.gather [hbm4b:s21+s2], $0x80, $0x38;
	[tilespmem:$0x4600] =	vst v63  }
0x399: {  	s25 =	sadd.s32 $0x2780, s17;
	(v2sf) =	vpush v1, $0xA;
	s28 =	sadd.s32 s3, s23;
	s29 =	spop (v2sf)  }
0x39a: {  	[tilespmem:s0], [sflag:$0x2] =	stream.linear.gather [hbm4b:s28+s2], $0x80, $0x38;
	[tilespmem:$0x4600] =	vst v63  }
0x39b: {  	s6 =	sadd.s32 $0x2B00, s17;
	s30 =	sand.u32 $0x1FFFFFF0, s24;
	(v2sf) =	vpush v1, $0xB;
	s31 =	spop (v2sf)  }
0x39c: {  	s21 =	sadd.s32 s3, s30;
	s0 =	sadd.s32 $0x2A80, s17;
	s24 =	sand.u32 $0x1FFFFFF0, s31  }
0x39d: {  	(v2sf) =	vpush v1, $0xC;
	[tilespmem:s22], [sflag:$0x2] =	stream.linear.gather [hbm4b:s21+s2], $0x80, $0x38;
	[tilespmem:$0x4600] =	vst v63  }
0x39e: {  	s26 =	sand.u32 $0x1FFFFFF0, s29;
	s28 =	spop (v2sf);
	s29 =	sadd.s32 s3, s24  }
0x39f: {  	(v2sf) =	vpush v1, $0xD;
	[tilespmem:s25], [sflag:$0x2] =	stream.linear.gather [hbm4b:s29+s2], $0x80, $0x38;
	[tilespmem:$0x4600] =	vst v63  }
0x3a0: {  	s21 =	sadd.s32 s3, s26;
	s22 =	sand.u32 $0x1FFFFFF0, s28;
	s30 =	spop (v2sf)  }
0x3a1: {  	(v2sf) =	vpush v1, $0xE;
	[tilespmem:s9], [sflag:$0x2] =	stream.linear.gather [hbm4b:s21+s2], $0x80, $0x38;
	[tilespmem:$0x4600] =	vst v63  }
0x3a2: {  	s22 =	sadd.s32 s3, s22;
	s31 =	sand.u32 $0x1FFFFFF0, s30;
	s23 =	spop (v2sf)  }
0x3a3: {  	(v2sf) =	vpush v1, $0xF;
	[tilespmem:s4], [sflag:$0x2] =	stream.linear.gather [hbm4b:s22+s2], $0x80, $0x38;
	[tilespmem:$0x4600] =	vst v63  }
0x3a4: {  	s24 =	sand.u32 $0x1FFFFFF0, s23;
	s25 =	spop (v2sf);
	s9 =	sadd.s32 s3, s31  }
0x3a5: {  	[tilespmem:s14], [sflag:$0x2] =	stream.linear.gather [hbm4b:s9+s2], $0x80, $0x38;
	[tilespmem:$0x4600] =	vst v63  }
0x3a6: {  	s26 =	sand.u32 $0x1FFFFFF0, s25;
	s4 =	sadd.s32 s3, s24;
	s28 =	spop (v2sf)  }
0x3a7: {  	[tilespmem:s1], [sflag:$0x2] =	stream.linear.gather [hbm4b:s4+s2], $0x80, $0x38;
	[tilespmem:$0x4600] =	vst v63  }
0x3a8: {  	s9 =	sadd.s32 s3, s26;
	s29 =	sand.u32 $0x1FFFFFF0, s28;
	s30 =	spop (v2sf)  }
0x3a9: {  	[tilespmem:s5], [sflag:$0x2] =	stream.linear.gather [hbm4b:s9+s2], $0x80, $0x38;
	[tilespmem:$0x4600] =	vst v63  }
0x3aa: {  	s4 =	sand.u32 $0x1FFFFFF0, s30;
	s1 =	sadd.s32 s3, s29;
	s31 =	spop (v2sf)  }
0x3ab: {  	[tilespmem:s0], [sflag:$0x2] =	stream.linear.gather [hbm4b:s1+s2], $0x80, $0x38;
	[tilespmem:$0x4600] =	vst v63  }
0x3ac: {  	s4 =	sadd.s32 s3, s4;
	s9 =	sand.u32 $0x1FFFFFF0, s31;
	s14 =	spop (v2sf)  }
0x3ad: {  	[tilespmem:s6], [sflag:$0x2] =	stream.linear.gather [hbm4b:s4+s2], $0x80, $0x38;
	[tilespmem:$0x4600] =	vst v63  }
0x3ae: {  	s0 =	sadd.s32 s3, s9;
	s1 =	sand.u32 $0x1FFFFFF0, s14;
	s21 =	spop (v2sf)  }
0x3af: {  	[tilespmem:s20], [sflag:$0x2] =	stream.linear.gather [hbm4b:s0+s2], $0x80, $0x38;
	[tilespmem:$0x4600] =	vst v63  }
0x3b0: {  	s22 =	sand.u32 $0x1FFFFFF0, s21;
	s1 =	sadd.s32 s3, s1;
	s23 =	spop (v2sf)  }
0x3b1: {  	[tilespmem:s18], [sflag:$0x2] =	stream.linear.gather [hbm4b:s1+s2], $0x80, $0x38;
	[tilespmem:$0x4600] =	vst v63  }
0x3b2: {  	s24 =	sand.u32 $0x1FFFFFF0, s23;
	s25 =	spop (v2sf);
	s0 =	sadd.s32 s3, s22  }
0x3b3: {  	[tilespmem:s19], [sflag:$0x2] =	stream.linear.gather [hbm4b:s0+s2], $0x80, $0x38;
	[tilespmem:$0x4600] =	vst v63  }
0x3b4: {  	s28 =	sadd.s32 $0x2D00, s17;
	s26 =	sand.u32 $0x1FFFFFF0, s25;
	s1 =	sadd.s32 s3, s24  }
0x3b5: {  	[tilespmem:s28], [sflag:$0x2] =	stream.linear.gather [hbm4b:s1+s2], $0x80, $0x38;
	[tilespmem:$0x4600] =	vst v63  }
0x3b6: {  	s29 =	sadd.s32 $0x2D80, s17;
	s0 =	sadd.s32 s3, s26  }
0x3b7: {  	[tilespmem:s29], [sflag:$0x2] =	stream.linear.gather [hbm4b:s0+s2], $0x80, $0x38;
	[tilespmem:$0x4600] =	vst v63  }
0x3b8: {  	_ =	swait.ge [sflag:s10], $0x2000  }
0x3b9: {  	[sflag:s10] =	ssyncset.done $0x0  }
0x3ba: {  	s30 =	simm.s32 $0x380;
	[sflag:s10] =	ssyncadd.s32 $0xFFFFE000  }
0x3bb: {  	v1 =	vld [tilespmem:s30+$0x0]  }
0x3bc: {  	s31 =	simm.s32 $0x0  }
0x3bd: {  	v2 =	vmov s31  }
0x3be: {  	v2 =	vshll.u32 v2, $0x7  }
0x3bf: {  	v2 =	vor.u32 v0, v2  }
0x3c0: {  	v3 =	vand.u32 $0xFFFFFF80, v1;
	v4 =	vand.u32 $0x7F, v1;
	v5 =	vadd.s32 $0x1, v1  }
0x3c1: {  	v1 =	vadd.s32 $0x2, v1;
	v3 =	vadd.s32 v2, v3;
	v6 =	vand.u32 $0xFFFFFF80, v5  }
0x3c2: {  	v61 =	vand.u32 $0x7F, v5;
	v3 =	vor.u32 v4, v3;
	v62 =	vadd.s32 v2, v6  }
0x3c3: {  	v63 =	vand.u32 $0xFFFFFF80, v1;
	v4 =	vor.u32 v61, v62  }
0x3c4: {  	v1 =	vand.u32 $0x7F, v1;
	v2 =	vadd.s32 v2, v63  }
0x3c5: {  	v1 =	vor.u32 v1, v2;
	_ =	sdelay $0x1  }
0x3c6: {  	v2 =	vld.idx.msk [tilespmem:v3+s11+$0x0], $0xffff  }
0x3c7: {  	v3 =	vld.idx.msk [tilespmem:v4+s11+$0x0], $0xffff;
	_ =	sdelay $0x1  }
0x3c8: {  	v1 =	vld.idx.msk [tilespmem:v1+s11+$0x0], $0xffff;
	_ =	sdelay $0x2  }
0x3c9: {  	v2 =	vmul.f32 $2.000000030e-01, v2;
	v3 =	vmul.f32 $3.000000120e-01, v3;
	_ =	sdelay $0x1  }
0x3ca: {  	v1 =	vmul.f32 $5.000000000e-01, v1;
	v2 =	vadd.f32 v3, v2;
	_ =	sdelay $0x1  }
0x3cb: {  	v1 =	vadd.f32 v1, v2  }
0x3cc: {  	s17 =	simm.s32 $0x580  }
0x3cd: {  	s18 =	simm.s32 $0x390;
	[tilespmem:s17+$0x0] =	vst v1  }
0x3ce: {  	s20 =	simm.s32 $0x20;
	s19 =	simm.s32 $0x10;
	v1 =	vld [tilespmem:s18+$0x0]  }
.LBB2_30:
0x3cf: {  	p0 =	sne.s32 s20, $0x30  }
0x3d0: {  	v2 =	vmov s19;
	s19 =	smov.u32 s20  }
0x3d1: {  	v2 =	vshll.u32 v2, $0x7  }
0x3d2: {  	v2 =	vor.u32 v0, v2  }
0x3d3: {  	v3 =	vand.u32 $0xFFFFFF80, v1;
	v4 =	vand.u32 $0x7F, v1;
	v5 =	vadd.s32 $0x1, v1  }
0x3d4: {  	v1 =	vadd.s32 $0x2, v1;
	v3 =	vadd.s32 v2, v3;
	v6 =	vand.u32 $0xFFFFFF80, v5  }
0x3d5: {  	v3 =	vor.u32 v4, v3;
	v4 =	vand.u32 $0x7F, v5;
	v5 =	vadd.s32 v2, v6  }
0x3d6: {  	v4 =	vor.u32 v4, v5;
	v5 =	vand.u32 $0xFFFFFF80, v1  }
0x3d7: {  	v1 =	vand.u32 $0x7F, v1;
	v2 =	vadd.s32 v2, v5  }
0x3d8: {  	v1 =	vor.u32 v1, v2;
	_ =	sdelay $0x1  }
0x3d9: {  	v2 =	vld.idx.msk [tilespmem:v3+s11+$0x0], $0xffff  }
0x3da: {  	v3 =	vld.idx.msk [tilespmem:v4+s11+$0x0], $0xffff;
	_ =	sdelay $0x1  }
0x3db: {  	v1 =	vld.idx.msk [tilespmem:v1+s11+$0x0], $0xffff;
	_ =	sdelay $0x3  }
0x3dc: {  	v2 =	vmul.f32 $2.000000030e-01, v2;
	v3 =	vmul.f32 $3.000000120e-01, v3;
	_ =	sdelay $0x1  }
0x3dd: {  	v2 =	vadd.f32 v3, v2;
	v1 =	vmul.f32 $5.000000000e-01, v1  }
.Ltmp14:
0x3de: {  	(pc) =	sbr.rel @p0 .LBB2_30-.Ltmp14, $4  }
0x3df: {  	v1 =	vadd.f32 v1, v2  }
0x3e0: {  	s17 =	sadd.s32 $0x10, s17  }
0x3e1: {  	s18 =	sadd.s32 $0x10, s18;
	[tilespmem:s17+$0x0] =	vst v1  }
0x3e2: {  	s20 =	sadd.s32 $0x10, s20;
	v1 =	vld [tilespmem:s18+$0x0]  }
0x3e3: {  	_ = 	snop  }
0x3e4: {  	v2 =	vmov s19  }
0x3e5: {  	v2 =	vshll.u32 v2, $0x7  }
0x3e6: {  	v2 =	vor.u32 v0, v2  }
0x3e7: {  	v3 =	vand.u32 $0xFFFFFF80, v1;
	v4 =	vand.u32 $0x7F, v1;
	v5 =	vadd.s32 $0x1, v1  }
0x3e8: {  	v1 =	vadd.s32 $0x2, v1;
	v3 =	vadd.s32 v2, v3;
	v6 =	vand.u32 $0xFFFFFF80, v5  }
0x3e9: {  	v55 =	vand.u32 $0x7F, v5;
	v3 =	vor.u32 v4, v3;
	v56 =	vadd.s32 v2, v6  }
0x3ea: {  	v57 =	vand.u32 $0xFFFFFF80, v1;
	v4 =	vor.u32 v55, v56  }
0x3eb: {  	v1 =	vand.u32 $0x7F, v1;
	v2 =	vadd.s32 v2, v57  }
0x3ec: {  	v1 =	vor.u32 v1, v2;
	_ =	sdelay $0x1  }
0x3ed: {  	v2 =	vld.idx.msk [tilespmem:v3+s11+$0x0], $0xffff  }
0x3ee: {  	v3 =	vld.idx.msk [tilespmem:v4+s11+$0x0], $0xffff;
	_ =	sdelay $0x1  }
0x3ef: {  	v1 =	vld.idx.msk [tilespmem:v1+s11+$0x0], $0xffff;
	_ =	sdelay $0x2  }
0x3f0: {  	v2 =	vmul.f32 $2.000000030e-01, v2;
	v3 =	vmul.f32 $3.000000120e-01, v3;
	_ =	sdelay $0x1  }
0x3f1: {  	v1 =	vmul.f32 $5.000000000e-01, v1;
	v2 =	vadd.f32 v3, v2;
	_ =	sdelay $0x1  }
0x3f2: {  	v1 =	vadd.f32 v1, v2  }
0x3f3: {  	s0 =	sadd.s32 $0x10, s17  }
0x3f4: {  	[tilespmem:s0+$0x0] =	vst v1  }
0x3f5: {  	_ =	swait.ge [sflag:s12], $0x2000  }
0x3f6: {  	[sflag:s12] =	ssyncset.done $0x0  }
0x3f7: {  	s30 =	simm.s32 $0x3C0;
	[sflag:s12] =	ssyncadd.s32 $0xFFFFE000  }
0x3f8: {  	v1 =	vld [tilespmem:s30+$0x0]  }
0x3f9: {  	s31 =	simm.s32 $0x0  }
0x3fa: {  	v2 =	vmov s31  }
0x3fb: {  	v2 =	vshll.u32 v2, $0x7  }
0x3fc: {  	v2 =	vor.u32 v0, v2  }
0x3fd: {  	v3 =	vand.u32 $0xFFFFFF80, v1;
	v58 =	vand.u32 $0x7F, v1;
	v59 =	vadd.s32 $0x1, v1  }
0x3fe: {  	v1 =	vadd.s32 $0x2, v1;
	v3 =	vadd.s32 v2, v3;
	v60 =	vand.u32 $0xFFFFFF80, v59  }
0x3ff: {  	v61 =	vand.u32 $0x7F, v59;
	v3 =	vor.u32 v58, v3;
	v62 =	vadd.s32 v2, v60  }
0x400: {  	v63 =	vand.u32 $0xFFFFFF80, v1;
	v4 =	vor.u32 v61, v62  }
0x401: {  	v1 =	vand.u32 $0x7F, v1;
	v2 =	vadd.s32 v2, v63  }
0x402: {  	v1 =	vor.u32 v1, v2;
	_ =	sdelay $0x1  }
0x403: {  	v2 =	vld.idx.msk [tilespmem:v3+s13+$0x0], $0xffff  }
0x404: {  	v3 =	vld.idx.msk [tilespmem:v4+s13+$0x0], $0xffff;
	_ =	sdelay $0x1  }
0x405: {  	v1 =	vld.idx.msk [tilespmem:v1+s13+$0x0], $0xffff;
	_ =	sdelay $0x2  }
0x406: {  	v2 =	vmul.f32 $2.000000030e-01, v2;
	v3 =	vmul.f32 $3.000000120e-01, v3;
	_ =	sdelay $0x1  }
0x407: {  	v1 =	vmul.f32 $5.000000000e-01, v1;
	v2 =	vadd.f32 v3, v2;
	_ =	sdelay $0x1  }
0x408: {  	v1 =	vadd.f32 v1, v2  }
0x409: {  	s17 =	simm.s32 $0x5C0  }
0x40a: {  	s18 =	simm.s32 $0x3D0;
	[tilespmem:s17+$0x0] =	vst v1  }
0x40b: {  	s19 =	simm.s32 $0x10;
	s20 =	simm.s32 $0x20;
	v1 =	vld [tilespmem:s18+$0x0]  }
.LBB2_32:
0x40c: {  	p0 =	sne.s32 s20, $0x30  }
0x40d: {  	v2 =	vmov s19;
	s19 =	smov.u32 s20  }
0x40e: {  	v2 =	vshll.u32 v2, $0x7  }
0x40f: {  	v2 =	vor.u32 v0, v2  }
0x410: {  	v3 =	vand.u32 $0xFFFFFF80, v1;
	v4 =	vand.u32 $0x7F, v1;
	v5 =	vadd.s32 $0x1, v1  }
0x411: {  	v1 =	vadd.s32 $0x2, v1;
	v3 =	vadd.s32 v2, v3;
	v6 =	vand.u32 $0xFFFFFF80, v5  }
0x412: {  	v3 =	vor.u32 v4, v3;
	v4 =	vand.u32 $0x7F, v5;
	v5 =	vadd.s32 v2, v6  }
0x413: {  	v4 =	vor.u32 v4, v5;
	v5 =	vand.u32 $0xFFFFFF80, v1  }
0x414: {  	v1 =	vand.u32 $0x7F, v1;
	v2 =	vadd.s32 v2, v5  }
0x415: {  	v1 =	vor.u32 v1, v2;
	_ =	sdelay $0x1  }
0x416: {  	v2 =	vld.idx.msk [tilespmem:v3+s13+$0x0], $0xffff  }
0x417: {  	v3 =	vld.idx.msk [tilespmem:v4+s13+$0x0], $0xffff;
	_ =	sdelay $0x1  }
0x418: {  	v1 =	vld.idx.msk [tilespmem:v1+s13+$0x0], $0xffff;
	_ =	sdelay $0x3  }
0x419: {  	v2 =	vmul.f32 $2.000000030e-01, v2;
	v3 =	vmul.f32 $3.000000120e-01, v3;
	_ =	sdelay $0x1  }
0x41a: {  	v2 =	vadd.f32 v3, v2;
	v1 =	vmul.f32 $5.000000000e-01, v1  }
.Ltmp15:
0x41b: {  	(pc) =	sbr.rel @p0 .LBB2_32-.Ltmp15, $4  }
0x41c: {  	v1 =	vadd.f32 v1, v2  }
0x41d: {  	s17 =	sadd.s32 $0x10, s17  }
0x41e: {  	s18 =	sadd.s32 $0x10, s18;
	[tilespmem:s17+$0x0] =	vst v1  }
0x41f: {  	s20 =	sadd.s32 $0x10, s20;
	v1 =	vld [tilespmem:s18+$0x0]  }
0x420: {  	_ = 	snop  }
0x421: {  	v2 =	vmov s19  }
0x422: {  	v2 =	vshll.u32 v2, $0x7  }
0x423: {  	v2 =	vor.u32 v0, v2  }
0x424: {  	v3 =	vand.u32 $0xFFFFFF80, v1;
	v4 =	vand.u32 $0x7F, v1;
	v5 =	vadd.s32 $0x1, v1  }
0x425: {  	v1 =	vadd.s32 $0x2, v1;
	v3 =	vadd.s32 v2, v3;
	v6 =	vand.u32 $0xFFFFFF80, v5  }
0x426: {  	v61 =	vand.u32 $0x7F, v5;
	v3 =	vor.u32 v4, v3;
	v62 =	vadd.s32 v2, v6  }
0x427: {  	v63 =	vand.u32 $0xFFFFFF80, v1;
	v4 =	vor.u32 v61, v62  }
0x428: {  	v1 =	vand.u32 $0x7F, v1;
	v2 =	vadd.s32 v2, v63  }
0x429: {  	v1 =	vor.u32 v1, v2;
	_ =	sdelay $0x1  }
0x42a: {  	v2 =	vld.idx.msk [tilespmem:v3+s13+$0x0], $0xffff  }
0x42b: {  	v3 =	vld.idx.msk [tilespmem:v4+s13+$0x0], $0xffff;
	_ =	sdelay $0x1  }
0x42c: {  	v1 =	vld.idx.msk [tilespmem:v1+s13+$0x0], $0xffff;
	_ =	sdelay $0x2  }
0x42d: {  	v2 =	vmul.f32 $2.000000030e-01, v2;
	v3 =	vmul.f32 $3.000000120e-01, v3;
	_ =	sdelay $0x1  }
0x42e: {  	v1 =	vmul.f32 $5.000000000e-01, v1;
	v2 =	vadd.f32 v3, v2;
	_ =	sdelay $0x1  }
0x42f: {  	s16 =	sadd.s32 $0x1, s16;
	v1 =	vadd.f32 v1, v2  }
0x430: {  	s0 =	sadd.s32 $0x10, s17;
	p0 =	sne.s32 s16, s7  }
.Ltmp16:
0x431: {  	s31 =	rddreg [dreg:$0x6];
	s1 =	simm.s32 $0x400;
	[tilespmem:s0+$0x0] =	vst v1;
	(pc) =	sbr.rel @p0 .LBB2_1-.Ltmp16, $4  }
0x432: {  	[hbm4b:s31+s2] =	stream.linear.scatter [tilespmem:s1], [sflag:$0x3], $0x200, $0x38;
	[tilespmem:$0x4600] =	vst v63  }
0x433: {  	_ =	swait.ge [sflag:s15], $0x200  }
0x434: {  	[sflag:s15] =	ssyncset.done $0x0  }
0x435: {  	[sflag:s15] =	ssyncadd.s32 $0xFFFFFE00  }
0x436: {  	_ =	sfence.sel $0x180000  }
0x437: {  	[bflag:$0x0] =	sbarrier.arrive $0xFFFF  }
0x438: {  	_ =	strace $0x90000047  }
0x439: {  	s0 =	stileid.u32;
	[bflag:$0x2] =	sbarrier.arrive $0xFFFF  }
0x43a: {  	p0 =	sne.s32 s0, $0x0;
	s0 =	rddreg [dreg:$0x3]  }
0x43b: {  	s0 =	sadd.s32 @!p0 $0x100000, s0  }
0x43c: {  	[sflag:s0] =	ssyncadd.tile.s32 @!p0 $0x1;
	_ =	shalt  }
.Lfunc_end2:
_tile_overlayer_lowered:
.L_overlay_start_2:
0x43d: {  	(tag) =	ssettag $0x2  }
0x43e: {  	s0 =	rddreg [dreg:$0x0];
	s2 =	stileid.u32  }
0x43f: {  	s1 =	rddreg [dreg:$0x1];
	p0 =	sne.s32 s2, $0x0  }
0x440: {  	s3 =	rddreg [dreg:$0x2];
	[bflag:$0x3] =	sbarrier.arrive $0xFFFF;
	s2 =	simm.s32 @!p0 $0x1C04  }
0x441: {  	[timem:s3], [sflag:s2] =	dma.local @!p0 [hbm:s0], s1  }
0x442: {  	s0 =	simm.s32 @!p0 $0x4  }
0x443: {  	_ =	swait.ge @!p0 [sflag:s0], s1  }
0x444: {  	s1 =	ssub.s32 @!p0 $0x0, s1;
	[sflag:s0] =	ssyncset.done @!p0 $0x0  }
0x445: {  	[sflag:s0] =	ssyncadd.s32 @!p0 s1  }
0x446: {  	[bflag:$0x3] =	sbarrier.arrive $0xFFFF  }
0x447: {  	_ =	shalt  }

</sc_bundles>
